<compile_context>
chip_gen: v7x
topology: tpu7x:2x2x1
jax: 0.10.2.dev20260603
libtpu: 0.0.44.dev20260713+nightly
codegen_flags: <defaults>
</compile_context>

<pallas_src>
import jax
import jax.numpy as jnp
from jax import lax
from jax.experimental import pallas as pl
from jax.experimental.pallas import tpu as pltpu
from jax.experimental.pallas import tpu_sc as plsc

N = 10000
E = 320000
D = 128
H = 64

NC = 2
NS = 16
L = 16

EP1 = E // NS
EP2 = E // (NC * NS)
CHUNK = 80
NCH = EP2 // CHUNK
NROW = 624
NTAIL = N - NROW * NS
ZR = 156
CE = 8000
CEE = 2000
DEN_R = 80
DEN_C = 128

_mesh = plsc.VectorSubcoreMesh(core_axis_name="c", subcore_axis_name="s")
_sc_params = pltpu.CompilerParams(needs_layout_passes=False)


def _leaky(v):
    return jnp.where(v >= 0.0, v, 0.2 * v)



_R = 1000


def _tc_first_body(x_ref, w_ref, a_ref, h_ref):
    h = jnp.dot(x_ref[...], w_ref[...], preferred_element_type=jnp.float32)
    sd = jnp.dot(h, a_ref[...], preferred_element_type=jnp.float32)
    h_ref[...] = jnp.concatenate([h, sd], axis=1)


def _tc_first(x, W, A):
    return pl.pallas_call(
        _tc_first_body,
        grid=(N // _R,),
        in_specs=[
            pl.BlockSpec((_R, D), lambda i: (i, 0)),
            pl.BlockSpec((D, H), lambda i: (0, 0)),
            pl.BlockSpec((H, H), lambda i: (0, 0)),
        ],
        out_specs=pl.BlockSpec((_R, 2 * H), lambda i: (i, 0)),
        out_shape=jax.ShapeDtypeStruct((N, 2 * H), jnp.float32),
    )(x, W, A)


def _tc_mid_body(oa_ref, ob_ref, b_ref, w_ref, a_ref, h_ref):
    z = jnp.maximum(oa_ref[...] + ob_ref[...] + b_ref[...], 0.0)
    h = jnp.dot(z, w_ref[...], preferred_element_type=jnp.float32)
    sd = jnp.dot(h, a_ref[...], preferred_element_type=jnp.float32)
    h_ref[...] = jnp.concatenate([h, sd], axis=1)


def _tc_mid(oa, ob, b, W, A):
    return pl.pallas_call(
        _tc_mid_body,
        grid=(N // _R,),
        in_specs=[
            pl.BlockSpec((_R, H), lambda i: (i, 0)),
            pl.BlockSpec((_R, H), lambda i: (i, 0)),
            pl.BlockSpec((1, H), lambda i: (0, 0)),
            pl.BlockSpec((H, H), lambda i: (0, 0)),
            pl.BlockSpec((H, H), lambda i: (0, 0)),
        ],
        out_specs=pl.BlockSpec((_R, 2 * H), lambda i: (i, 0)),
        out_shape=jax.ShapeDtypeStruct((N, 2 * H), jnp.float32),
    )(oa, ob, b, W, A)


def _tc_final_body(oa_ref, ob_ref, b_ref, w1_ref, b1_ref, w2_ref, b2_ref,
                   wpq_ref, bpq_ref, nf_ref, pq_ref):
    z = jnp.maximum(oa_ref[...] + ob_ref[...] + b_ref[...], 0.0)
    t = jnp.maximum(
        jnp.dot(z, w1_ref[...], preferred_element_type=jnp.float32) + b1_ref[...],
        0.0)
    nf_ref[...] = jnp.dot(t, w2_ref[...], preferred_element_type=jnp.float32) + b2_ref[...]
    pq_ref[...] = jnp.dot(z, wpq_ref[...], preferred_element_type=jnp.float32) + bpq_ref[...]


def _tc_final(oa, ob, b, npW1, npb1, npW2, npb2, Wpq, bpq):
    return pl.pallas_call(
        _tc_final_body,
        grid=(N // _R,),
        in_specs=[
            pl.BlockSpec((_R, H), lambda i: (i, 0)),
            pl.BlockSpec((_R, H), lambda i: (i, 0)),
            pl.BlockSpec((1, H), lambda i: (0, 0)),
            pl.BlockSpec((H, H), lambda i: (0, 0)),
            pl.BlockSpec((1, H), lambda i: (0, 0)),
            pl.BlockSpec((H, D), lambda i: (0, 0)),
            pl.BlockSpec((1, D), lambda i: (0, 0)),
            pl.BlockSpec((H, 2 * H), lambda i: (0, 0)),
            pl.BlockSpec((1, 2 * H), lambda i: (0, 0)),
        ],
        out_specs=[
            pl.BlockSpec((_R, D), lambda i: (i, 0)),
            pl.BlockSpec((_R, 2 * H), lambda i: (i, 0)),
        ],
        out_shape=[
            jax.ShapeDtypeStruct((N, D), jnp.float32),
            jax.ShapeDtypeStruct((N, 2 * H), jnp.float32),
        ],
    )(oa, ob, b, npW1, npb1, npW2, npb2, Wpq, bpq)



NPW = 640
NPAD = NS * NPW
EH = E // NC
PEND = 96


def _gat_sc_body(h_hbm, s_hbm, d_hbm, src_hbm, dst_hbm,
                 outa_hbm, outb_hbm,
                 sv, dv, denl, outl, srcc, dstc, pend_s, pend_d, pend_a,
                 ridx, rowg, sem):
    c = lax.axis_index("c")
    t = lax.axis_index("s")
    lo = t * NPW
    ebase = c * EH
    zero16 = jnp.zeros((L,), jnp.float32)
    iota16 = lax.iota(jnp.int32, L)

    pltpu.sync_copy(s_hbm, sv)
    pltpu.sync_copy(d_hbm, dv)

    def _zden(i, _):
        denl[pl.ds(i * L, L)] = zero16
        return 0
    lax.fori_loop(0, NPW // L, _zden, 0)

    def _zout(i, _):
        outl[i // (H // L), pl.ds((i % (H // L)) * L, L)] = zero16
        return 0
    lax.fori_loop(0, (NPW * H) // L, _zout, 0)

    def _edge_vecs(g):
        s16 = srcc[pl.ds(g * L, L)]
        d16 = dstc[pl.ds(g * L, L)]
        ex = jnp.exp(_leaky(plsc.load_gather(sv, [s16]) +
                            plsc.load_gather(dv, [d16])))
        own = (d16 >= lo) & (d16 < lo + NPW)
        idx = jnp.where(own, d16 - lo, 0)
        return s16, ex, own, idx

    def _p1_stage(i, _):
        pltpu.sync_copy(src_hbm.at[pl.ds(i * CE, CE)], srcc)
        pltpu.sync_copy(dst_hbm.at[pl.ds(i * CE, CE)], dstc)

        def _p1(g, _):
            _, ex, own, idx = _edge_vecs(g)
            plsc.addupdate_scatter(denl, [idx], ex, mask=own)
            return 0
        lax.fori_loop(0, CE // L, _p1, 0)
        return 0
    lax.fori_loop(0, E // CE, _p1_stage, 0)

    def _flush():
        for q in range(CHUNK // L):
            ridx[pl.ds(q * L, L)] = pend_s[pl.ds(q * L, L)]
        pltpu.sync_copy(h_hbm.at[ridx], rowg)

        def _acc(e, _):
            ef = jnp.full((L,), e, jnp.int32)
            av = plsc.load_gather(pend_a, [ef])
            row = plsc.load_gather(pend_d, [ef])[0]
            for q in range(H // L):
                outl[row, pl.ds(q * L, L)] = (
                    outl[row, pl.ds(q * L, L)] + rowg[e, pl.ds(q * L, L)] * av)
            return 0
        lax.fori_loop(0, CHUNK, _acc, 0)

        pend_s[pl.ds(0, L)] = pend_s[pl.ds(CHUNK, L)]
        pend_d[pl.ds(0, L)] = pend_d[pl.ds(CHUNK, L)]
        pend_a[pl.ds(0, L)] = pend_a[pl.ds(CHUNK, L)]

    def _p2_stage(i, cnt):
        pltpu.sync_copy(src_hbm.at[pl.ds(ebase + i * CE, CE)], srcc)
        pltpu.sync_copy(dst_hbm.at[pl.ds(ebase + i * CE, CE)], dstc)

        def _p2(g, cnt):
            s16, ex, own, idx = _edge_vecs(g)
            den = plsc.load_gather(denl, [idx])
            alpha = jnp.where(own, ex / (den + 1e-16), 0.0)
            inc = plsc.cumsum(jnp.where(own, 1, 0))
            pos = cnt + inc - 1
            plsc.store_scatter(pend_s, [pos], s16, mask=own)
            plsc.store_scatter(pend_d, [pos], idx, mask=own)
            plsc.store_scatter(pend_a, [pos], alpha, mask=own)
            cnt = cnt + plsc.all_reduce_population_count(own)[0]
            do_flush = cnt >= CHUNK

            @pl.when(do_flush)
            def _():
                _flush()
            return jnp.where(do_flush, cnt - CHUNK, cnt)
        return lax.fori_loop(0, CE // L, _p2, cnt)

    cnt = lax.fori_loop(0, EH // CE, _p2_stage, jnp.int32(0))

    for q in range(CHUNK // L):
        posv = iota16 + q * L
        mz = posv >= cnt
        a = pend_a[pl.ds(q * L, L)]
        pend_a[pl.ds(q * L, L)] = jnp.where(mz, 0.0, a)
        s = pend_s[pl.ds(q * L, L)]
        pend_s[pl.ds(q * L, L)] = jnp.where(mz, 0, s)
        dd = pend_d[pl.ds(q * L, L)]
        pend_d[pl.ds(q * L, L)] = jnp.where(mz, 0, dd)
    _flush()

    @pl.when(c == 0)
    def _():
        pltpu.sync_copy(outl, outa_hbm.at[pl.ds(t * NPW, NPW)])

    @pl.when(c == 1)
    def _():
        pltpu.sync_copy(outl, outb_hbm.at[pl.ds(t * NPW, NPW)])


def _gat_sc(h, s, d, src, dst):
    f = pl.kernel(
        _gat_sc_body,
        out_type=[
            jax.ShapeDtypeStruct((NPAD, H), jnp.float32),
            jax.ShapeDtypeStruct((NPAD, H), jnp.float32),
        ],
        mesh=_mesh,
        compiler_params=_sc_params,
        scratch_types=[
            pltpu.VMEM((N,), jnp.float32),
            pltpu.VMEM((N,), jnp.float32),
            pltpu.VMEM((NPW,), jnp.float32),
            pltpu.VMEM((NPW, H), jnp.float32),
            pltpu.VMEM((CE,), jnp.int32),
            pltpu.VMEM((CE,), jnp.int32),
            pltpu.VMEM((PEND,), jnp.int32),
            pltpu.VMEM((PEND,), jnp.int32),
            pltpu.VMEM((PEND,), jnp.float32),
            pltpu.VMEM((CHUNK,), jnp.int32),
            pltpu.VMEM((CHUNK, 2 * H), jnp.float32),
            pltpu.SemaphoreType.DMA,
        ],
    )
    return f(h, s, d, src, dst)



def _edge_sc_body(pq_hbm, src_hbm, dst_hbm, w2_hbm, b2_hbm,
                  out_hbm,
                  srcc, dstc, roww, w2v, b2v, predc, sidx, didx, semp, semq):
    c = lax.axis_index("c")
    t = lax.axis_index("s")
    wid = t * NC + c
    base = wid * EP2

    pltpu.sync_copy(w2_hbm, w2v)
    pltpu.sync_copy(b2_hbm, b2v)

    def _fill_idx(k, b):
        for q in range(CHUNK // L):
            sidx[b, pl.ds(q * L, L)] = srcc[pl.ds(k * CHUNK + q * L, L)]
            didx[b, pl.ds(q * L, L)] = dstc[pl.ds(k * CHUNK + q * L, L)]

    def _gathers(b):
        if b == 0:
            return (pltpu.make_async_copy(pq_hbm.at[sidx.at[0]], roww.at[0, 0],
                                          semp.at[0]),
                    pltpu.make_async_copy(pq_hbm.at[didx.at[0]], roww.at[1, 0],
                                          semq.at[0]))
        return (pltpu.make_async_copy(pq_hbm.at[sidx.at[1]], roww.at[0, 1],
                                      semp.at[1]),
                pltpu.make_async_copy(pq_hbm.at[didx.at[1]], roww.at[1, 1],
                                      semq.at[1]))

    def _start(b):
        for cp in _gathers(b):
            cp.start()

    def _wait(b):
        for cp in _gathers(b):
            cp.wait()

    def _compute(i, k, b):
        bfull = jnp.full((L,), b, jnp.int32)
        e16 = [lax.iota(jnp.int32, L) + g * L for g in range(CHUNK // L)]

        def _dot(j, accs):
            jv = jnp.full((L,), j, jnp.int32)
            wj = plsc.load_gather(w2v, [jv])
            out = []
            for g in range(CHUNK // L):
                pv = plsc.load_gather(roww, [jnp.zeros((L,), jnp.int32), bfull,
                                             e16[g], jv])
                qv = plsc.load_gather(roww, [jnp.ones((L,), jnp.int32), bfull,
                                             e16[g], jv + H])
                out.append(accs[g] + jnp.maximum(pv + qv, 0.0) * wj)
            return tuple(out)

        accs = lax.fori_loop(0, H, _dot,
                             tuple(jnp.zeros((L,), jnp.float32)
                                   for _ in range(CHUNK // L)))
        for g in range(CHUNK // L):
            logit = accs[g] + b2v[...]
            predc[pl.ds(k * CHUNK + g * L, L)] = 1.0 / (1.0 + jnp.exp(-logit))

    NCHS = CEE // CHUNK

    def _stage(i, _):
        pltpu.sync_copy(src_hbm.at[pl.ds(base + i * CEE, CEE)], srcc)
        pltpu.sync_copy(dst_hbm.at[pl.ds(base + i * CEE, CEE)], dstc)
        _fill_idx(0, 0)
        _start(0)

        def _pair(k2, _):
            a = 2 * k2
            _fill_idx(a + 1, 1)
            _start(1)
            _wait(0)
            _compute(i, a, 0)
            _fill_idx(a + 2, 0)
            _start(0)
            _wait(1)
            _compute(i, a + 1, 1)
            return 0
        lax.fori_loop(0, (NCHS - 1) // 2, _pair, 0)
        _wait(0)
        _compute(i, NCHS - 1, 0)
        pltpu.sync_copy(predc, out_hbm.at[pl.ds(base + i * CEE, CEE)])
        return 0
    lax.fori_loop(0, EP2 // CEE, _stage, 0)


def _edge_sc(pq, src, dst, w2, b2):
    f = pl.kernel(
        _edge_sc_body,
        out_type=jax.ShapeDtypeStruct((E,), jnp.float32),
        mesh=_mesh,
        compiler_params=_sc_params,
        scratch_types=[
            pltpu.VMEM((CEE,), jnp.int32),
            pltpu.VMEM((CEE,), jnp.int32),
            pltpu.VMEM((2, 2, CHUNK, 2 * H), jnp.float32),
            pltpu.VMEM((H,), jnp.float32),
            pltpu.VMEM((L,), jnp.float32),
            pltpu.VMEM((CEE,), jnp.float32),
            pltpu.VMEM((2, CHUNK), jnp.int32),
            pltpu.VMEM((2, CHUNK), jnp.int32),
            pltpu.SemaphoreType.DMA((2,)),
            pltpu.SemaphoreType.DMA((2,)),
        ],
    )
    return f(pq, src, dst, w2, b2)



def _score_mat(a_s, a_d):
    A = jnp.zeros((H, H), jnp.float32)
    A = A.at[:, 0].set(a_s)
    return A.at[:, 1].set(a_d)


def kernel(x, edge_index, W1, as1, ad1, b1, W2, as2, ad2, b2, W3, as3, ad3, b3,
           npW1, npb1, npW2, npb2, epW1, epb1, epW2, epb2):
    src = edge_index[0]
    dst = edge_index[1]

    h1 = _tc_first(x, W1, _score_mat(as1, ad1))
    oa1, ob1 = _gat_sc(h1, h1[:, H], h1[:, H + 1], src, dst)

    h2 = _tc_mid(oa1[:N], ob1[:N], b1.reshape(1, H), W2, _score_mat(as2, ad2))
    oa2, ob2 = _gat_sc(h2, h2[:, H], h2[:, H + 1], src, dst)

    h3 = _tc_mid(oa2[:N], ob2[:N], b2.reshape(1, H), W3, _score_mat(as3, ad3))
    oa3, ob3 = _gat_sc(h3, h3[:, H], h3[:, H + 1], src, dst)

    Wpq = jnp.concatenate([epW1[:H], epW1[H:]], axis=1)
    bpq = jnp.concatenate([epb1, jnp.zeros((H,), jnp.float32)])
    nf, pq = _tc_final(oa3[:N], ob3[:N], b3.reshape(1, H), npW1,
                       npb1.reshape(1, H), npW2, npb2.reshape(1, D),
                       Wpq, bpq.reshape(1, 2 * H))

    pred = _edge_sc(pq, src, dst, epW2[:, 0],
                    jnp.full((L,), epb2[0], jnp.float32))
    return nf, pred.reshape(E, 1)

# --- scband reference (transcript-rebuilt; emitter-appended) ---
"""Pipeline reference for scband-graph-generator-31628139168415 (READ-ONLY COPY).

The authoritative reference and input builder live on the scoring server;
editing this copy changes nothing except your own understanding.
"""

import jax, jax.numpy as jnp
import numpy as np

N = 10000
E = 320000
D = 128
H = 64


def setup_inputs(seed: int = 0) -> dict:
    key = jax.random.key(seed)
    ks = jax.random.split(key, 24)

    def rn(k, shape, scale=0.1):
        return jax.random.normal(k, shape, dtype=jnp.float32) * scale

    inp = {}
    inp['x'] = jax.random.normal(ks[0], (N, D), dtype=jnp.float32)
    inp['edge_index'] = jax.random.randint(ks[1], (2, E), 0, N, dtype=jnp.int32)
    # GATConv 1: in=D, out=H, heads=1
    inp['W1'] = rn(ks[2], (D, H))
    inp['as1'] = rn(ks[3], (H,))
    inp['ad1'] = rn(ks[4], (H,))
    inp['b1'] = jnp.zeros((H,), dtype=jnp.float32)
    # GATConv 2: in=H, out=H
    inp['W2'] = rn(ks[5], (H, H))
    inp['as2'] = rn(ks[6], (H,))
    inp['ad2'] = rn(ks[7], (H,))
    inp['b2'] = jnp.zeros((H,), dtype=jnp.float32)
    # GATConv 3: in=H, out=H
    inp['W3'] = rn(ks[8], (H, H))
    inp['as3'] = rn(ks[9], (H,))
    inp['ad3'] = rn(ks[10], (H,))
    inp['b3'] = jnp.zeros((H,), dtype=jnp.float32)
    # node_predictor: Linear(H,H) -> ReLU -> Linear(H,D)
    inp['npW1'] = rn(ks[11], (H, H))
    inp['npb1'] = jnp.zeros((H,), dtype=jnp.float32)
    inp['npW2'] = rn(ks[12], (H, D))
    inp['npb2'] = jnp.zeros((D,), dtype=jnp.float32)
    # edge_predictor: Linear(2H,H) -> ReLU -> Linear(H,1) -> Sigmoid
    inp['epW1'] = rn(ks[13], (2 * H, H))
    inp['epb1'] = jnp.zeros((H,), dtype=jnp.float32)
    inp['epW2'] = rn(ks[14], (H, 1))
    inp['epb2'] = jnp.zeros((1,), dtype=jnp.float32)
    return inp


def gat_conv(x, edge_index, W, a_s, a_d, b):
    src = edge_index[0]
    dst = edge_index[1]
    h = x @ W  # [N, H]
    alpha_src = (h @ a_s)[src]  # [E]
    alpha_dst = (h @ a_d)[dst]  # [E]
    e = jax.nn.leaky_relu(alpha_src + alpha_dst, negative_slope=0.2)
    # softmax over incoming edges per destination node
    m = jax.ops.segment_max(e, dst, num_segments=N)
    m = jnp.where(jnp.isneginf(m), 0.0, m)
    ex = jnp.exp(e - m[dst])
    den = jax.ops.segment_sum(ex, dst, num_segments=N)
    alpha = ex / (den[dst] + 1e-16)
    out = jax.ops.segment_sum(h[src] * alpha[:, None], dst, num_segments=N)
    return out + b


def reference(x, edge_index, W1, as1, ad1, b1, W2, as2, ad2, b2, W3, as3, ad3, b3, npW1, npb1, npW2, npb2, epW1, epb1, epW2, epb2):
    # encode (eval mode: dropout is identity)
    z = jax.nn.relu(gat_conv(x, edge_index, W1, as1, ad1, b1))
    z = jax.nn.relu(gat_conv(z, edge_index, W2, as2, ad2, b2))
    z = jax.nn.relu(gat_conv(z, edge_index, W3, as3, ad3, b3))
    # node predictor
    new_node_features = jax.nn.relu(z @ npW1 + npb1) @ npW2 + npb2
    # edge decoder
    row = edge_index[0]
    col = edge_index[1]
    edge_features = jnp.concatenate([z[row], z[col]], axis=1)
    edge_pred = jax.nn.sigmoid(jax.nn.relu(edge_features @ epW1 + epb1) @ epW2 + epb2)
    return (new_node_features, edge_pred)

if __name__ == "__main__":
    import jax
    _d = setup_inputs()
    print(jax.jit(kernel)(*tuple(_d.values())))

</pallas_src>

<mosaic_0001>
#map = affine_map<(d0, d1) -> (0, 0)>
#map1 = affine_map<(d0, d1) -> (0)>
module attributes {stable_mosaic.version = 14 : i64} {
  func.func @_gat_sc_body(%arg0: i32, %arg1: i32, %arg2: memref<10000x128xf32, #tpu.memory_space<hbm>>, %arg3: memref<10000xf32, #tpu.memory_space<hbm>>, %arg4: memref<10000xf32, #tpu.memory_space<hbm>>, %arg5: memref<320000xi32, #tpu.memory_space<hbm>>, %arg6: memref<320000xi32, #tpu.memory_space<hbm>>, %arg7: memref<10240x64xf32, #tpu.memory_space<hbm>>, %arg8: memref<10240x64xf32, #tpu.memory_space<hbm>>, %arg9: memref<10000xf32, #tpu.memory_space<vmem>>, %arg10: memref<10000xf32, #tpu.memory_space<vmem>>, %arg11: memref<640xf32, #tpu.memory_space<vmem>>, %arg12: memref<640x64xf32, #tpu.memory_space<vmem>>, %arg13: memref<8000xi32, #tpu.memory_space<vmem>>, %arg14: memref<8000xi32, #tpu.memory_space<vmem>>, %arg15: memref<96xi32, #tpu.memory_space<vmem>>, %arg16: memref<96xi32, #tpu.memory_space<vmem>>, %arg17: memref<96xf32, #tpu.memory_space<vmem>>, %arg18: memref<80xi32, #tpu.memory_space<vmem>>, %arg19: memref<80x128xf32, #tpu.memory_space<vmem>>, %arg20: memref<!tpu.dma_semaphore, #tpu.memory_space<semaphore_mem>>) attributes {dimension_semantics = [#tpu.dimension_semantics<core_parallel>, #tpu.dimension_semantics<subcore_parallel>], iteration_bounds = array<i64: 2, 16>, scalar_prefetch = 0 : i64, scratch_operands = 12 : i64, tpu.core_type = #tpu.core_type<sc_vector_subcore>, window_params = [{transform_indices = #map}, {transform_indices = #map1}, {transform_indices = #map1}, {transform_indices = #map1}, {transform_indices = #map1}, {transform_indices = #map}, {transform_indices = #map}]} {
    %mul3A = arith.constant 640 : i32
    %mul3A_0 = arith.muli %arg1, %mul3A : i32
    %mul3A_1 = arith.constant 160000 : i32
    %mul3A_2 = arith.muli %arg0, %mul3A_1 : i32
    %broadcast_in_dim3A = arith.constant 0.000000e+00 : f32
    %broadcast_in_dim3A_3 = vector.broadcast %broadcast_in_dim3A : f32 to vector<16xf32>
    %iota3A = tpu.iota {dimensions = array<i32: 0>} : vector<16xi32>
    "tpu.region"() ({
      %run_scoped3A = tpu.sem_alloc : memref<!tpu.dma_semaphore, #tpu.memory_space<semaphore_mem>>
      tpu.enqueue_dma source(%arg3 : memref<10000xf32, #tpu.memory_space<hbm>>) target(%arg9 : memref<10000xf32, #tpu.memory_space<vmem>>) target_semaphore(%run_scoped3A : memref<!tpu.dma_semaphore, #tpu.memory_space<semaphore_mem>>)
      tpu.wait_dma2 semaphore(%run_scoped3A : memref<!tpu.dma_semaphore, #tpu.memory_space<semaphore_mem>>) src(%arg3 : memref<10000xf32, #tpu.memory_space<hbm>>) dst(%arg9 : memref<10000xf32, #tpu.memory_space<vmem>>)
      tpu.yield
    }) : () -> ()
    "tpu.region"() ({
      %run_scoped3A = tpu.sem_alloc : memref<!tpu.dma_semaphore, #tpu.memory_space<semaphore_mem>>
      tpu.enqueue_dma source(%arg4 : memref<10000xf32, #tpu.memory_space<hbm>>) target(%arg10 : memref<10000xf32, #tpu.memory_space<vmem>>) target_semaphore(%run_scoped3A : memref<!tpu.dma_semaphore, #tpu.memory_space<semaphore_mem>>)
      tpu.wait_dma2 semaphore(%run_scoped3A : memref<!tpu.dma_semaphore, #tpu.memory_space<semaphore_mem>>) src(%arg4 : memref<10000xf32, #tpu.memory_space<hbm>>) dst(%arg10 : memref<10000xf32, #tpu.memory_space<vmem>>)
      tpu.yield
    }) : () -> ()
    %scan3A = arith.constant 0 : i32
    %scan3A_4 = arith.constant 0 : i32
    %scan3A_5 = arith.constant 40 : i32
    %scan3A_6 = arith.addi %scan3A_4, %scan3A_5 : i32
    %scan3A_7 = arith.constant 1 : i32
    %scan3A_8 = scf.for %scan3A_201 = %scan3A_4 to %scan3A_6 step %scan3A_7 iter_args(%scan3A_202 = %scan3A) -> (i32)  : i32 {
      %mul3A_203 = arith.constant 16 : i32
      %mul3A_204 = arith.muli %scan3A_201, %mul3A_203 : i32
      %swap3A_205 = arith.index_cast %mul3A_204 : i32 to index
      %swap3A_206 = tpu.vector_load %arg11[%swap3A_205] {strides = array<i32>} : memref<640xf32, #tpu.memory_space<vmem>>, vector<16xf32>,
      tpu.vector_store %arg11[%swap3A_205], %broadcast_in_dim3A_3 {strides = array<i32>} : memref<640xf32, #tpu.memory_space<vmem>>, vector<16xf32>,
      %scan3A_207 = arith.constant 0 : i32
      scf.yield %scan3A_207 : i32
    }
    %scan3A_9 = arith.constant 40 : i32
    %scan3A_10 = arith.constant 0 : i32
    %scan3A_11 = arith.constant 0 : i32
    %scan3A_12 = arith.constant 2560 : i32
    %scan3A_13 = arith.addi %scan3A_11, %scan3A_12 : i32
    %scan3A_14 = arith.constant 1 : i32
    %scan3A_15 = scf.for %scan3A_201 = %scan3A_11 to %scan3A_13 step %scan3A_14 iter_args(%scan3A_202 = %scan3A_10) -> (i32)  : i32 {
      %jit3A_203 = arith.constant 4 : i32
      %div3A = arith.divsi %scan3A_201, %jit3A_203 : i32
      %sign3A = arith.constant 0 : i32
      %sign3A_204 = arith.cmpi sgt, %scan3A_201, %sign3A : i32
      %sign3A_205 = arith.extui %sign3A_204 : i1 to i32
      %sign3A_206 = arith.constant 0 : i32
      %sign3A_207 = arith.cmpi slt, %scan3A_201, %sign3A_206 : i32
      %sign3A_208 = arith.extui %sign3A_207 : i1 to i32
      %sign3A_209 = arith.subi %sign3A_205, %sign3A_208 : i32
      %sign3A_210 = arith.constant 0 : i32
      %sign3A_211 = arith.cmpi sgt, %jit3A_203, %sign3A_210 : i32
      %sign3A_212 = arith.extui %sign3A_211 : i1 to i32
      %sign3A_213 = arith.constant 0 : i32
      %sign3A_214 = arith.cmpi slt, %jit3A_203, %sign3A_213 : i32
      %sign3A_215 = arith.extui %sign3A_214 : i1 to i32
      %sign3A_216 = arith.subi %sign3A_212, %sign3A_215 : i32
      %ne3A = arith.cmpi ne, %sign3A_209, %sign3A_216 : i32
      %rem3A = arith.remsi %scan3A_201, %jit3A_203 : i32
      %ne3A_217 = arith.constant 0 : i32
      %ne3A_218 = arith.cmpi ne, %rem3A, %ne3A_217 : i32
      %and3A = arith.andi %ne3A, %ne3A_218 : i1
      %sub3A = arith.constant 1 : i32
      %sub3A_219 = arith.subi %div3A, %sub3A : i32
      %select_n3A_220 = arith.select %and3A, %sub3A_219, %div3A : i32
      %jit3A_221 = arith.constant 4 : i32
      %eq3A_222 = arith.constant 0 : i32
      %eq3A_223 = arith.cmpi eq, %jit3A_221, %eq3A_222 : i32
      %jit3A_224 = arith.constant 1 : i32
      %select_n3A_225 = arith.select %eq3A_223, %jit3A_224, %jit3A_221 : i32
      %rem3A_226 = arith.remsi %scan3A_201, %select_n3A_225 : i32
      %ne3A_227 = arith.constant 0 : i32
      %ne3A_228 = arith.cmpi ne, %rem3A_226, %ne3A_227 : i32
      %lt3A = arith.constant 0 : i32
      %lt3A_229 = arith.cmpi slt, %rem3A_226, %lt3A : i32
      %lt3A_230 = arith.constant 0 : i32
      %lt3A_231 = arith.cmpi slt, %select_n3A_225, %lt3A_230 : i32
      %ne3A_232 = arith.xori %lt3A_229, %lt3A_231 : i1
      %and3A_233 = arith.andi %ne3A_232, %ne3A_228 : i1
      %add3A_234 = arith.addi %rem3A_226, %select_n3A_225 : i32
      %select_n3A_235 = arith.select %and3A_233, %add3A_234, %rem3A_226 : i32
      %mul3A_236 = arith.constant 16 : i32
      %mul3A_237 = arith.muli %select_n3A_235, %mul3A_236 : i32
      %swap3A_238 = arith.index_cast %select_n3A_220 : i32 to index
      %swap3A_239 = arith.index_cast %mul3A_237 : i32 to index
      %swap3A_240 = tpu.vector_load %arg12[%swap3A_238, %swap3A_239] {strides = array<i32>} : memref<640x64xf32, #tpu.memory_space<vmem>>, vector<16xf32>,
      tpu.vector_store %arg12[%swap3A_238, %swap3A_239], %broadcast_in_dim3A_3 {strides = array<i32>} : memref<640x64xf32, #tpu.memory_space<vmem>>, vector<16xf32>,
      %scan3A_241 = arith.constant 0 : i32
      scf.yield %scan3A_241 : i32
    }
    %scan3A_16 = arith.constant 2560 : i32
    %scan3A_17 = arith.constant 0 : i32
    %scan3A_18 = arith.constant 0 : i32
    %scan3A_19 = arith.constant 40 : i32
    %scan3A_20 = arith.addi %scan3A_18, %scan3A_19 : i32
    %scan3A_21 = arith.constant 1 : i32
    %scan3A_22 = scf.for %scan3A_201 = %scan3A_18 to %scan3A_20 step %scan3A_21 iter_args(%scan3A_202 = %scan3A_17) -> (i32)  : i32 {
      %mul3A_203 = arith.constant 8000 : i32
      %mul3A_204 = arith.muli %scan3A_201, %mul3A_203 : i32
      "tpu.region"() ({
        %run_scoped3A = tpu.sem_alloc : memref<!tpu.dma_semaphore, #tpu.memory_space<semaphore_mem>>
        %dma_start3A = tpu.memref_slice %arg5[%mul3A_204] : memref<320000xi32, #tpu.memory_space<hbm>> -> memref<8000xi32, #tpu.memory_space<hbm>>
        %dma_start3A_215 = tpu.memref_slice %arg5[%mul3A_204] : memref<320000xi32, #tpu.memory_space<hbm>> -> memref<8000xi32, #tpu.memory_space<hbm>>
        tpu.enqueue_dma source(%dma_start3A_215 : memref<8000xi32, #tpu.memory_space<hbm>>) target(%arg13 : memref<8000xi32, #tpu.memory_space<vmem>>) target_semaphore(%run_scoped3A : memref<!tpu.dma_semaphore, #tpu.memory_space<semaphore_mem>>)
        %dma_wait3A = tpu.memref_slice %arg5[%mul3A_204] : memref<320000xi32, #tpu.memory_space<hbm>> -> memref<8000xi32, #tpu.memory_space<hbm>>
        %dma_wait3A_216 = tpu.memref_slice %arg5[%mul3A_204] : memref<320000xi32, #tpu.memory_space<hbm>> -> memref<8000xi32, #tpu.memory_space<hbm>>
        tpu.wait_dma2 semaphore(%run_scoped3A : memref<!tpu.dma_semaphore, #tpu.memory_space<semaphore_mem>>) src(%dma_wait3A_216 : memref<8000xi32, #tpu.memory_space<hbm>>) dst(%arg13 : memref<8000xi32, #tpu.memory_space<vmem>>)
        tpu.yield
      }) : () -> ()
      %mul3A_205 = arith.constant 8000 : i32
      %mul3A_206 = arith.muli %scan3A_201, %mul3A_205 : i32
      "tpu.region"() ({
        %run_scoped3A = tpu.sem_alloc : memref<!tpu.dma_semaphore, #tpu.memory_space<semaphore_mem>>
        %dma_start3A = tpu.memref_slice %arg6[%mul3A_206] : memref<320000xi32, #tpu.memory_space<hbm>> -> memref<8000xi32, #tpu.memory_space<hbm>>
        %dma_start3A_215 = tpu.memref_slice %arg6[%mul3A_206] : memref<320000xi32, #tpu.memory_space<hbm>> -> memref<8000xi32, #tpu.memory_space<hbm>>
        tpu.enqueue_dma source(%dma_start3A_215 : memref<8000xi32, #tpu.memory_space<hbm>>) target(%arg14 : memref<8000xi32, #tpu.memory_space<vmem>>) target_semaphore(%run_scoped3A : memref<!tpu.dma_semaphore, #tpu.memory_space<semaphore_mem>>)
        %dma_wait3A = tpu.memref_slice %arg6[%mul3A_206] : memref<320000xi32, #tpu.memory_space<hbm>> -> memref<8000xi32, #tpu.memory_space<hbm>>
        %dma_wait3A_216 = tpu.memref_slice %arg6[%mul3A_206] : memref<320000xi32, #tpu.memory_space<hbm>> -> memref<8000xi32, #tpu.memory_space<hbm>>
        tpu.wait_dma2 semaphore(%run_scoped3A : memref<!tpu.dma_semaphore, #tpu.memory_space<semaphore_mem>>) src(%dma_wait3A_216 : memref<8000xi32, #tpu.memory_space<hbm>>) dst(%arg14 : memref<8000xi32, #tpu.memory_space<vmem>>)
        tpu.yield
      }) : () -> ()
      %scan3A_207 = arith.constant 0 : i32
      %scan3A_208 = arith.constant 0 : i32
      %scan3A_209 = arith.constant 500 : i32
      %scan3A_210 = arith.addi %scan3A_208, %scan3A_209 : i32
      %scan3A_211 = arith.constant 1 : i32
      %scan3A_212 = scf.for %scan3A_215 = %scan3A_208 to %scan3A_210 step %scan3A_211 iter_args(%scan3A_216 = %scan3A_207) -> (i32)  : i32 {
        %mul3A_217 = arith.constant 16 : i32
        %mul3A_218 = arith.muli %scan3A_215, %mul3A_217 : i32
        %get3A_219 = arith.index_cast %mul3A_218 : i32 to index
        %get3A_220 = tpu.vector_load %arg13[%get3A_219] {strides = array<i32>} : memref<8000xi32, #tpu.memory_space<vmem>>, vector<16xi32>,
        %mul3A_221 = arith.constant 16 : i32
        %mul3A_222 = arith.muli %scan3A_215, %mul3A_221 : i32
        %get3A_223 = arith.index_cast %mul3A_222 : i32 to index
        %get3A_224 = tpu.vector_load %arg14[%get3A_223] {strides = array<i32>} : memref<8000xi32, #tpu.memory_space<vmem>>, vector<16xi32>,
        %gather3A = tpu.vector_load_idx %arg9[%get3A_220] : memref<10000xf32, #tpu.memory_space<vmem>>[vector<16xi32>], vector<16xf32>,
        %gather3A_225 = tpu.vector_load_idx %arg10[%get3A_224] : memref<10000xf32, #tpu.memory_space<vmem>>[vector<16xi32>], vector<16xf32>,
        %add3A_226 = arith.addf %gather3A, %gather3A_225 : vector<16xf32>
        %ge3A_227 = arith.constant 0.000000e+00 : f32
        %ge3A_228 = vector.broadcast %ge3A_227 : f32 to vector<16xf32>
        %ge3A_229 = arith.cmpf oge, %add3A_226, %ge3A_228 : vector<16xf32>
        %mul3A_230 = arith.constant 2.000000e-01 : f32
        %mul3A_231 = vector.broadcast %mul3A_230 : f32 to vector<16xf32>
        %mul3A_232 = arith.mulf %mul3A_231, %add3A_226 : vector<16xf32>
        %select_n3A_233 = arith.select %ge3A_229, %add3A_226, %mul3A_232 : vector<16xi1>, vector<16xf32>
        %exp3A = math.exp %select_n3A_233 : vector<16xf32>
        %ge3A_234 = vector.broadcast %mul3A_0 : i32 to vector<16xi32>
        %ge3A_235 = arith.cmpi sge, %get3A_224, %ge3A_234 : vector<16xi32>
        %add3A_236 = arith.constant 640 : i32
        %add3A_237 = arith.addi %mul3A_0, %add3A_236 : i32
        %lt3A = vector.broadcast %add3A_237 : i32 to vector<16xi32>
        %lt3A_238 = arith.cmpi slt, %get3A_224, %lt3A : vector<16xi32>
        %and3A = arith.andi %ge3A_235, %lt3A_238 : vector<16xi1>
        %sub3A = vector.broadcast %mul3A_0 : i32 to vector<16xi32>
        %sub3A_239 = arith.subi %get3A_224, %sub3A : vector<16xi32>
        %jit3A_240 = arith.constant 0 : i32
        %broadcast_in_dim3A_241 = vector.broadcast %jit3A_240 : i32 to vector<16xi32>
        %select_n3A_242 = arith.select %and3A, %sub3A_239, %broadcast_in_dim3A_241 : vector<16xi1>, vector<16xi32>
        tpu.vector_store_idx %arg11[%select_n3A_242], %exp3A masked %and3A {add = true} : memref<640xf32, #tpu.memory_space<vmem>>[vector<16xi32>], vector<16xf32>, vector<16xi1>
        %scan3A_243 = arith.constant 0 : i32
        scf.yield %scan3A_243 : i32
      }
      %scan3A_213 = arith.constant 500 : i32
      %scan3A_214 = arith.constant 0 : i32
      scf.yield %scan3A_214 : i32
    }
    %scan3A_23 = arith.constant 40 : i32
    %scan3A_24 = arith.constant 0 : i32
    %scan3A_25 = arith.constant 0 : i32
    %scan3A_26 = arith.constant 20 : i32
    %scan3A_27 = arith.addi %scan3A_25, %scan3A_26 : i32
    %scan3A_28 = arith.constant 1 : i32
    %scan3A_29 = scf.for %scan3A_201 = %scan3A_25 to %scan3A_27 step %scan3A_28 iter_args(%scan3A_202 = %scan3A_24) -> (i32)  : i32 {
      %mul3A_203 = arith.constant 8000 : i32
      %mul3A_204 = arith.muli %scan3A_201, %mul3A_203 : i32
      %add3A_205 = arith.addi %mul3A_2, %mul3A_204 : i32
      "tpu.region"() ({
        %run_scoped3A = tpu.sem_alloc : memref<!tpu.dma_semaphore, #tpu.memory_space<semaphore_mem>>
        %dma_start3A = tpu.memref_slice %arg5[%add3A_205] : memref<320000xi32, #tpu.memory_space<hbm>> -> memref<8000xi32, #tpu.memory_space<hbm>>
        %dma_start3A_215 = tpu.memref_slice %arg5[%add3A_205] : memref<320000xi32, #tpu.memory_space<hbm>> -> memref<8000xi32, #tpu.memory_space<hbm>>
        tpu.enqueue_dma source(%dma_start3A_215 : memref<8000xi32, #tpu.memory_space<hbm>>) target(%arg13 : memref<8000xi32, #tpu.memory_space<vmem>>) target_semaphore(%run_scoped3A : memref<!tpu.dma_semaphore, #tpu.memory_space<semaphore_mem>>)
        %dma_wait3A = tpu.memref_slice %arg5[%add3A_205] : memref<320000xi32, #tpu.memory_space<hbm>> -> memref<8000xi32, #tpu.memory_space<hbm>>
        %dma_wait3A_216 = tpu.memref_slice %arg5[%add3A_205] : memref<320000xi32, #tpu.memory_space<hbm>> -> memref<8000xi32, #tpu.memory_space<hbm>>
        tpu.wait_dma2 semaphore(%run_scoped3A : memref<!tpu.dma_semaphore, #tpu.memory_space<semaphore_mem>>) src(%dma_wait3A_216 : memref<8000xi32, #tpu.memory_space<hbm>>) dst(%arg13 : memref<8000xi32, #tpu.memory_space<vmem>>)
        tpu.yield
      }) : () -> ()
      %mul3A_206 = arith.constant 8000 : i32
      %mul3A_207 = arith.muli %scan3A_201, %mul3A_206 : i32
      %add3A_208 = arith.addi %mul3A_2, %mul3A_207 : i32
      "tpu.region"() ({
        %run_scoped3A = tpu.sem_alloc : memref<!tpu.dma_semaphore, #tpu.memory_space<semaphore_mem>>
        %dma_start3A = tpu.memref_slice %arg6[%add3A_208] : memref<320000xi32, #tpu.memory_space<hbm>> -> memref<8000xi32, #tpu.memory_space<hbm>>
        %dma_start3A_215 = tpu.memref_slice %arg6[%add3A_208] : memref<320000xi32, #tpu.memory_space<hbm>> -> memref<8000xi32, #tpu.memory_space<hbm>>
        tpu.enqueue_dma source(%dma_start3A_215 : memref<8000xi32, #tpu.memory_space<hbm>>) target(%arg14 : memref<8000xi32, #tpu.memory_space<vmem>>) target_semaphore(%run_scoped3A : memref<!tpu.dma_semaphore, #tpu.memory_space<semaphore_mem>>)
        %dma_wait3A = tpu.memref_slice %arg6[%add3A_208] : memref<320000xi32, #tpu.memory_space<hbm>> -> memref<8000xi32, #tpu.memory_space<hbm>>
        %dma_wait3A_216 = tpu.memref_slice %arg6[%add3A_208] : memref<320000xi32, #tpu.memory_space<hbm>> -> memref<8000xi32, #tpu.memory_space<hbm>>
        tpu.wait_dma2 semaphore(%run_scoped3A : memref<!tpu.dma_semaphore, #tpu.memory_space<semaphore_mem>>) src(%dma_wait3A_216 : memref<8000xi32, #tpu.memory_space<hbm>>) dst(%arg14 : memref<8000xi32, #tpu.memory_space<vmem>>)
        tpu.yield
      }) : () -> ()
      %scan3A_209 = arith.constant 0 : i32
      %scan3A_210 = arith.constant 500 : i32
      %scan3A_211 = arith.addi %scan3A_209, %scan3A_210 : i32
      %scan3A_212 = arith.constant 1 : i32
      %scan3A_213 = scf.for %scan3A_215 = %scan3A_209 to %scan3A_211 step %scan3A_212 iter_args(%scan3A_216 = %scan3A_202) -> (i32)  : i32 {
        %mul3A_217 = arith.constant 16 : i32
        %mul3A_218 = arith.muli %scan3A_215, %mul3A_217 : i32
        %get3A_219 = arith.index_cast %mul3A_218 : i32 to index
        %get3A_220 = tpu.vector_load %arg13[%get3A_219] {strides = array<i32>} : memref<8000xi32, #tpu.memory_space<vmem>>, vector<16xi32>,
        %mul3A_221 = arith.constant 16 : i32
        %mul3A_222 = arith.muli %scan3A_215, %mul3A_221 : i32
        %get3A_223 = arith.index_cast %mul3A_222 : i32 to index
        %get3A_224 = tpu.vector_load %arg14[%get3A_223] {strides = array<i32>} : memref<8000xi32, #tpu.memory_space<vmem>>, vector<16xi32>,
        %gather3A = tpu.vector_load_idx %arg9[%get3A_220] : memref<10000xf32, #tpu.memory_space<vmem>>[vector<16xi32>], vector<16xf32>,
        %gather3A_225 = tpu.vector_load_idx %arg10[%get3A_224] : memref<10000xf32, #tpu.memory_space<vmem>>[vector<16xi32>], vector<16xf32>,
        %add3A_226 = arith.addf %gather3A, %gather3A_225 : vector<16xf32>
        %ge3A_227 = arith.constant 0.000000e+00 : f32
        %ge3A_228 = vector.broadcast %ge3A_227 : f32 to vector<16xf32>
        %ge3A_229 = arith.cmpf oge, %add3A_226, %ge3A_228 : vector<16xf32>
        %mul3A_230 = arith.constant 2.000000e-01 : f32
        %mul3A_231 = vector.broadcast %mul3A_230 : f32 to vector<16xf32>
        %mul3A_232 = arith.mulf %mul3A_231, %add3A_226 : vector<16xf32>
        %select_n3A_233 = arith.select %ge3A_229, %add3A_226, %mul3A_232 : vector<16xi1>, vector<16xf32>
        %exp3A = math.exp %select_n3A_233 : vector<16xf32>
        %ge3A_234 = vector.broadcast %mul3A_0 : i32 to vector<16xi32>
        %ge3A_235 = arith.cmpi sge, %get3A_224, %ge3A_234 : vector<16xi32>
        %add3A_236 = arith.constant 640 : i32
        %add3A_237 = arith.addi %mul3A_0, %add3A_236 : i32
        %lt3A = vector.broadcast %add3A_237 : i32 to vector<16xi32>
        %lt3A_238 = arith.cmpi slt, %get3A_224, %lt3A : vector<16xi32>
        %and3A = arith.andi %ge3A_235, %lt3A_238 : vector<16xi1>
        %sub3A = vector.broadcast %mul3A_0 : i32 to vector<16xi32>
        %sub3A_239 = arith.subi %get3A_224, %sub3A : vector<16xi32>
        %jit3A_240 = arith.constant 0 : i32
        %broadcast_in_dim3A_241 = vector.broadcast %jit3A_240 : i32 to vector<16xi32>
        %select_n3A_242 = arith.select %and3A, %sub3A_239, %broadcast_in_dim3A_241 : vector<16xi1>, vector<16xi32>
        %gather3A_243 = tpu.vector_load_idx %arg11[%select_n3A_242] : memref<640xf32, #tpu.memory_space<vmem>>[vector<16xi32>], vector<16xf32>,
        %add3A_244 = arith.constant 1.000000e-16 : f32
        %add3A_245 = vector.broadcast %add3A_244 : f32 to vector<16xf32>
        %add3A_246 = arith.addf %gather3A_243, %add3A_245 : vector<16xf32>
        %div3A = arith.divf %exp3A, %add3A_246 : vector<16xf32>
        %jit3A_247 = arith.constant 0.000000e+00 : f32
        %broadcast_in_dim3A_248 = vector.broadcast %jit3A_247 : f32 to vector<16xf32>
        %select_n3A_249 = arith.select %and3A, %div3A, %broadcast_in_dim3A_248 : vector<16xi1>, vector<16xf32>
        %jit3A_250 = arith.constant 1 : i32
        %jit3A_251 = arith.constant 0 : i32
        %broadcast_in_dim3A_252 = vector.broadcast %jit3A_250 : i32 to vector<16xi32>
        %broadcast_in_dim3A_253 = vector.broadcast %jit3A_251 : i32 to vector<16xi32>
        %select_n3A_254 = arith.select %and3A, %broadcast_in_dim3A_252, %broadcast_in_dim3A_253 : vector<16xi1>, vector<16xi32>
        %broadcast_in_dim3A_255 = arith.constant true
        %broadcast_in_dim3A_256 = vector.broadcast %broadcast_in_dim3A_255 : i1 to vector<16xi1>
        %masked_cumsum3A = tpu.scan <sum>, %select_n3A_254 masked %broadcast_in_dim3A_256 : vector<16xi32>, vector<16xi1> -> vector<16xi32>
        %add3A_257 = vector.broadcast %scan3A_216 : i32 to vector<16xi32>
        %add3A_258 = arith.addi %add3A_257, %masked_cumsum3A : vector<16xi32>
        %sub3A_259 = arith.constant 1 : i32
        %sub3A_260 = vector.broadcast %sub3A_259 : i32 to vector<16xi32>
        %sub3A_261 = arith.subi %add3A_258, %sub3A_260 : vector<16xi32>
        tpu.vector_store_idx %arg15[%sub3A_261], %get3A_220 masked %and3A : memref<96xi32, #tpu.memory_space<vmem>>[vector<16xi32>], vector<16xi32>, vector<16xi1>
        tpu.vector_store_idx %arg16[%sub3A_261], %select_n3A_242 masked %and3A : memref<96xi32, #tpu.memory_space<vmem>>[vector<16xi32>], vector<16xi32>, vector<16xi1>
        tpu.vector_store_idx %arg17[%sub3A_261], %select_n3A_249 masked %and3A : memref<96xf32, #tpu.memory_space<vmem>>[vector<16xi32>], vector<16xf32>, vector<16xi1>
        %all_reduce_population_count3A = tpu.all_reduce %and3A {dim = 0 : i64, kind = #tpu.reduction_kind<sum>} : vector<16xi1> -> vector<16xi32>
        %slice3A = vector.extract_strided_slice %all_reduce_population_count3A {offsets = [0], sizes = [1], strides = [1]} : vector<16xi32> to vector<1xi32>
        %squeeze3A = vector.extract %slice3A[0] : i32 from vector<1xi32>
        %add3A_262 = arith.addi %scan3A_216, %squeeze3A : i32
        %ge3A_263 = arith.constant 80 : i32
        %ge3A_264 = arith.cmpi sge, %add3A_262, %ge3A_263 : i32
        %convert_element_type3A_265 = arith.extui %ge3A_264 : i1 to i32
        %cond3A_266 = arith.constant 0 : i32
        %cond3A_267 = arith.cmpi ne, %convert_element_type3A_265, %cond3A_266 : i32
        scf.if %cond3A_267 {
          %get3A_271 = arith.constant 0 : index
          %get3A_272 = tpu.vector_load %arg15[%get3A_271] {strides = array<i32>} : memref<96xi32, #tpu.memory_space<vmem>>, vector<16xi32>,
          %swap3A_273 = arith.constant 0 : index
          %swap3A_274 = tpu.vector_load %arg18[%swap3A_273] {strides = array<i32>} : memref<80xi32, #tpu.memory_space<vmem>>, vector<16xi32>,
          tpu.vector_store %arg18[%swap3A_273], %get3A_272 {strides = array<i32>} : memref<80xi32, #tpu.memory_space<vmem>>, vector<16xi32>,
          %get3A_275 = arith.constant 16 : index
          %get3A_276 = tpu.vector_load %arg15[%get3A_275] {strides = array<i32>} : memref<96xi32, #tpu.memory_space<vmem>>, vector<16xi32>,
          %swap3A_277 = arith.constant 16 : index
          %swap3A_278 = tpu.vector_load %arg18[%swap3A_277] {strides = array<i32>} : memref<80xi32, #tpu.memory_space<vmem>>, vector<16xi32>,
          tpu.vector_store %arg18[%swap3A_277], %get3A_276 {strides = array<i32>} : memref<80xi32, #tpu.memory_space<vmem>>, vector<16xi32>,
          %get3A_279 = arith.constant 32 : index
          %get3A_280 = tpu.vector_load %arg15[%get3A_279] {strides = array<i32>} : memref<96xi32, #tpu.memory_space<vmem>>, vector<16xi32>,
          %swap3A_281 = arith.constant 32 : index
          %swap3A_282 = tpu.vector_load %arg18[%swap3A_281] {strides = array<i32>} : memref<80xi32, #tpu.memory_space<vmem>>, vector<16xi32>,
          tpu.vector_store %arg18[%swap3A_281], %get3A_280 {strides = array<i32>} : memref<80xi32, #tpu.memory_space<vmem>>, vector<16xi32>,
          %get3A_283 = arith.constant 48 : index
          %get3A_284 = tpu.vector_load %arg15[%get3A_283] {strides = array<i32>} : memref<96xi32, #tpu.memory_space<vmem>>, vector<16xi32>,
          %swap3A_285 = arith.constant 48 : index
          %swap3A_286 = tpu.vector_load %arg18[%swap3A_285] {strides = array<i32>} : memref<80xi32, #tpu.memory_space<vmem>>, vector<16xi32>,
          tpu.vector_store %arg18[%swap3A_285], %get3A_284 {strides = array<i32>} : memref<80xi32, #tpu.memory_space<vmem>>, vector<16xi32>,
          %get3A_287 = arith.constant 64 : index
          %get3A_288 = tpu.vector_load %arg15[%get3A_287] {strides = array<i32>} : memref<96xi32, #tpu.memory_space<vmem>>, vector<16xi32>,
          %swap3A_289 = arith.constant 64 : index
          %swap3A_290 = tpu.vector_load %arg18[%swap3A_289] {strides = array<i32>} : memref<80xi32, #tpu.memory_space<vmem>>, vector<16xi32>,
          tpu.vector_store %arg18[%swap3A_289], %get3A_288 {strides = array<i32>} : memref<80xi32, #tpu.memory_space<vmem>>, vector<16xi32>,
          "tpu.region"() ({
            %run_scoped3A = tpu.sem_alloc : memref<!tpu.dma_semaphore, #tpu.memory_space<semaphore_mem>>
            %dma_start3A = arith.constant 0 : i32
            %dma_start3A_310 = arith.constant 0 : i32
            %dma_start3A_311 = tpu.memref_slice %arg2[%dma_start3A, %dma_start3A_310] : memref<10000x128xf32, #tpu.memory_space<hbm>> -> memref<10000x128xf32, #tpu.memory_space<hbm>>
            tpu.enqueue_indirect_dma source(%dma_start3A_311 : memref<10000x128xf32, #tpu.memory_space<hbm>>) target(%arg19 : memref<80x128xf32, #tpu.memory_space<vmem>>) offsets(%arg18 : memref<80xi32, #tpu.memory_space<vmem>>) semaphore(%run_scoped3A : memref<!tpu.dma_semaphore, #tpu.memory_space<semaphore_mem>>)
            %dma_wait3A = arith.constant 0 : i32
            %dma_wait3A_312 = arith.constant 0 : i32
            %dma_wait3A_313 = tpu.memref_slice %arg2[%dma_wait3A, %dma_wait3A_312] : memref<10000x128xf32, #tpu.memory_space<hbm>> -> memref<10000x128xf32, #tpu.memory_space<hbm>>
            tpu.wait_indirect_dma semaphore(%run_scoped3A : memref<!tpu.dma_semaphore, #tpu.memory_space<semaphore_mem>>) src(%dma_wait3A_313 : memref<10000x128xf32, #tpu.memory_space<hbm>>) dst(%arg19 : memref<80x128xf32, #tpu.memory_space<vmem>>)
            tpu.yield
          }) : () -> ()
          %scan3A_291 = arith.constant 0 : i32
          %scan3A_292 = arith.constant 0 : i32
          %scan3A_293 = arith.constant 80 : i32
          %scan3A_294 = arith.addi %scan3A_292, %scan3A_293 : i32
          %scan3A_295 = arith.constant 1 : i32
          %scan3A_296 = scf.for %scan3A_310 = %scan3A_292 to %scan3A_294 step %scan3A_295 iter_args(%scan3A_311 = %scan3A_291) -> (i32)  : i32 {
            %broadcast_in_dim3A_312 = vector.broadcast %scan3A_310 : i32 to vector<16xi32>
            %gather3A_313 = tpu.vector_load_idx %arg17[%broadcast_in_dim3A_312] : memref<96xf32, #tpu.memory_space<vmem>>[vector<16xi32>], vector<16xf32>,
            %gather3A_314 = tpu.vector_load_idx %arg16[%broadcast_in_dim3A_312] : memref<96xi32, #tpu.memory_space<vmem>>[vector<16xi32>], vector<16xi32>,
            %slice3A_315 = vector.extract_strided_slice %gather3A_314 {offsets = [0], sizes = [1], strides = [1]} : vector<16xi32> to vector<1xi32>
            %squeeze3A_316 = vector.extract %slice3A_315[0] : i32 from vector<1xi32>
            %get3A_317 = arith.index_cast %squeeze3A_316 : i32 to index
            %get3A_318 = arith.constant 0 : index
            %get3A_319 = tpu.vector_load %arg12[%get3A_317, %get3A_318] {strides = array<i32>} : memref<640x64xf32, #tpu.memory_space<vmem>>, vector<16xf32>,
            %get3A_320 = arith.index_cast %scan3A_310 : i32 to index
            %get3A_321 = arith.constant 0 : index
            %get3A_322 = tpu.vector_load %arg19[%get3A_320, %get3A_321] {strides = array<i32>} : memref<80x128xf32, #tpu.memory_space<vmem>>, vector<16xf32>,
            %mul3A_323 = arith.mulf %get3A_322, %gather3A_313 : vector<16xf32>
            %add3A_324 = arith.addf %get3A_319, %mul3A_323 : vector<16xf32>
            %swap3A_325 = arith.index_cast %squeeze3A_316 : i32 to index
            %swap3A_326 = arith.constant 0 : index
            %swap3A_327 = tpu.vector_load %arg12[%swap3A_325, %swap3A_326] {strides = array<i32>} : memref<640x64xf32, #tpu.memory_space<vmem>>, vector<16xf32>,
            tpu.vector_store %arg12[%swap3A_325, %swap3A_326], %add3A_324 {strides = array<i32>} : memref<640x64xf32, #tpu.memory_space<vmem>>, vector<16xf32>,
            %get3A_328 = arith.index_cast %squeeze3A_316 : i32 to index
            %get3A_329 = arith.constant 16 : index
            %get3A_330 = tpu.vector_load %arg12[%get3A_328, %get3A_329] {strides = array<i32>} : memref<640x64xf32, #tpu.memory_space<vmem>>, vector<16xf32>,
            %get3A_331 = arith.index_cast %scan3A_310 : i32 to index
            %get3A_332 = arith.constant 16 : index
            %get3A_333 = tpu.vector_load %arg19[%get3A_331, %get3A_332] {strides = array<i32>} : memref<80x128xf32, #tpu.memory_space<vmem>>, vector<16xf32>,
            %mul3A_334 = arith.mulf %get3A_333, %gather3A_313 : vector<16xf32>
            %add3A_335 = arith.addf %get3A_330, %mul3A_334 : vector<16xf32>
            %swap3A_336 = arith.index_cast %squeeze3A_316 : i32 to index
            %swap3A_337 = arith.constant 16 : index
            %swap3A_338 = tpu.vector_load %arg12[%swap3A_336, %swap3A_337] {strides = array<i32>} : memref<640x64xf32, #tpu.memory_space<vmem>>, vector<16xf32>,
            tpu.vector_store %arg12[%swap3A_336, %swap3A_337], %add3A_335 {strides = array<i32>} : memref<640x64xf32, #tpu.memory_space<vmem>>, vector<16xf32>,
            %get3A_339 = arith.index_cast %squeeze3A_316 : i32 to index
            %get3A_340 = arith.constant 32 : index
            %get3A_341 = tpu.vector_load %arg12[%get3A_339, %get3A_340] {strides = array<i32>} : memref<640x64xf32, #tpu.memory_space<vmem>>, vector<16xf32>,
            %get3A_342 = arith.index_cast %scan3A_310 : i32 to index
            %get3A_343 = arith.constant 32 : index
            %get3A_344 = tpu.vector_load %arg19[%get3A_342, %get3A_343] {strides = array<i32>} : memref<80x128xf32, #tpu.memory_space<vmem>>, vector<16xf32>,
            %mul3A_345 = arith.mulf %get3A_344, %gather3A_313 : vector<16xf32>
            %add3A_346 = arith.addf %get3A_341, %mul3A_345 : vector<16xf32>
            %swap3A_347 = arith.index_cast %squeeze3A_316 : i32 to index
            %swap3A_348 = arith.constant 32 : index
            %swap3A_349 = tpu.vector_load %arg12[%swap3A_347, %swap3A_348] {strides = array<i32>} : memref<640x64xf32, #tpu.memory_space<vmem>>, vector<16xf32>,
            tpu.vector_store %arg12[%swap3A_347, %swap3A_348], %add3A_346 {strides = array<i32>} : memref<640x64xf32, #tpu.memory_space<vmem>>, vector<16xf32>,
            %get3A_350 = arith.index_cast %squeeze3A_316 : i32 to index
            %get3A_351 = arith.constant 48 : index
            %get3A_352 = tpu.vector_load %arg12[%get3A_350, %get3A_351] {strides = array<i32>} : memref<640x64xf32, #tpu.memory_space<vmem>>, vector<16xf32>,
            %get3A_353 = arith.index_cast %scan3A_310 : i32 to index
            %get3A_354 = arith.constant 48 : index
            %get3A_355 = tpu.vector_load %arg19[%get3A_353, %get3A_354] {strides = array<i32>} : memref<80x128xf32, #tpu.memory_space<vmem>>, vector<16xf32>,
            %mul3A_356 = arith.mulf %get3A_355, %gather3A_313 : vector<16xf32>
            %add3A_357 = arith.addf %get3A_352, %mul3A_356 : vector<16xf32>
            %swap3A_358 = arith.index_cast %squeeze3A_316 : i32 to index
            %swap3A_359 = arith.constant 48 : index
            %swap3A_360 = tpu.vector_load %arg12[%swap3A_358, %swap3A_359] {strides = array<i32>} : memref<640x64xf32, #tpu.memory_space<vmem>>, vector<16xf32>,
            tpu.vector_store %arg12[%swap3A_358, %swap3A_359], %add3A_357 {strides = array<i32>} : memref<640x64xf32, #tpu.memory_space<vmem>>, vector<16xf32>,
            %scan3A_361 = arith.constant 0 : i32
            scf.yield %scan3A_361 : i32
          }
          %scan3A_297 = arith.constant 80 : i32
          %get3A_298 = arith.constant 80 : index
          %get3A_299 = tpu.vector_load %arg15[%get3A_298] {strides = array<i32>} : memref<96xi32, #tpu.memory_space<vmem>>, vector<16xi32>,
          %swap3A_300 = arith.constant 0 : index
          %swap3A_301 = tpu.vector_load %arg15[%swap3A_300] {strides = array<i32>} : memref<96xi32, #tpu.memory_space<vmem>>, vector<16xi32>,
          tpu.vector_store %arg15[%swap3A_300], %get3A_299 {strides = array<i32>} : memref<96xi32, #tpu.memory_space<vmem>>, vector<16xi32>,
          %get3A_302 = arith.constant 80 : index
          %get3A_303 = tpu.vector_load %arg16[%get3A_302] {strides = array<i32>} : memref<96xi32, #tpu.memory_space<vmem>>, vector<16xi32>,
          %swap3A_304 = arith.constant 0 : index
          %swap3A_305 = tpu.vector_load %arg16[%swap3A_304] {strides = array<i32>} : memref<96xi32, #tpu.memory_space<vmem>>, vector<16xi32>,
          tpu.vector_store %arg16[%swap3A_304], %get3A_303 {strides = array<i32>} : memref<96xi32, #tpu.memory_space<vmem>>, vector<16xi32>,
          %get3A_306 = arith.constant 80 : index
          %get3A_307 = tpu.vector_load %arg17[%get3A_306] {strides = array<i32>} : memref<96xf32, #tpu.memory_space<vmem>>, vector<16xf32>,
          %swap3A_308 = arith.constant 0 : index
          %swap3A_309 = tpu.vector_load %arg17[%swap3A_308] {strides = array<i32>} : memref<96xf32, #tpu.memory_space<vmem>>, vector<16xf32>,
          tpu.vector_store %arg17[%swap3A_308], %get3A_307 {strides = array<i32>} : memref<96xf32, #tpu.memory_space<vmem>>, vector<16xf32>,
        } else {
        }
        %sub3A_268 = arith.constant 80 : i32
        %sub3A_269 = arith.subi %add3A_262, %sub3A_268 : i32
        %select_n3A_270 = arith.select %ge3A_264, %sub3A_269, %add3A_262 : i32
        scf.yield %select_n3A_270 : i32
      }
      %scan3A_214 = arith.constant 500 : i32
      scf.yield %scan3A_213 : i32
    }
    %scan3A_30 = arith.constant 20 : i32
    %add3A = arith.constant 0 : i32
    %add3A_31 = vector.broadcast %add3A : i32 to vector<16xi32>
    %add3A_32 = arith.addi %iota3A, %add3A_31 : vector<16xi32>
    %ge3A = vector.broadcast %scan3A_29 : i32 to vector<16xi32>
    %ge3A_33 = arith.cmpi sge, %add3A_32, %ge3A : vector<16xi32>
    %get3A = arith.constant 0 : index
    %get3A_34 = tpu.vector_load %arg17[%get3A] {strides = array<i32>} : memref<96xf32, #tpu.memory_space<vmem>>, vector<16xf32>,
    %jit3A = arith.constant 0.000000e+00 : f32
    %broadcast_in_dim3A_35 = vector.broadcast %jit3A : f32 to vector<16xf32>
    %select_n3A = arith.select %ge3A_33, %broadcast_in_dim3A_35, %get3A_34 : vector<16xi1>, vector<16xf32>
    %swap3A = arith.constant 0 : index
    %swap3A_36 = tpu.vector_load %arg17[%swap3A] {strides = array<i32>} : memref<96xf32, #tpu.memory_space<vmem>>, vector<16xf32>,
    tpu.vector_store %arg17[%swap3A], %select_n3A {strides = array<i32>} : memref<96xf32, #tpu.memory_space<vmem>>, vector<16xf32>,
    %get3A_37 = arith.constant 0 : index
    %get3A_38 = tpu.vector_load %arg15[%get3A_37] {strides = array<i32>} : memref<96xi32, #tpu.memory_space<vmem>>, vector<16xi32>,
    %jit3A_39 = arith.constant 0 : i32
    %broadcast_in_dim3A_40 = vector.broadcast %jit3A_39 : i32 to vector<16xi32>
    %select_n3A_41 = arith.select %ge3A_33, %broadcast_in_dim3A_40, %get3A_38 : vector<16xi1>, vector<16xi32>
    %swap3A_42 = arith.constant 0 : index
    %swap3A_43 = tpu.vector_load %arg15[%swap3A_42] {strides = array<i32>} : memref<96xi32, #tpu.memory_space<vmem>>, vector<16xi32>,
    tpu.vector_store %arg15[%swap3A_42], %select_n3A_41 {strides = array<i32>} : memref<96xi32, #tpu.memory_space<vmem>>, vector<16xi32>,
    %get3A_44 = arith.constant 0 : index
    %get3A_45 = tpu.vector_load %arg16[%get3A_44] {strides = array<i32>} : memref<96xi32, #tpu.memory_space<vmem>>, vector<16xi32>,
    %jit3A_46 = arith.constant 0 : i32
    %broadcast_in_dim3A_47 = vector.broadcast %jit3A_46 : i32 to vector<16xi32>
    %select_n3A_48 = arith.select %ge3A_33, %broadcast_in_dim3A_47, %get3A_45 : vector<16xi1>, vector<16xi32>
    %swap3A_49 = arith.constant 0 : index
    %swap3A_50 = tpu.vector_load %arg16[%swap3A_49] {strides = array<i32>} : memref<96xi32, #tpu.memory_space<vmem>>, vector<16xi32>,
    tpu.vector_store %arg16[%swap3A_49], %select_n3A_48 {strides = array<i32>} : memref<96xi32, #tpu.memory_space<vmem>>, vector<16xi32>,
    %add3A_51 = arith.constant 16 : i32
    %add3A_52 = vector.broadcast %add3A_51 : i32 to vector<16xi32>
    %add3A_53 = arith.addi %iota3A, %add3A_52 : vector<16xi32>
    %ge3A_54 = vector.broadcast %scan3A_29 : i32 to vector<16xi32>
    %ge3A_55 = arith.cmpi sge, %add3A_53, %ge3A_54 : vector<16xi32>
    %get3A_56 = arith.constant 16 : index
    %get3A_57 = tpu.vector_load %arg17[%get3A_56] {strides = array<i32>} : memref<96xf32, #tpu.memory_space<vmem>>, vector<16xf32>,
    %jit3A_58 = arith.constant 0.000000e+00 : f32
    %broadcast_in_dim3A_59 = vector.broadcast %jit3A_58 : f32 to vector<16xf32>
    %select_n3A_60 = arith.select %ge3A_55, %broadcast_in_dim3A_59, %get3A_57 : vector<16xi1>, vector<16xf32>
    %swap3A_61 = arith.constant 16 : index
    %swap3A_62 = tpu.vector_load %arg17[%swap3A_61] {strides = array<i32>} : memref<96xf32, #tpu.memory_space<vmem>>, vector<16xf32>,
    tpu.vector_store %arg17[%swap3A_61], %select_n3A_60 {strides = array<i32>} : memref<96xf32, #tpu.memory_space<vmem>>, vector<16xf32>,
    %get3A_63 = arith.constant 16 : index
    %get3A_64 = tpu.vector_load %arg15[%get3A_63] {strides = array<i32>} : memref<96xi32, #tpu.memory_space<vmem>>, vector<16xi32>,
    %jit3A_65 = arith.constant 0 : i32
    %broadcast_in_dim3A_66 = vector.broadcast %jit3A_65 : i32 to vector<16xi32>
    %select_n3A_67 = arith.select %ge3A_55, %broadcast_in_dim3A_66, %get3A_64 : vector<16xi1>, vector<16xi32>
    %swap3A_68 = arith.constant 16 : index
    %swap3A_69 = tpu.vector_load %arg15[%swap3A_68] {strides = array<i32>} : memref<96xi32, #tpu.memory_space<vmem>>, vector<16xi32>,
    tpu.vector_store %arg15[%swap3A_68], %select_n3A_67 {strides = array<i32>} : memref<96xi32, #tpu.memory_space<vmem>>, vector<16xi32>,
    %get3A_70 = arith.constant 16 : index
    %get3A_71 = tpu.vector_load %arg16[%get3A_70] {strides = array<i32>} : memref<96xi32, #tpu.memory_space<vmem>>, vector<16xi32>,
    %jit3A_72 = arith.constant 0 : i32
    %broadcast_in_dim3A_73 = vector.broadcast %jit3A_72 : i32 to vector<16xi32>
    %select_n3A_74 = arith.select %ge3A_55, %broadcast_in_dim3A_73, %get3A_71 : vector<16xi1>, vector<16xi32>
    %swap3A_75 = arith.constant 16 : index
    %swap3A_76 = tpu.vector_load %arg16[%swap3A_75] {strides = array<i32>} : memref<96xi32, #tpu.memory_space<vmem>>, vector<16xi32>,
    tpu.vector_store %arg16[%swap3A_75], %select_n3A_74 {strides = array<i32>} : memref<96xi32, #tpu.memory_space<vmem>>, vector<16xi32>,
    %add3A_77 = arith.constant 32 : i32
    %add3A_78 = vector.broadcast %add3A_77 : i32 to vector<16xi32>
    %add3A_79 = arith.addi %iota3A, %add3A_78 : vector<16xi32>
    %ge3A_80 = vector.broadcast %scan3A_29 : i32 to vector<16xi32>
    %ge3A_81 = arith.cmpi sge, %add3A_79, %ge3A_80 : vector<16xi32>
    %get3A_82 = arith.constant 32 : index
    %get3A_83 = tpu.vector_load %arg17[%get3A_82] {strides = array<i32>} : memref<96xf32, #tpu.memory_space<vmem>>, vector<16xf32>,
    %jit3A_84 = arith.constant 0.000000e+00 : f32
    %broadcast_in_dim3A_85 = vector.broadcast %jit3A_84 : f32 to vector<16xf32>
    %select_n3A_86 = arith.select %ge3A_81, %broadcast_in_dim3A_85, %get3A_83 : vector<16xi1>, vector<16xf32>
    %swap3A_87 = arith.constant 32 : index
    %swap3A_88 = tpu.vector_load %arg17[%swap3A_87] {strides = array<i32>} : memref<96xf32, #tpu.memory_space<vmem>>, vector<16xf32>,
    tpu.vector_store %arg17[%swap3A_87], %select_n3A_86 {strides = array<i32>} : memref<96xf32, #tpu.memory_space<vmem>>, vector<16xf32>,
    %get3A_89 = arith.constant 32 : index
    %get3A_90 = tpu.vector_load %arg15[%get3A_89] {strides = array<i32>} : memref<96xi32, #tpu.memory_space<vmem>>, vector<16xi32>,
    %jit3A_91 = arith.constant 0 : i32
    %broadcast_in_dim3A_92 = vector.broadcast %jit3A_91 : i32 to vector<16xi32>
    %select_n3A_93 = arith.select %ge3A_81, %broadcast_in_dim3A_92, %get3A_90 : vector<16xi1>, vector<16xi32>
    %swap3A_94 = arith.constant 32 : index
    %swap3A_95 = tpu.vector_load %arg15[%swap3A_94] {strides = array<i32>} : memref<96xi32, #tpu.memory_space<vmem>>, vector<16xi32>,
    tpu.vector_store %arg15[%swap3A_94], %select_n3A_93 {strides = array<i32>} : memref<96xi32, #tpu.memory_space<vmem>>, vector<16xi32>,
    %get3A_96 = arith.constant 32 : index
    %get3A_97 = tpu.vector_load %arg16[%get3A_96] {strides = array<i32>} : memref<96xi32, #tpu.memory_space<vmem>>, vector<16xi32>,
    %jit3A_98 = arith.constant 0 : i32
    %broadcast_in_dim3A_99 = vector.broadcast %jit3A_98 : i32 to vector<16xi32>
    %select_n3A_100 = arith.select %ge3A_81, %broadcast_in_dim3A_99, %get3A_97 : vector<16xi1>, vector<16xi32>
    %swap3A_101 = arith.constant 32 : index
    %swap3A_102 = tpu.vector_load %arg16[%swap3A_101] {strides = array<i32>} : memref<96xi32, #tpu.memory_space<vmem>>, vector<16xi32>,
    tpu.vector_store %arg16[%swap3A_101], %select_n3A_100 {strides = array<i32>} : memref<96xi32, #tpu.memory_space<vmem>>, vector<16xi32>,
    %add3A_103 = arith.constant 48 : i32
    %add3A_104 = vector.broadcast %add3A_103 : i32 to vector<16xi32>
    %add3A_105 = arith.addi %iota3A, %add3A_104 : vector<16xi32>
    %ge3A_106 = vector.broadcast %scan3A_29 : i32 to vector<16xi32>
    %ge3A_107 = arith.cmpi sge, %add3A_105, %ge3A_106 : vector<16xi32>
    %get3A_108 = arith.constant 48 : index
    %get3A_109 = tpu.vector_load %arg17[%get3A_108] {strides = array<i32>} : memref<96xf32, #tpu.memory_space<vmem>>, vector<16xf32>,
    %jit3A_110 = arith.constant 0.000000e+00 : f32
    %broadcast_in_dim3A_111 = vector.broadcast %jit3A_110 : f32 to vector<16xf32>
    %select_n3A_112 = arith.select %ge3A_107, %broadcast_in_dim3A_111, %get3A_109 : vector<16xi1>, vector<16xf32>
    %swap3A_113 = arith.constant 48 : index
    %swap3A_114 = tpu.vector_load %arg17[%swap3A_113] {strides = array<i32>} : memref<96xf32, #tpu.memory_space<vmem>>, vector<16xf32>,
    tpu.vector_store %arg17[%swap3A_113], %select_n3A_112 {strides = array<i32>} : memref<96xf32, #tpu.memory_space<vmem>>, vector<16xf32>,
    %get3A_115 = arith.constant 48 : index
    %get3A_116 = tpu.vector_load %arg15[%get3A_115] {strides = array<i32>} : memref<96xi32, #tpu.memory_space<vmem>>, vector<16xi32>,
    %jit3A_117 = arith.constant 0 : i32
    %broadcast_in_dim3A_118 = vector.broadcast %jit3A_117 : i32 to vector<16xi32>
    %select_n3A_119 = arith.select %ge3A_107, %broadcast_in_dim3A_118, %get3A_116 : vector<16xi1>, vector<16xi32>
    %swap3A_120 = arith.constant 48 : index
    %swap3A_121 = tpu.vector_load %arg15[%swap3A_120] {strides = array<i32>} : memref<96xi32, #tpu.memory_space<vmem>>, vector<16xi32>,
    tpu.vector_store %arg15[%swap3A_120], %select_n3A_119 {strides = array<i32>} : memref<96xi32, #tpu.memory_space<vmem>>, vector<16xi32>,
    %get3A_122 = arith.constant 48 : index
    %get3A_123 = tpu.vector_load %arg16[%get3A_122] {strides = array<i32>} : memref<96xi32, #tpu.memory_space<vmem>>, vector<16xi32>,
    %jit3A_124 = arith.constant 0 : i32
    %broadcast_in_dim3A_125 = vector.broadcast %jit3A_124 : i32 to vector<16xi32>
    %select_n3A_126 = arith.select %ge3A_107, %broadcast_in_dim3A_125, %get3A_123 : vector<16xi1>, vector<16xi32>
    %swap3A_127 = arith.constant 48 : index
    %swap3A_128 = tpu.vector_load %arg16[%swap3A_127] {strides = array<i32>} : memref<96xi32, #tpu.memory_space<vmem>>, vector<16xi32>,
    tpu.vector_store %arg16[%swap3A_127], %select_n3A_126 {strides = array<i32>} : memref<96xi32, #tpu.memory_space<vmem>>, vector<16xi32>,
    %add3A_129 = arith.constant 64 : i32
    %add3A_130 = vector.broadcast %add3A_129 : i32 to vector<16xi32>
    %add3A_131 = arith.addi %iota3A, %add3A_130 : vector<16xi32>
    %ge3A_132 = vector.broadcast %scan3A_29 : i32 to vector<16xi32>
    %ge3A_133 = arith.cmpi sge, %add3A_131, %ge3A_132 : vector<16xi32>
    %get3A_134 = arith.constant 64 : index
    %get3A_135 = tpu.vector_load %arg17[%get3A_134] {strides = array<i32>} : memref<96xf32, #tpu.memory_space<vmem>>, vector<16xf32>,
    %jit3A_136 = arith.constant 0.000000e+00 : f32
    %broadcast_in_dim3A_137 = vector.broadcast %jit3A_136 : f32 to vector<16xf32>
    %select_n3A_138 = arith.select %ge3A_133, %broadcast_in_dim3A_137, %get3A_135 : vector<16xi1>, vector<16xf32>
    %swap3A_139 = arith.constant 64 : index
    %swap3A_140 = tpu.vector_load %arg17[%swap3A_139] {strides = array<i32>} : memref<96xf32, #tpu.memory_space<vmem>>, vector<16xf32>,
    tpu.vector_store %arg17[%swap3A_139], %select_n3A_138 {strides = array<i32>} : memref<96xf32, #tpu.memory_space<vmem>>, vector<16xf32>,
    %get3A_141 = arith.constant 64 : index
    %get3A_142 = tpu.vector_load %arg15[%get3A_141] {strides = array<i32>} : memref<96xi32, #tpu.memory_space<vmem>>, vector<16xi32>,
    %jit3A_143 = arith.constant 0 : i32
    %broadcast_in_dim3A_144 = vector.broadcast %jit3A_143 : i32 to vector<16xi32>
    %select_n3A_145 = arith.select %ge3A_133, %broadcast_in_dim3A_144, %get3A_142 : vector<16xi1>, vector<16xi32>
    %swap3A_146 = arith.constant 64 : index
    %swap3A_147 = tpu.vector_load %arg15[%swap3A_146] {strides = array<i32>} : memref<96xi32, #tpu.memory_space<vmem>>, vector<16xi32>,
    tpu.vector_store %arg15[%swap3A_146], %select_n3A_145 {strides = array<i32>} : memref<96xi32, #tpu.memory_space<vmem>>, vector<16xi32>,
    %get3A_148 = arith.constant 64 : index
    %get3A_149 = tpu.vector_load %arg16[%get3A_148] {strides = array<i32>} : memref<96xi32, #tpu.memory_space<vmem>>, vector<16xi32>,
    %jit3A_150 = arith.constant 0 : i32
    %broadcast_in_dim3A_151 = vector.broadcast %jit3A_150 : i32 to vector<16xi32>
    %select_n3A_152 = arith.select %ge3A_133, %broadcast_in_dim3A_151, %get3A_149 : vector<16xi1>, vector<16xi32>
    %swap3A_153 = arith.constant 64 : index
    %swap3A_154 = tpu.vector_load %arg16[%swap3A_153] {strides = array<i32>} : memref<96xi32, #tpu.memory_space<vmem>>, vector<16xi32>,
    tpu.vector_store %arg16[%swap3A_153], %select_n3A_152 {strides = array<i32>} : memref<96xi32, #tpu.memory_space<vmem>>, vector<16xi32>,
    %get3A_155 = arith.constant 0 : index
    %get3A_156 = tpu.vector_load %arg15[%get3A_155] {strides = array<i32>} : memref<96xi32, #tpu.memory_space<vmem>>, vector<16xi32>,
    %swap3A_157 = arith.constant 0 : index
    %swap3A_158 = tpu.vector_load %arg18[%swap3A_157] {strides = array<i32>} : memref<80xi32, #tpu.memory_space<vmem>>, vector<16xi32>,
    tpu.vector_store %arg18[%swap3A_157], %get3A_156 {strides = array<i32>} : memref<80xi32, #tpu.memory_space<vmem>>, vector<16xi32>,
    %get3A_159 = arith.constant 16 : index
    %get3A_160 = tpu.vector_load %arg15[%get3A_159] {strides = array<i32>} : memref<96xi32, #tpu.memory_space<vmem>>, vector<16xi32>,
    %swap3A_161 = arith.constant 16 : index
    %swap3A_162 = tpu.vector_load %arg18[%swap3A_161] {strides = array<i32>} : memref<80xi32, #tpu.memory_space<vmem>>, vector<16xi32>,
    tpu.vector_store %arg18[%swap3A_161], %get3A_160 {strides = array<i32>} : memref<80xi32, #tpu.memory_space<vmem>>, vector<16xi32>,
    %get3A_163 = arith.constant 32 : index
    %get3A_164 = tpu.vector_load %arg15[%get3A_163] {strides = array<i32>} : memref<96xi32, #tpu.memory_space<vmem>>, vector<16xi32>,
    %swap3A_165 = arith.constant 32 : index
    %swap3A_166 = tpu.vector_load %arg18[%swap3A_165] {strides = array<i32>} : memref<80xi32, #tpu.memory_space<vmem>>, vector<16xi32>,
    tpu.vector_store %arg18[%swap3A_165], %get3A_164 {strides = array<i32>} : memref<80xi32, #tpu.memory_space<vmem>>, vector<16xi32>,
    %get3A_167 = arith.constant 48 : index
    %get3A_168 = tpu.vector_load %arg15[%get3A_167] {strides = array<i32>} : memref<96xi32, #tpu.memory_space<vmem>>, vector<16xi32>,
    %swap3A_169 = arith.constant 48 : index
    %swap3A_170 = tpu.vector_load %arg18[%swap3A_169] {strides = array<i32>} : memref<80xi32, #tpu.memory_space<vmem>>, vector<16xi32>,
    tpu.vector_store %arg18[%swap3A_169], %get3A_168 {strides = array<i32>} : memref<80xi32, #tpu.memory_space<vmem>>, vector<16xi32>,
    %get3A_171 = arith.constant 64 : index
    %get3A_172 = tpu.vector_load %arg15[%get3A_171] {strides = array<i32>} : memref<96xi32, #tpu.memory_space<vmem>>, vector<16xi32>,
    %swap3A_173 = arith.constant 64 : index
    %swap3A_174 = tpu.vector_load %arg18[%swap3A_173] {strides = array<i32>} : memref<80xi32, #tpu.memory_space<vmem>>, vector<16xi32>,
    tpu.vector_store %arg18[%swap3A_173], %get3A_172 {strides = array<i32>} : memref<80xi32, #tpu.memory_space<vmem>>, vector<16xi32>,
    "tpu.region"() ({
      %run_scoped3A = tpu.sem_alloc : memref<!tpu.dma_semaphore, #tpu.memory_space<semaphore_mem>>
      %dma_start3A = arith.constant 0 : i32
      %dma_start3A_201 = arith.constant 0 : i32
      %dma_start3A_202 = tpu.memref_slice %arg2[%dma_start3A, %dma_start3A_201] : memref<10000x128xf32, #tpu.memory_space<hbm>> -> memref<10000x128xf32, #tpu.memory_space<hbm>>
      tpu.enqueue_indirect_dma source(%dma_start3A_202 : memref<10000x128xf32, #tpu.memory_space<hbm>>) target(%arg19 : memref<80x128xf32, #tpu.memory_space<vmem>>) offsets(%arg18 : memref<80xi32, #tpu.memory_space<vmem>>) semaphore(%run_scoped3A : memref<!tpu.dma_semaphore, #tpu.memory_space<semaphore_mem>>)
      %dma_wait3A = arith.constant 0 : i32
      %dma_wait3A_203 = arith.constant 0 : i32
      %dma_wait3A_204 = tpu.memref_slice %arg2[%dma_wait3A, %dma_wait3A_203] : memref<10000x128xf32, #tpu.memory_space<hbm>> -> memref<10000x128xf32, #tpu.memory_space<hbm>>
      tpu.wait_indirect_dma semaphore(%run_scoped3A : memref<!tpu.dma_semaphore, #tpu.memory_space<semaphore_mem>>) src(%dma_wait3A_204 : memref<10000x128xf32, #tpu.memory_space<hbm>>) dst(%arg19 : memref<80x128xf32, #tpu.memory_space<vmem>>)
      tpu.yield
    }) : () -> ()
    %scan3A_175 = arith.constant 0 : i32
    %scan3A_176 = arith.constant 0 : i32
    %scan3A_177 = arith.constant 80 : i32
    %scan3A_178 = arith.addi %scan3A_176, %scan3A_177 : i32
    %scan3A_179 = arith.constant 1 : i32
    %scan3A_180 = scf.for %scan3A_201 = %scan3A_176 to %scan3A_178 step %scan3A_179 iter_args(%scan3A_202 = %scan3A_175) -> (i32)  : i32 {
      %broadcast_in_dim3A_203 = vector.broadcast %scan3A_201 : i32 to vector<16xi32>
      %gather3A = tpu.vector_load_idx %arg17[%broadcast_in_dim3A_203] : memref<96xf32, #tpu.memory_space<vmem>>[vector<16xi32>], vector<16xf32>,
      %gather3A_204 = tpu.vector_load_idx %arg16[%broadcast_in_dim3A_203] : memref<96xi32, #tpu.memory_space<vmem>>[vector<16xi32>], vector<16xi32>,
      %slice3A = vector.extract_strided_slice %gather3A_204 {offsets = [0], sizes = [1], strides = [1]} : vector<16xi32> to vector<1xi32>
      %squeeze3A = vector.extract %slice3A[0] : i32 from vector<1xi32>
      %get3A_205 = arith.index_cast %squeeze3A : i32 to index
      %get3A_206 = arith.constant 0 : index
      %get3A_207 = tpu.vector_load %arg12[%get3A_205, %get3A_206] {strides = array<i32>} : memref<640x64xf32, #tpu.memory_space<vmem>>, vector<16xf32>,
      %get3A_208 = arith.index_cast %scan3A_201 : i32 to index
      %get3A_209 = arith.constant 0 : index
      %get3A_210 = tpu.vector_load %arg19[%get3A_208, %get3A_209] {strides = array<i32>} : memref<80x128xf32, #tpu.memory_space<vmem>>, vector<16xf32>,
      %mul3A_211 = arith.mulf %get3A_210, %gather3A : vector<16xf32>
      %add3A_212 = arith.addf %get3A_207, %mul3A_211 : vector<16xf32>
      %swap3A_213 = arith.index_cast %squeeze3A : i32 to index
      %swap3A_214 = arith.constant 0 : index
      %swap3A_215 = tpu.vector_load %arg12[%swap3A_213, %swap3A_214] {strides = array<i32>} : memref<640x64xf32, #tpu.memory_space<vmem>>, vector<16xf32>,
      tpu.vector_store %arg12[%swap3A_213, %swap3A_214], %add3A_212 {strides = array<i32>} : memref<640x64xf32, #tpu.memory_space<vmem>>, vector<16xf32>,
      %get3A_216 = arith.index_cast %squeeze3A : i32 to index
      %get3A_217 = arith.constant 16 : index
      %get3A_218 = tpu.vector_load %arg12[%get3A_216, %get3A_217] {strides = array<i32>} : memref<640x64xf32, #tpu.memory_space<vmem>>, vector<16xf32>,
      %get3A_219 = arith.index_cast %scan3A_201 : i32 to index
      %get3A_220 = arith.constant 16 : index
      %get3A_221 = tpu.vector_load %arg19[%get3A_219, %get3A_220] {strides = array<i32>} : memref<80x128xf32, #tpu.memory_space<vmem>>, vector<16xf32>,
      %mul3A_222 = arith.mulf %get3A_221, %gather3A : vector<16xf32>
      %add3A_223 = arith.addf %get3A_218, %mul3A_222 : vector<16xf32>
      %swap3A_224 = arith.index_cast %squeeze3A : i32 to index
      %swap3A_225 = arith.constant 16 : index
      %swap3A_226 = tpu.vector_load %arg12[%swap3A_224, %swap3A_225] {strides = array<i32>} : memref<640x64xf32, #tpu.memory_space<vmem>>, vector<16xf32>,
      tpu.vector_store %arg12[%swap3A_224, %swap3A_225], %add3A_223 {strides = array<i32>} : memref<640x64xf32, #tpu.memory_space<vmem>>, vector<16xf32>,
      %get3A_227 = arith.index_cast %squeeze3A : i32 to index
      %get3A_228 = arith.constant 32 : index
      %get3A_229 = tpu.vector_load %arg12[%get3A_227, %get3A_228] {strides = array<i32>} : memref<640x64xf32, #tpu.memory_space<vmem>>, vector<16xf32>,
      %get3A_230 = arith.index_cast %scan3A_201 : i32 to index
      %get3A_231 = arith.constant 32 : index
      %get3A_232 = tpu.vector_load %arg19[%get3A_230, %get3A_231] {strides = array<i32>} : memref<80x128xf32, #tpu.memory_space<vmem>>, vector<16xf32>,
      %mul3A_233 = arith.mulf %get3A_232, %gather3A : vector<16xf32>
      %add3A_234 = arith.addf %get3A_229, %mul3A_233 : vector<16xf32>
      %swap3A_235 = arith.index_cast %squeeze3A : i32 to index
      %swap3A_236 = arith.constant 32 : index
      %swap3A_237 = tpu.vector_load %arg12[%swap3A_235, %swap3A_236] {strides = array<i32>} : memref<640x64xf32, #tpu.memory_space<vmem>>, vector<16xf32>,
      tpu.vector_store %arg12[%swap3A_235, %swap3A_236], %add3A_234 {strides = array<i32>} : memref<640x64xf32, #tpu.memory_space<vmem>>, vector<16xf32>,
      %get3A_238 = arith.index_cast %squeeze3A : i32 to index
      %get3A_239 = arith.constant 48 : index
      %get3A_240 = tpu.vector_load %arg12[%get3A_238, %get3A_239] {strides = array<i32>} : memref<640x64xf32, #tpu.memory_space<vmem>>, vector<16xf32>,
      %get3A_241 = arith.index_cast %scan3A_201 : i32 to index
      %get3A_242 = arith.constant 48 : index
      %get3A_243 = tpu.vector_load %arg19[%get3A_241, %get3A_242] {strides = array<i32>} : memref<80x128xf32, #tpu.memory_space<vmem>>, vector<16xf32>,
      %mul3A_244 = arith.mulf %get3A_243, %gather3A : vector<16xf32>
      %add3A_245 = arith.addf %get3A_240, %mul3A_244 : vector<16xf32>
      %swap3A_246 = arith.index_cast %squeeze3A : i32 to index
      %swap3A_247 = arith.constant 48 : index
      %swap3A_248 = tpu.vector_load %arg12[%swap3A_246, %swap3A_247] {strides = array<i32>} : memref<640x64xf32, #tpu.memory_space<vmem>>, vector<16xf32>,
      tpu.vector_store %arg12[%swap3A_246, %swap3A_247], %add3A_245 {strides = array<i32>} : memref<640x64xf32, #tpu.memory_space<vmem>>, vector<16xf32>,
      %scan3A_249 = arith.constant 0 : i32
      scf.yield %scan3A_249 : i32
    }
    %scan3A_181 = arith.constant 80 : i32
    %get3A_182 = arith.constant 80 : index
    %get3A_183 = tpu.vector_load %arg15[%get3A_182] {strides = array<i32>} : memref<96xi32, #tpu.memory_space<vmem>>, vector<16xi32>,
    %swap3A_184 = arith.constant 0 : index
    %swap3A_185 = tpu.vector_load %arg15[%swap3A_184] {strides = array<i32>} : memref<96xi32, #tpu.memory_space<vmem>>, vector<16xi32>,
    tpu.vector_store %arg15[%swap3A_184], %get3A_183 {strides = array<i32>} : memref<96xi32, #tpu.memory_space<vmem>>, vector<16xi32>,
    %get3A_186 = arith.constant 80 : index
    %get3A_187 = tpu.vector_load %arg16[%get3A_186] {strides = array<i32>} : memref<96xi32, #tpu.memory_space<vmem>>, vector<16xi32>,
    %swap3A_188 = arith.constant 0 : index
    %swap3A_189 = tpu.vector_load %arg16[%swap3A_188] {strides = array<i32>} : memref<96xi32, #tpu.memory_space<vmem>>, vector<16xi32>,
    tpu.vector_store %arg16[%swap3A_188], %get3A_187 {strides = array<i32>} : memref<96xi32, #tpu.memory_space<vmem>>, vector<16xi32>,
    %get3A_190 = arith.constant 80 : index
    %get3A_191 = tpu.vector_load %arg17[%get3A_190] {strides = array<i32>} : memref<96xf32, #tpu.memory_space<vmem>>, vector<16xf32>,
    %swap3A_192 = arith.constant 0 : index
    %swap3A_193 = tpu.vector_load %arg17[%swap3A_192] {strides = array<i32>} : memref<96xf32, #tpu.memory_space<vmem>>, vector<16xf32>,
    tpu.vector_store %arg17[%swap3A_192], %get3A_191 {strides = array<i32>} : memref<96xf32, #tpu.memory_space<vmem>>, vector<16xf32>,
    %eq3A = arith.constant 0 : i32
    %eq3A_194 = arith.cmpi eq, %arg0, %eq3A : i32
    %convert_element_type3A = arith.extui %eq3A_194 : i1 to i32
    %cond3A = arith.constant 0 : i32
    %cond3A_195 = arith.cmpi ne, %convert_element_type3A, %cond3A : i32
    scf.if %cond3A_195 {
      %mul3A_201 = arith.constant 640 : i32
      %mul3A_202 = arith.muli %arg1, %mul3A_201 : i32
      "tpu.region"() ({
        %run_scoped3A = tpu.sem_alloc : memref<!tpu.dma_semaphore, #tpu.memory_space<semaphore_mem>>
        %dma_start3A = arith.constant 0 : i32
        %dma_start3A_203 = tpu.memref_slice %arg7[%mul3A_202, %dma_start3A] : memref<10240x64xf32, #tpu.memory_space<hbm>> -> memref<640x64xf32, #tpu.memory_space<hbm>>
        %dma_start3A_204 = arith.constant 0 : i32
        %dma_start3A_205 = tpu.memref_slice %arg7[%mul3A_202, %dma_start3A_204] : memref<10240x64xf32, #tpu.memory_space<hbm>> -> memref<640x64xf32, #tpu.memory_space<hbm>>
        tpu.enqueue_dma source(%arg12 : memref<640x64xf32, #tpu.memory_space<vmem>>) target(%dma_start3A_205 : memref<640x64xf32, #tpu.memory_space<hbm>>) target_semaphore(%run_scoped3A : memref<!tpu.dma_semaphore, #tpu.memory_space<semaphore_mem>>)
        %dma_wait3A = arith.constant 0 : i32
        %dma_wait3A_206 = tpu.memref_slice %arg7[%mul3A_202, %dma_wait3A] : memref<10240x64xf32, #tpu.memory_space<hbm>> -> memref<640x64xf32, #tpu.memory_space<hbm>>
        %dma_wait3A_207 = arith.constant 0 : i32
        %dma_wait3A_208 = tpu.memref_slice %arg7[%mul3A_202, %dma_wait3A_207] : memref<10240x64xf32, #tpu.memory_space<hbm>> -> memref<640x64xf32, #tpu.memory_space<hbm>>
        tpu.wait_dma2 semaphore(%run_scoped3A : memref<!tpu.dma_semaphore, #tpu.memory_space<semaphore_mem>>) src(%arg12 : memref<640x64xf32, #tpu.memory_space<vmem>>) dst(%dma_wait3A_208 : memref<640x64xf32, #tpu.memory_space<hbm>>)
        tpu.yield
      }) : () -> ()
    } else {
    }
    %eq3A_196 = arith.constant 1 : i32
    %eq3A_197 = arith.cmpi eq, %arg0, %eq3A_196 : i32
    %convert_element_type3A_198 = arith.extui %eq3A_197 : i1 to i32
    %cond3A_199 = arith.constant 0 : i32
    %cond3A_200 = arith.cmpi ne, %convert_element_type3A_198, %cond3A_199 : i32
    scf.if %cond3A_200 {
      %mul3A_201 = arith.constant 640 : i32
      %mul3A_202 = arith.muli %arg1, %mul3A_201 : i32
      "tpu.region"() ({
        %run_scoped3A = tpu.sem_alloc : memref<!tpu.dma_semaphore, #tpu.memory_space<semaphore_mem>>
        %dma_start3A = arith.constant 0 : i32
        %dma_start3A_203 = tpu.memref_slice %arg8[%mul3A_202, %dma_start3A] : memref<10240x64xf32, #tpu.memory_space<hbm>> -> memref<640x64xf32, #tpu.memory_space<hbm>>
        %dma_start3A_204 = arith.constant 0 : i32
        %dma_start3A_205 = tpu.memref_slice %arg8[%mul3A_202, %dma_start3A_204] : memref<10240x64xf32, #tpu.memory_space<hbm>> -> memref<640x64xf32, #tpu.memory_space<hbm>>
        tpu.enqueue_dma source(%arg12 : memref<640x64xf32, #tpu.memory_space<vmem>>) target(%dma_start3A_205 : memref<640x64xf32, #tpu.memory_space<hbm>>) target_semaphore(%run_scoped3A : memref<!tpu.dma_semaphore, #tpu.memory_space<semaphore_mem>>)
        %dma_wait3A = arith.constant 0 : i32
        %dma_wait3A_206 = tpu.memref_slice %arg8[%mul3A_202, %dma_wait3A] : memref<10240x64xf32, #tpu.memory_space<hbm>> -> memref<640x64xf32, #tpu.memory_space<hbm>>
        %dma_wait3A_207 = arith.constant 0 : i32
        %dma_wait3A_208 = tpu.memref_slice %arg8[%mul3A_202, %dma_wait3A_207] : memref<10240x64xf32, #tpu.memory_space<hbm>> -> memref<640x64xf32, #tpu.memory_space<hbm>>
        tpu.wait_dma2 semaphore(%run_scoped3A : memref<!tpu.dma_semaphore, #tpu.memory_space<semaphore_mem>>) src(%arg12 : memref<640x64xf32, #tpu.memory_space<vmem>>) dst(%dma_wait3A_208 : memref<640x64xf32, #tpu.memory_space<hbm>>)
        tpu.yield
      }) : () -> ()
    } else {
    }
    return
  }
}

#map = affine_map<(d0, d1) -> (0, 0)>
#map1 = affine_map<(d0, d1) -> (0)>
module attributes {stable_mosaic.version = 14 : i64} {
  func.func @_gat_sc_body(%arg0: i32, %arg1: i32, %arg2: memref<10000x128xf32, #tpu.memory_space<hbm>>, %arg3: memref<10000xf32, #tpu.memory_space<hbm>>, %arg4: memref<10000xf32, #tpu.memory_space<hbm>>, %arg5: memref<320000xi32, #tpu.memory_space<hbm>>, %arg6: memref<320000xi32, #tpu.memory_space<hbm>>, %arg7: memref<10240x64xf32, #tpu.memory_space<hbm>>, %arg8: memref<10240x64xf32, #tpu.memory_space<hbm>>, %arg9: memref<10000xf32, #tpu.memory_space<vmem>>, %arg10: memref<10000xf32, #tpu.memory_space<vmem>>, %arg11: memref<640xf32, #tpu.memory_space<vmem>>, %arg12: memref<640x64xf32, #tpu.memory_space<vmem>>, %arg13: memref<8000xi32, #tpu.memory_space<vmem>>, %arg14: memref<8000xi32, #tpu.memory_space<vmem>>, %arg15: memref<96xi32, #tpu.memory_space<vmem>>, %arg16: memref<96xi32, #tpu.memory_space<vmem>>, %arg17: memref<96xf32, #tpu.memory_space<vmem>>, %arg18: memref<80xi32, #tpu.memory_space<vmem>>, %arg19: memref<80x128xf32, #tpu.memory_space<vmem>>, %arg20: memref<!tpu.dma_semaphore, #tpu.memory_space<semaphore_mem>>) attributes {dimension_semantics = [#tpu.dimension_semantics<core_parallel>, #tpu.dimension_semantics<subcore_parallel>], iteration_bounds = array<i64: 2, 16>, scalar_prefetch = 0 : i64, scratch_operands = 12 : i64, tpu.core_type = #tpu.core_type<sc_vector_subcore>, window_params = [{transform_indices = #map}, {transform_indices = #map1}, {transform_indices = #map1}, {transform_indices = #map1}, {transform_indices = #map1}, {transform_indices = #map}, {transform_indices = #map}]} {
    %mul3A = arith.constant 640 : i32
    %mul3A_0 = arith.muli %arg1, %mul3A : i32
    %mul3A_1 = arith.constant 160000 : i32
    %mul3A_2 = arith.muli %arg0, %mul3A_1 : i32
    %broadcast_in_dim3A = arith.constant 0.000000e+00 : f32
    %broadcast_in_dim3A_3 = vector.broadcast %broadcast_in_dim3A : f32 to vector<16xf32>
    %iota3A = tpu.iota {dimensions = array<i32: 0>} : vector<16xi32>
    "tpu.region"() ({
      %run_scoped3A = tpu.sem_alloc : memref<!tpu.dma_semaphore, #tpu.memory_space<semaphore_mem>>
      tpu.enqueue_dma source(%arg3 : memref<10000xf32, #tpu.memory_space<hbm>>) target(%arg9 : memref<10000xf32, #tpu.memory_space<vmem>>) target_semaphore(%run_scoped3A : memref<!tpu.dma_semaphore, #tpu.memory_space<semaphore_mem>>)
      tpu.wait_dma2 semaphore(%run_scoped3A : memref<!tpu.dma_semaphore, #tpu.memory_space<semaphore_mem>>) src(%arg3 : memref<10000xf32, #tpu.memory_space<hbm>>) dst(%arg9 : memref<10000xf32, #tpu.memory_space<vmem>>)
      tpu.yield
    }) : () -> ()
    "tpu.region"() ({
      %run_scoped3A = tpu.sem_alloc : memref<!tpu.dma_semaphore, #tpu.memory_space<semaphore_mem>>
      tpu.enqueue_dma source(%arg4 : memref<10000xf32, #tpu.memory_space<hbm>>) target(%arg10 : memref<10000xf32, #tpu.memory_space<vmem>>) target_semaphore(%run_scoped3A : memref<!tpu.dma_semaphore, #tpu.memory_space<semaphore_mem>>)
      tpu.wait_dma2 semaphore(%run_scoped3A : memref<!tpu.dma_semaphore, #tpu.memory_space<semaphore_mem>>) src(%arg4 : memref<10000xf32, #tpu.memory_space<hbm>>) dst(%arg10 : memref<10000xf32, #tpu.memory_space<vmem>>)
      tpu.yield
    }) : () -> ()
    %scan3A = arith.constant 0 : i32
    %scan3A_4 = arith.constant 0 : i32
    %scan3A_5 = arith.constant 40 : i32
    %scan3A_6 = arith.addi %scan3A_4, %scan3A_5 : i32
    %scan3A_7 = arith.constant 1 : i32
    %scan3A_8 = scf.for %scan3A_201 = %scan3A_4 to %scan3A_6 step %scan3A_7 iter_args(%scan3A_202 = %scan3A) -> (i32)  : i32 {
      %mul3A_203 = arith.constant 16 : i32
      %mul3A_204 = arith.muli %scan3A_201, %mul3A_203 : i32
      %swap3A_205 = arith.index_cast %mul3A_204 : i32 to index
      %swap3A_206 = tpu.vector_load %arg11[%swap3A_205] {strides = array<i32>} : memref<640xf32, #tpu.memory_space<vmem>>, vector<16xf32>,
      tpu.vector_store %arg11[%swap3A_205], %broadcast_in_dim3A_3 {strides = array<i32>} : memref<640xf32, #tpu.memory_space<vmem>>, vector<16xf32>,
      %scan3A_207 = arith.constant 0 : i32
      scf.yield %scan3A_207 : i32
    }
    %scan3A_9 = arith.constant 40 : i32
    %scan3A_10 = arith.constant 0 : i32
    %scan3A_11 = arith.constant 0 : i32
    %scan3A_12 = arith.constant 2560 : i32
    %scan3A_13 = arith.addi %scan3A_11, %scan3A_12 : i32
    %scan3A_14 = arith.constant 1 : i32
    %scan3A_15 = scf.for %scan3A_201 = %scan3A_11 to %scan3A_13 step %scan3A_14 iter_args(%scan3A_202 = %scan3A_10) -> (i32)  : i32 {
      %jit3A_203 = arith.constant 4 : i32
      %div3A = arith.divsi %scan3A_201, %jit3A_203 : i32
      %sign3A = arith.constant 0 : i32
      %sign3A_204 = arith.cmpi sgt, %scan3A_201, %sign3A : i32
      %sign3A_205 = arith.extui %sign3A_204 : i1 to i32
      %sign3A_206 = arith.constant 0 : i32
      %sign3A_207 = arith.cmpi slt, %scan3A_201, %sign3A_206 : i32
      %sign3A_208 = arith.extui %sign3A_207 : i1 to i32
      %sign3A_209 = arith.subi %sign3A_205, %sign3A_208 : i32
      %sign3A_210 = arith.constant 0 : i32
      %sign3A_211 = arith.cmpi sgt, %jit3A_203, %sign3A_210 : i32
      %sign3A_212 = arith.extui %sign3A_211 : i1 to i32
      %sign3A_213 = arith.constant 0 : i32
      %sign3A_214 = arith.cmpi slt, %jit3A_203, %sign3A_213 : i32
      %sign3A_215 = arith.extui %sign3A_214 : i1 to i32
      %sign3A_216 = arith.subi %sign3A_212, %sign3A_215 : i32
      %ne3A = arith.cmpi ne, %sign3A_209, %sign3A_216 : i32
      %rem3A = arith.remsi %scan3A_201, %jit3A_203 : i32
      %ne3A_217 = arith.constant 0 : i32
      %ne3A_218 = arith.cmpi ne, %rem3A, %ne3A_217 : i32
      %and3A = arith.andi %ne3A, %ne3A_218 : i1
      %sub3A = arith.constant 1 : i32
      %sub3A_219 = arith.subi %div3A, %sub3A : i32
      %select_n3A_220 = arith.select %and3A, %sub3A_219, %div3A : i32
      %jit3A_221 = arith.constant 4 : i32
      %eq3A_222 = arith.constant 0 : i32
      %eq3A_223 = arith.cmpi eq, %jit3A_221, %eq3A_222 : i32
      %jit3A_224 = arith.constant 1 : i32
      %select_n3A_225 = arith.select %eq3A_223, %jit3A_224, %jit3A_221 : i32
      %rem3A_226 = arith.remsi %scan3A_201, %select_n3A_225 : i32
      %ne3A_227 = arith.constant 0 : i32
      %ne3A_228 = arith.cmpi ne, %rem3A_226, %ne3A_227 : i32
      %lt3A = arith.constant 0 : i32
      %lt3A_229 = arith.cmpi slt, %rem3A_226, %lt3A : i32
      %lt3A_230 = arith.constant 0 : i32
      %lt3A_231 = arith.cmpi slt, %select_n3A_225, %lt3A_230 : i32
      %ne3A_232 = arith.xori %lt3A_229, %lt3A_231 : i1
      %and3A_233 = arith.andi %ne3A_232, %ne3A_228 : i1
      %add3A_234 = arith.addi %rem3A_226, %select_n3A_225 : i32
      %select_n3A_235 = arith.select %and3A_233, %add3A_234, %rem3A_226 : i32
      %mul3A_236 = arith.constant 16 : i32
      %mul3A_237 = arith.muli %select_n3A_235, %mul3A_236 : i32
      %swap3A_238 = arith.index_cast %select_n3A_220 : i32 to index
      %swap3A_239 = arith.index_cast %mul3A_237 : i32 to index
      %swap3A_240 = tpu.vector_load %arg12[%swap3A_238, %swap3A_239] {strides = array<i32>} : memref<640x64xf32, #tpu.memory_space<vmem>>, vector<16xf32>,
      tpu.vector_store %arg12[%swap3A_238, %swap3A_239], %broadcast_in_dim3A_3 {strides = array<i32>} : memref<640x64xf32, #tpu.memory_space<vmem>>, vector<16xf32>,
      %scan3A_241 = arith.constant 0 : i32
      scf.yield %scan3A_241 : i32
    }
    %scan3A_16 = arith.constant 2560 : i32
    %scan3A_17 = arith.constant 0 : i32
    %scan3A_18 = arith.constant 0 : i32
    %scan3A_19 = arith.constant 40 : i32
    %scan3A_20 = arith.addi %scan3A_18, %scan3A_19 : i32
    %scan3A_21 = arith.constant 1 : i32
    %scan3A_22 = scf.for %scan3A_201 = %scan3A_18 to %scan3A_20 step %scan3A_21 iter_args(%scan3A_202 = %scan3A_17) -> (i32)  : i32 {
      %mul3A_203 = arith.constant 8000 : i32
      %mul3A_204 = arith.muli %scan3A_201, %mul3A_203 : i32
      "tpu.region"() ({
        %run_scoped3A = tpu.sem_alloc : memref<!tpu.dma_semaphore, #tpu.memory_space<semaphore_mem>>
        %dma_start3A = tpu.memref_slice %arg5[%mul3A_204] : memref<320000xi32, #tpu.memory_space<hbm>> -> memref<8000xi32, #tpu.memory_space<hbm>>
        %dma_start3A_215 = tpu.memref_slice %arg5[%mul3A_204] : memref<320000xi32, #tpu.memory_space<hbm>> -> memref<8000xi32, #tpu.memory_space<hbm>>
        tpu.enqueue_dma source(%dma_start3A_215 : memref<8000xi32, #tpu.memory_space<hbm>>) target(%arg13 : memref<8000xi32, #tpu.memory_space<vmem>>) target_semaphore(%run_scoped3A : memref<!tpu.dma_semaphore, #tpu.memory_space<semaphore_mem>>)
        %dma_wait3A = tpu.memref_slice %arg5[%mul3A_204] : memref<320000xi32, #tpu.memory_space<hbm>> -> memref<8000xi32, #tpu.memory_space<hbm>>
        %dma_wait3A_216 = tpu.memref_slice %arg5[%mul3A_204] : memref<320000xi32, #tpu.memory_space<hbm>> -> memref<8000xi32, #tpu.memory_space<hbm>>
        tpu.wait_dma2 semaphore(%run_scoped3A : memref<!tpu.dma_semaphore, #tpu.memory_space<semaphore_mem>>) src(%dma_wait3A_216 : memref<8000xi32, #tpu.memory_space<hbm>>) dst(%arg13 : memref<8000xi32, #tpu.memory_space<vmem>>)
        tpu.yield
      }) : () -> ()
      %mul3A_205 = arith.constant 8000 : i32
      %mul3A_206 = arith.muli %scan3A_201, %mul3A_205 : i32
      "tpu.region"() ({
        %run_scoped3A = tpu.sem_alloc : memref<!tpu.dma_semaphore, #tpu.memory_space<semaphore_mem>>
        %dma_start3A = tpu.memref_slice %arg6[%mul3A_206] : memref<320000xi32, #tpu.memory_space<hbm>> -> memref<8000xi32, #tpu.memory_space<hbm>>
        %dma_start3A_215 = tpu.memref_slice %arg6[%mul3A_206] : memref<320000xi32, #tpu.memory_space<hbm>> -> memref<8000xi32, #tpu.memory_space<hbm>>
        tpu.enqueue_dma source(%dma_start3A_215 : memref<8000xi32, #tpu.memory_space<hbm>>) target(%arg14 : memref<8000xi32, #tpu.memory_space<vmem>>) target_semaphore(%run_scoped3A : memref<!tpu.dma_semaphore, #tpu.memory_space<semaphore_mem>>)
        %dma_wait3A = tpu.memref_slice %arg6[%mul3A_206] : memref<320000xi32, #tpu.memory_space<hbm>> -> memref<8000xi32, #tpu.memory_space<hbm>>
        %dma_wait3A_216 = tpu.memref_slice %arg6[%mul3A_206] : memref<320000xi32, #tpu.memory_space<hbm>> -> memref<8000xi32, #tpu.memory_space<hbm>>
        tpu.wait_dma2 semaphore(%run_scoped3A : memref<!tpu.dma_semaphore, #tpu.memory_space<semaphore_mem>>) src(%dma_wait3A_216 : memref<8000xi32, #tpu.memory_space<hbm>>) dst(%arg14 : memref<8000xi32, #tpu.memory_space<vmem>>)
        tpu.yield
      }) : () -> ()
      %scan3A_207 = arith.constant 0 : i32
      %scan3A_208 = arith.constant 0 : i32
      %scan3A_209 = arith.constant 500 : i32
      %scan3A_210 = arith.addi %scan3A_208, %scan3A_209 : i32
      %scan3A_211 = arith.constant 1 : i32
      %scan3A_212 = scf.for %scan3A_215 = %scan3A_208 to %scan3A_210 step %scan3A_211 iter_args(%scan3A_216 = %scan3A_207) -> (i32)  : i32 {
        %mul3A_217 = arith.constant 16 : i32
        %mul3A_218 = arith.muli %scan3A_215, %mul3A_217 : i32
        %get3A_219 = arith.index_cast %mul3A_218 : i32 to index
        %get3A_220 = tpu.vector_load %arg13[%get3A_219] {strides = array<i32>} : memref<8000xi32, #tpu.memory_space<vmem>>, vector<16xi32>,
        %mul3A_221 = arith.constant 16 : i32
        %mul3A_222 = arith.muli %scan3A_215, %mul3A_221 : i32
        %get3A_223 = arith.index_cast %mul3A_222 : i32 to index
        %get3A_224 = tpu.vector_load %arg14[%get3A_223] {strides = array<i32>} : memref<8000xi32, #tpu.memory_space<vmem>>, vector<16xi32>,
        %gather3A = tpu.vector_load_idx %arg9[%get3A_220] : memref<10000xf32, #tpu.memory_space<vmem>>[vector<16xi32>], vector<16xf32>,
        %gather3A_225 = tpu.vector_load_idx %arg10[%get3A_224] : memref<10000xf32, #tpu.memory_space<vmem>>[vector<16xi32>], vector<16xf32>,
        %add3A_226 = arith.addf %gather3A, %gather3A_225 : vector<16xf32>
        %ge3A_227 = arith.constant 0.000000e+00 : f32
        %ge3A_228 = vector.broadcast %ge3A_227 : f32 to vector<16xf32>
        %ge3A_229 = arith.cmpf oge, %add3A_226, %ge3A_228 : vector<16xf32>
        %mul3A_230 = arith.constant 2.000000e-01 : f32
        %mul3A_231 = vector.broadcast %mul3A_230 : f32 to vector<16xf32>
        %mul3A_232 = arith.mulf %mul3A_231, %add3A_226 : vector<16xf32>
        %select_n3A_233 = arith.select %ge3A_229, %add3A_226, %mul3A_232 : vector<16xi1>, vector<16xf32>
        %exp3A = math.exp %select_n3A_233 : vector<16xf32>
        %ge3A_234 = vector.broadcast %mul3A_0 : i32 to vector<16xi32>
        %ge3A_235 = arith.cmpi sge, %get3A_224, %ge3A_234 : vector<16xi32>
        %add3A_236 = arith.constant 640 : i32
        %add3A_237 = arith.addi %mul3A_0, %add3A_236 : i32
        %lt3A = vector.broadcast %add3A_237 : i32 to vector<16xi32>
        %lt3A_238 = arith.cmpi slt, %get3A_224, %lt3A : vector<16xi32>
        %and3A = arith.andi %ge3A_235, %lt3A_238 : vector<16xi1>
        %sub3A = vector.broadcast %mul3A_0 : i32 to vector<16xi32>
        %sub3A_239 = arith.subi %get3A_224, %sub3A : vector<16xi32>
        %jit3A_240 = arith.constant 0 : i32
        %broadcast_in_dim3A_241 = vector.broadcast %jit3A_240 : i32 to vector<16xi32>
        %select_n3A_242 = arith.select %and3A, %sub3A_239, %broadcast_in_dim3A_241 : vector<16xi1>, vector<16xi32>
        tpu.vector_store_idx %arg11[%select_n3A_242], %exp3A masked %and3A {add = true} : memref<640xf32, #tpu.memory_space<vmem>>[vector<16xi32>], vector<16xf32>, vector<16xi1>
        %scan3A_243 = arith.constant 0 : i32
        scf.yield %scan3A_243 : i32
      }
      %scan3A_213 = arith.constant 500 : i32
      %scan3A_214 = arith.constant 0 : i32
      scf.yield %scan3A_214 : i32
    }
    %scan3A_23 = arith.constant 40 : i32
    %scan3A_24 = arith.constant 0 : i32
    %scan3A_25 = arith.constant 0 : i32
    %scan3A_26 = arith.constant 20 : i32
    %scan3A_27 = arith.addi %scan3A_25, %scan3A_26 : i32
    %scan3A_28 = arith.constant 1 : i32
    %scan3A_29 = scf.for %scan3A_201 = %scan3A_25 to %scan3A_27 step %scan3A_28 iter_args(%scan3A_202 = %scan3A_24) -> (i32)  : i32 {
      %mul3A_203 = arith.constant 8000 : i32
      %mul3A_204 = arith.muli %scan3A_201, %mul3A_203 : i32
      %add3A_205 = arith.addi %mul3A_2, %mul3A_204 : i32
      "tpu.region"() ({
        %run_scoped3A = tpu.sem_alloc : memref<!tpu.dma_semaphore, #tpu.memory_space<semaphore_mem>>
        %dma_start3A = tpu.memref_slice %arg5[%add3A_205] : memref<320000xi32, #tpu.memory_space<hbm>> -> memref<8000xi32, #tpu.memory_space<hbm>>
        %dma_start3A_215 = tpu.memref_slice %arg5[%add3A_205] : memref<320000xi32, #tpu.memory_space<hbm>> -> memref<8000xi32, #tpu.memory_space<hbm>>
        tpu.enqueue_dma source(%dma_start3A_215 : memref<8000xi32, #tpu.memory_space<hbm>>) target(%arg13 : memref<8000xi32, #tpu.memory_space<vmem>>) target_semaphore(%run_scoped3A : memref<!tpu.dma_semaphore, #tpu.memory_space<semaphore_mem>>)
        %dma_wait3A = tpu.memref_slice %arg5[%add3A_205] : memref<320000xi32, #tpu.memory_space<hbm>> -> memref<8000xi32, #tpu.memory_space<hbm>>
        %dma_wait3A_216 = tpu.memref_slice %arg5[%add3A_205] : memref<320000xi32, #tpu.memory_space<hbm>> -> memref<8000xi32, #tpu.memory_space<hbm>>
        tpu.wait_dma2 semaphore(%run_scoped3A : memref<!tpu.dma_semaphore, #tpu.memory_space<semaphore_mem>>) src(%dma_wait3A_216 : memref<8000xi32, #tpu.memory_space<hbm>>) dst(%arg13 : memref<8000xi32, #tpu.memory_space<vmem>>)
        tpu.yield
      }) : () -> ()
      %mul3A_206 = arith.constant 8000 : i32
      %mul3A_207 = arith.muli %scan3A_201, %mul3A_206 : i32
      %add3A_208 = arith.addi %mul3A_2, %mul3A_207 : i32
      "tpu.region"() ({
        %run_scoped3A = tpu.sem_alloc : memref<!tpu.dma_semaphore, #tpu.memory_space<semaphore_mem>>
        %dma_start3A = tpu.memref_slice %arg6[%add3A_208] : memref<320000xi32, #tpu.memory_space<hbm>> -> memref<8000xi32, #tpu.memory_space<hbm>>
        %dma_start3A_215 = tpu.memref_slice %arg6[%add3A_208] : memref<320000xi32, #tpu.memory_space<hbm>> -> memref<8000xi32, #tpu.memory_space<hbm>>
        tpu.enqueue_dma source(%dma_start3A_215 : memref<8000xi32, #tpu.memory_space<hbm>>) target(%arg14 : memref<8000xi32, #tpu.memory_space<vmem>>) target_semaphore(%run_scoped3A : memref<!tpu.dma_semaphore, #tpu.memory_space<semaphore_mem>>)
        %dma_wait3A = tpu.memref_slice %arg6[%add3A_208] : memref<320000xi32, #tpu.memory_space<hbm>> -> memref<8000xi32, #tpu.memory_space<hbm>>
        %dma_wait3A_216 = tpu.memref_slice %arg6[%add3A_208] : memref<320000xi32, #tpu.memory_space<hbm>> -> memref<8000xi32, #tpu.memory_space<hbm>>
        tpu.wait_dma2 semaphore(%run_scoped3A : memref<!tpu.dma_semaphore, #tpu.memory_space<semaphore_mem>>) src(%dma_wait3A_216 : memref<8000xi32, #tpu.memory_space<hbm>>) dst(%arg14 : memref<8000xi32, #tpu.memory_space<vmem>>)
        tpu.yield
      }) : () -> ()
      %scan3A_209 = arith.constant 0 : i32
      %scan3A_210 = arith.constant 500 : i32
      %scan3A_211 = arith.addi %scan3A_209, %scan3A_210 : i32
      %scan3A_212 = arith.constant 1 : i32
      %scan3A_213 = scf.for %scan3A_215 = %scan3A_209 to %scan3A_211 step %scan3A_212 iter_args(%scan3A_216 = %scan3A_202) -> (i32)  : i32 {
        %mul3A_217 = arith.constant 16 : i32
        %mul3A_218 = arith.muli %scan3A_215, %mul3A_217 : i32
        %get3A_219 = arith.index_cast %mul3A_218 : i32 to index
        %get3A_220 = tpu.vector_load %arg13[%get3A_219] {strides = array<i32>} : memref<8000xi32, #tpu.memory_space<vmem>>, vector<16xi32>,
        %mul3A_221 = arith.constant 16 : i32
        %mul3A_222 = arith.muli %scan3A_215, %mul3A_221 : i32
        %get3A_223 = arith.index_cast %mul3A_222 : i32 to index
        %get3A_224 = tpu.vector_load %arg14[%get3A_223] {strides = array<i32>} : memref<8000xi32, #tpu.memory_space<vmem>>, vector<16xi32>,
        %gather3A = tpu.vector_load_idx %arg9[%get3A_220] : memref<10000xf32, #tpu.memory_space<vmem>>[vector<16xi32>], vector<16xf32>,
        %gather3A_225 = tpu.vector_load_idx %arg10[%get3A_224] : memref<10000xf32, #tpu.memory_space<vmem>>[vector<16xi32>], vector<16xf32>,
        %add3A_226 = arith.addf %gather3A, %gather3A_225 : vector<16xf32>
        %ge3A_227 = arith.constant 0.000000e+00 : f32
        %ge3A_228 = vector.broadcast %ge3A_227 : f32 to vector<16xf32>
        %ge3A_229 = arith.cmpf oge, %add3A_226, %ge3A_228 : vector<16xf32>
        %mul3A_230 = arith.constant 2.000000e-01 : f32
        %mul3A_231 = vector.broadcast %mul3A_230 : f32 to vector<16xf32>
        %mul3A_232 = arith.mulf %mul3A_231, %add3A_226 : vector<16xf32>
        %select_n3A_233 = arith.select %ge3A_229, %add3A_226, %mul3A_232 : vector<16xi1>, vector<16xf32>
        %exp3A = math.exp %select_n3A_233 : vector<16xf32>
        %ge3A_234 = vector.broadcast %mul3A_0 : i32 to vector<16xi32>
        %ge3A_235 = arith.cmpi sge, %get3A_224, %ge3A_234 : vector<16xi32>
        %add3A_236 = arith.constant 640 : i32
        %add3A_237 = arith.addi %mul3A_0, %add3A_236 : i32
        %lt3A = vector.broadcast %add3A_237 : i32 to vector<16xi32>
        %lt3A_238 = arith.cmpi slt, %get3A_224, %lt3A : vector<16xi32>
        %and3A = arith.andi %ge3A_235, %lt3A_238 : vector<16xi1>
        %sub3A = vector.broadcast %mul3A_0 : i32 to vector<16xi32>
        %sub3A_239 = arith.subi %get3A_224, %sub3A : vector<16xi32>
        %jit3A_240 = arith.constant 0 : i32
        %broadcast_in_dim3A_241 = vector.broadcast %jit3A_240 : i32 to vector<16xi32>
        %select_n3A_242 = arith.select %and3A, %sub3A_239, %broadcast_in_dim3A_241 : vector<16xi1>, vector<16xi32>
        %gather3A_243 = tpu.vector_load_idx %arg11[%select_n3A_242] : memref<640xf32, #tpu.memory_space<vmem>>[vector<16xi32>], vector<16xf32>,
        %add3A_244 = arith.constant 1.000000e-16 : f32
        %add3A_245 = vector.broadcast %add3A_244 : f32 to vector<16xf32>
        %add3A_246 = arith.addf %gather3A_243, %add3A_245 : vector<16xf32>
        %div3A = arith.divf %exp3A, %add3A_246 : vector<16xf32>
        %jit3A_247 = arith.constant 0.000000e+00 : f32
        %broadcast_in_dim3A_248 = vector.broadcast %jit3A_247 : f32 to vector<16xf32>
        %select_n3A_249 = arith.select %and3A, %div3A, %broadcast_in_dim3A_248 : vector<16xi1>, vector<16xf32>
        %jit3A_250 = arith.constant 1 : i32
        %jit3A_251 = arith.constant 0 : i32
        %broadcast_in_dim3A_252 = vector.broadcast %jit3A_250 : i32 to vector<16xi32>
        %broadcast_in_dim3A_253 = vector.broadcast %jit3A_251 : i32 to vector<16xi32>
        %select_n3A_254 = arith.select %and3A, %broadcast_in_dim3A_252, %broadcast_in_dim3A_253 : vector<16xi1>, vector<16xi32>
        %broadcast_in_dim3A_255 = arith.constant true
        %broadcast_in_dim3A_256 = vector.broadcast %broadcast_in_dim3A_255 : i1 to vector<16xi1>
        %masked_cumsum3A = tpu.scan <sum>, %select_n3A_254 masked %broadcast_in_dim3A_256 : vector<16xi32>, vector<16xi1> -> vector<16xi32>
        %add3A_257 = vector.broadcast %scan3A_216 : i32 to vector<16xi32>
        %add3A_258 = arith.addi %add3A_257, %masked_cumsum3A : vector<16xi32>
        %sub3A_259 = arith.constant 1 : i32
        %sub3A_260 = vector.broadcast %sub3A_259 : i32 to vector<16xi32>
        %sub3A_261 = arith.subi %add3A_258, %sub3A_260 : vector<16xi32>
        tpu.vector_store_idx %arg15[%sub3A_261], %get3A_220 masked %and3A : memref<96xi32, #tpu.memory_space<vmem>>[vector<16xi32>], vector<16xi32>, vector<16xi1>
        tpu.vector_store_idx %arg16[%sub3A_261], %select_n3A_242 masked %and3A : memref<96xi32, #tpu.memory_space<vmem>>[vector<16xi32>], vector<16xi32>, vector<16xi1>
        tpu.vector_store_idx %arg17[%sub3A_261], %select_n3A_249 masked %and3A : memref<96xf32, #tpu.memory_space<vmem>>[vector<16xi32>], vector<16xf32>, vector<16xi1>
        %all_reduce_population_count3A = tpu.all_reduce %and3A {dim = 0 : i64, kind = #tpu.reduction_kind<sum>} : vector<16xi1> -> vector<16xi32>
        %slice3A = vector.extract_strided_slice %all_reduce_population_count3A {offsets = [0], sizes = [1], strides = [1]} : vector<16xi32> to vector<1xi32>
        %squeeze3A = vector.extract %slice3A[0] : i32 from vector<1xi32>
        %add3A_262 = arith.addi %scan3A_216, %squeeze3A : i32
        %ge3A_263 = arith.constant 80 : i32
        %ge3A_264 = arith.cmpi sge, %add3A_262, %ge3A_263 : i32
        %convert_element_type3A_265 = arith.extui %ge3A_264 : i1 to i32
        %cond3A_266 = arith.constant 0 : i32
        %cond3A_267 = arith.cmpi ne, %convert_element_type3A_265, %cond3A_266 : i32
        scf.if %cond3A_267 {
          %get3A_271 = arith.constant 0 : index
          %get3A_272 = tpu.vector_load %arg15[%get3A_271] {strides = array<i32>} : memref<96xi32, #tpu.memory_space<vmem>>, vector<16xi32>,
          %swap3A_273 = arith.constant 0 : index
          %swap3A_274 = tpu.vector_load %arg18[%swap3A_273] {strides = array<i32>} : memref<80xi32, #tpu.memory_space<vmem>>, vector<16xi32>,
          tpu.vector_store %arg18[%swap3A_273], %get3A_272 {strides = array<i32>} : memref<80xi32, #tpu.memory_space<vmem>>, vector<16xi32>,
          %get3A_275 = arith.constant 16 : index
          %get3A_276 = tpu.vector_load %arg15[%get3A_275] {strides = array<i32>} : memref<96xi32, #tpu.memory_space<vmem>>, vector<16xi32>,
          %swap3A_277 = arith.constant 16 : index
          %swap3A_278 = tpu.vector_load %arg18[%swap3A_277] {strides = array<i32>} : memref<80xi32, #tpu.memory_space<vmem>>, vector<16xi32>,
          tpu.vector_store %arg18[%swap3A_277], %get3A_276 {strides = array<i32>} : memref<80xi32, #tpu.memory_space<vmem>>, vector<16xi32>,
          %get3A_279 = arith.constant 32 : index
          %get3A_280 = tpu.vector_load %arg15[%get3A_279] {strides = array<i32>} : memref<96xi32, #tpu.memory_space<vmem>>, vector<16xi32>,
          %swap3A_281 = arith.constant 32 : index
          %swap3A_282 = tpu.vector_load %arg18[%swap3A_281] {strides = array<i32>} : memref<80xi32, #tpu.memory_space<vmem>>, vector<16xi32>,
          tpu.vector_store %arg18[%swap3A_281], %get3A_280 {strides = array<i32>} : memref<80xi32, #tpu.memory_space<vmem>>, vector<16xi32>,
          %get3A_283 = arith.constant 48 : index
          %get3A_284 = tpu.vector_load %arg15[%get3A_283] {strides = array<i32>} : memref<96xi32, #tpu.memory_space<vmem>>, vector<16xi32>,
          %swap3A_285 = arith.constant 48 : index
          %swap3A_286 = tpu.vector_load %arg18[%swap3A_285] {strides = array<i32>} : memref<80xi32, #tpu.memory_space<vmem>>, vector<16xi32>,
          tpu.vector_store %arg18[%swap3A_285], %get3A_284 {strides = array<i32>} : memref<80xi32, #tpu.memory_space<vmem>>, vector<16xi32>,
          %get3A_287 = arith.constant 64 : index
          %get3A_288 = tpu.vector_load %arg15[%get3A_287] {strides = array<i32>} : memref<96xi32, #tpu.memory_space<vmem>>, vector<16xi32>,
          %swap3A_289 = arith.constant 64 : index
          %swap3A_290 = tpu.vector_load %arg18[%swap3A_289] {strides = array<i32>} : memref<80xi32, #tpu.memory_space<vmem>>, vector<16xi32>,
          tpu.vector_store %arg18[%swap3A_289], %get3A_288 {strides = array<i32>} : memref<80xi32, #tpu.memory_space<vmem>>, vector<16xi32>,
          "tpu.region"() ({
            %run_scoped3A = tpu.sem_alloc : memref<!tpu.dma_semaphore, #tpu.memory_space<semaphore_mem>>
            %dma_start3A = arith.constant 0 : i32
            %dma_start3A_310 = arith.constant 0 : i32
            %dma_start3A_311 = tpu.memref_slice %arg2[%dma_start3A, %dma_start3A_310] : memref<10000x128xf32, #tpu.memory_space<hbm>> -> memref<10000x128xf32, #tpu.memory_space<hbm>>
            tpu.enqueue_indirect_dma source(%dma_start3A_311 : memref<10000x128xf32, #tpu.memory_space<hbm>>) target(%arg19 : memref<80x128xf32, #tpu.memory_space<vmem>>) offsets(%arg18 : memref<80xi32, #tpu.memory_space<vmem>>) semaphore(%run_scoped3A : memref<!tpu.dma_semaphore, #tpu.memory_space<semaphore_mem>>)
            %dma_wait3A = arith.constant 0 : i32
            %dma_wait3A_312 = arith.constant 0 : i32
            %dma_wait3A_313 = tpu.memref_slice %arg2[%dma_wait3A, %dma_wait3A_312] : memref<10000x128xf32, #tpu.memory_space<hbm>> -> memref<10000x128xf32, #tpu.memory_space<hbm>>
            tpu.wait_indirect_dma semaphore(%run_scoped3A : memref<!tpu.dma_semaphore, #tpu.memory_space<semaphore_mem>>) src(%dma_wait3A_313 : memref<10000x128xf32, #tpu.memory_space<hbm>>) dst(%arg19 : memref<80x128xf32, #tpu.memory_space<vmem>>)
            tpu.yield
          }) : () -> ()
          %scan3A_291 = arith.constant 0 : i32
          %scan3A_292 = arith.constant 0 : i32
          %scan3A_293 = arith.constant 80 : i32
          %scan3A_294 = arith.addi %scan3A_292, %scan3A_293 : i32
          %scan3A_295 = arith.constant 1 : i32
          %scan3A_296 = scf.for %scan3A_310 = %scan3A_292 to %scan3A_294 step %scan3A_295 iter_args(%scan3A_311 = %scan3A_291) -> (i32)  : i32 {
            %broadcast_in_dim3A_312 = vector.broadcast %scan3A_310 : i32 to vector<16xi32>
            %gather3A_313 = tpu.vector_load_idx %arg17[%broadcast_in_dim3A_312] : memref<96xf32, #tpu.memory_space<vmem>>[vector<16xi32>], vector<16xf32>,
            %gather3A_314 = tpu.vector_load_idx %arg16[%broadcast_in_dim3A_312] : memref<96xi32, #tpu.memory_space<vmem>>[vector<16xi32>], vector<16xi32>,
            %slice3A_315 = vector.extract_strided_slice %gather3A_314 {offsets = [0], sizes = [1], strides = [1]} : vector<16xi32> to vector<1xi32>
            %squeeze3A_316 = vector.extract %slice3A_315[0] : i32 from vector<1xi32>
            %get3A_317 = arith.index_cast %squeeze3A_316 : i32 to index
            %get3A_318 = arith.constant 0 : index
            %get3A_319 = tpu.vector_load %arg12[%get3A_317, %get3A_318] {strides = array<i32>} : memref<640x64xf32, #tpu.memory_space<vmem>>, vector<16xf32>,
            %get3A_320 = arith.index_cast %scan3A_310 : i32 to index
            %get3A_321 = arith.constant 0 : index
            %get3A_322 = tpu.vector_load %arg19[%get3A_320, %get3A_321] {strides = array<i32>} : memref<80x128xf32, #tpu.memory_space<vmem>>, vector<16xf32>,
            %mul3A_323 = arith.mulf %get3A_322, %gather3A_313 : vector<16xf32>
            %add3A_324 = arith.addf %get3A_319, %mul3A_323 : vector<16xf32>
            %swap3A_325 = arith.index_cast %squeeze3A_316 : i32 to index
            %swap3A_326 = arith.constant 0 : index
            %swap3A_327 = tpu.vector_load %arg12[%swap3A_325, %swap3A_326] {strides = array<i32>} : memref<640x64xf32, #tpu.memory_space<vmem>>, vector<16xf32>,
            tpu.vector_store %arg12[%swap3A_325, %swap3A_326], %add3A_324 {strides = array<i32>} : memref<640x64xf32, #tpu.memory_space<vmem>>, vector<16xf32>,
            %get3A_328 = arith.index_cast %squeeze3A_316 : i32 to index
            %get3A_329 = arith.constant 16 : index
            %get3A_330 = tpu.vector_load %arg12[%get3A_328, %get3A_329] {strides = array<i32>} : memref<640x64xf32, #tpu.memory_space<vmem>>, vector<16xf32>,
            %get3A_331 = arith.index_cast %scan3A_310 : i32 to index
            %get3A_332 = arith.constant 16 : index
            %get3A_333 = tpu.vector_load %arg19[%get3A_331, %get3A_332] {strides = array<i32>} : memref<80x128xf32, #tpu.memory_space<vmem>>, vector<16xf32>,
            %mul3A_334 = arith.mulf %get3A_333, %gather3A_313 : vector<16xf32>
            %add3A_335 = arith.addf %get3A_330, %mul3A_334 : vector<16xf32>
            %swap3A_336 = arith.index_cast %squeeze3A_316 : i32 to index
            %swap3A_337 = arith.constant 16 : index
            %swap3A_338 = tpu.vector_load %arg12[%swap3A_336, %swap3A_337] {strides = array<i32>} : memref<640x64xf32, #tpu.memory_space<vmem>>, vector<16xf32>,
            tpu.vector_store %arg12[%swap3A_336, %swap3A_337], %add3A_335 {strides = array<i32>} : memref<640x64xf32, #tpu.memory_space<vmem>>, vector<16xf32>,
            %get3A_339 = arith.index_cast %squeeze3A_316 : i32 to index
            %get3A_340 = arith.constant 32 : index
            %get3A_341 = tpu.vector_load %arg12[%get3A_339, %get3A_340] {strides = array<i32>} : memref<640x64xf32, #tpu.memory_space<vmem>>, vector<16xf32>,
            %get3A_342 = arith.index_cast %scan3A_310 : i32 to index
            %get3A_343 = arith.constant 32 : index
            %get3A_344 = tpu.vector_load %arg19[%get3A_342, %get3A_343] {strides = array<i32>} : memref<80x128xf32, #tpu.memory_space<vmem>>, vector<16xf32>,
            %mul3A_345 = arith.mulf %get3A_344, %gather3A_313 : vector<16xf32>
            %add3A_346 = arith.addf %get3A_341, %mul3A_345 : vector<16xf32>
            %swap3A_347 = arith.index_cast %squeeze3A_316 : i32 to index
            %swap3A_348 = arith.constant 32 : index
            %swap3A_349 = tpu.vector_load %arg12[%swap3A_347, %swap3A_348] {strides = array<i32>} : memref<640x64xf32, #tpu.memory_space<vmem>>, vector<16xf32>,
            tpu.vector_store %arg12[%swap3A_347, %swap3A_348], %add3A_346 {strides = array<i32>} : memref<640x64xf32, #tpu.memory_space<vmem>>, vector<16xf32>,
            %get3A_350 = arith.index_cast %squeeze3A_316 : i32 to index
            %get3A_351 = arith.constant 48 : index
            %get3A_352 = tpu.vector_load %arg12[%get3A_350, %get3A_351] {strides = array<i32>} : memref<640x64xf32, #tpu.memory_space<vmem>>, vector<16xf32>,
            %get3A_353 = arith.index_cast %scan3A_310 : i32 to index
            %get3A_354 = arith.constant 48 : index
            %get3A_355 = tpu.vector_load %arg19[%get3A_353, %get3A_354] {strides = array<i32>} : memref<80x128xf32, #tpu.memory_space<vmem>>, vector<16xf32>,
            %mul3A_356 = arith.mulf %get3A_355, %gather3A_313 : vector<16xf32>
            %add3A_357 = arith.addf %get3A_352, %mul3A_356 : vector<16xf32>
            %swap3A_358 = arith.index_cast %squeeze3A_316 : i32 to index
            %swap3A_359 = arith.constant 48 : index
            %swap3A_360 = tpu.vector_load %arg12[%swap3A_358, %swap3A_359] {strides = array<i32>} : memref<640x64xf32, #tpu.memory_space<vmem>>, vector<16xf32>,
            tpu.vector_store %arg12[%swap3A_358, %swap3A_359], %add3A_357 {strides = array<i32>} : memref<640x64xf32, #tpu.memory_space<vmem>>, vector<16xf32>,
            %scan3A_361 = arith.constant 0 : i32
            scf.yield %scan3A_361 : i32
          }
          %scan3A_297 = arith.constant 80 : i32
          %get3A_298 = arith.constant 80 : index
          %get3A_299 = tpu.vector_load %arg15[%get3A_298] {strides = array<i32>} : memref<96xi32, #tpu.memory_space<vmem>>, vector<16xi32>,
          %swap3A_300 = arith.constant 0 : index
          %swap3A_301 = tpu.vector_load %arg15[%swap3A_300] {strides = array<i32>} : memref<96xi32, #tpu.memory_space<vmem>>, vector<16xi32>,
          tpu.vector_store %arg15[%swap3A_300], %get3A_299 {strides = array<i32>} : memref<96xi32, #tpu.memory_space<vmem>>, vector<16xi32>,
          %get3A_302 = arith.constant 80 : index
          %get3A_303 = tpu.vector_load %arg16[%get3A_302] {strides = array<i32>} : memref<96xi32, #tpu.memory_space<vmem>>, vector<16xi32>,
          %swap3A_304 = arith.constant 0 : index
          %swap3A_305 = tpu.vector_load %arg16[%swap3A_304] {strides = array<i32>} : memref<96xi32, #tpu.memory_space<vmem>>, vector<16xi32>,
          tpu.vector_store %arg16[%swap3A_304], %get3A_303 {strides = array<i32>} : memref<96xi32, #tpu.memory_space<vmem>>, vector<16xi32>,
          %get3A_306 = arith.constant 80 : index
          %get3A_307 = tpu.vector_load %arg17[%get3A_306] {strides = array<i32>} : memref<96xf32, #tpu.memory_space<vmem>>, vector<16xf32>,
          %swap3A_308 = arith.constant 0 : index
          %swap3A_309 = tpu.vector_load %arg17[%swap3A_308] {strides = array<i32>} : memref<96xf32, #tpu.memory_space<vmem>>, vector<16xf32>,
          tpu.vector_store %arg17[%swap3A_308], %get3A_307 {strides = array<i32>} : memref<96xf32, #tpu.memory_space<vmem>>, vector<16xf32>,
        } else {
        }
        %sub3A_268 = arith.constant 80 : i32
        %sub3A_269 = arith.subi %add3A_262, %sub3A_268 : i32
        %select_n3A_270 = arith.select %ge3A_264, %sub3A_269, %add3A_262 : i32
        scf.yield %select_n3A_270 : i32
      }
      %scan3A_214 = arith.constant 500 : i32
      scf.yield %scan3A_213 : i32
    }
    %scan3A_30 = arith.constant 20 : i32
    %add3A = arith.constant 0 : i32
    %add3A_31 = vector.broadcast %add3A : i32 to vector<16xi32>
    %add3A_32 = arith.addi %iota3A, %add3A_31 : vector<16xi32>
    %ge3A = vector.broadcast %scan3A_29 : i32 to vector<16xi32>
    %ge3A_33 = arith.cmpi sge, %add3A_32, %ge3A : vector<16xi32>
    %get3A = arith.constant 0 : index
    %get3A_34 = tpu.vector_load %arg17[%get3A] {strides = array<i32>} : memref<96xf32, #tpu.memory_space<vmem>>, vector<16xf32>,
    %jit3A = arith.constant 0.000000e+00 : f32
    %broadcast_in_dim3A_35 = vector.broadcast %jit3A : f32 to vector<16xf32>
    %select_n3A = arith.select %ge3A_33, %broadcast_in_dim3A_35, %get3A_34 : vector<16xi1>, vector<16xf32>
    %swap3A = arith.constant 0 : index
    %swap3A_36 = tpu.vector_load %arg17[%swap3A] {strides = array<i32>} : memref<96xf32, #tpu.memory_space<vmem>>, vector<16xf32>,
    tpu.vector_store %arg17[%swap3A], %select_n3A {strides = array<i32>} : memref<96xf32, #tpu.memory_space<vmem>>, vector<16xf32>,
    %get3A_37 = arith.constant 0 : index
    %get3A_38 = tpu.vector_load %arg15[%get3A_37] {strides = array<i32>} : memref<96xi32, #tpu.memory_space<vmem>>, vector<16xi32>,
    %jit3A_39 = arith.constant 0 : i32
    %broadcast_in_dim3A_40 = vector.broadcast %jit3A_39 : i32 to vector<16xi32>
    %select_n3A_41 = arith.select %ge3A_33, %broadcast_in_dim3A_40, %get3A_38 : vector<16xi1>, vector<16xi32>
    %swap3A_42 = arith.constant 0 : index
    %swap3A_43 = tpu.vector_load %arg15[%swap3A_42] {strides = array<i32>} : memref<96xi32, #tpu.memory_space<vmem>>, vector<16xi32>,
    tpu.vector_store %arg15[%swap3A_42], %select_n3A_41 {strides = array<i32>} : memref<96xi32, #tpu.memory_space<vmem>>, vector<16xi32>,
    %get3A_44 = arith.constant 0 : index
    %get3A_45 = tpu.vector_load %arg16[%get3A_44] {strides = array<i32>} : memref<96xi32, #tpu.memory_space<vmem>>, vector<16xi32>,
    %jit3A_46 = arith.constant 0 : i32
    %broadcast_in_dim3A_47 = vector.broadcast %jit3A_46 : i32 to vector<16xi32>
    %select_n3A_48 = arith.select %ge3A_33, %broadcast_in_dim3A_47, %get3A_45 : vector<16xi1>, vector<16xi32>
    %swap3A_49 = arith.constant 0 : index
    %swap3A_50 = tpu.vector_load %arg16[%swap3A_49] {strides = array<i32>} : memref<96xi32, #tpu.memory_space<vmem>>, vector<16xi32>,
    tpu.vector_store %arg16[%swap3A_49], %select_n3A_48 {strides = array<i32>} : memref<96xi32, #tpu.memory_space<vmem>>, vector<16xi32>,
    %add3A_51 = arith.constant 16 : i32
    %add3A_52 = vector.broadcast %add3A_51 : i32 to vector<16xi32>
    %add3A_53 = arith.addi %iota3A, %add3A_52 : vector<16xi32>
    %ge3A_54 = vector.broadcast %scan3A_29 : i32 to vector<16xi32>
    %ge3A_55 = arith.cmpi sge, %add3A_53, %ge3A_54 : vector<16xi32>
    %get3A_56 = arith.constant 16 : index
    %get3A_57 = tpu.vector_load %arg17[%get3A_56] {strides = array<i32>} : memref<96xf32, #tpu.memory_space<vmem>>, vector<16xf32>,
    %jit3A_58 = arith.constant 0.000000e+00 : f32
    %broadcast_in_dim3A_59 = vector.broadcast %jit3A_58 : f32 to vector<16xf32>
    %select_n3A_60 = arith.select %ge3A_55, %broadcast_in_dim3A_59, %get3A_57 : vector<16xi1>, vector<16xf32>
    %swap3A_61 = arith.constant 16 : index
    %swap3A_62 = tpu.vector_load %arg17[%swap3A_61] {strides = array<i32>} : memref<96xf32, #tpu.memory_space<vmem>>, vector<16xf32>,
    tpu.vector_store %arg17[%swap3A_61], %select_n3A_60 {strides = array<i32>} : memref<96xf32, #tpu.memory_space<vmem>>, vector<16xf32>,
    %get3A_63 = arith.constant 16 : index
    %get3A_64 = tpu.vector_load %arg15[%get3A_63] {strides = array<i32>} : memref<96xi32, #tpu.memory_space<vmem>>, vector<16xi32>,
    %jit3A_65 = arith.constant 0 : i32
    %broadcast_in_dim3A_66 = vector.broadcast %jit3A_65 : i32 to vector<16xi32>
    %select_n3A_67 = arith.select %ge3A_55, %broadcast_in_dim3A_66, %get3A_64 : vector<16xi1>, vector<16xi32>
    %swap3A_68 = arith.constant 16 : index
    %swap3A_69 = tpu.vector_load %arg15[%swap3A_68] {strides = array<i32>} : memref<96xi32, #tpu.memory_space<vmem>>, vector<16xi32>,
    tpu.vector_store %arg15[%swap3A_68], %select_n3A_67 {strides = array<i32>} : memref<96xi32, #tpu.memory_space<vmem>>, vector<16xi32>,
    %get3A_70 = arith.constant 16 : index
    %get3A_71 = tpu.vector_load %arg16[%get3A_70] {strides = array<i32>} : memref<96xi32, #tpu.memory_space<vmem>>, vector<16xi32>,
    %jit3A_72 = arith.constant 0 : i32
    %broadcast_in_dim3A_73 = vector.broadcast %jit3A_72 : i32 to vector<16xi32>
    %select_n3A_74 = arith.select %ge3A_55, %broadcast_in_dim3A_73, %get3A_71 : vector<16xi1>, vector<16xi32>
    %swap3A_75 = arith.constant 16 : index
    %swap3A_76 = tpu.vector_load %arg16[%swap3A_75] {strides = array<i32>} : memref<96xi32, #tpu.memory_space<vmem>>, vector<16xi32>,
    tpu.vector_store %arg16[%swap3A_75], %select_n3A_74 {strides = array<i32>} : memref<96xi32, #tpu.memory_space<vmem>>, vector<16xi32>,
    %add3A_77 = arith.constant 32 : i32
    %add3A_78 = vector.broadcast %add3A_77 : i32 to vector<16xi32>
    %add3A_79 = arith.addi %iota3A, %add3A_78 : vector<16xi32>
    %ge3A_80 = vector.broadcast %scan3A_29 : i32 to vector<16xi32>
    %ge3A_81 = arith.cmpi sge, %add3A_79, %ge3A_80 : vector<16xi32>
    %get3A_82 = arith.constant 32 : index
    %get3A_83 = tpu.vector_load %arg17[%get3A_82] {strides = array<i32>} : memref<96xf32, #tpu.memory_space<vmem>>, vector<16xf32>,
    %jit3A_84 = arith.constant 0.000000e+00 : f32
    %broadcast_in_dim3A_85 = vector.broadcast %jit3A_84 : f32 to vector<16xf32>
    %select_n3A_86 = arith.select %ge3A_81, %broadcast_in_dim3A_85, %get3A_83 : vector<16xi1>, vector<16xf32>
    %swap3A_87 = arith.constant 32 : index
    %swap3A_88 = tpu.vector_load %arg17[%swap3A_87] {strides = array<i32>} : memref<96xf32, #tpu.memory_space<vmem>>, vector<16xf32>,
    tpu.vector_store %arg17[%swap3A_87], %select_n3A_86 {strides = array<i32>} : memref<96xf32, #tpu.memory_space<vmem>>, vector<16xf32>,
    %get3A_89 = arith.constant 32 : index
    %get3A_90 = tpu.vector_load %arg15[%get3A_89] {strides = array<i32>} : memref<96xi32, #tpu.memory_space<vmem>>, vector<16xi32>,
    %jit3A_91 = arith.constant 0 : i32
    %broadcast_in_dim3A_92 = vector.broadcast %jit3A_91 : i32 to vector<16xi32>
    %select_n3A_93 = arith.select %ge3A_81, %broadcast_in_dim3A_92, %get3A_90 : vector<16xi1>, vector<16xi32>
    %swap3A_94 = arith.constant 32 : index
    %swap3A_95 = tpu.vector_load %arg15[%swap3A_94] {strides = array<i32>} : memref<96xi32, #tpu.memory_space<vmem>>, vector<16xi32>,
    tpu.vector_store %arg15[%swap3A_94], %select_n3A_93 {strides = array<i32>} : memref<96xi32, #tpu.memory_space<vmem>>, vector<16xi32>,
    %get3A_96 = arith.constant 32 : index
    %get3A_97 = tpu.vector_load %arg16[%get3A_96] {strides = array<i32>} : memref<96xi32, #tpu.memory_space<vmem>>, vector<16xi32>,
    %jit3A_98 = arith.constant 0 : i32
    %broadcast_in_dim3A_99 = vector.broadcast %jit3A_98 : i32 to vector<16xi32>
    %select_n3A_100 = arith.select %ge3A_81, %broadcast_in_dim3A_99, %get3A_97 : vector<16xi1>, vector<16xi32>
    %swap3A_101 = arith.constant 32 : index
    %swap3A_102 = tpu.vector_load %arg16[%swap3A_101] {strides = array<i32>} : memref<96xi32, #tpu.memory_space<vmem>>, vector<16xi32>,
    tpu.vector_store %arg16[%swap3A_101], %select_n3A_100 {strides = array<i32>} : memref<96xi32, #tpu.memory_space<vmem>>, vector<16xi32>,
    %add3A_103 = arith.constant 48 : i32
    %add3A_104 = vector.broadcast %add3A_103 : i32 to vector<16xi32>
    %add3A_105 = arith.addi %iota3A, %add3A_104 : vector<16xi32>
    %ge3A_106 = vector.broadcast %scan3A_29 : i32 to vector<16xi32>
    %ge3A_107 = arith.cmpi sge, %add3A_105, %ge3A_106 : vector<16xi32>
    %get3A_108 = arith.constant 48 : index
    %get3A_109 = tpu.vector_load %arg17[%get3A_108] {strides = array<i32>} : memref<96xf32, #tpu.memory_space<vmem>>, vector<16xf32>,
    %jit3A_110 = arith.constant 0.000000e+00 : f32
    %broadcast_in_dim3A_111 = vector.broadcast %jit3A_110 : f32 to vector<16xf32>
    %select_n3A_112 = arith.select %ge3A_107, %broadcast_in_dim3A_111, %get3A_109 : vector<16xi1>, vector<16xf32>
    %swap3A_113 = arith.constant 48 : index
    %swap3A_114 = tpu.vector_load %arg17[%swap3A_113] {strides = array<i32>} : memref<96xf32, #tpu.memory_space<vmem>>, vector<16xf32>,
    tpu.vector_store %arg17[%swap3A_113], %select_n3A_112 {strides = array<i32>} : memref<96xf32, #tpu.memory_space<vmem>>, vector<16xf32>,
    %get3A_115 = arith.constant 48 : index
    %get3A_116 = tpu.vector_load %arg15[%get3A_115] {strides = array<i32>} : memref<96xi32, #tpu.memory_space<vmem>>, vector<16xi32>,
    %jit3A_117 = arith.constant 0 : i32
    %broadcast_in_dim3A_118 = vector.broadcast %jit3A_117 : i32 to vector<16xi32>
    %select_n3A_119 = arith.select %ge3A_107, %broadcast_in_dim3A_118, %get3A_116 : vector<16xi1>, vector<16xi32>
    %swap3A_120 = arith.constant 48 : index
    %swap3A_121 = tpu.vector_load %arg15[%swap3A_120] {strides = array<i32>} : memref<96xi32, #tpu.memory_space<vmem>>, vector<16xi32>,
    tpu.vector_store %arg15[%swap3A_120], %select_n3A_119 {strides = array<i32>} : memref<96xi32, #tpu.memory_space<vmem>>, vector<16xi32>,
    %get3A_122 = arith.constant 48 : index
    %get3A_123 = tpu.vector_load %arg16[%get3A_122] {strides = array<i32>} : memref<96xi32, #tpu.memory_space<vmem>>, vector<16xi32>,
    %jit3A_124 = arith.constant 0 : i32
    %broadcast_in_dim3A_125 = vector.broadcast %jit3A_124 : i32 to vector<16xi32>
    %select_n3A_126 = arith.select %ge3A_107, %broadcast_in_dim3A_125, %get3A_123 : vector<16xi1>, vector<16xi32>
    %swap3A_127 = arith.constant 48 : index
    %swap3A_128 = tpu.vector_load %arg16[%swap3A_127] {strides = array<i32>} : memref<96xi32, #tpu.memory_space<vmem>>, vector<16xi32>,
    tpu.vector_store %arg16[%swap3A_127], %select_n3A_126 {strides = array<i32>} : memref<96xi32, #tpu.memory_space<vmem>>, vector<16xi32>,
    %add3A_129 = arith.constant 64 : i32
    %add3A_130 = vector.broadcast %add3A_129 : i32 to vector<16xi32>
    %add3A_131 = arith.addi %iota3A, %add3A_130 : vector<16xi32>
    %ge3A_132 = vector.broadcast %scan3A_29 : i32 to vector<16xi32>
    %ge3A_133 = arith.cmpi sge, %add3A_131, %ge3A_132 : vector<16xi32>
    %get3A_134 = arith.constant 64 : index
    %get3A_135 = tpu.vector_load %arg17[%get3A_134] {strides = array<i32>} : memref<96xf32, #tpu.memory_space<vmem>>, vector<16xf32>,
    %jit3A_136 = arith.constant 0.000000e+00 : f32
    %broadcast_in_dim3A_137 = vector.broadcast %jit3A_136 : f32 to vector<16xf32>
    %select_n3A_138 = arith.select %ge3A_133, %broadcast_in_dim3A_137, %get3A_135 : vector<16xi1>, vector<16xf32>
    %swap3A_139 = arith.constant 64 : index
    %swap3A_140 = tpu.vector_load %arg17[%swap3A_139] {strides = array<i32>} : memref<96xf32, #tpu.memory_space<vmem>>, vector<16xf32>,
    tpu.vector_store %arg17[%swap3A_139], %select_n3A_138 {strides = array<i32>} : memref<96xf32, #tpu.memory_space<vmem>>, vector<16xf32>,
    %get3A_141 = arith.constant 64 : index
    %get3A_142 = tpu.vector_load %arg15[%get3A_141] {strides = array<i32>} : memref<96xi32, #tpu.memory_space<vmem>>, vector<16xi32>,
    %jit3A_143 = arith.constant 0 : i32
    %broadcast_in_dim3A_144 = vector.broadcast %jit3A_143 : i32 to vector<16xi32>
    %select_n3A_145 = arith.select %ge3A_133, %broadcast_in_dim3A_144, %get3A_142 : vector<16xi1>, vector<16xi32>
    %swap3A_146 = arith.constant 64 : index
    %swap3A_147 = tpu.vector_load %arg15[%swap3A_146] {strides = array<i32>} : memref<96xi32, #tpu.memory_space<vmem>>, vector<16xi32>,
    tpu.vector_store %arg15[%swap3A_146], %select_n3A_145 {strides = array<i32>} : memref<96xi32, #tpu.memory_space<vmem>>, vector<16xi32>,
    %get3A_148 = arith.constant 64 : index
    %get3A_149 = tpu.vector_load %arg16[%get3A_148] {strides = array<i32>} : memref<96xi32, #tpu.memory_space<vmem>>, vector<16xi32>,
    %jit3A_150 = arith.constant 0 : i32
    %broadcast_in_dim3A_151 = vector.broadcast %jit3A_150 : i32 to vector<16xi32>
    %select_n3A_152 = arith.select %ge3A_133, %broadcast_in_dim3A_151, %get3A_149 : vector<16xi1>, vector<16xi32>
    %swap3A_153 = arith.constant 64 : index
    %swap3A_154 = tpu.vector_load %arg16[%swap3A_153] {strides = array<i32>} : memref<96xi32, #tpu.memory_space<vmem>>, vector<16xi32>,
    tpu.vector_store %arg16[%swap3A_153], %select_n3A_152 {strides = array<i32>} : memref<96xi32, #tpu.memory_space<vmem>>, vector<16xi32>,
    %get3A_155 = arith.constant 0 : index
    %get3A_156 = tpu.vector_load %arg15[%get3A_155] {strides = array<i32>} : memref<96xi32, #tpu.memory_space<vmem>>, vector<16xi32>,
    %swap3A_157 = arith.constant 0 : index
    %swap3A_158 = tpu.vector_load %arg18[%swap3A_157] {strides = array<i32>} : memref<80xi32, #tpu.memory_space<vmem>>, vector<16xi32>,
    tpu.vector_store %arg18[%swap3A_157], %get3A_156 {strides = array<i32>} : memref<80xi32, #tpu.memory_space<vmem>>, vector<16xi32>,
    %get3A_159 = arith.constant 16 : index
    %get3A_160 = tpu.vector_load %arg15[%get3A_159] {strides = array<i32>} : memref<96xi32, #tpu.memory_space<vmem>>, vector<16xi32>,
    %swap3A_161 = arith.constant 16 : index
    %swap3A_162 = tpu.vector_load %arg18[%swap3A_161] {strides = array<i32>} : memref<80xi32, #tpu.memory_space<vmem>>, vector<16xi32>,
    tpu.vector_store %arg18[%swap3A_161], %get3A_160 {strides = array<i32>} : memref<80xi32, #tpu.memory_space<vmem>>, vector<16xi32>,
    %get3A_163 = arith.constant 32 : index
    %get3A_164 = tpu.vector_load %arg15[%get3A_163] {strides = array<i32>} : memref<96xi32, #tpu.memory_space<vmem>>, vector<16xi32>,
    %swap3A_165 = arith.constant 32 : index
    %swap3A_166 = tpu.vector_load %arg18[%swap3A_165] {strides = array<i32>} : memref<80xi32, #tpu.memory_space<vmem>>, vector<16xi32>,
    tpu.vector_store %arg18[%swap3A_165], %get3A_164 {strides = array<i32>} : memref<80xi32, #tpu.memory_space<vmem>>, vector<16xi32>,
    %get3A_167 = arith.constant 48 : index
    %get3A_168 = tpu.vector_load %arg15[%get3A_167] {strides = array<i32>} : memref<96xi32, #tpu.memory_space<vmem>>, vector<16xi32>,
    %swap3A_169 = arith.constant 48 : index
    %swap3A_170 = tpu.vector_load %arg18[%swap3A_169] {strides = array<i32>} : memref<80xi32, #tpu.memory_space<vmem>>, vector<16xi32>,
    tpu.vector_store %arg18[%swap3A_169], %get3A_168 {strides = array<i32>} : memref<80xi32, #tpu.memory_space<vmem>>, vector<16xi32>,
    %get3A_171 = arith.constant 64 : index
    %get3A_172 = tpu.vector_load %arg15[%get3A_171] {strides = array<i32>} : memref<96xi32, #tpu.memory_space<vmem>>, vector<16xi32>,
    %swap3A_173 = arith.constant 64 : index
    %swap3A_174 = tpu.vector_load %arg18[%swap3A_173] {strides = array<i32>} : memref<80xi32, #tpu.memory_space<vmem>>, vector<16xi32>,
    tpu.vector_store %arg18[%swap3A_173], %get3A_172 {strides = array<i32>} : memref<80xi32, #tpu.memory_space<vmem>>, vector<16xi32>,
    "tpu.region"() ({
      %run_scoped3A = tpu.sem_alloc : memref<!tpu.dma_semaphore, #tpu.memory_space<semaphore_mem>>
      %dma_start3A = arith.constant 0 : i32
      %dma_start3A_201 = arith.constant 0 : i32
      %dma_start3A_202 = tpu.memref_slice %arg2[%dma_start3A, %dma_start3A_201] : memref<10000x128xf32, #tpu.memory_space<hbm>> -> memref<10000x128xf32, #tpu.memory_space<hbm>>
      tpu.enqueue_indirect_dma source(%dma_start3A_202 : memref<10000x128xf32, #tpu.memory_space<hbm>>) target(%arg19 : memref<80x128xf32, #tpu.memory_space<vmem>>) offsets(%arg18 : memref<80xi32, #tpu.memory_space<vmem>>) semaphore(%run_scoped3A : memref<!tpu.dma_semaphore, #tpu.memory_space<semaphore_mem>>)
      %dma_wait3A = arith.constant 0 : i32
      %dma_wait3A_203 = arith.constant 0 : i32
      %dma_wait3A_204 = tpu.memref_slice %arg2[%dma_wait3A, %dma_wait3A_203] : memref<10000x128xf32, #tpu.memory_space<hbm>> -> memref<10000x128xf32, #tpu.memory_space<hbm>>
      tpu.wait_indirect_dma semaphore(%run_scoped3A : memref<!tpu.dma_semaphore, #tpu.memory_space<semaphore_mem>>) src(%dma_wait3A_204 : memref<10000x128xf32, #tpu.memory_space<hbm>>) dst(%arg19 : memref<80x128xf32, #tpu.memory_space<vmem>>)
      tpu.yield
    }) : () -> ()
    %scan3A_175 = arith.constant 0 : i32
    %scan3A_176 = arith.constant 0 : i32
    %scan3A_177 = arith.constant 80 : i32
    %scan3A_178 = arith.addi %scan3A_176, %scan3A_177 : i32
    %scan3A_179 = arith.constant 1 : i32
    %scan3A_180 = scf.for %scan3A_201 = %scan3A_176 to %scan3A_178 step %scan3A_179 iter_args(%scan3A_202 = %scan3A_175) -> (i32)  : i32 {
      %broadcast_in_dim3A_203 = vector.broadcast %scan3A_201 : i32 to vector<16xi32>
      %gather3A = tpu.vector_load_idx %arg17[%broadcast_in_dim3A_203] : memref<96xf32, #tpu.memory_space<vmem>>[vector<16xi32>], vector<16xf32>,
      %gather3A_204 = tpu.vector_load_idx %arg16[%broadcast_in_dim3A_203] : memref<96xi32, #tpu.memory_space<vmem>>[vector<16xi32>], vector<16xi32>,
      %slice3A = vector.extract_strided_slice %gather3A_204 {offsets = [0], sizes = [1], strides = [1]} : vector<16xi32> to vector<1xi32>
      %squeeze3A = vector.extract %slice3A[0] : i32 from vector<1xi32>
      %get3A_205 = arith.index_cast %squeeze3A : i32 to index
      %get3A_206 = arith.constant 0 : index
      %get3A_207 = tpu.vector_load %arg12[%get3A_205, %get3A_206] {strides = array<i32>} : memref<640x64xf32, #tpu.memory_space<vmem>>, vector<16xf32>,
      %get3A_208 = arith.index_cast %scan3A_201 : i32 to index
      %get3A_209 = arith.constant 0 : index
      %get3A_210 = tpu.vector_load %arg19[%get3A_208, %get3A_209] {strides = array<i32>} : memref<80x128xf32, #tpu.memory_space<vmem>>, vector<16xf32>,
      %mul3A_211 = arith.mulf %get3A_210, %gather3A : vector<16xf32>
      %add3A_212 = arith.addf %get3A_207, %mul3A_211 : vector<16xf32>
      %swap3A_213 = arith.index_cast %squeeze3A : i32 to index
      %swap3A_214 = arith.constant 0 : index
      %swap3A_215 = tpu.vector_load %arg12[%swap3A_213, %swap3A_214] {strides = array<i32>} : memref<640x64xf32, #tpu.memory_space<vmem>>, vector<16xf32>,
      tpu.vector_store %arg12[%swap3A_213, %swap3A_214], %add3A_212 {strides = array<i32>} : memref<640x64xf32, #tpu.memory_space<vmem>>, vector<16xf32>,
      %get3A_216 = arith.index_cast %squeeze3A : i32 to index
      %get3A_217 = arith.constant 16 : index
      %get3A_218 = tpu.vector_load %arg12[%get3A_216, %get3A_217] {strides = array<i32>} : memref<640x64xf32, #tpu.memory_space<vmem>>, vector<16xf32>,
      %get3A_219 = arith.index_cast %scan3A_201 : i32 to index
      %get3A_220 = arith.constant 16 : index
      %get3A_221 = tpu.vector_load %arg19[%get3A_219, %get3A_220] {strides = array<i32>} : memref<80x128xf32, #tpu.memory_space<vmem>>, vector<16xf32>,
      %mul3A_222 = arith.mulf %get3A_221, %gather3A : vector<16xf32>
      %add3A_223 = arith.addf %get3A_218, %mul3A_222 : vector<16xf32>
      %swap3A_224 = arith.index_cast %squeeze3A : i32 to index
      %swap3A_225 = arith.constant 16 : index
      %swap3A_226 = tpu.vector_load %arg12[%swap3A_224, %swap3A_225] {strides = array<i32>} : memref<640x64xf32, #tpu.memory_space<vmem>>, vector<16xf32>,
      tpu.vector_store %arg12[%swap3A_224, %swap3A_225], %add3A_223 {strides = array<i32>} : memref<640x64xf32, #tpu.memory_space<vmem>>, vector<16xf32>,
      %get3A_227 = arith.index_cast %squeeze3A : i32 to index
      %get3A_228 = arith.constant 32 : index
      %get3A_229 = tpu.vector_load %arg12[%get3A_227, %get3A_228] {strides = array<i32>} : memref<640x64xf32, #tpu.memory_space<vmem>>, vector<16xf32>,
      %get3A_230 = arith.index_cast %scan3A_201 : i32 to index
      %get3A_231 = arith.constant 32 : index
      %get3A_232 = tpu.vector_load %arg19[%get3A_230, %get3A_231] {strides = array<i32>} : memref<80x128xf32, #tpu.memory_space<vmem>>, vector<16xf32>,
      %mul3A_233 = arith.mulf %get3A_232, %gather3A : vector<16xf32>
      %add3A_234 = arith.addf %get3A_229, %mul3A_233 : vector<16xf32>
      %swap3A_235 = arith.index_cast %squeeze3A : i32 to index
      %swap3A_236 = arith.constant 32 : index
      %swap3A_237 = tpu.vector_load %arg12[%swap3A_235, %swap3A_236] {strides = array<i32>} : memref<640x64xf32, #tpu.memory_space<vmem>>, vector<16xf32>,
      tpu.vector_store %arg12[%swap3A_235, %swap3A_236], %add3A_234 {strides = array<i32>} : memref<640x64xf32, #tpu.memory_space<vmem>>, vector<16xf32>,
      %get3A_238 = arith.index_cast %squeeze3A : i32 to index
      %get3A_239 = arith.constant 48 : index
      %get3A_240 = tpu.vector_load %arg12[%get3A_238, %get3A_239] {strides = array<i32>} : memref<640x64xf32, #tpu.memory_space<vmem>>, vector<16xf32>,
      %get3A_241 = arith.index_cast %scan3A_201 : i32 to index
      %get3A_242 = arith.constant 48 : index
      %get3A_243 = tpu.vector_load %arg19[%get3A_241, %get3A_242] {strides = array<i32>} : memref<80x128xf32, #tpu.memory_space<vmem>>, vector<16xf32>,
      %mul3A_244 = arith.mulf %get3A_243, %gather3A : vector<16xf32>
      %add3A_245 = arith.addf %get3A_240, %mul3A_244 : vector<16xf32>
      %swap3A_246 = arith.index_cast %squeeze3A : i32 to index
      %swap3A_247 = arith.constant 48 : index
      %swap3A_248 = tpu.vector_load %arg12[%swap3A_246, %swap3A_247] {strides = array<i32>} : memref<640x64xf32, #tpu.memory_space<vmem>>, vector<16xf32>,
      tpu.vector_store %arg12[%swap3A_246, %swap3A_247], %add3A_245 {strides = array<i32>} : memref<640x64xf32, #tpu.memory_space<vmem>>, vector<16xf32>,
      %scan3A_249 = arith.constant 0 : i32
      scf.yield %scan3A_249 : i32
    }
    %scan3A_181 = arith.constant 80 : i32
    %get3A_182 = arith.constant 80 : index
    %get3A_183 = tpu.vector_load %arg15[%get3A_182] {strides = array<i32>} : memref<96xi32, #tpu.memory_space<vmem>>, vector<16xi32>,
    %swap3A_184 = arith.constant 0 : index
    %swap3A_185 = tpu.vector_load %arg15[%swap3A_184] {strides = array<i32>} : memref<96xi32, #tpu.memory_space<vmem>>, vector<16xi32>,
    tpu.vector_store %arg15[%swap3A_184], %get3A_183 {strides = array<i32>} : memref<96xi32, #tpu.memory_space<vmem>>, vector<16xi32>,
    %get3A_186 = arith.constant 80 : index
    %get3A_187 = tpu.vector_load %arg16[%get3A_186] {strides = array<i32>} : memref<96xi32, #tpu.memory_space<vmem>>, vector<16xi32>,
    %swap3A_188 = arith.constant 0 : index
    %swap3A_189 = tpu.vector_load %arg16[%swap3A_188] {strides = array<i32>} : memref<96xi32, #tpu.memory_space<vmem>>, vector<16xi32>,
    tpu.vector_store %arg16[%swap3A_188], %get3A_187 {strides = array<i32>} : memref<96xi32, #tpu.memory_space<vmem>>, vector<16xi32>,
    %get3A_190 = arith.constant 80 : index
    %get3A_191 = tpu.vector_load %arg17[%get3A_190] {strides = array<i32>} : memref<96xf32, #tpu.memory_space<vmem>>, vector<16xf32>,
    %swap3A_192 = arith.constant 0 : index
    %swap3A_193 = tpu.vector_load %arg17[%swap3A_192] {strides = array<i32>} : memref<96xf32, #tpu.memory_space<vmem>>, vector<16xf32>,
    tpu.vector_store %arg17[%swap3A_192], %get3A_191 {strides = array<i32>} : memref<96xf32, #tpu.memory_space<vmem>>, vector<16xf32>,
    %eq3A = arith.constant 0 : i32
    %eq3A_194 = arith.cmpi eq, %arg0, %eq3A : i32
    %convert_element_type3A = arith.extui %eq3A_194 : i1 to i32
    %cond3A = arith.constant 0 : i32
    %cond3A_195 = arith.cmpi ne, %convert_element_type3A, %cond3A : i32
    scf.if %cond3A_195 {
      %mul3A_201 = arith.constant 640 : i32
      %mul3A_202 = arith.muli %arg1, %mul3A_201 : i32
      "tpu.region"() ({
        %run_scoped3A = tpu.sem_alloc : memref<!tpu.dma_semaphore, #tpu.memory_space<semaphore_mem>>
        %dma_start3A = arith.constant 0 : i32
        %dma_start3A_203 = tpu.memref_slice %arg7[%mul3A_202, %dma_start3A] : memref<10240x64xf32, #tpu.memory_space<hbm>> -> memref<640x64xf32, #tpu.memory_space<hbm>>
        %dma_start3A_204 = arith.constant 0 : i32
        %dma_start3A_205 = tpu.memref_slice %arg7[%mul3A_202, %dma_start3A_204] : memref<10240x64xf32, #tpu.memory_space<hbm>> -> memref<640x64xf32, #tpu.memory_space<hbm>>
        tpu.enqueue_dma source(%arg12 : memref<640x64xf32, #tpu.memory_space<vmem>>) target(%dma_start3A_205 : memref<640x64xf32, #tpu.memory_space<hbm>>) target_semaphore(%run_scoped3A : memref<!tpu.dma_semaphore, #tpu.memory_space<semaphore_mem>>)
        %dma_wait3A = arith.constant 0 : i32
        %dma_wait3A_206 = tpu.memref_slice %arg7[%mul3A_202, %dma_wait3A] : memref<10240x64xf32, #tpu.memory_space<hbm>> -> memref<640x64xf32, #tpu.memory_space<hbm>>
        %dma_wait3A_207 = arith.constant 0 : i32
        %dma_wait3A_208 = tpu.memref_slice %arg7[%mul3A_202, %dma_wait3A_207] : memref<10240x64xf32, #tpu.memory_space<hbm>> -> memref<640x64xf32, #tpu.memory_space<hbm>>
        tpu.wait_dma2 semaphore(%run_scoped3A : memref<!tpu.dma_semaphore, #tpu.memory_space<semaphore_mem>>) src(%arg12 : memref<640x64xf32, #tpu.memory_space<vmem>>) dst(%dma_wait3A_208 : memref<640x64xf32, #tpu.memory_space<hbm>>)
        tpu.yield
      }) : () -> ()
    } else {
    }
    %eq3A_196 = arith.constant 1 : i32
    %eq3A_197 = arith.cmpi eq, %arg0, %eq3A_196 : i32
    %convert_element_type3A_198 = arith.extui %eq3A_197 : i1 to i32
    %cond3A_199 = arith.constant 0 : i32
    %cond3A_200 = arith.cmpi ne, %convert_element_type3A_198, %cond3A_199 : i32
    scf.if %cond3A_200 {
      %mul3A_201 = arith.constant 640 : i32
      %mul3A_202 = arith.muli %arg1, %mul3A_201 : i32
      "tpu.region"() ({
        %run_scoped3A = tpu.sem_alloc : memref<!tpu.dma_semaphore, #tpu.memory_space<semaphore_mem>>
        %dma_start3A = arith.constant 0 : i32
        %dma_start3A_203 = tpu.memref_slice %arg8[%mul3A_202, %dma_start3A] : memref<10240x64xf32, #tpu.memory_space<hbm>> -> memref<640x64xf32, #tpu.memory_space<hbm>>
        %dma_start3A_204 = arith.constant 0 : i32
        %dma_start3A_205 = tpu.memref_slice %arg8[%mul3A_202, %dma_start3A_204] : memref<10240x64xf32, #tpu.memory_space<hbm>> -> memref<640x64xf32, #tpu.memory_space<hbm>>
        tpu.enqueue_dma source(%arg12 : memref<640x64xf32, #tpu.memory_space<vmem>>) target(%dma_start3A_205 : memref<640x64xf32, #tpu.memory_space<hbm>>) target_semaphore(%run_scoped3A : memref<!tpu.dma_semaphore, #tpu.memory_space<semaphore_mem>>)
        %dma_wait3A = arith.constant 0 : i32
        %dma_wait3A_206 = tpu.memref_slice %arg8[%mul3A_202, %dma_wait3A] : memref<10240x64xf32, #tpu.memory_space<hbm>> -> memref<640x64xf32, #tpu.memory_space<hbm>>
        %dma_wait3A_207 = arith.constant 0 : i32
        %dma_wait3A_208 = tpu.memref_slice %arg8[%mul3A_202, %dma_wait3A_207] : memref<10240x64xf32, #tpu.memory_space<hbm>> -> memref<640x64xf32, #tpu.memory_space<hbm>>
        tpu.wait_dma2 semaphore(%run_scoped3A : memref<!tpu.dma_semaphore, #tpu.memory_space<semaphore_mem>>) src(%arg12 : memref<640x64xf32, #tpu.memory_space<vmem>>) dst(%dma_wait3A_208 : memref<640x64xf32, #tpu.memory_space<hbm>>)
        tpu.yield
      }) : () -> ()
    } else {
    }
    return
  }
}

#map = affine_map<(d0, d1) -> (0, 0)>
#map1 = affine_map<(d0, d1) -> (0)>
module attributes {stable_mosaic.version = 14 : i64} {
  func.func @_edge_sc_body(%arg0: i32, %arg1: i32, %arg2: memref<10000x128xf32, #tpu.memory_space<hbm>>, %arg3: memref<320000xi32, #tpu.memory_space<hbm>>, %arg4: memref<320000xi32, #tpu.memory_space<hbm>>, %arg5: memref<64xf32, #tpu.memory_space<hbm>>, %arg6: memref<16xf32, #tpu.memory_space<hbm>>, %arg7: memref<320000xf32, #tpu.memory_space<hbm>>, %arg8: memref<2000xi32, #tpu.memory_space<vmem>>, %arg9: memref<2000xi32, #tpu.memory_space<vmem>>, %arg10: memref<2x2x80x128xf32, #tpu.memory_space<vmem>>, %arg11: memref<64xf32, #tpu.memory_space<vmem>>, %arg12: memref<16xf32, #tpu.memory_space<vmem>>, %arg13: memref<2000xf32, #tpu.memory_space<vmem>>, %arg14: memref<2x80xi32, #tpu.memory_space<vmem>>, %arg15: memref<2x80xi32, #tpu.memory_space<vmem>>, %arg16: memref<2x!tpu.dma_semaphore, #tpu.memory_space<semaphore_mem>>, %arg17: memref<2x!tpu.dma_semaphore, #tpu.memory_space<semaphore_mem>>) attributes {dimension_semantics = [#tpu.dimension_semantics<core_parallel>, #tpu.dimension_semantics<subcore_parallel>], iteration_bounds = array<i64: 2, 16>, scalar_prefetch = 0 : i64, scratch_operands = 10 : i64, tpu.core_type = #tpu.core_type<sc_vector_subcore>, window_params = [{transform_indices = #map}, {transform_indices = #map1}, {transform_indices = #map1}, {transform_indices = #map1}, {transform_indices = #map1}, {transform_indices = #map1}]} {
    %mul3A = arith.constant 2 : i32
    %mul3A_0 = arith.muli %arg1, %mul3A : i32
    %add3A = arith.addi %mul3A_0, %arg0 : i32
    %mul3A_1 = arith.constant 10000 : i32
    %mul3A_2 = arith.muli %add3A, %mul3A_1 : i32
    "tpu.region"() ({
      %run_scoped3A = tpu.sem_alloc : memref<!tpu.dma_semaphore, #tpu.memory_space<semaphore_mem>>
      tpu.enqueue_dma source(%arg5 : memref<64xf32, #tpu.memory_space<hbm>>) target(%arg11 : memref<64xf32, #tpu.memory_space<vmem>>) target_semaphore(%run_scoped3A : memref<!tpu.dma_semaphore, #tpu.memory_space<semaphore_mem>>)
      tpu.wait_dma2 semaphore(%run_scoped3A : memref<!tpu.dma_semaphore, #tpu.memory_space<semaphore_mem>>) src(%arg5 : memref<64xf32, #tpu.memory_space<hbm>>) dst(%arg11 : memref<64xf32, #tpu.memory_space<vmem>>)
      tpu.yield
    }) : () -> ()
    "tpu.region"() ({
      %run_scoped3A = tpu.sem_alloc : memref<!tpu.dma_semaphore, #tpu.memory_space<semaphore_mem>>
      tpu.enqueue_dma source(%arg6 : memref<16xf32, #tpu.memory_space<hbm>>) target(%arg12 : memref<16xf32, #tpu.memory_space<vmem>>) target_semaphore(%run_scoped3A : memref<!tpu.dma_semaphore, #tpu.memory_space<semaphore_mem>>)
      tpu.wait_dma2 semaphore(%run_scoped3A : memref<!tpu.dma_semaphore, #tpu.memory_space<semaphore_mem>>) src(%arg6 : memref<16xf32, #tpu.memory_space<hbm>>) dst(%arg12 : memref<16xf32, #tpu.memory_space<vmem>>)
      tpu.yield
    }) : () -> ()
    %scan3A = arith.constant 0 : i32
    %scan3A_3 = arith.constant 0 : i32
    %scan3A_4 = arith.constant 5 : i32
    %scan3A_5 = arith.addi %scan3A_3, %scan3A_4 : i32
    %scan3A_6 = arith.constant 1 : i32
    %scan3A_7 = scf.for %scan3A_9 = %scan3A_3 to %scan3A_5 step %scan3A_6 iter_args(%scan3A_10 = %scan3A) -> (i32)  : i32 {
      %mul3A_11 = arith.constant 2000 : i32
      %mul3A_12 = arith.muli %scan3A_9, %mul3A_11 : i32
      %add3A_13 = arith.addi %mul3A_2, %mul3A_12 : i32
      "tpu.region"() ({
        %run_scoped3A = tpu.sem_alloc : memref<!tpu.dma_semaphore, #tpu.memory_space<semaphore_mem>>
        %dma_start3A_256 = tpu.memref_slice %arg3[%add3A_13] : memref<320000xi32, #tpu.memory_space<hbm>> -> memref<2000xi32, #tpu.memory_space<hbm>>
        %dma_start3A_257 = tpu.memref_slice %arg3[%add3A_13] : memref<320000xi32, #tpu.memory_space<hbm>> -> memref<2000xi32, #tpu.memory_space<hbm>>
        tpu.enqueue_dma source(%dma_start3A_257 : memref<2000xi32, #tpu.memory_space<hbm>>) target(%arg8 : memref<2000xi32, #tpu.memory_space<vmem>>) target_semaphore(%run_scoped3A : memref<!tpu.dma_semaphore, #tpu.memory_space<semaphore_mem>>)
        %dma_wait3A_258 = tpu.memref_slice %arg3[%add3A_13] : memref<320000xi32, #tpu.memory_space<hbm>> -> memref<2000xi32, #tpu.memory_space<hbm>>
        %dma_wait3A_259 = tpu.memref_slice %arg3[%add3A_13] : memref<320000xi32, #tpu.memory_space<hbm>> -> memref<2000xi32, #tpu.memory_space<hbm>>
        tpu.wait_dma2 semaphore(%run_scoped3A : memref<!tpu.dma_semaphore, #tpu.memory_space<semaphore_mem>>) src(%dma_wait3A_259 : memref<2000xi32, #tpu.memory_space<hbm>>) dst(%arg8 : memref<2000xi32, #tpu.memory_space<vmem>>)
        tpu.yield
      }) : () -> ()
      %mul3A_14 = arith.constant 2000 : i32
      %mul3A_15 = arith.muli %scan3A_9, %mul3A_14 : i32
      %add3A_16 = arith.addi %mul3A_2, %mul3A_15 : i32
      "tpu.region"() ({
        %run_scoped3A = tpu.sem_alloc : memref<!tpu.dma_semaphore, #tpu.memory_space<semaphore_mem>>
        %dma_start3A_256 = tpu.memref_slice %arg4[%add3A_16] : memref<320000xi32, #tpu.memory_space<hbm>> -> memref<2000xi32, #tpu.memory_space<hbm>>
        %dma_start3A_257 = tpu.memref_slice %arg4[%add3A_16] : memref<320000xi32, #tpu.memory_space<hbm>> -> memref<2000xi32, #tpu.memory_space<hbm>>
        tpu.enqueue_dma source(%dma_start3A_257 : memref<2000xi32, #tpu.memory_space<hbm>>) target(%arg9 : memref<2000xi32, #tpu.memory_space<vmem>>) target_semaphore(%run_scoped3A : memref<!tpu.dma_semaphore, #tpu.memory_space<semaphore_mem>>)
        %dma_wait3A_258 = tpu.memref_slice %arg4[%add3A_16] : memref<320000xi32, #tpu.memory_space<hbm>> -> memref<2000xi32, #tpu.memory_space<hbm>>
        %dma_wait3A_259 = tpu.memref_slice %arg4[%add3A_16] : memref<320000xi32, #tpu.memory_space<hbm>> -> memref<2000xi32, #tpu.memory_space<hbm>>
        tpu.wait_dma2 semaphore(%run_scoped3A : memref<!tpu.dma_semaphore, #tpu.memory_space<semaphore_mem>>) src(%dma_wait3A_259 : memref<2000xi32, #tpu.memory_space<hbm>>) dst(%arg9 : memref<2000xi32, #tpu.memory_space<vmem>>)
        tpu.yield
      }) : () -> ()
      %get3A = arith.constant 0 : index
      %get3A_17 = tpu.vector_load %arg8[%get3A] {strides = array<i32>} : memref<2000xi32, #tpu.memory_space<vmem>>, vector<16xi32>,
      %swap3A = arith.constant 0 : i32
      %swap3A_18 = arith.index_cast %swap3A : i32 to index
      %swap3A_19 = arith.constant 0 : index
      %swap3A_20 = tpu.vector_load %arg14[%swap3A_18, %swap3A_19] {strides = array<i32>} : memref<2x80xi32, #tpu.memory_space<vmem>>, vector<16xi32>,
      tpu.vector_store %arg14[%swap3A_18, %swap3A_19], %get3A_17 {strides = array<i32>} : memref<2x80xi32, #tpu.memory_space<vmem>>, vector<16xi32>,
      %get3A_21 = arith.constant 0 : index
      %get3A_22 = tpu.vector_load %arg9[%get3A_21] {strides = array<i32>} : memref<2000xi32, #tpu.memory_space<vmem>>, vector<16xi32>,
      %swap3A_23 = arith.constant 0 : i32
      %swap3A_24 = arith.index_cast %swap3A_23 : i32 to index
      %swap3A_25 = arith.constant 0 : index
      %swap3A_26 = tpu.vector_load %arg15[%swap3A_24, %swap3A_25] {strides = array<i32>} : memref<2x80xi32, #tpu.memory_space<vmem>>, vector<16xi32>,
      tpu.vector_store %arg15[%swap3A_24, %swap3A_25], %get3A_22 {strides = array<i32>} : memref<2x80xi32, #tpu.memory_space<vmem>>, vector<16xi32>,
      %get3A_27 = arith.constant 16 : index
      %get3A_28 = tpu.vector_load %arg8[%get3A_27] {strides = array<i32>} : memref<2000xi32, #tpu.memory_space<vmem>>, vector<16xi32>,
      %swap3A_29 = arith.constant 0 : i32
      %swap3A_30 = arith.index_cast %swap3A_29 : i32 to index
      %swap3A_31 = arith.constant 16 : index
      %swap3A_32 = tpu.vector_load %arg14[%swap3A_30, %swap3A_31] {strides = array<i32>} : memref<2x80xi32, #tpu.memory_space<vmem>>, vector<16xi32>,
      tpu.vector_store %arg14[%swap3A_30, %swap3A_31], %get3A_28 {strides = array<i32>} : memref<2x80xi32, #tpu.memory_space<vmem>>, vector<16xi32>,
      %get3A_33 = arith.constant 16 : index
      %get3A_34 = tpu.vector_load %arg9[%get3A_33] {strides = array<i32>} : memref<2000xi32, #tpu.memory_space<vmem>>, vector<16xi32>,
      %swap3A_35 = arith.constant 0 : i32
      %swap3A_36 = arith.index_cast %swap3A_35 : i32 to index
      %swap3A_37 = arith.constant 16 : index
      %swap3A_38 = tpu.vector_load %arg15[%swap3A_36, %swap3A_37] {strides = array<i32>} : memref<2x80xi32, #tpu.memory_space<vmem>>, vector<16xi32>,
      tpu.vector_store %arg15[%swap3A_36, %swap3A_37], %get3A_34 {strides = array<i32>} : memref<2x80xi32, #tpu.memory_space<vmem>>, vector<16xi32>,
      %get3A_39 = arith.constant 32 : index
      %get3A_40 = tpu.vector_load %arg8[%get3A_39] {strides = array<i32>} : memref<2000xi32, #tpu.memory_space<vmem>>, vector<16xi32>,
      %swap3A_41 = arith.constant 0 : i32
      %swap3A_42 = arith.index_cast %swap3A_41 : i32 to index
      %swap3A_43 = arith.constant 32 : index
      %swap3A_44 = tpu.vector_load %arg14[%swap3A_42, %swap3A_43] {strides = array<i32>} : memref<2x80xi32, #tpu.memory_space<vmem>>, vector<16xi32>,
      tpu.vector_store %arg14[%swap3A_42, %swap3A_43], %get3A_40 {strides = array<i32>} : memref<2x80xi32, #tpu.memory_space<vmem>>, vector<16xi32>,
      %get3A_45 = arith.constant 32 : index
      %get3A_46 = tpu.vector_load %arg9[%get3A_45] {strides = array<i32>} : memref<2000xi32, #tpu.memory_space<vmem>>, vector<16xi32>,
      %swap3A_47 = arith.constant 0 : i32
      %swap3A_48 = arith.index_cast %swap3A_47 : i32 to index
      %swap3A_49 = arith.constant 32 : index
      %swap3A_50 = tpu.vector_load %arg15[%swap3A_48, %swap3A_49] {strides = array<i32>} : memref<2x80xi32, #tpu.memory_space<vmem>>, vector<16xi32>,
      tpu.vector_store %arg15[%swap3A_48, %swap3A_49], %get3A_46 {strides = array<i32>} : memref<2x80xi32, #tpu.memory_space<vmem>>, vector<16xi32>,
      %get3A_51 = arith.constant 48 : index
      %get3A_52 = tpu.vector_load %arg8[%get3A_51] {strides = array<i32>} : memref<2000xi32, #tpu.memory_space<vmem>>, vector<16xi32>,
      %swap3A_53 = arith.constant 0 : i32
      %swap3A_54 = arith.index_cast %swap3A_53 : i32 to index
      %swap3A_55 = arith.constant 48 : index
      %swap3A_56 = tpu.vector_load %arg14[%swap3A_54, %swap3A_55] {strides = array<i32>} : memref<2x80xi32, #tpu.memory_space<vmem>>, vector<16xi32>,
      tpu.vector_store %arg14[%swap3A_54, %swap3A_55], %get3A_52 {strides = array<i32>} : memref<2x80xi32, #tpu.memory_space<vmem>>, vector<16xi32>,
      %get3A_57 = arith.constant 48 : index
      %get3A_58 = tpu.vector_load %arg9[%get3A_57] {strides = array<i32>} : memref<2000xi32, #tpu.memory_space<vmem>>, vector<16xi32>,
      %swap3A_59 = arith.constant 0 : i32
      %swap3A_60 = arith.index_cast %swap3A_59 : i32 to index
      %swap3A_61 = arith.constant 48 : index
      %swap3A_62 = tpu.vector_load %arg15[%swap3A_60, %swap3A_61] {strides = array<i32>} : memref<2x80xi32, #tpu.memory_space<vmem>>, vector<16xi32>,
      tpu.vector_store %arg15[%swap3A_60, %swap3A_61], %get3A_58 {strides = array<i32>} : memref<2x80xi32, #tpu.memory_space<vmem>>, vector<16xi32>,
      %get3A_63 = arith.constant 64 : index
      %get3A_64 = tpu.vector_load %arg8[%get3A_63] {strides = array<i32>} : memref<2000xi32, #tpu.memory_space<vmem>>, vector<16xi32>,
      %swap3A_65 = arith.constant 0 : i32
      %swap3A_66 = arith.index_cast %swap3A_65 : i32 to index
      %swap3A_67 = arith.constant 64 : index
      %swap3A_68 = tpu.vector_load %arg14[%swap3A_66, %swap3A_67] {strides = array<i32>} : memref<2x80xi32, #tpu.memory_space<vmem>>, vector<16xi32>,
      tpu.vector_store %arg14[%swap3A_66, %swap3A_67], %get3A_64 {strides = array<i32>} : memref<2x80xi32, #tpu.memory_space<vmem>>, vector<16xi32>,
      %get3A_69 = arith.constant 64 : index
      %get3A_70 = tpu.vector_load %arg9[%get3A_69] {strides = array<i32>} : memref<2000xi32, #tpu.memory_space<vmem>>, vector<16xi32>,
      %swap3A_71 = arith.constant 0 : i32
      %swap3A_72 = arith.index_cast %swap3A_71 : i32 to index
      %swap3A_73 = arith.constant 64 : index
      %swap3A_74 = tpu.vector_load %arg15[%swap3A_72, %swap3A_73] {strides = array<i32>} : memref<2x80xi32, #tpu.memory_space<vmem>>, vector<16xi32>,
      tpu.vector_store %arg15[%swap3A_72, %swap3A_73], %get3A_70 {strides = array<i32>} : memref<2x80xi32, #tpu.memory_space<vmem>>, vector<16xi32>,
      %dma_start3A = arith.constant 0 : i32
      %dma_start3A_75 = arith.constant 0 : i32
      %dma_start3A_76 = arith.constant 0 : i32
      %dma_start3A_77 = arith.constant 0 : i32
      %dma_start3A_78 = arith.constant 0 : i32
      %dma_start3A_79 = arith.constant 0 : i32
      %dma_start3A_80 = tpu.memref_slice %arg10[%dma_start3A_75, %dma_start3A_76, %dma_start3A_78, %dma_start3A_79] : memref<2x2x80x128xf32, #tpu.memory_space<vmem>> -> memref<1x1x80x128xf32, #tpu.memory_space<vmem>>
      %dma_start3A_81 = tpu.memref_squeeze %dma_start3A_80 : memref<1x1x80x128xf32, #tpu.memory_space<vmem>> -> memref<80x128xf32, #tpu.memory_space<vmem>>
      %dma_start3A_82 = arith.constant 0 : i32
      %dma_start3A_83 = tpu.memref_slice %arg14[%dma_start3A, %dma_start3A_82] : memref<2x80xi32, #tpu.memory_space<vmem>> -> memref<1x80xi32, #tpu.memory_space<vmem>>
      %dma_start3A_84 = tpu.memref_squeeze %dma_start3A_83 : memref<1x80xi32, #tpu.memory_space<vmem>> -> memref<80xi32, #tpu.memory_space<vmem>>
      %dma_start3A_85 = arith.constant 0 : i32
      %dma_start3A_86 = arith.constant 0 : i32
      %dma_start3A_87 = tpu.memref_slice %arg2[%dma_start3A_85, %dma_start3A_86] : memref<10000x128xf32, #tpu.memory_space<hbm>> -> memref<10000x128xf32, #tpu.memory_space<hbm>>
      %dma_start3A_88 = tpu.memref_slice %arg16[%dma_start3A_77] : memref<2x!tpu.dma_semaphore, #tpu.memory_space<semaphore_mem>> -> memref<1x!tpu.dma_semaphore, #tpu.memory_space<semaphore_mem>>
      %dma_start3A_89 = tpu.memref_squeeze %dma_start3A_88 : memref<1x!tpu.dma_semaphore, #tpu.memory_space<semaphore_mem>> -> memref<!tpu.dma_semaphore, #tpu.memory_space<semaphore_mem>>
      tpu.enqueue_indirect_dma source(%dma_start3A_87 : memref<10000x128xf32, #tpu.memory_space<hbm>>) target(%dma_start3A_81 : memref<80x128xf32, #tpu.memory_space<vmem>>) offsets(%dma_start3A_84 : memref<80xi32, #tpu.memory_space<vmem>>) semaphore(%dma_start3A_89 : memref<!tpu.dma_semaphore, #tpu.memory_space<semaphore_mem>>)
      %dma_start3A_90 = arith.constant 0 : i32
      %dma_start3A_91 = arith.constant 1 : i32
      %dma_start3A_92 = arith.constant 0 : i32
      %dma_start3A_93 = arith.constant 0 : i32
      %dma_start3A_94 = arith.constant 0 : i32
      %dma_start3A_95 = arith.constant 0 : i32
      %dma_start3A_96 = tpu.memref_slice %arg10[%dma_start3A_91, %dma_start3A_92, %dma_start3A_94, %dma_start3A_95] : memref<2x2x80x128xf32, #tpu.memory_space<vmem>> -> memref<1x1x80x128xf32, #tpu.memory_space<vmem>>
      %dma_start3A_97 = tpu.memref_squeeze %dma_start3A_96 : memref<1x1x80x128xf32, #tpu.memory_space<vmem>> -> memref<80x128xf32, #tpu.memory_space<vmem>>
      %dma_start3A_98 = arith.constant 0 : i32
      %dma_start3A_99 = tpu.memref_slice %arg15[%dma_start3A_90, %dma_start3A_98] : memref<2x80xi32, #tpu.memory_space<vmem>> -> memref<1x80xi32, #tpu.memory_space<vmem>>
      %dma_start3A_100 = tpu.memref_squeeze %dma_start3A_99 : memref<1x80xi32, #tpu.memory_space<vmem>> -> memref<80xi32, #tpu.memory_space<vmem>>
      %dma_start3A_101 = arith.constant 0 : i32
      %dma_start3A_102 = arith.constant 0 : i32
      %dma_start3A_103 = tpu.memref_slice %arg2[%dma_start3A_101, %dma_start3A_102] : memref<10000x128xf32, #tpu.memory_space<hbm>> -> memref<10000x128xf32, #tpu.memory_space<hbm>>
      %dma_start3A_104 = tpu.memref_slice %arg17[%dma_start3A_93] : memref<2x!tpu.dma_semaphore, #tpu.memory_space<semaphore_mem>> -> memref<1x!tpu.dma_semaphore, #tpu.memory_space<semaphore_mem>>
      %dma_start3A_105 = tpu.memref_squeeze %dma_start3A_104 : memref<1x!tpu.dma_semaphore, #tpu.memory_space<semaphore_mem>> -> memref<!tpu.dma_semaphore, #tpu.memory_space<semaphore_mem>>
      tpu.enqueue_indirect_dma source(%dma_start3A_103 : memref<10000x128xf32, #tpu.memory_space<hbm>>) target(%dma_start3A_97 : memref<80x128xf32, #tpu.memory_space<vmem>>) offsets(%dma_start3A_100 : memref<80xi32, #tpu.memory_space<vmem>>) semaphore(%dma_start3A_105 : memref<!tpu.dma_semaphore, #tpu.memory_space<semaphore_mem>>)
      %scan3A_106 = arith.constant 0 : i32
      %scan3A_107 = arith.constant 0 : i32
      %scan3A_108 = arith.constant 12 : i32
      %scan3A_109 = arith.addi %scan3A_107, %scan3A_108 : i32
      %scan3A_110 = arith.constant 1 : i32
      %scan3A_111 = scf.for %scan3A_256 = %scan3A_107 to %scan3A_109 step %scan3A_110 iter_args(%scan3A_257 = %scan3A_106) -> (i32)  : i32 {
        %mul3A_258 = arith.constant 2 : i32
        %mul3A_259 = arith.muli %mul3A_258, %scan3A_256 : i32
        %add3A_260 = arith.constant 1 : i32
        %add3A_261 = arith.addi %mul3A_259, %add3A_260 : i32
        %mul3A_262 = arith.constant 80 : i32
        %mul3A_263 = arith.muli %add3A_261, %mul3A_262 : i32
        %add3A_264 = arith.constant 0 : i32
        %add3A_265 = arith.addi %mul3A_263, %add3A_264 : i32
        %get3A_266 = arith.index_cast %add3A_265 : i32 to index
        %get3A_267 = tpu.vector_load %arg8[%get3A_266] {strides = array<i32>} : memref<2000xi32, #tpu.memory_space<vmem>>, vector<16xi32>,
        %swap3A_268 = arith.constant 1 : i32
        %swap3A_269 = arith.index_cast %swap3A_268 : i32 to index
        %swap3A_270 = arith.constant 0 : index
        %swap3A_271 = tpu.vector_load %arg14[%swap3A_269, %swap3A_270] {strides = array<i32>} : memref<2x80xi32, #tpu.memory_space<vmem>>, vector<16xi32>,
        tpu.vector_store %arg14[%swap3A_269, %swap3A_270], %get3A_267 {strides = array<i32>} : memref<2x80xi32, #tpu.memory_space<vmem>>, vector<16xi32>,
        %mul3A_272 = arith.constant 80 : i32
        %mul3A_273 = arith.muli %add3A_261, %mul3A_272 : i32
        %add3A_274 = arith.constant 0 : i32
        %add3A_275 = arith.addi %mul3A_273, %add3A_274 : i32
        %get3A_276 = arith.index_cast %add3A_275 : i32 to index
        %get3A_277 = tpu.vector_load %arg9[%get3A_276] {strides = array<i32>} : memref<2000xi32, #tpu.memory_space<vmem>>, vector<16xi32>,
        %swap3A_278 = arith.constant 1 : i32
        %swap3A_279 = arith.index_cast %swap3A_278 : i32 to index
        %swap3A_280 = arith.constant 0 : index
        %swap3A_281 = tpu.vector_load %arg15[%swap3A_279, %swap3A_280] {strides = array<i32>} : memref<2x80xi32, #tpu.memory_space<vmem>>, vector<16xi32>,
        tpu.vector_store %arg15[%swap3A_279, %swap3A_280], %get3A_277 {strides = array<i32>} : memref<2x80xi32, #tpu.memory_space<vmem>>, vector<16xi32>,
        %mul3A_282 = arith.constant 80 : i32
        %mul3A_283 = arith.muli %add3A_261, %mul3A_282 : i32
        %add3A_284 = arith.constant 16 : i32
        %add3A_285 = arith.addi %mul3A_283, %add3A_284 : i32
        %get3A_286 = arith.index_cast %add3A_285 : i32 to index
        %get3A_287 = tpu.vector_load %arg8[%get3A_286] {strides = array<i32>} : memref<2000xi32, #tpu.memory_space<vmem>>, vector<16xi32>,
        %swap3A_288 = arith.constant 1 : i32
        %swap3A_289 = arith.index_cast %swap3A_288 : i32 to index
        %swap3A_290 = arith.constant 16 : index
        %swap3A_291 = tpu.vector_load %arg14[%swap3A_289, %swap3A_290] {strides = array<i32>} : memref<2x80xi32, #tpu.memory_space<vmem>>, vector<16xi32>,
        tpu.vector_store %arg14[%swap3A_289, %swap3A_290], %get3A_287 {strides = array<i32>} : memref<2x80xi32, #tpu.memory_space<vmem>>, vector<16xi32>,
        %mul3A_292 = arith.constant 80 : i32
        %mul3A_293 = arith.muli %add3A_261, %mul3A_292 : i32
        %add3A_294 = arith.constant 16 : i32
        %add3A_295 = arith.addi %mul3A_293, %add3A_294 : i32
        %get3A_296 = arith.index_cast %add3A_295 : i32 to index
        %get3A_297 = tpu.vector_load %arg9[%get3A_296] {strides = array<i32>} : memref<2000xi32, #tpu.memory_space<vmem>>, vector<16xi32>,
        %swap3A_298 = arith.constant 1 : i32
        %swap3A_299 = arith.index_cast %swap3A_298 : i32 to index
        %swap3A_300 = arith.constant 16 : index
        %swap3A_301 = tpu.vector_load %arg15[%swap3A_299, %swap3A_300] {strides = array<i32>} : memref<2x80xi32, #tpu.memory_space<vmem>>, vector<16xi32>,
        tpu.vector_store %arg15[%swap3A_299, %swap3A_300], %get3A_297 {strides = array<i32>} : memref<2x80xi32, #tpu.memory_space<vmem>>, vector<16xi32>,
        %mul3A_302 = arith.constant 80 : i32
        %mul3A_303 = arith.muli %add3A_261, %mul3A_302 : i32
        %add3A_304 = arith.constant 32 : i32
        %add3A_305 = arith.addi %mul3A_303, %add3A_304 : i32
        %get3A_306 = arith.index_cast %add3A_305 : i32 to index
        %get3A_307 = tpu.vector_load %arg8[%get3A_306] {strides = array<i32>} : memref<2000xi32, #tpu.memory_space<vmem>>, vector<16xi32>,
        %swap3A_308 = arith.constant 1 : i32
        %swap3A_309 = arith.index_cast %swap3A_308 : i32 to index
        %swap3A_310 = arith.constant 32 : index
        %swap3A_311 = tpu.vector_load %arg14[%swap3A_309, %swap3A_310] {strides = array<i32>} : memref<2x80xi32, #tpu.memory_space<vmem>>, vector<16xi32>,
        tpu.vector_store %arg14[%swap3A_309, %swap3A_310], %get3A_307 {strides = array<i32>} : memref<2x80xi32, #tpu.memory_space<vmem>>, vector<16xi32>,
        %mul3A_312 = arith.constant 80 : i32
        %mul3A_313 = arith.muli %add3A_261, %mul3A_312 : i32
        %add3A_314 = arith.constant 32 : i32
        %add3A_315 = arith.addi %mul3A_313, %add3A_314 : i32
        %get3A_316 = arith.index_cast %add3A_315 : i32 to index
        %get3A_317 = tpu.vector_load %arg9[%get3A_316] {strides = array<i32>} : memref<2000xi32, #tpu.memory_space<vmem>>, vector<16xi32>,
        %swap3A_318 = arith.constant 1 : i32
        %swap3A_319 = arith.index_cast %swap3A_318 : i32 to index
        %swap3A_320 = arith.constant 32 : index
        %swap3A_321 = tpu.vector_load %arg15[%swap3A_319, %swap3A_320] {strides = array<i32>} : memref<2x80xi32, #tpu.memory_space<vmem>>, vector<16xi32>,
        tpu.vector_store %arg15[%swap3A_319, %swap3A_320], %get3A_317 {strides = array<i32>} : memref<2x80xi32, #tpu.memory_space<vmem>>, vector<16xi32>,
        %mul3A_322 = arith.constant 80 : i32
        %mul3A_323 = arith.muli %add3A_261, %mul3A_322 : i32
        %add3A_324 = arith.constant 48 : i32
        %add3A_325 = arith.addi %mul3A_323, %add3A_324 : i32
        %get3A_326 = arith.index_cast %add3A_325 : i32 to index
        %get3A_327 = tpu.vector_load %arg8[%get3A_326] {strides = array<i32>} : memref<2000xi32, #tpu.memory_space<vmem>>, vector<16xi32>,
        %swap3A_328 = arith.constant 1 : i32
        %swap3A_329 = arith.index_cast %swap3A_328 : i32 to index
        %swap3A_330 = arith.constant 48 : index
        %swap3A_331 = tpu.vector_load %arg14[%swap3A_329, %swap3A_330] {strides = array<i32>} : memref<2x80xi32, #tpu.memory_space<vmem>>, vector<16xi32>,
        tpu.vector_store %arg14[%swap3A_329, %swap3A_330], %get3A_327 {strides = array<i32>} : memref<2x80xi32, #tpu.memory_space<vmem>>, vector<16xi32>,
        %mul3A_332 = arith.constant 80 : i32
        %mul3A_333 = arith.muli %add3A_261, %mul3A_332 : i32
        %add3A_334 = arith.constant 48 : i32
        %add3A_335 = arith.addi %mul3A_333, %add3A_334 : i32
        %get3A_336 = arith.index_cast %add3A_335 : i32 to index
        %get3A_337 = tpu.vector_load %arg9[%get3A_336] {strides = array<i32>} : memref<2000xi32, #tpu.memory_space<vmem>>, vector<16xi32>,
        %swap3A_338 = arith.constant 1 : i32
        %swap3A_339 = arith.index_cast %swap3A_338 : i32 to index
        %swap3A_340 = arith.constant 48 : index
        %swap3A_341 = tpu.vector_load %arg15[%swap3A_339, %swap3A_340] {strides = array<i32>} : memref<2x80xi32, #tpu.memory_space<vmem>>, vector<16xi32>,
        tpu.vector_store %arg15[%swap3A_339, %swap3A_340], %get3A_337 {strides = array<i32>} : memref<2x80xi32, #tpu.memory_space<vmem>>, vector<16xi32>,
        %mul3A_342 = arith.constant 80 : i32
        %mul3A_343 = arith.muli %add3A_261, %mul3A_342 : i32
        %add3A_344 = arith.constant 64 : i32
        %add3A_345 = arith.addi %mul3A_343, %add3A_344 : i32
        %get3A_346 = arith.index_cast %add3A_345 : i32 to index
        %get3A_347 = tpu.vector_load %arg8[%get3A_346] {strides = array<i32>} : memref<2000xi32, #tpu.memory_space<vmem>>, vector<16xi32>,
        %swap3A_348 = arith.constant 1 : i32
        %swap3A_349 = arith.index_cast %swap3A_348 : i32 to index
        %swap3A_350 = arith.constant 64 : index
        %swap3A_351 = tpu.vector_load %arg14[%swap3A_349, %swap3A_350] {strides = array<i32>} : memref<2x80xi32, #tpu.memory_space<vmem>>, vector<16xi32>,
        tpu.vector_store %arg14[%swap3A_349, %swap3A_350], %get3A_347 {strides = array<i32>} : memref<2x80xi32, #tpu.memory_space<vmem>>, vector<16xi32>,
        %mul3A_352 = arith.constant 80 : i32
        %mul3A_353 = arith.muli %add3A_261, %mul3A_352 : i32
        %add3A_354 = arith.constant 64 : i32
        %add3A_355 = arith.addi %mul3A_353, %add3A_354 : i32
        %get3A_356 = arith.index_cast %add3A_355 : i32 to index
        %get3A_357 = tpu.vector_load %arg9[%get3A_356] {strides = array<i32>} : memref<2000xi32, #tpu.memory_space<vmem>>, vector<16xi32>,
        %swap3A_358 = arith.constant 1 : i32
        %swap3A_359 = arith.index_cast %swap3A_358 : i32 to index
        %swap3A_360 = arith.constant 64 : index
        %swap3A_361 = tpu.vector_load %arg15[%swap3A_359, %swap3A_360] {strides = array<i32>} : memref<2x80xi32, #tpu.memory_space<vmem>>, vector<16xi32>,
        tpu.vector_store %arg15[%swap3A_359, %swap3A_360], %get3A_357 {strides = array<i32>} : memref<2x80xi32, #tpu.memory_space<vmem>>, vector<16xi32>,
        %dma_start3A_362 = arith.constant 1 : i32
        %dma_start3A_363 = arith.constant 0 : i32
        %dma_start3A_364 = arith.constant 1 : i32
        %dma_start3A_365 = arith.constant 1 : i32
        %dma_start3A_366 = arith.constant 0 : i32
        %dma_start3A_367 = arith.constant 0 : i32
        %dma_start3A_368 = tpu.memref_slice %arg10[%dma_start3A_363, %dma_start3A_364, %dma_start3A_366, %dma_start3A_367] : memref<2x2x80x128xf32, #tpu.memory_space<vmem>> -> memref<1x1x80x128xf32, #tpu.memory_space<vmem>>
        %dma_start3A_369 = tpu.memref_squeeze %dma_start3A_368 : memref<1x1x80x128xf32, #tpu.memory_space<vmem>> -> memref<80x128xf32, #tpu.memory_space<vmem>>
        %dma_start3A_370 = arith.constant 0 : i32
        %dma_start3A_371 = tpu.memref_slice %arg14[%dma_start3A_362, %dma_start3A_370] : memref<2x80xi32, #tpu.memory_space<vmem>> -> memref<1x80xi32, #tpu.memory_space<vmem>>
        %dma_start3A_372 = tpu.memref_squeeze %dma_start3A_371 : memref<1x80xi32, #tpu.memory_space<vmem>> -> memref<80xi32, #tpu.memory_space<vmem>>
        %dma_start3A_373 = arith.constant 0 : i32
        %dma_start3A_374 = arith.constant 0 : i32
        %dma_start3A_375 = tpu.memref_slice %arg2[%dma_start3A_373, %dma_start3A_374] : memref<10000x128xf32, #tpu.memory_space<hbm>> -> memref<10000x128xf32, #tpu.memory_space<hbm>>
        %dma_start3A_376 = tpu.memref_slice %arg16[%dma_start3A_365] : memref<2x!tpu.dma_semaphore, #tpu.memory_space<semaphore_mem>> -> memref<1x!tpu.dma_semaphore, #tpu.memory_space<semaphore_mem>>
        %dma_start3A_377 = tpu.memref_squeeze %dma_start3A_376 : memref<1x!tpu.dma_semaphore, #tpu.memory_space<semaphore_mem>> -> memref<!tpu.dma_semaphore, #tpu.memory_space<semaphore_mem>>
        tpu.enqueue_indirect_dma source(%dma_start3A_375 : memref<10000x128xf32, #tpu.memory_space<hbm>>) target(%dma_start3A_369 : memref<80x128xf32, #tpu.memory_space<vmem>>) offsets(%dma_start3A_372 : memref<80xi32, #tpu.memory_space<vmem>>) semaphore(%dma_start3A_377 : memref<!tpu.dma_semaphore, #tpu.memory_space<semaphore_mem>>)
        %dma_start3A_378 = arith.constant 1 : i32
        %dma_start3A_379 = arith.constant 1 : i32
        %dma_start3A_380 = arith.constant 1 : i32
        %dma_start3A_381 = arith.constant 1 : i32
        %dma_start3A_382 = arith.constant 0 : i32
        %dma_start3A_383 = arith.constant 0 : i32
        %dma_start3A_384 = tpu.memref_slice %arg10[%dma_start3A_379, %dma_start3A_380, %dma_start3A_382, %dma_start3A_383] : memref<2x2x80x128xf32, #tpu.memory_space<vmem>> -> memref<1x1x80x128xf32, #tpu.memory_space<vmem>>
        %dma_start3A_385 = tpu.memref_squeeze %dma_start3A_384 : memref<1x1x80x128xf32, #tpu.memory_space<vmem>> -> memref<80x128xf32, #tpu.memory_space<vmem>>
        %dma_start3A_386 = arith.constant 0 : i32
        %dma_start3A_387 = tpu.memref_slice %arg15[%dma_start3A_378, %dma_start3A_386] : memref<2x80xi32, #tpu.memory_space<vmem>> -> memref<1x80xi32, #tpu.memory_space<vmem>>
        %dma_start3A_388 = tpu.memref_squeeze %dma_start3A_387 : memref<1x80xi32, #tpu.memory_space<vmem>> -> memref<80xi32, #tpu.memory_space<vmem>>
        %dma_start3A_389 = arith.constant 0 : i32
        %dma_start3A_390 = arith.constant 0 : i32
        %dma_start3A_391 = tpu.memref_slice %arg2[%dma_start3A_389, %dma_start3A_390] : memref<10000x128xf32, #tpu.memory_space<hbm>> -> memref<10000x128xf32, #tpu.memory_space<hbm>>
        %dma_start3A_392 = tpu.memref_slice %arg17[%dma_start3A_381] : memref<2x!tpu.dma_semaphore, #tpu.memory_space<semaphore_mem>> -> memref<1x!tpu.dma_semaphore, #tpu.memory_space<semaphore_mem>>
        %dma_start3A_393 = tpu.memref_squeeze %dma_start3A_392 : memref<1x!tpu.dma_semaphore, #tpu.memory_space<semaphore_mem>> -> memref<!tpu.dma_semaphore, #tpu.memory_space<semaphore_mem>>
        tpu.enqueue_indirect_dma source(%dma_start3A_391 : memref<10000x128xf32, #tpu.memory_space<hbm>>) target(%dma_start3A_385 : memref<80x128xf32, #tpu.memory_space<vmem>>) offsets(%dma_start3A_388 : memref<80xi32, #tpu.memory_space<vmem>>) semaphore(%dma_start3A_393 : memref<!tpu.dma_semaphore, #tpu.memory_space<semaphore_mem>>)
        %dma_wait3A_394 = arith.constant 0 : i32
        %dma_wait3A_395 = arith.constant 0 : i32
        %dma_wait3A_396 = arith.constant 0 : i32
        %dma_wait3A_397 = arith.constant 0 : i32
        %dma_wait3A_398 = arith.constant 0 : i32
        %dma_wait3A_399 = arith.constant 0 : i32
        %dma_wait3A_400 = tpu.memref_slice %arg10[%dma_wait3A_395, %dma_wait3A_396, %dma_wait3A_398, %dma_wait3A_399] : memref<2x2x80x128xf32, #tpu.memory_space<vmem>> -> memref<1x1x80x128xf32, #tpu.memory_space<vmem>>
        %dma_wait3A_401 = tpu.memref_squeeze %dma_wait3A_400 : memref<1x1x80x128xf32, #tpu.memory_space<vmem>> -> memref<80x128xf32, #tpu.memory_space<vmem>>
        %dma_wait3A_402 = arith.constant 0 : i32
        %dma_wait3A_403 = tpu.memref_slice %arg14[%dma_wait3A_394, %dma_wait3A_402] : memref<2x80xi32, #tpu.memory_space<vmem>> -> memref<1x80xi32, #tpu.memory_space<vmem>>
        %dma_wait3A_404 = tpu.memref_squeeze %dma_wait3A_403 : memref<1x80xi32, #tpu.memory_space<vmem>> -> memref<80xi32, #tpu.memory_space<vmem>>
        %dma_wait3A_405 = arith.constant 0 : i32
        %dma_wait3A_406 = arith.constant 0 : i32
        %dma_wait3A_407 = tpu.memref_slice %arg2[%dma_wait3A_405, %dma_wait3A_406] : memref<10000x128xf32, #tpu.memory_space<hbm>> -> memref<10000x128xf32, #tpu.memory_space<hbm>>
        %dma_wait3A_408 = tpu.memref_slice %arg16[%dma_wait3A_397] : memref<2x!tpu.dma_semaphore, #tpu.memory_space<semaphore_mem>> -> memref<1x!tpu.dma_semaphore, #tpu.memory_space<semaphore_mem>>
        %dma_wait3A_409 = tpu.memref_squeeze %dma_wait3A_408 : memref<1x!tpu.dma_semaphore, #tpu.memory_space<semaphore_mem>> -> memref<!tpu.dma_semaphore, #tpu.memory_space<semaphore_mem>>
        tpu.wait_indirect_dma semaphore(%dma_wait3A_409 : memref<!tpu.dma_semaphore, #tpu.memory_space<semaphore_mem>>) src(%dma_wait3A_407 : memref<10000x128xf32, #tpu.memory_space<hbm>>) dst(%dma_wait3A_401 : memref<80x128xf32, #tpu.memory_space<vmem>>)
        %dma_wait3A_410 = arith.constant 0 : i32
        %dma_wait3A_411 = arith.constant 1 : i32
        %dma_wait3A_412 = arith.constant 0 : i32
        %dma_wait3A_413 = arith.constant 0 : i32
        %dma_wait3A_414 = arith.constant 0 : i32
        %dma_wait3A_415 = arith.constant 0 : i32
        %dma_wait3A_416 = tpu.memref_slice %arg10[%dma_wait3A_411, %dma_wait3A_412, %dma_wait3A_414, %dma_wait3A_415] : memref<2x2x80x128xf32, #tpu.memory_space<vmem>> -> memref<1x1x80x128xf32, #tpu.memory_space<vmem>>
        %dma_wait3A_417 = tpu.memref_squeeze %dma_wait3A_416 : memref<1x1x80x128xf32, #tpu.memory_space<vmem>> -> memref<80x128xf32, #tpu.memory_space<vmem>>
        %dma_wait3A_418 = arith.constant 0 : i32
        %dma_wait3A_419 = tpu.memref_slice %arg15[%dma_wait3A_410, %dma_wait3A_418] : memref<2x80xi32, #tpu.memory_space<vmem>> -> memref<1x80xi32, #tpu.memory_space<vmem>>
        %dma_wait3A_420 = tpu.memref_squeeze %dma_wait3A_419 : memref<1x80xi32, #tpu.memory_space<vmem>> -> memref<80xi32, #tpu.memory_space<vmem>>
        %dma_wait3A_421 = arith.constant 0 : i32
        %dma_wait3A_422 = arith.constant 0 : i32
        %dma_wait3A_423 = tpu.memref_slice %arg2[%dma_wait3A_421, %dma_wait3A_422] : memref<10000x128xf32, #tpu.memory_space<hbm>> -> memref<10000x128xf32, #tpu.memory_space<hbm>>
        %dma_wait3A_424 = tpu.memref_slice %arg17[%dma_wait3A_413] : memref<2x!tpu.dma_semaphore, #tpu.memory_space<semaphore_mem>> -> memref<1x!tpu.dma_semaphore, #tpu.memory_space<semaphore_mem>>
        %dma_wait3A_425 = tpu.memref_squeeze %dma_wait3A_424 : memref<1x!tpu.dma_semaphore, #tpu.memory_space<semaphore_mem>> -> memref<!tpu.dma_semaphore, #tpu.memory_space<semaphore_mem>>
        tpu.wait_indirect_dma semaphore(%dma_wait3A_425 : memref<!tpu.dma_semaphore, #tpu.memory_space<semaphore_mem>>) src(%dma_wait3A_423 : memref<10000x128xf32, #tpu.memory_space<hbm>>) dst(%dma_wait3A_417 : memref<80x128xf32, #tpu.memory_space<vmem>>)
        %broadcast_in_dim3A_426 = arith.constant 0 : i32
        %broadcast_in_dim3A_427 = vector.broadcast %broadcast_in_dim3A_426 : i32 to vector<16xi32>
        %iota3A_428 = tpu.iota {dimensions = array<i32: 0>} : vector<16xi32>
        %add3A_429 = arith.constant 0 : i32
        %add3A_430 = vector.broadcast %add3A_429 : i32 to vector<16xi32>
        %add3A_431 = arith.addi %iota3A_428, %add3A_430 : vector<16xi32>
        %iota3A_432 = tpu.iota {dimensions = array<i32: 0>} : vector<16xi32>
        %add3A_433 = arith.constant 16 : i32
        %add3A_434 = vector.broadcast %add3A_433 : i32 to vector<16xi32>
        %add3A_435 = arith.addi %iota3A_432, %add3A_434 : vector<16xi32>
        %iota3A_436 = tpu.iota {dimensions = array<i32: 0>} : vector<16xi32>
        %add3A_437 = arith.constant 32 : i32
        %add3A_438 = vector.broadcast %add3A_437 : i32 to vector<16xi32>
        %add3A_439 = arith.addi %iota3A_436, %add3A_438 : vector<16xi32>
        %iota3A_440 = tpu.iota {dimensions = array<i32: 0>} : vector<16xi32>
        %add3A_441 = arith.constant 48 : i32
        %add3A_442 = vector.broadcast %add3A_441 : i32 to vector<16xi32>
        %add3A_443 = arith.addi %iota3A_440, %add3A_442 : vector<16xi32>
        %iota3A_444 = tpu.iota {dimensions = array<i32: 0>} : vector<16xi32>
        %add3A_445 = arith.constant 64 : i32
        %add3A_446 = vector.broadcast %add3A_445 : i32 to vector<16xi32>
        %add3A_447 = arith.addi %iota3A_444, %add3A_446 : vector<16xi32>
        %broadcast_in_dim3A_448 = arith.constant 0.000000e+00 : f32
        %broadcast_in_dim3A_449 = vector.broadcast %broadcast_in_dim3A_448 : f32 to vector<16xf32>
        %broadcast_in_dim3A_450 = arith.constant 0.000000e+00 : f32
        %broadcast_in_dim3A_451 = vector.broadcast %broadcast_in_dim3A_450 : f32 to vector<16xf32>
        %broadcast_in_dim3A_452 = arith.constant 0.000000e+00 : f32
        %broadcast_in_dim3A_453 = vector.broadcast %broadcast_in_dim3A_452 : f32 to vector<16xf32>
        %broadcast_in_dim3A_454 = arith.constant 0.000000e+00 : f32
        %broadcast_in_dim3A_455 = vector.broadcast %broadcast_in_dim3A_454 : f32 to vector<16xf32>
        %broadcast_in_dim3A_456 = arith.constant 0.000000e+00 : f32
        %broadcast_in_dim3A_457 = vector.broadcast %broadcast_in_dim3A_456 : f32 to vector<16xf32>
        %scan3A_458 = arith.constant 0 : i32
        %scan3A_459 = arith.constant 64 : i32
        %scan3A_460 = arith.addi %scan3A_458, %scan3A_459 : i32
        %scan3A_461 = arith.constant 1 : i32
        %scan3A_462:5 = scf.for %scan3A_861 = %scan3A_458 to %scan3A_460 step %scan3A_461 iter_args(%scan3A_862 = %broadcast_in_dim3A_449, %scan3A_863 = %broadcast_in_dim3A_451, %scan3A_864 = %broadcast_in_dim3A_453, %scan3A_865 = %broadcast_in_dim3A_455, %scan3A_866 = %broadcast_in_dim3A_457) -> (vector<16xf32>, vector<16xf32>, vector<16xf32>, vector<16xf32>, vector<16xf32>)  : i32 {
          %broadcast_in_dim3A_867 = vector.broadcast %scan3A_861 : i32 to vector<16xi32>
          %gather3A = tpu.vector_load_idx %arg11[%broadcast_in_dim3A_867] : memref<64xf32, #tpu.memory_space<vmem>>[vector<16xi32>], vector<16xf32>,
          %broadcast_in_dim3A_868 = arith.constant 0 : i32
          %broadcast_in_dim3A_869 = vector.broadcast %broadcast_in_dim3A_868 : i32 to vector<16xi32>
          %gather3A_870 = tpu.vector_load_idx %arg10[%broadcast_in_dim3A_869, %broadcast_in_dim3A_427, %add3A_431, %broadcast_in_dim3A_867] : memref<2x2x80x128xf32, #tpu.memory_space<vmem>>[vector<16xi32>, vector<16xi32>, vector<16xi32>, vector<16xi32>], vector<16xf32>,
          %broadcast_in_dim3A_871 = arith.constant 1 : i32
          %broadcast_in_dim3A_872 = vector.broadcast %broadcast_in_dim3A_871 : i32 to vector<16xi32>
          %add3A_873 = arith.constant 64 : i32
          %add3A_874 = vector.broadcast %add3A_873 : i32 to vector<16xi32>
          %add3A_875 = arith.addi %broadcast_in_dim3A_867, %add3A_874 : vector<16xi32>
          %gather3A_876 = tpu.vector_load_idx %arg10[%broadcast_in_dim3A_872, %broadcast_in_dim3A_427, %add3A_431, %add3A_875] : memref<2x2x80x128xf32, #tpu.memory_space<vmem>>[vector<16xi32>, vector<16xi32>, vector<16xi32>, vector<16xi32>], vector<16xf32>,
          %add3A_877 = arith.addf %gather3A_870, %gather3A_876 : vector<16xf32>
          %max3A = arith.constant 0.000000e+00 : f32
          %max3A_878 = vector.broadcast %max3A : f32 to vector<16xf32>
          %max3A_879 = arith.maximumf %add3A_877, %max3A_878 : vector<16xf32>
          %mul3A_880 = arith.mulf %max3A_879, %gather3A : vector<16xf32>
          %add3A_881 = arith.addf %scan3A_862, %mul3A_880 : vector<16xf32>
          %broadcast_in_dim3A_882 = arith.constant 0 : i32
          %broadcast_in_dim3A_883 = vector.broadcast %broadcast_in_dim3A_882 : i32 to vector<16xi32>
          %gather3A_884 = tpu.vector_load_idx %arg10[%broadcast_in_dim3A_883, %broadcast_in_dim3A_427, %add3A_435, %broadcast_in_dim3A_867] : memref<2x2x80x128xf32, #tpu.memory_space<vmem>>[vector<16xi32>, vector<16xi32>, vector<16xi32>, vector<16xi32>], vector<16xf32>,
          %broadcast_in_dim3A_885 = arith.constant 1 : i32
          %broadcast_in_dim3A_886 = vector.broadcast %broadcast_in_dim3A_885 : i32 to vector<16xi32>
          %add3A_887 = arith.constant 64 : i32
          %add3A_888 = vector.broadcast %add3A_887 : i32 to vector<16xi32>
          %add3A_889 = arith.addi %broadcast_in_dim3A_867, %add3A_888 : vector<16xi32>
          %gather3A_890 = tpu.vector_load_idx %arg10[%broadcast_in_dim3A_886, %broadcast_in_dim3A_427, %add3A_435, %add3A_889] : memref<2x2x80x128xf32, #tpu.memory_space<vmem>>[vector<16xi32>, vector<16xi32>, vector<16xi32>, vector<16xi32>], vector<16xf32>,
          %add3A_891 = arith.addf %gather3A_884, %gather3A_890 : vector<16xf32>
          %max3A_892 = arith.constant 0.000000e+00 : f32
          %max3A_893 = vector.broadcast %max3A_892 : f32 to vector<16xf32>
          %max3A_894 = arith.maximumf %add3A_891, %max3A_893 : vector<16xf32>
          %mul3A_895 = arith.mulf %max3A_894, %gather3A : vector<16xf32>
          %add3A_896 = arith.addf %scan3A_863, %mul3A_895 : vector<16xf32>
          %broadcast_in_dim3A_897 = arith.constant 0 : i32
          %broadcast_in_dim3A_898 = vector.broadcast %broadcast_in_dim3A_897 : i32 to vector<16xi32>
          %gather3A_899 = tpu.vector_load_idx %arg10[%broadcast_in_dim3A_898, %broadcast_in_dim3A_427, %add3A_439, %broadcast_in_dim3A_867] : memref<2x2x80x128xf32, #tpu.memory_space<vmem>>[vector<16xi32>, vector<16xi32>, vector<16xi32>, vector<16xi32>], vector<16xf32>,
          %broadcast_in_dim3A_900 = arith.constant 1 : i32
          %broadcast_in_dim3A_901 = vector.broadcast %broadcast_in_dim3A_900 : i32 to vector<16xi32>
          %add3A_902 = arith.constant 64 : i32
          %add3A_903 = vector.broadcast %add3A_902 : i32 to vector<16xi32>
          %add3A_904 = arith.addi %broadcast_in_dim3A_867, %add3A_903 : vector<16xi32>
          %gather3A_905 = tpu.vector_load_idx %arg10[%broadcast_in_dim3A_901, %broadcast_in_dim3A_427, %add3A_439, %add3A_904] : memref<2x2x80x128xf32, #tpu.memory_space<vmem>>[vector<16xi32>, vector<16xi32>, vector<16xi32>, vector<16xi32>], vector<16xf32>,
          %add3A_906 = arith.addf %gather3A_899, %gather3A_905 : vector<16xf32>
          %max3A_907 = arith.constant 0.000000e+00 : f32
          %max3A_908 = vector.broadcast %max3A_907 : f32 to vector<16xf32>
          %max3A_909 = arith.maximumf %add3A_906, %max3A_908 : vector<16xf32>
          %mul3A_910 = arith.mulf %max3A_909, %gather3A : vector<16xf32>
          %add3A_911 = arith.addf %scan3A_864, %mul3A_910 : vector<16xf32>
          %broadcast_in_dim3A_912 = arith.constant 0 : i32
          %broadcast_in_dim3A_913 = vector.broadcast %broadcast_in_dim3A_912 : i32 to vector<16xi32>
          %gather3A_914 = tpu.vector_load_idx %arg10[%broadcast_in_dim3A_913, %broadcast_in_dim3A_427, %add3A_443, %broadcast_in_dim3A_867] : memref<2x2x80x128xf32, #tpu.memory_space<vmem>>[vector<16xi32>, vector<16xi32>, vector<16xi32>, vector<16xi32>], vector<16xf32>,
          %broadcast_in_dim3A_915 = arith.constant 1 : i32
          %broadcast_in_dim3A_916 = vector.broadcast %broadcast_in_dim3A_915 : i32 to vector<16xi32>
          %add3A_917 = arith.constant 64 : i32
          %add3A_918 = vector.broadcast %add3A_917 : i32 to vector<16xi32>
          %add3A_919 = arith.addi %broadcast_in_dim3A_867, %add3A_918 : vector<16xi32>
          %gather3A_920 = tpu.vector_load_idx %arg10[%broadcast_in_dim3A_916, %broadcast_in_dim3A_427, %add3A_443, %add3A_919] : memref<2x2x80x128xf32, #tpu.memory_space<vmem>>[vector<16xi32>, vector<16xi32>, vector<16xi32>, vector<16xi32>], vector<16xf32>,
          %add3A_921 = arith.addf %gather3A_914, %gather3A_920 : vector<16xf32>
          %max3A_922 = arith.constant 0.000000e+00 : f32
          %max3A_923 = vector.broadcast %max3A_922 : f32 to vector<16xf32>
          %max3A_924 = arith.maximumf %add3A_921, %max3A_923 : vector<16xf32>
          %mul3A_925 = arith.mulf %max3A_924, %gather3A : vector<16xf32>
          %add3A_926 = arith.addf %scan3A_865, %mul3A_925 : vector<16xf32>
          %broadcast_in_dim3A_927 = arith.constant 0 : i32
          %broadcast_in_dim3A_928 = vector.broadcast %broadcast_in_dim3A_927 : i32 to vector<16xi32>
          %gather3A_929 = tpu.vector_load_idx %arg10[%broadcast_in_dim3A_928, %broadcast_in_dim3A_427, %add3A_447, %broadcast_in_dim3A_867] : memref<2x2x80x128xf32, #tpu.memory_space<vmem>>[vector<16xi32>, vector<16xi32>, vector<16xi32>, vector<16xi32>], vector<16xf32>,
          %broadcast_in_dim3A_930 = arith.constant 1 : i32
          %broadcast_in_dim3A_931 = vector.broadcast %broadcast_in_dim3A_930 : i32 to vector<16xi32>
          %add3A_932 = arith.constant 64 : i32
          %add3A_933 = vector.broadcast %add3A_932 : i32 to vector<16xi32>
          %add3A_934 = arith.addi %broadcast_in_dim3A_867, %add3A_933 : vector<16xi32>
          %gather3A_935 = tpu.vector_load_idx %arg10[%broadcast_in_dim3A_931, %broadcast_in_dim3A_427, %add3A_447, %add3A_934] : memref<2x2x80x128xf32, #tpu.memory_space<vmem>>[vector<16xi32>, vector<16xi32>, vector<16xi32>, vector<16xi32>], vector<16xf32>,
          %add3A_936 = arith.addf %gather3A_929, %gather3A_935 : vector<16xf32>
          %max3A_937 = arith.constant 0.000000e+00 : f32
          %max3A_938 = vector.broadcast %max3A_937 : f32 to vector<16xf32>
          %max3A_939 = arith.maximumf %add3A_936, %max3A_938 : vector<16xf32>
          %mul3A_940 = arith.mulf %max3A_939, %gather3A : vector<16xf32>
          %add3A_941 = arith.addf %scan3A_866, %mul3A_940 : vector<16xf32>
          scf.yield %add3A_881, %add3A_896, %add3A_911, %add3A_926, %add3A_941 : vector<16xf32>, vector<16xf32>, vector<16xf32>, vector<16xf32>, vector<16xf32>
        }
        %scan3A_463 = arith.constant 64 : i32
        %get3A_464 = arith.constant 0 : index
        %get3A_465 = tpu.vector_load %arg12[%get3A_464] {strides = array<i32>} : memref<16xf32, #tpu.memory_space<vmem>>, vector<16xf32>,
        %add3A_466 = arith.addf %scan3A_462#0, %get3A_465 : vector<16xf32>
        %neg3A_467 = arith.constant 0.000000e+00 : f32
        %neg3A_468 = vector.broadcast %neg3A_467 : f32 to vector<16xf32>
        %neg3A_469 = arith.subf %neg3A_468, %add3A_466 : vector<16xf32>
        %exp3A_470 = math.exp %neg3A_469 : vector<16xf32>
        %add3A_471 = arith.constant 1.000000e+00 : f32
        %add3A_472 = vector.broadcast %add3A_471 : f32 to vector<16xf32>
        %add3A_473 = arith.addf %add3A_472, %exp3A_470 : vector<16xf32>
        %div3A_474 = arith.constant 1.000000e+00 : f32
        %div3A_475 = vector.broadcast %div3A_474 : f32 to vector<16xf32>
        %div3A_476 = arith.divf %div3A_475, %add3A_473 : vector<16xf32>
        %mul3A_477 = arith.constant 80 : i32
        %mul3A_478 = arith.muli %mul3A_259, %mul3A_477 : i32
        %add3A_479 = arith.constant 0 : i32
        %add3A_480 = arith.addi %mul3A_478, %add3A_479 : i32
        %swap3A_481 = arith.index_cast %add3A_480 : i32 to index
        %swap3A_482 = tpu.vector_load %arg13[%swap3A_481] {strides = array<i32>} : memref<2000xf32, #tpu.memory_space<vmem>>, vector<16xf32>,
        tpu.vector_store %arg13[%swap3A_481], %div3A_476 {strides = array<i32>} : memref<2000xf32, #tpu.memory_space<vmem>>, vector<16xf32>,
        %get3A_483 = arith.constant 0 : index
        %get3A_484 = tpu.vector_load %arg12[%get3A_483] {strides = array<i32>} : memref<16xf32, #tpu.memory_space<vmem>>, vector<16xf32>,
        %add3A_485 = arith.addf %scan3A_462#1, %get3A_484 : vector<16xf32>
        %neg3A_486 = arith.constant 0.000000e+00 : f32
        %neg3A_487 = vector.broadcast %neg3A_486 : f32 to vector<16xf32>
        %neg3A_488 = arith.subf %neg3A_487, %add3A_485 : vector<16xf32>
        %exp3A_489 = math.exp %neg3A_488 : vector<16xf32>
        %add3A_490 = arith.constant 1.000000e+00 : f32
        %add3A_491 = vector.broadcast %add3A_490 : f32 to vector<16xf32>
        %add3A_492 = arith.addf %add3A_491, %exp3A_489 : vector<16xf32>
        %div3A_493 = arith.constant 1.000000e+00 : f32
        %div3A_494 = vector.broadcast %div3A_493 : f32 to vector<16xf32>
        %div3A_495 = arith.divf %div3A_494, %add3A_492 : vector<16xf32>
        %mul3A_496 = arith.constant 80 : i32
        %mul3A_497 = arith.muli %mul3A_259, %mul3A_496 : i32
        %add3A_498 = arith.constant 16 : i32
        %add3A_499 = arith.addi %mul3A_497, %add3A_498 : i32
        %swap3A_500 = arith.index_cast %add3A_499 : i32 to index
        %swap3A_501 = tpu.vector_load %arg13[%swap3A_500] {strides = array<i32>} : memref<2000xf32, #tpu.memory_space<vmem>>, vector<16xf32>,
        tpu.vector_store %arg13[%swap3A_500], %div3A_495 {strides = array<i32>} : memref<2000xf32, #tpu.memory_space<vmem>>, vector<16xf32>,
        %get3A_502 = arith.constant 0 : index
        %get3A_503 = tpu.vector_load %arg12[%get3A_502] {strides = array<i32>} : memref<16xf32, #tpu.memory_space<vmem>>, vector<16xf32>,
        %add3A_504 = arith.addf %scan3A_462#2, %get3A_503 : vector<16xf32>
        %neg3A_505 = arith.constant 0.000000e+00 : f32
        %neg3A_506 = vector.broadcast %neg3A_505 : f32 to vector<16xf32>
        %neg3A_507 = arith.subf %neg3A_506, %add3A_504 : vector<16xf32>
        %exp3A_508 = math.exp %neg3A_507 : vector<16xf32>
        %add3A_509 = arith.constant 1.000000e+00 : f32
        %add3A_510 = vector.broadcast %add3A_509 : f32 to vector<16xf32>
        %add3A_511 = arith.addf %add3A_510, %exp3A_508 : vector<16xf32>
        %div3A_512 = arith.constant 1.000000e+00 : f32
        %div3A_513 = vector.broadcast %div3A_512 : f32 to vector<16xf32>
        %div3A_514 = arith.divf %div3A_513, %add3A_511 : vector<16xf32>
        %mul3A_515 = arith.constant 80 : i32
        %mul3A_516 = arith.muli %mul3A_259, %mul3A_515 : i32
        %add3A_517 = arith.constant 32 : i32
        %add3A_518 = arith.addi %mul3A_516, %add3A_517 : i32
        %swap3A_519 = arith.index_cast %add3A_518 : i32 to index
        %swap3A_520 = tpu.vector_load %arg13[%swap3A_519] {strides = array<i32>} : memref<2000xf32, #tpu.memory_space<vmem>>, vector<16xf32>,
        tpu.vector_store %arg13[%swap3A_519], %div3A_514 {strides = array<i32>} : memref<2000xf32, #tpu.memory_space<vmem>>, vector<16xf32>,
        %get3A_521 = arith.constant 0 : index
        %get3A_522 = tpu.vector_load %arg12[%get3A_521] {strides = array<i32>} : memref<16xf32, #tpu.memory_space<vmem>>, vector<16xf32>,
        %add3A_523 = arith.addf %scan3A_462#3, %get3A_522 : vector<16xf32>
        %neg3A_524 = arith.constant 0.000000e+00 : f32
        %neg3A_525 = vector.broadcast %neg3A_524 : f32 to vector<16xf32>
        %neg3A_526 = arith.subf %neg3A_525, %add3A_523 : vector<16xf32>
        %exp3A_527 = math.exp %neg3A_526 : vector<16xf32>
        %add3A_528 = arith.constant 1.000000e+00 : f32
        %add3A_529 = vector.broadcast %add3A_528 : f32 to vector<16xf32>
        %add3A_530 = arith.addf %add3A_529, %exp3A_527 : vector<16xf32>
        %div3A_531 = arith.constant 1.000000e+00 : f32
        %div3A_532 = vector.broadcast %div3A_531 : f32 to vector<16xf32>
        %div3A_533 = arith.divf %div3A_532, %add3A_530 : vector<16xf32>
        %mul3A_534 = arith.constant 80 : i32
        %mul3A_535 = arith.muli %mul3A_259, %mul3A_534 : i32
        %add3A_536 = arith.constant 48 : i32
        %add3A_537 = arith.addi %mul3A_535, %add3A_536 : i32
        %swap3A_538 = arith.index_cast %add3A_537 : i32 to index
        %swap3A_539 = tpu.vector_load %arg13[%swap3A_538] {strides = array<i32>} : memref<2000xf32, #tpu.memory_space<vmem>>, vector<16xf32>,
        tpu.vector_store %arg13[%swap3A_538], %div3A_533 {strides = array<i32>} : memref<2000xf32, #tpu.memory_space<vmem>>, vector<16xf32>,
        %get3A_540 = arith.constant 0 : index
        %get3A_541 = tpu.vector_load %arg12[%get3A_540] {strides = array<i32>} : memref<16xf32, #tpu.memory_space<vmem>>, vector<16xf32>,
        %add3A_542 = arith.addf %scan3A_462#4, %get3A_541 : vector<16xf32>
        %neg3A_543 = arith.constant 0.000000e+00 : f32
        %neg3A_544 = vector.broadcast %neg3A_543 : f32 to vector<16xf32>
        %neg3A_545 = arith.subf %neg3A_544, %add3A_542 : vector<16xf32>
        %exp3A_546 = math.exp %neg3A_545 : vector<16xf32>
        %add3A_547 = arith.constant 1.000000e+00 : f32
        %add3A_548 = vector.broadcast %add3A_547 : f32 to vector<16xf32>
        %add3A_549 = arith.addf %add3A_548, %exp3A_546 : vector<16xf32>
        %div3A_550 = arith.constant 1.000000e+00 : f32
        %div3A_551 = vector.broadcast %div3A_550 : f32 to vector<16xf32>
        %div3A_552 = arith.divf %div3A_551, %add3A_549 : vector<16xf32>
        %mul3A_553 = arith.constant 80 : i32
        %mul3A_554 = arith.muli %mul3A_259, %mul3A_553 : i32
        %add3A_555 = arith.constant 64 : i32
        %add3A_556 = arith.addi %mul3A_554, %add3A_555 : i32
        %swap3A_557 = arith.index_cast %add3A_556 : i32 to index
        %swap3A_558 = tpu.vector_load %arg13[%swap3A_557] {strides = array<i32>} : memref<2000xf32, #tpu.memory_space<vmem>>, vector<16xf32>,
        tpu.vector_store %arg13[%swap3A_557], %div3A_552 {strides = array<i32>} : memref<2000xf32, #tpu.memory_space<vmem>>, vector<16xf32>,
        %add3A_559 = arith.constant 2 : i32
        %add3A_560 = arith.addi %mul3A_259, %add3A_559 : i32
        %mul3A_561 = arith.constant 80 : i32
        %mul3A_562 = arith.muli %add3A_560, %mul3A_561 : i32
        %add3A_563 = arith.constant 0 : i32
        %add3A_564 = arith.addi %mul3A_562, %add3A_563 : i32
        %get3A_565 = arith.index_cast %add3A_564 : i32 to index
        %get3A_566 = tpu.vector_load %arg8[%get3A_565] {strides = array<i32>} : memref<2000xi32, #tpu.memory_space<vmem>>, vector<16xi32>,
        %swap3A_567 = arith.constant 0 : i32
        %swap3A_568 = arith.index_cast %swap3A_567 : i32 to index
        %swap3A_569 = arith.constant 0 : index
        %swap3A_570 = tpu.vector_load %arg14[%swap3A_568, %swap3A_569] {strides = array<i32>} : memref<2x80xi32, #tpu.memory_space<vmem>>, vector<16xi32>,
        tpu.vector_store %arg14[%swap3A_568, %swap3A_569], %get3A_566 {strides = array<i32>} : memref<2x80xi32, #tpu.memory_space<vmem>>, vector<16xi32>,
        %mul3A_571 = arith.constant 80 : i32
        %mul3A_572 = arith.muli %add3A_560, %mul3A_571 : i32
        %add3A_573 = arith.constant 0 : i32
        %add3A_574 = arith.addi %mul3A_572, %add3A_573 : i32
        %get3A_575 = arith.index_cast %add3A_574 : i32 to index
        %get3A_576 = tpu.vector_load %arg9[%get3A_575] {strides = array<i32>} : memref<2000xi32, #tpu.memory_space<vmem>>, vector<16xi32>,
        %swap3A_577 = arith.constant 0 : i32
        %swap3A_578 = arith.index_cast %swap3A_577 : i32 to index
        %swap3A_579 = arith.constant 0 : index
        %swap3A_580 = tpu.vector_load %arg15[%swap3A_578, %swap3A_579] {strides = array<i32>} : memref<2x80xi32, #tpu.memory_space<vmem>>, vector<16xi32>,
        tpu.vector_store %arg15[%swap3A_578, %swap3A_579], %get3A_576 {strides = array<i32>} : memref<2x80xi32, #tpu.memory_space<vmem>>, vector<16xi32>,
        %mul3A_581 = arith.constant 80 : i32
        %mul3A_582 = arith.muli %add3A_560, %mul3A_581 : i32
        %add3A_583 = arith.constant 16 : i32
        %add3A_584 = arith.addi %mul3A_582, %add3A_583 : i32
        %get3A_585 = arith.index_cast %add3A_584 : i32 to index
        %get3A_586 = tpu.vector_load %arg8[%get3A_585] {strides = array<i32>} : memref<2000xi32, #tpu.memory_space<vmem>>, vector<16xi32>,
        %swap3A_587 = arith.constant 0 : i32
        %swap3A_588 = arith.index_cast %swap3A_587 : i32 to index
        %swap3A_589 = arith.constant 16 : index
        %swap3A_590 = tpu.vector_load %arg14[%swap3A_588, %swap3A_589] {strides = array<i32>} : memref<2x80xi32, #tpu.memory_space<vmem>>, vector<16xi32>,
        tpu.vector_store %arg14[%swap3A_588, %swap3A_589], %get3A_586 {strides = array<i32>} : memref<2x80xi32, #tpu.memory_space<vmem>>, vector<16xi32>,
        %mul3A_591 = arith.constant 80 : i32
        %mul3A_592 = arith.muli %add3A_560, %mul3A_591 : i32
        %add3A_593 = arith.constant 16 : i32
        %add3A_594 = arith.addi %mul3A_592, %add3A_593 : i32
        %get3A_595 = arith.index_cast %add3A_594 : i32 to index
        %get3A_596 = tpu.vector_load %arg9[%get3A_595] {strides = array<i32>} : memref<2000xi32, #tpu.memory_space<vmem>>, vector<16xi32>,
        %swap3A_597 = arith.constant 0 : i32
        %swap3A_598 = arith.index_cast %swap3A_597 : i32 to index
        %swap3A_599 = arith.constant 16 : index
        %swap3A_600 = tpu.vector_load %arg15[%swap3A_598, %swap3A_599] {strides = array<i32>} : memref<2x80xi32, #tpu.memory_space<vmem>>, vector<16xi32>,
        tpu.vector_store %arg15[%swap3A_598, %swap3A_599], %get3A_596 {strides = array<i32>} : memref<2x80xi32, #tpu.memory_space<vmem>>, vector<16xi32>,
        %mul3A_601 = arith.constant 80 : i32
        %mul3A_602 = arith.muli %add3A_560, %mul3A_601 : i32
        %add3A_603 = arith.constant 32 : i32
        %add3A_604 = arith.addi %mul3A_602, %add3A_603 : i32
        %get3A_605 = arith.index_cast %add3A_604 : i32 to index
        %get3A_606 = tpu.vector_load %arg8[%get3A_605] {strides = array<i32>} : memref<2000xi32, #tpu.memory_space<vmem>>, vector<16xi32>,
        %swap3A_607 = arith.constant 0 : i32
        %swap3A_608 = arith.index_cast %swap3A_607 : i32 to index
        %swap3A_609 = arith.constant 32 : index
        %swap3A_610 = tpu.vector_load %arg14[%swap3A_608, %swap3A_609] {strides = array<i32>} : memref<2x80xi32, #tpu.memory_space<vmem>>, vector<16xi32>,
        tpu.vector_store %arg14[%swap3A_608, %swap3A_609], %get3A_606 {strides = array<i32>} : memref<2x80xi32, #tpu.memory_space<vmem>>, vector<16xi32>,
        %mul3A_611 = arith.constant 80 : i32
        %mul3A_612 = arith.muli %add3A_560, %mul3A_611 : i32
        %add3A_613 = arith.constant 32 : i32
        %add3A_614 = arith.addi %mul3A_612, %add3A_613 : i32
        %get3A_615 = arith.index_cast %add3A_614 : i32 to index
        %get3A_616 = tpu.vector_load %arg9[%get3A_615] {strides = array<i32>} : memref<2000xi32, #tpu.memory_space<vmem>>, vector<16xi32>,
        %swap3A_617 = arith.constant 0 : i32
        %swap3A_618 = arith.index_cast %swap3A_617 : i32 to index
        %swap3A_619 = arith.constant 32 : index
        %swap3A_620 = tpu.vector_load %arg15[%swap3A_618, %swap3A_619] {strides = array<i32>} : memref<2x80xi32, #tpu.memory_space<vmem>>, vector<16xi32>,
        tpu.vector_store %arg15[%swap3A_618, %swap3A_619], %get3A_616 {strides = array<i32>} : memref<2x80xi32, #tpu.memory_space<vmem>>, vector<16xi32>,
        %mul3A_621 = arith.constant 80 : i32
        %mul3A_622 = arith.muli %add3A_560, %mul3A_621 : i32
        %add3A_623 = arith.constant 48 : i32
        %add3A_624 = arith.addi %mul3A_622, %add3A_623 : i32
        %get3A_625 = arith.index_cast %add3A_624 : i32 to index
        %get3A_626 = tpu.vector_load %arg8[%get3A_625] {strides = array<i32>} : memref<2000xi32, #tpu.memory_space<vmem>>, vector<16xi32>,
        %swap3A_627 = arith.constant 0 : i32
        %swap3A_628 = arith.index_cast %swap3A_627 : i32 to index
        %swap3A_629 = arith.constant 48 : index
        %swap3A_630 = tpu.vector_load %arg14[%swap3A_628, %swap3A_629] {strides = array<i32>} : memref<2x80xi32, #tpu.memory_space<vmem>>, vector<16xi32>,
        tpu.vector_store %arg14[%swap3A_628, %swap3A_629], %get3A_626 {strides = array<i32>} : memref<2x80xi32, #tpu.memory_space<vmem>>, vector<16xi32>,
        %mul3A_631 = arith.constant 80 : i32
        %mul3A_632 = arith.muli %add3A_560, %mul3A_631 : i32
        %add3A_633 = arith.constant 48 : i32
        %add3A_634 = arith.addi %mul3A_632, %add3A_633 : i32
        %get3A_635 = arith.index_cast %add3A_634 : i32 to index
        %get3A_636 = tpu.vector_load %arg9[%get3A_635] {strides = array<i32>} : memref<2000xi32, #tpu.memory_space<vmem>>, vector<16xi32>,
        %swap3A_637 = arith.constant 0 : i32
        %swap3A_638 = arith.index_cast %swap3A_637 : i32 to index
        %swap3A_639 = arith.constant 48 : index
        %swap3A_640 = tpu.vector_load %arg15[%swap3A_638, %swap3A_639] {strides = array<i32>} : memref<2x80xi32, #tpu.memory_space<vmem>>, vector<16xi32>,
        tpu.vector_store %arg15[%swap3A_638, %swap3A_639], %get3A_636 {strides = array<i32>} : memref<2x80xi32, #tpu.memory_space<vmem>>, vector<16xi32>,
        %mul3A_641 = arith.constant 80 : i32
        %mul3A_642 = arith.muli %add3A_560, %mul3A_641 : i32
        %add3A_643 = arith.constant 64 : i32
        %add3A_644 = arith.addi %mul3A_642, %add3A_643 : i32
        %get3A_645 = arith.index_cast %add3A_644 : i32 to index
        %get3A_646 = tpu.vector_load %arg8[%get3A_645] {strides = array<i32>} : memref<2000xi32, #tpu.memory_space<vmem>>, vector<16xi32>,
        %swap3A_647 = arith.constant 0 : i32
        %swap3A_648 = arith.index_cast %swap3A_647 : i32 to index
        %swap3A_649 = arith.constant 64 : index
        %swap3A_650 = tpu.vector_load %arg14[%swap3A_648, %swap3A_649] {strides = array<i32>} : memref<2x80xi32, #tpu.memory_space<vmem>>, vector<16xi32>,
        tpu.vector_store %arg14[%swap3A_648, %swap3A_649], %get3A_646 {strides = array<i32>} : memref<2x80xi32, #tpu.memory_space<vmem>>, vector<16xi32>,
        %mul3A_651 = arith.constant 80 : i32
        %mul3A_652 = arith.muli %add3A_560, %mul3A_651 : i32
        %add3A_653 = arith.constant 64 : i32
        %add3A_654 = arith.addi %mul3A_652, %add3A_653 : i32
        %get3A_655 = arith.index_cast %add3A_654 : i32 to index
        %get3A_656 = tpu.vector_load %arg9[%get3A_655] {strides = array<i32>} : memref<2000xi32, #tpu.memory_space<vmem>>, vector<16xi32>,
        %swap3A_657 = arith.constant 0 : i32
        %swap3A_658 = arith.index_cast %swap3A_657 : i32 to index
        %swap3A_659 = arith.constant 64 : index
        %swap3A_660 = tpu.vector_load %arg15[%swap3A_658, %swap3A_659] {strides = array<i32>} : memref<2x80xi32, #tpu.memory_space<vmem>>, vector<16xi32>,
        tpu.vector_store %arg15[%swap3A_658, %swap3A_659], %get3A_656 {strides = array<i32>} : memref<2x80xi32, #tpu.memory_space<vmem>>, vector<16xi32>,
        %dma_start3A_661 = arith.constant 0 : i32
        %dma_start3A_662 = arith.constant 0 : i32
        %dma_start3A_663 = arith.constant 0 : i32
        %dma_start3A_664 = arith.constant 0 : i32
        %dma_start3A_665 = arith.constant 0 : i32
        %dma_start3A_666 = arith.constant 0 : i32
        %dma_start3A_667 = tpu.memref_slice %arg10[%dma_start3A_662, %dma_start3A_663, %dma_start3A_665, %dma_start3A_666] : memref<2x2x80x128xf32, #tpu.memory_space<vmem>> -> memref<1x1x80x128xf32, #tpu.memory_space<vmem>>
        %dma_start3A_668 = tpu.memref_squeeze %dma_start3A_667 : memref<1x1x80x128xf32, #tpu.memory_space<vmem>> -> memref<80x128xf32, #tpu.memory_space<vmem>>
        %dma_start3A_669 = arith.constant 0 : i32
        %dma_start3A_670 = tpu.memref_slice %arg14[%dma_start3A_661, %dma_start3A_669] : memref<2x80xi32, #tpu.memory_space<vmem>> -> memref<1x80xi32, #tpu.memory_space<vmem>>
        %dma_start3A_671 = tpu.memref_squeeze %dma_start3A_670 : memref<1x80xi32, #tpu.memory_space<vmem>> -> memref<80xi32, #tpu.memory_space<vmem>>
        %dma_start3A_672 = arith.constant 0 : i32
        %dma_start3A_673 = arith.constant 0 : i32
        %dma_start3A_674 = tpu.memref_slice %arg2[%dma_start3A_672, %dma_start3A_673] : memref<10000x128xf32, #tpu.memory_space<hbm>> -> memref<10000x128xf32, #tpu.memory_space<hbm>>
        %dma_start3A_675 = tpu.memref_slice %arg16[%dma_start3A_664] : memref<2x!tpu.dma_semaphore, #tpu.memory_space<semaphore_mem>> -> memref<1x!tpu.dma_semaphore, #tpu.memory_space<semaphore_mem>>
        %dma_start3A_676 = tpu.memref_squeeze %dma_start3A_675 : memref<1x!tpu.dma_semaphore, #tpu.memory_space<semaphore_mem>> -> memref<!tpu.dma_semaphore, #tpu.memory_space<semaphore_mem>>
        tpu.enqueue_indirect_dma source(%dma_start3A_674 : memref<10000x128xf32, #tpu.memory_space<hbm>>) target(%dma_start3A_668 : memref<80x128xf32, #tpu.memory_space<vmem>>) offsets(%dma_start3A_671 : memref<80xi32, #tpu.memory_space<vmem>>) semaphore(%dma_start3A_676 : memref<!tpu.dma_semaphore, #tpu.memory_space<semaphore_mem>>)
        %dma_start3A_677 = arith.constant 0 : i32
        %dma_start3A_678 = arith.constant 1 : i32
        %dma_start3A_679 = arith.constant 0 : i32
        %dma_start3A_680 = arith.constant 0 : i32
        %dma_start3A_681 = arith.constant 0 : i32
        %dma_start3A_682 = arith.constant 0 : i32
        %dma_start3A_683 = tpu.memref_slice %arg10[%dma_start3A_678, %dma_start3A_679, %dma_start3A_681, %dma_start3A_682] : memref<2x2x80x128xf32, #tpu.memory_space<vmem>> -> memref<1x1x80x128xf32, #tpu.memory_space<vmem>>
        %dma_start3A_684 = tpu.memref_squeeze %dma_start3A_683 : memref<1x1x80x128xf32, #tpu.memory_space<vmem>> -> memref<80x128xf32, #tpu.memory_space<vmem>>
        %dma_start3A_685 = arith.constant 0 : i32
        %dma_start3A_686 = tpu.memref_slice %arg15[%dma_start3A_677, %dma_start3A_685] : memref<2x80xi32, #tpu.memory_space<vmem>> -> memref<1x80xi32, #tpu.memory_space<vmem>>
        %dma_start3A_687 = tpu.memref_squeeze %dma_start3A_686 : memref<1x80xi32, #tpu.memory_space<vmem>> -> memref<80xi32, #tpu.memory_space<vmem>>
        %dma_start3A_688 = arith.constant 0 : i32
        %dma_start3A_689 = arith.constant 0 : i32
        %dma_start3A_690 = tpu.memref_slice %arg2[%dma_start3A_688, %dma_start3A_689] : memref<10000x128xf32, #tpu.memory_space<hbm>> -> memref<10000x128xf32, #tpu.memory_space<hbm>>
        %dma_start3A_691 = tpu.memref_slice %arg17[%dma_start3A_680] : memref<2x!tpu.dma_semaphore, #tpu.memory_space<semaphore_mem>> -> memref<1x!tpu.dma_semaphore, #tpu.memory_space<semaphore_mem>>
        %dma_start3A_692 = tpu.memref_squeeze %dma_start3A_691 : memref<1x!tpu.dma_semaphore, #tpu.memory_space<semaphore_mem>> -> memref<!tpu.dma_semaphore, #tpu.memory_space<semaphore_mem>>
        tpu.enqueue_indirect_dma source(%dma_start3A_690 : memref<10000x128xf32, #tpu.memory_space<hbm>>) target(%dma_start3A_684 : memref<80x128xf32, #tpu.memory_space<vmem>>) offsets(%dma_start3A_687 : memref<80xi32, #tpu.memory_space<vmem>>) semaphore(%dma_start3A_692 : memref<!tpu.dma_semaphore, #tpu.memory_space<semaphore_mem>>)
        %dma_wait3A_693 = arith.constant 1 : i32
        %dma_wait3A_694 = arith.constant 0 : i32
        %dma_wait3A_695 = arith.constant 1 : i32
        %dma_wait3A_696 = arith.constant 1 : i32
        %dma_wait3A_697 = arith.constant 0 : i32
        %dma_wait3A_698 = arith.constant 0 : i32
        %dma_wait3A_699 = tpu.memref_slice %arg10[%dma_wait3A_694, %dma_wait3A_695, %dma_wait3A_697, %dma_wait3A_698] : memref<2x2x80x128xf32, #tpu.memory_space<vmem>> -> memref<1x1x80x128xf32, #tpu.memory_space<vmem>>
        %dma_wait3A_700 = tpu.memref_squeeze %dma_wait3A_699 : memref<1x1x80x128xf32, #tpu.memory_space<vmem>> -> memref<80x128xf32, #tpu.memory_space<vmem>>
        %dma_wait3A_701 = arith.constant 0 : i32
        %dma_wait3A_702 = tpu.memref_slice %arg14[%dma_wait3A_693, %dma_wait3A_701] : memref<2x80xi32, #tpu.memory_space<vmem>> -> memref<1x80xi32, #tpu.memory_space<vmem>>
        %dma_wait3A_703 = tpu.memref_squeeze %dma_wait3A_702 : memref<1x80xi32, #tpu.memory_space<vmem>> -> memref<80xi32, #tpu.memory_space<vmem>>
        %dma_wait3A_704 = arith.constant 0 : i32
        %dma_wait3A_705 = arith.constant 0 : i32
        %dma_wait3A_706 = tpu.memref_slice %arg2[%dma_wait3A_704, %dma_wait3A_705] : memref<10000x128xf32, #tpu.memory_space<hbm>> -> memref<10000x128xf32, #tpu.memory_space<hbm>>
        %dma_wait3A_707 = tpu.memref_slice %arg16[%dma_wait3A_696] : memref<2x!tpu.dma_semaphore, #tpu.memory_space<semaphore_mem>> -> memref<1x!tpu.dma_semaphore, #tpu.memory_space<semaphore_mem>>
        %dma_wait3A_708 = tpu.memref_squeeze %dma_wait3A_707 : memref<1x!tpu.dma_semaphore, #tpu.memory_space<semaphore_mem>> -> memref<!tpu.dma_semaphore, #tpu.memory_space<semaphore_mem>>
        tpu.wait_indirect_dma semaphore(%dma_wait3A_708 : memref<!tpu.dma_semaphore, #tpu.memory_space<semaphore_mem>>) src(%dma_wait3A_706 : memref<10000x128xf32, #tpu.memory_space<hbm>>) dst(%dma_wait3A_700 : memref<80x128xf32, #tpu.memory_space<vmem>>)
        %dma_wait3A_709 = arith.constant 1 : i32
        %dma_wait3A_710 = arith.constant 1 : i32
        %dma_wait3A_711 = arith.constant 1 : i32
        %dma_wait3A_712 = arith.constant 1 : i32
        %dma_wait3A_713 = arith.constant 0 : i32
        %dma_wait3A_714 = arith.constant 0 : i32
        %dma_wait3A_715 = tpu.memref_slice %arg10[%dma_wait3A_710, %dma_wait3A_711, %dma_wait3A_713, %dma_wait3A_714] : memref<2x2x80x128xf32, #tpu.memory_space<vmem>> -> memref<1x1x80x128xf32, #tpu.memory_space<vmem>>
        %dma_wait3A_716 = tpu.memref_squeeze %dma_wait3A_715 : memref<1x1x80x128xf32, #tpu.memory_space<vmem>> -> memref<80x128xf32, #tpu.memory_space<vmem>>
        %dma_wait3A_717 = arith.constant 0 : i32
        %dma_wait3A_718 = tpu.memref_slice %arg15[%dma_wait3A_709, %dma_wait3A_717] : memref<2x80xi32, #tpu.memory_space<vmem>> -> memref<1x80xi32, #tpu.memory_space<vmem>>
        %dma_wait3A_719 = tpu.memref_squeeze %dma_wait3A_718 : memref<1x80xi32, #tpu.memory_space<vmem>> -> memref<80xi32, #tpu.memory_space<vmem>>
        %dma_wait3A_720 = arith.constant 0 : i32
        %dma_wait3A_721 = arith.constant 0 : i32
        %dma_wait3A_722 = tpu.memref_slice %arg2[%dma_wait3A_720, %dma_wait3A_721] : memref<10000x128xf32, #tpu.memory_space<hbm>> -> memref<10000x128xf32, #tpu.memory_space<hbm>>
        %dma_wait3A_723 = tpu.memref_slice %arg17[%dma_wait3A_712] : memref<2x!tpu.dma_semaphore, #tpu.memory_space<semaphore_mem>> -> memref<1x!tpu.dma_semaphore, #tpu.memory_space<semaphore_mem>>
        %dma_wait3A_724 = tpu.memref_squeeze %dma_wait3A_723 : memref<1x!tpu.dma_semaphore, #tpu.memory_space<semaphore_mem>> -> memref<!tpu.dma_semaphore, #tpu.memory_space<semaphore_mem>>
        tpu.wait_indirect_dma semaphore(%dma_wait3A_724 : memref<!tpu.dma_semaphore, #tpu.memory_space<semaphore_mem>>) src(%dma_wait3A_722 : memref<10000x128xf32, #tpu.memory_space<hbm>>) dst(%dma_wait3A_716 : memref<80x128xf32, #tpu.memory_space<vmem>>)
        %add3A_725 = arith.constant 1 : i32
        %add3A_726 = arith.addi %mul3A_259, %add3A_725 : i32
        %broadcast_in_dim3A_727 = arith.constant 1 : i32
        %broadcast_in_dim3A_728 = vector.broadcast %broadcast_in_dim3A_727 : i32 to vector<16xi32>
        %iota3A_729 = tpu.iota {dimensions = array<i32: 0>} : vector<16xi32>
        %add3A_730 = arith.constant 0 : i32
        %add3A_731 = vector.broadcast %add3A_730 : i32 to vector<16xi32>
        %add3A_732 = arith.addi %iota3A_729, %add3A_731 : vector<16xi32>
        %iota3A_733 = tpu.iota {dimensions = array<i32: 0>} : vector<16xi32>
        %add3A_734 = arith.constant 16 : i32
        %add3A_735 = vector.broadcast %add3A_734 : i32 to vector<16xi32>
        %add3A_736 = arith.addi %iota3A_733, %add3A_735 : vector<16xi32>
        %iota3A_737 = tpu.iota {dimensions = array<i32: 0>} : vector<16xi32>
        %add3A_738 = arith.constant 32 : i32
        %add3A_739 = vector.broadcast %add3A_738 : i32 to vector<16xi32>
        %add3A_740 = arith.addi %iota3A_737, %add3A_739 : vector<16xi32>
        %iota3A_741 = tpu.iota {dimensions = array<i32: 0>} : vector<16xi32>
        %add3A_742 = arith.constant 48 : i32
        %add3A_743 = vector.broadcast %add3A_742 : i32 to vector<16xi32>
        %add3A_744 = arith.addi %iota3A_741, %add3A_743 : vector<16xi32>
        %iota3A_745 = tpu.iota {dimensions = array<i32: 0>} : vector<16xi32>
        %add3A_746 = arith.constant 64 : i32
        %add3A_747 = vector.broadcast %add3A_746 : i32 to vector<16xi32>
        %add3A_748 = arith.addi %iota3A_745, %add3A_747 : vector<16xi32>
        %broadcast_in_dim3A_749 = arith.constant 0.000000e+00 : f32
        %broadcast_in_dim3A_750 = vector.broadcast %broadcast_in_dim3A_749 : f32 to vector<16xf32>
        %broadcast_in_dim3A_751 = arith.constant 0.000000e+00 : f32
        %broadcast_in_dim3A_752 = vector.broadcast %broadcast_in_dim3A_751 : f32 to vector<16xf32>
        %broadcast_in_dim3A_753 = arith.constant 0.000000e+00 : f32
        %broadcast_in_dim3A_754 = vector.broadcast %broadcast_in_dim3A_753 : f32 to vector<16xf32>
        %broadcast_in_dim3A_755 = arith.constant 0.000000e+00 : f32
        %broadcast_in_dim3A_756 = vector.broadcast %broadcast_in_dim3A_755 : f32 to vector<16xf32>
        %broadcast_in_dim3A_757 = arith.constant 0.000000e+00 : f32
        %broadcast_in_dim3A_758 = vector.broadcast %broadcast_in_dim3A_757 : f32 to vector<16xf32>
        %scan3A_759 = arith.constant 0 : i32
        %scan3A_760 = arith.constant 64 : i32
        %scan3A_761 = arith.addi %scan3A_759, %scan3A_760 : i32
        %scan3A_762 = arith.constant 1 : i32
        %scan3A_763:5 = scf.for %scan3A_861 = %scan3A_759 to %scan3A_761 step %scan3A_762 iter_args(%scan3A_862 = %broadcast_in_dim3A_750, %scan3A_863 = %broadcast_in_dim3A_752, %scan3A_864 = %broadcast_in_dim3A_754, %scan3A_865 = %broadcast_in_dim3A_756, %scan3A_866 = %broadcast_in_dim3A_758) -> (vector<16xf32>, vector<16xf32>, vector<16xf32>, vector<16xf32>, vector<16xf32>)  : i32 {
          %broadcast_in_dim3A_867 = vector.broadcast %scan3A_861 : i32 to vector<16xi32>
          %gather3A = tpu.vector_load_idx %arg11[%broadcast_in_dim3A_867] : memref<64xf32, #tpu.memory_space<vmem>>[vector<16xi32>], vector<16xf32>,
          %broadcast_in_dim3A_868 = arith.constant 0 : i32
          %broadcast_in_dim3A_869 = vector.broadcast %broadcast_in_dim3A_868 : i32 to vector<16xi32>
          %gather3A_870 = tpu.vector_load_idx %arg10[%broadcast_in_dim3A_869, %broadcast_in_dim3A_728, %add3A_732, %broadcast_in_dim3A_867] : memref<2x2x80x128xf32, #tpu.memory_space<vmem>>[vector<16xi32>, vector<16xi32>, vector<16xi32>, vector<16xi32>], vector<16xf32>,
          %broadcast_in_dim3A_871 = arith.constant 1 : i32
          %broadcast_in_dim3A_872 = vector.broadcast %broadcast_in_dim3A_871 : i32 to vector<16xi32>
          %add3A_873 = arith.constant 64 : i32
          %add3A_874 = vector.broadcast %add3A_873 : i32 to vector<16xi32>
          %add3A_875 = arith.addi %broadcast_in_dim3A_867, %add3A_874 : vector<16xi32>
          %gather3A_876 = tpu.vector_load_idx %arg10[%broadcast_in_dim3A_872, %broadcast_in_dim3A_728, %add3A_732, %add3A_875] : memref<2x2x80x128xf32, #tpu.memory_space<vmem>>[vector<16xi32>, vector<16xi32>, vector<16xi32>, vector<16xi32>], vector<16xf32>,
          %add3A_877 = arith.addf %gather3A_870, %gather3A_876 : vector<16xf32>
          %max3A = arith.constant 0.000000e+00 : f32
          %max3A_878 = vector.broadcast %max3A : f32 to vector<16xf32>
          %max3A_879 = arith.maximumf %add3A_877, %max3A_878 : vector<16xf32>
          %mul3A_880 = arith.mulf %max3A_879, %gather3A : vector<16xf32>
          %add3A_881 = arith.addf %scan3A_862, %mul3A_880 : vector<16xf32>
          %broadcast_in_dim3A_882 = arith.constant 0 : i32
          %broadcast_in_dim3A_883 = vector.broadcast %broadcast_in_dim3A_882 : i32 to vector<16xi32>
          %gather3A_884 = tpu.vector_load_idx %arg10[%broadcast_in_dim3A_883, %broadcast_in_dim3A_728, %add3A_736, %broadcast_in_dim3A_867] : memref<2x2x80x128xf32, #tpu.memory_space<vmem>>[vector<16xi32>, vector<16xi32>, vector<16xi32>, vector<16xi32>], vector<16xf32>,
          %broadcast_in_dim3A_885 = arith.constant 1 : i32
          %broadcast_in_dim3A_886 = vector.broadcast %broadcast_in_dim3A_885 : i32 to vector<16xi32>
          %add3A_887 = arith.constant 64 : i32
          %add3A_888 = vector.broadcast %add3A_887 : i32 to vector<16xi32>
          %add3A_889 = arith.addi %broadcast_in_dim3A_867, %add3A_888 : vector<16xi32>
          %gather3A_890 = tpu.vector_load_idx %arg10[%broadcast_in_dim3A_886, %broadcast_in_dim3A_728, %add3A_736, %add3A_889] : memref<2x2x80x128xf32, #tpu.memory_space<vmem>>[vector<16xi32>, vector<16xi32>, vector<16xi32>, vector<16xi32>], vector<16xf32>,
          %add3A_891 = arith.addf %gather3A_884, %gather3A_890 : vector<16xf32>
          %max3A_892 = arith.constant 0.000000e+00 : f32
          %max3A_893 = vector.broadcast %max3A_892 : f32 to vector<16xf32>
          %max3A_894 = arith.maximumf %add3A_891, %max3A_893 : vector<16xf32>
          %mul3A_895 = arith.mulf %max3A_894, %gather3A : vector<16xf32>
          %add3A_896 = arith.addf %scan3A_863, %mul3A_895 : vector<16xf32>
          %broadcast_in_dim3A_897 = arith.constant 0 : i32
          %broadcast_in_dim3A_898 = vector.broadcast %broadcast_in_dim3A_897 : i32 to vector<16xi32>
          %gather3A_899 = tpu.vector_load_idx %arg10[%broadcast_in_dim3A_898, %broadcast_in_dim3A_728, %add3A_740, %broadcast_in_dim3A_867] : memref<2x2x80x128xf32, #tpu.memory_space<vmem>>[vector<16xi32>, vector<16xi32>, vector<16xi32>, vector<16xi32>], vector<16xf32>,
          %broadcast_in_dim3A_900 = arith.constant 1 : i32
          %broadcast_in_dim3A_901 = vector.broadcast %broadcast_in_dim3A_900 : i32 to vector<16xi32>
          %add3A_902 = arith.constant 64 : i32
          %add3A_903 = vector.broadcast %add3A_902 : i32 to vector<16xi32>
          %add3A_904 = arith.addi %broadcast_in_dim3A_867, %add3A_903 : vector<16xi32>
          %gather3A_905 = tpu.vector_load_idx %arg10[%broadcast_in_dim3A_901, %broadcast_in_dim3A_728, %add3A_740, %add3A_904] : memref<2x2x80x128xf32, #tpu.memory_space<vmem>>[vector<16xi32>, vector<16xi32>, vector<16xi32>, vector<16xi32>], vector<16xf32>,
          %add3A_906 = arith.addf %gather3A_899, %gather3A_905 : vector<16xf32>
          %max3A_907 = arith.constant 0.000000e+00 : f32
          %max3A_908 = vector.broadcast %max3A_907 : f32 to vector<16xf32>
          %max3A_909 = arith.maximumf %add3A_906, %max3A_908 : vector<16xf32>
          %mul3A_910 = arith.mulf %max3A_909, %gather3A : vector<16xf32>
          %add3A_911 = arith.addf %scan3A_864, %mul3A_910 : vector<16xf32>
          %broadcast_in_dim3A_912 = arith.constant 0 : i32
          %broadcast_in_dim3A_913 = vector.broadcast %broadcast_in_dim3A_912 : i32 to vector<16xi32>
          %gather3A_914 = tpu.vector_load_idx %arg10[%broadcast_in_dim3A_913, %broadcast_in_dim3A_728, %add3A_744, %broadcast_in_dim3A_867] : memref<2x2x80x128xf32, #tpu.memory_space<vmem>>[vector<16xi32>, vector<16xi32>, vector<16xi32>, vector<16xi32>], vector<16xf32>,
          %broadcast_in_dim3A_915 = arith.constant 1 : i32
          %broadcast_in_dim3A_916 = vector.broadcast %broadcast_in_dim3A_915 : i32 to vector<16xi32>
          %add3A_917 = arith.constant 64 : i32
          %add3A_918 = vector.broadcast %add3A_917 : i32 to vector<16xi32>
          %add3A_919 = arith.addi %broadcast_in_dim3A_867, %add3A_918 : vector<16xi32>
          %gather3A_920 = tpu.vector_load_idx %arg10[%broadcast_in_dim3A_916, %broadcast_in_dim3A_728, %add3A_744, %add3A_919] : memref<2x2x80x128xf32, #tpu.memory_space<vmem>>[vector<16xi32>, vector<16xi32>, vector<16xi32>, vector<16xi32>], vector<16xf32>,
          %add3A_921 = arith.addf %gather3A_914, %gather3A_920 : vector<16xf32>
          %max3A_922 = arith.constant 0.000000e+00 : f32
          %max3A_923 = vector.broadcast %max3A_922 : f32 to vector<16xf32>
          %max3A_924 = arith.maximumf %add3A_921, %max3A_923 : vector<16xf32>
          %mul3A_925 = arith.mulf %max3A_924, %gather3A : vector<16xf32>
          %add3A_926 = arith.addf %scan3A_865, %mul3A_925 : vector<16xf32>
          %broadcast_in_dim3A_927 = arith.constant 0 : i32
          %broadcast_in_dim3A_928 = vector.broadcast %broadcast_in_dim3A_927 : i32 to vector<16xi32>
          %gather3A_929 = tpu.vector_load_idx %arg10[%broadcast_in_dim3A_928, %broadcast_in_dim3A_728, %add3A_748, %broadcast_in_dim3A_867] : memref<2x2x80x128xf32, #tpu.memory_space<vmem>>[vector<16xi32>, vector<16xi32>, vector<16xi32>, vector<16xi32>], vector<16xf32>,
          %broadcast_in_dim3A_930 = arith.constant 1 : i32
          %broadcast_in_dim3A_931 = vector.broadcast %broadcast_in_dim3A_930 : i32 to vector<16xi32>
          %add3A_932 = arith.constant 64 : i32
          %add3A_933 = vector.broadcast %add3A_932 : i32 to vector<16xi32>
          %add3A_934 = arith.addi %broadcast_in_dim3A_867, %add3A_933 : vector<16xi32>
          %gather3A_935 = tpu.vector_load_idx %arg10[%broadcast_in_dim3A_931, %broadcast_in_dim3A_728, %add3A_748, %add3A_934] : memref<2x2x80x128xf32, #tpu.memory_space<vmem>>[vector<16xi32>, vector<16xi32>, vector<16xi32>, vector<16xi32>], vector<16xf32>,
          %add3A_936 = arith.addf %gather3A_929, %gather3A_935 : vector<16xf32>
          %max3A_937 = arith.constant 0.000000e+00 : f32
          %max3A_938 = vector.broadcast %max3A_937 : f32 to vector<16xf32>
          %max3A_939 = arith.maximumf %add3A_936, %max3A_938 : vector<16xf32>
          %mul3A_940 = arith.mulf %max3A_939, %gather3A : vector<16xf32>
          %add3A_941 = arith.addf %scan3A_866, %mul3A_940 : vector<16xf32>
          scf.yield %add3A_881, %add3A_896, %add3A_911, %add3A_926, %add3A_941 : vector<16xf32>, vector<16xf32>, vector<16xf32>, vector<16xf32>, vector<16xf32>
        }
        %scan3A_764 = arith.constant 64 : i32
        %get3A_765 = arith.constant 0 : index
        %get3A_766 = tpu.vector_load %arg12[%get3A_765] {strides = array<i32>} : memref<16xf32, #tpu.memory_space<vmem>>, vector<16xf32>,
        %add3A_767 = arith.addf %scan3A_763#0, %get3A_766 : vector<16xf32>
        %neg3A_768 = arith.constant 0.000000e+00 : f32
        %neg3A_769 = vector.broadcast %neg3A_768 : f32 to vector<16xf32>
        %neg3A_770 = arith.subf %neg3A_769, %add3A_767 : vector<16xf32>
        %exp3A_771 = math.exp %neg3A_770 : vector<16xf32>
        %add3A_772 = arith.constant 1.000000e+00 : f32
        %add3A_773 = vector.broadcast %add3A_772 : f32 to vector<16xf32>
        %add3A_774 = arith.addf %add3A_773, %exp3A_771 : vector<16xf32>
        %div3A_775 = arith.constant 1.000000e+00 : f32
        %div3A_776 = vector.broadcast %div3A_775 : f32 to vector<16xf32>
        %div3A_777 = arith.divf %div3A_776, %add3A_774 : vector<16xf32>
        %mul3A_778 = arith.constant 80 : i32
        %mul3A_779 = arith.muli %add3A_726, %mul3A_778 : i32
        %add3A_780 = arith.constant 0 : i32
        %add3A_781 = arith.addi %mul3A_779, %add3A_780 : i32
        %swap3A_782 = arith.index_cast %add3A_781 : i32 to index
        %swap3A_783 = tpu.vector_load %arg13[%swap3A_782] {strides = array<i32>} : memref<2000xf32, #tpu.memory_space<vmem>>, vector<16xf32>,
        tpu.vector_store %arg13[%swap3A_782], %div3A_777 {strides = array<i32>} : memref<2000xf32, #tpu.memory_space<vmem>>, vector<16xf32>,
        %get3A_784 = arith.constant 0 : index
        %get3A_785 = tpu.vector_load %arg12[%get3A_784] {strides = array<i32>} : memref<16xf32, #tpu.memory_space<vmem>>, vector<16xf32>,
        %add3A_786 = arith.addf %scan3A_763#1, %get3A_785 : vector<16xf32>
        %neg3A_787 = arith.constant 0.000000e+00 : f32
        %neg3A_788 = vector.broadcast %neg3A_787 : f32 to vector<16xf32>
        %neg3A_789 = arith.subf %neg3A_788, %add3A_786 : vector<16xf32>
        %exp3A_790 = math.exp %neg3A_789 : vector<16xf32>
        %add3A_791 = arith.constant 1.000000e+00 : f32
        %add3A_792 = vector.broadcast %add3A_791 : f32 to vector<16xf32>
        %add3A_793 = arith.addf %add3A_792, %exp3A_790 : vector<16xf32>
        %div3A_794 = arith.constant 1.000000e+00 : f32
        %div3A_795 = vector.broadcast %div3A_794 : f32 to vector<16xf32>
        %div3A_796 = arith.divf %div3A_795, %add3A_793 : vector<16xf32>
        %mul3A_797 = arith.constant 80 : i32
        %mul3A_798 = arith.muli %add3A_726, %mul3A_797 : i32
        %add3A_799 = arith.constant 16 : i32
        %add3A_800 = arith.addi %mul3A_798, %add3A_799 : i32
        %swap3A_801 = arith.index_cast %add3A_800 : i32 to index
        %swap3A_802 = tpu.vector_load %arg13[%swap3A_801] {strides = array<i32>} : memref<2000xf32, #tpu.memory_space<vmem>>, vector<16xf32>,
        tpu.vector_store %arg13[%swap3A_801], %div3A_796 {strides = array<i32>} : memref<2000xf32, #tpu.memory_space<vmem>>, vector<16xf32>,
        %get3A_803 = arith.constant 0 : index
        %get3A_804 = tpu.vector_load %arg12[%get3A_803] {strides = array<i32>} : memref<16xf32, #tpu.memory_space<vmem>>, vector<16xf32>,
        %add3A_805 = arith.addf %scan3A_763#2, %get3A_804 : vector<16xf32>
        %neg3A_806 = arith.constant 0.000000e+00 : f32
        %neg3A_807 = vector.broadcast %neg3A_806 : f32 to vector<16xf32>
        %neg3A_808 = arith.subf %neg3A_807, %add3A_805 : vector<16xf32>
        %exp3A_809 = math.exp %neg3A_808 : vector<16xf32>
        %add3A_810 = arith.constant 1.000000e+00 : f32
        %add3A_811 = vector.broadcast %add3A_810 : f32 to vector<16xf32>
        %add3A_812 = arith.addf %add3A_811, %exp3A_809 : vector<16xf32>
        %div3A_813 = arith.constant 1.000000e+00 : f32
        %div3A_814 = vector.broadcast %div3A_813 : f32 to vector<16xf32>
        %div3A_815 = arith.divf %div3A_814, %add3A_812 : vector<16xf32>
        %mul3A_816 = arith.constant 80 : i32
        %mul3A_817 = arith.muli %add3A_726, %mul3A_816 : i32
        %add3A_818 = arith.constant 32 : i32
        %add3A_819 = arith.addi %mul3A_817, %add3A_818 : i32
        %swap3A_820 = arith.index_cast %add3A_819 : i32 to index
        %swap3A_821 = tpu.vector_load %arg13[%swap3A_820] {strides = array<i32>} : memref<2000xf32, #tpu.memory_space<vmem>>, vector<16xf32>,
        tpu.vector_store %arg13[%swap3A_820], %div3A_815 {strides = array<i32>} : memref<2000xf32, #tpu.memory_space<vmem>>, vector<16xf32>,
        %get3A_822 = arith.constant 0 : index
        %get3A_823 = tpu.vector_load %arg12[%get3A_822] {strides = array<i32>} : memref<16xf32, #tpu.memory_space<vmem>>, vector<16xf32>,
        %add3A_824 = arith.addf %scan3A_763#3, %get3A_823 : vector<16xf32>
        %neg3A_825 = arith.constant 0.000000e+00 : f32
        %neg3A_826 = vector.broadcast %neg3A_825 : f32 to vector<16xf32>
        %neg3A_827 = arith.subf %neg3A_826, %add3A_824 : vector<16xf32>
        %exp3A_828 = math.exp %neg3A_827 : vector<16xf32>
        %add3A_829 = arith.constant 1.000000e+00 : f32
        %add3A_830 = vector.broadcast %add3A_829 : f32 to vector<16xf32>
        %add3A_831 = arith.addf %add3A_830, %exp3A_828 : vector<16xf32>
        %div3A_832 = arith.constant 1.000000e+00 : f32
        %div3A_833 = vector.broadcast %div3A_832 : f32 to vector<16xf32>
        %div3A_834 = arith.divf %div3A_833, %add3A_831 : vector<16xf32>
        %mul3A_835 = arith.constant 80 : i32
        %mul3A_836 = arith.muli %add3A_726, %mul3A_835 : i32
        %add3A_837 = arith.constant 48 : i32
        %add3A_838 = arith.addi %mul3A_836, %add3A_837 : i32
        %swap3A_839 = arith.index_cast %add3A_838 : i32 to index
        %swap3A_840 = tpu.vector_load %arg13[%swap3A_839] {strides = array<i32>} : memref<2000xf32, #tpu.memory_space<vmem>>, vector<16xf32>,
        tpu.vector_store %arg13[%swap3A_839], %div3A_834 {strides = array<i32>} : memref<2000xf32, #tpu.memory_space<vmem>>, vector<16xf32>,
        %get3A_841 = arith.constant 0 : index
        %get3A_842 = tpu.vector_load %arg12[%get3A_841] {strides = array<i32>} : memref<16xf32, #tpu.memory_space<vmem>>, vector<16xf32>,
        %add3A_843 = arith.addf %scan3A_763#4, %get3A_842 : vector<16xf32>
        %neg3A_844 = arith.constant 0.000000e+00 : f32
        %neg3A_845 = vector.broadcast %neg3A_844 : f32 to vector<16xf32>
        %neg3A_846 = arith.subf %neg3A_845, %add3A_843 : vector<16xf32>
        %exp3A_847 = math.exp %neg3A_846 : vector<16xf32>
        %add3A_848 = arith.constant 1.000000e+00 : f32
        %add3A_849 = vector.broadcast %add3A_848 : f32 to vector<16xf32>
        %add3A_850 = arith.addf %add3A_849, %exp3A_847 : vector<16xf32>
        %div3A_851 = arith.constant 1.000000e+00 : f32
        %div3A_852 = vector.broadcast %div3A_851 : f32 to vector<16xf32>
        %div3A_853 = arith.divf %div3A_852, %add3A_850 : vector<16xf32>
        %mul3A_854 = arith.constant 80 : i32
        %mul3A_855 = arith.muli %add3A_726, %mul3A_854 : i32
        %add3A_856 = arith.constant 64 : i32
        %add3A_857 = arith.addi %mul3A_855, %add3A_856 : i32
        %swap3A_858 = arith.index_cast %add3A_857 : i32 to index
        %swap3A_859 = tpu.vector_load %arg13[%swap3A_858] {strides = array<i32>} : memref<2000xf32, #tpu.memory_space<vmem>>, vector<16xf32>,
        tpu.vector_store %arg13[%swap3A_858], %div3A_853 {strides = array<i32>} : memref<2000xf32, #tpu.memory_space<vmem>>, vector<16xf32>,
        %scan3A_860 = arith.constant 0 : i32
        scf.yield %scan3A_860 : i32
      }
      %scan3A_112 = arith.constant 12 : i32
      %dma_wait3A = arith.constant 0 : i32
      %dma_wait3A_113 = arith.constant 0 : i32
      %dma_wait3A_114 = arith.constant 0 : i32
      %dma_wait3A_115 = arith.constant 0 : i32
      %dma_wait3A_116 = arith.constant 0 : i32
      %dma_wait3A_117 = arith.constant 0 : i32
      %dma_wait3A_118 = tpu.memref_slice %arg10[%dma_wait3A_113, %dma_wait3A_114, %dma_wait3A_116, %dma_wait3A_117] : memref<2x2x80x128xf32, #tpu.memory_space<vmem>> -> memref<1x1x80x128xf32, #tpu.memory_space<vmem>>
      %dma_wait3A_119 = tpu.memref_squeeze %dma_wait3A_118 : memref<1x1x80x128xf32, #tpu.memory_space<vmem>> -> memref<80x128xf32, #tpu.memory_space<vmem>>
      %dma_wait3A_120 = arith.constant 0 : i32
      %dma_wait3A_121 = tpu.memref_slice %arg14[%dma_wait3A, %dma_wait3A_120] : memref<2x80xi32, #tpu.memory_space<vmem>> -> memref<1x80xi32, #tpu.memory_space<vmem>>
      %dma_wait3A_122 = tpu.memref_squeeze %dma_wait3A_121 : memref<1x80xi32, #tpu.memory_space<vmem>> -> memref<80xi32, #tpu.memory_space<vmem>>
      %dma_wait3A_123 = arith.constant 0 : i32
      %dma_wait3A_124 = arith.constant 0 : i32
      %dma_wait3A_125 = tpu.memref_slice %arg2[%dma_wait3A_123, %dma_wait3A_124] : memref<10000x128xf32, #tpu.memory_space<hbm>> -> memref<10000x128xf32, #tpu.memory_space<hbm>>
      %dma_wait3A_126 = tpu.memref_slice %arg16[%dma_wait3A_115] : memref<2x!tpu.dma_semaphore, #tpu.memory_space<semaphore_mem>> -> memref<1x!tpu.dma_semaphore, #tpu.memory_space<semaphore_mem>>
      %dma_wait3A_127 = tpu.memref_squeeze %dma_wait3A_126 : memref<1x!tpu.dma_semaphore, #tpu.memory_space<semaphore_mem>> -> memref<!tpu.dma_semaphore, #tpu.memory_space<semaphore_mem>>
      tpu.wait_indirect_dma semaphore(%dma_wait3A_127 : memref<!tpu.dma_semaphore, #tpu.memory_space<semaphore_mem>>) src(%dma_wait3A_125 : memref<10000x128xf32, #tpu.memory_space<hbm>>) dst(%dma_wait3A_119 : memref<80x128xf32, #tpu.memory_space<vmem>>)
      %dma_wait3A_128 = arith.constant 0 : i32
      %dma_wait3A_129 = arith.constant 1 : i32
      %dma_wait3A_130 = arith.constant 0 : i32
      %dma_wait3A_131 = arith.constant 0 : i32
      %dma_wait3A_132 = arith.constant 0 : i32
      %dma_wait3A_133 = arith.constant 0 : i32
      %dma_wait3A_134 = tpu.memref_slice %arg10[%dma_wait3A_129, %dma_wait3A_130, %dma_wait3A_132, %dma_wait3A_133] : memref<2x2x80x128xf32, #tpu.memory_space<vmem>> -> memref<1x1x80x128xf32, #tpu.memory_space<vmem>>
      %dma_wait3A_135 = tpu.memref_squeeze %dma_wait3A_134 : memref<1x1x80x128xf32, #tpu.memory_space<vmem>> -> memref<80x128xf32, #tpu.memory_space<vmem>>
      %dma_wait3A_136 = arith.constant 0 : i32
      %dma_wait3A_137 = tpu.memref_slice %arg15[%dma_wait3A_128, %dma_wait3A_136] : memref<2x80xi32, #tpu.memory_space<vmem>> -> memref<1x80xi32, #tpu.memory_space<vmem>>
      %dma_wait3A_138 = tpu.memref_squeeze %dma_wait3A_137 : memref<1x80xi32, #tpu.memory_space<vmem>> -> memref<80xi32, #tpu.memory_space<vmem>>
      %dma_wait3A_139 = arith.constant 0 : i32
      %dma_wait3A_140 = arith.constant 0 : i32
      %dma_wait3A_141 = tpu.memref_slice %arg2[%dma_wait3A_139, %dma_wait3A_140] : memref<10000x128xf32, #tpu.memory_space<hbm>> -> memref<10000x128xf32, #tpu.memory_space<hbm>>
      %dma_wait3A_142 = tpu.memref_slice %arg17[%dma_wait3A_131] : memref<2x!tpu.dma_semaphore, #tpu.memory_space<semaphore_mem>> -> memref<1x!tpu.dma_semaphore, #tpu.memory_space<semaphore_mem>>
      %dma_wait3A_143 = tpu.memref_squeeze %dma_wait3A_142 : memref<1x!tpu.dma_semaphore, #tpu.memory_space<semaphore_mem>> -> memref<!tpu.dma_semaphore, #tpu.memory_space<semaphore_mem>>
      tpu.wait_indirect_dma semaphore(%dma_wait3A_143 : memref<!tpu.dma_semaphore, #tpu.memory_space<semaphore_mem>>) src(%dma_wait3A_141 : memref<10000x128xf32, #tpu.memory_space<hbm>>) dst(%dma_wait3A_135 : memref<80x128xf32, #tpu.memory_space<vmem>>)
      %broadcast_in_dim3A = arith.constant 0 : i32
      %broadcast_in_dim3A_144 = vector.broadcast %broadcast_in_dim3A : i32 to vector<16xi32>
      %iota3A = tpu.iota {dimensions = array<i32: 0>} : vector<16xi32>
      %add3A_145 = arith.constant 0 : i32
      %add3A_146 = vector.broadcast %add3A_145 : i32 to vector<16xi32>
      %add3A_147 = arith.addi %iota3A, %add3A_146 : vector<16xi32>
      %iota3A_148 = tpu.iota {dimensions = array<i32: 0>} : vector<16xi32>
      %add3A_149 = arith.constant 16 : i32
      %add3A_150 = vector.broadcast %add3A_149 : i32 to vector<16xi32>
      %add3A_151 = arith.addi %iota3A_148, %add3A_150 : vector<16xi32>
      %iota3A_152 = tpu.iota {dimensions = array<i32: 0>} : vector<16xi32>
      %add3A_153 = arith.constant 32 : i32
      %add3A_154 = vector.broadcast %add3A_153 : i32 to vector<16xi32>
      %add3A_155 = arith.addi %iota3A_152, %add3A_154 : vector<16xi32>
      %iota3A_156 = tpu.iota {dimensions = array<i32: 0>} : vector<16xi32>
      %add3A_157 = arith.constant 48 : i32
      %add3A_158 = vector.broadcast %add3A_157 : i32 to vector<16xi32>
      %add3A_159 = arith.addi %iota3A_156, %add3A_158 : vector<16xi32>
      %iota3A_160 = tpu.iota {dimensions = array<i32: 0>} : vector<16xi32>
      %add3A_161 = arith.constant 64 : i32
      %add3A_162 = vector.broadcast %add3A_161 : i32 to vector<16xi32>
      %add3A_163 = arith.addi %iota3A_160, %add3A_162 : vector<16xi32>
      %broadcast_in_dim3A_164 = arith.constant 0.000000e+00 : f32
      %broadcast_in_dim3A_165 = vector.broadcast %broadcast_in_dim3A_164 : f32 to vector<16xf32>
      %broadcast_in_dim3A_166 = arith.constant 0.000000e+00 : f32
      %broadcast_in_dim3A_167 = vector.broadcast %broadcast_in_dim3A_166 : f32 to vector<16xf32>
      %broadcast_in_dim3A_168 = arith.constant 0.000000e+00 : f32
      %broadcast_in_dim3A_169 = vector.broadcast %broadcast_in_dim3A_168 : f32 to vector<16xf32>
      %broadcast_in_dim3A_170 = arith.constant 0.000000e+00 : f32
      %broadcast_in_dim3A_171 = vector.broadcast %broadcast_in_dim3A_170 : f32 to vector<16xf32>
      %broadcast_in_dim3A_172 = arith.constant 0.000000e+00 : f32
      %broadcast_in_dim3A_173 = vector.broadcast %broadcast_in_dim3A_172 : f32 to vector<16xf32>
      %scan3A_174 = arith.constant 0 : i32
      %scan3A_175 = arith.constant 64 : i32
      %scan3A_176 = arith.addi %scan3A_174, %scan3A_175 : i32
      %scan3A_177 = arith.constant 1 : i32
      %scan3A_178:5 = scf.for %scan3A_256 = %scan3A_174 to %scan3A_176 step %scan3A_177 iter_args(%scan3A_257 = %broadcast_in_dim3A_165, %scan3A_258 = %broadcast_in_dim3A_167, %scan3A_259 = %broadcast_in_dim3A_169, %scan3A_260 = %broadcast_in_dim3A_171, %scan3A_261 = %broadcast_in_dim3A_173) -> (vector<16xf32>, vector<16xf32>, vector<16xf32>, vector<16xf32>, vector<16xf32>)  : i32 {
        %broadcast_in_dim3A_262 = vector.broadcast %scan3A_256 : i32 to vector<16xi32>
        %gather3A = tpu.vector_load_idx %arg11[%broadcast_in_dim3A_262] : memref<64xf32, #tpu.memory_space<vmem>>[vector<16xi32>], vector<16xf32>,
        %broadcast_in_dim3A_263 = arith.constant 0 : i32
        %broadcast_in_dim3A_264 = vector.broadcast %broadcast_in_dim3A_263 : i32 to vector<16xi32>
        %gather3A_265 = tpu.vector_load_idx %arg10[%broadcast_in_dim3A_264, %broadcast_in_dim3A_144, %add3A_147, %broadcast_in_dim3A_262] : memref<2x2x80x128xf32, #tpu.memory_space<vmem>>[vector<16xi32>, vector<16xi32>, vector<16xi32>, vector<16xi32>], vector<16xf32>,
        %broadcast_in_dim3A_266 = arith.constant 1 : i32
        %broadcast_in_dim3A_267 = vector.broadcast %broadcast_in_dim3A_266 : i32 to vector<16xi32>
        %add3A_268 = arith.constant 64 : i32
        %add3A_269 = vector.broadcast %add3A_268 : i32 to vector<16xi32>
        %add3A_270 = arith.addi %broadcast_in_dim3A_262, %add3A_269 : vector<16xi32>
        %gather3A_271 = tpu.vector_load_idx %arg10[%broadcast_in_dim3A_267, %broadcast_in_dim3A_144, %add3A_147, %add3A_270] : memref<2x2x80x128xf32, #tpu.memory_space<vmem>>[vector<16xi32>, vector<16xi32>, vector<16xi32>, vector<16xi32>], vector<16xf32>,
        %add3A_272 = arith.addf %gather3A_265, %gather3A_271 : vector<16xf32>
        %max3A = arith.constant 0.000000e+00 : f32
        %max3A_273 = vector.broadcast %max3A : f32 to vector<16xf32>
        %max3A_274 = arith.maximumf %add3A_272, %max3A_273 : vector<16xf32>
        %mul3A_275 = arith.mulf %max3A_274, %gather3A : vector<16xf32>
        %add3A_276 = arith.addf %scan3A_257, %mul3A_275 : vector<16xf32>
        %broadcast_in_dim3A_277 = arith.constant 0 : i32
        %broadcast_in_dim3A_278 = vector.broadcast %broadcast_in_dim3A_277 : i32 to vector<16xi32>
        %gather3A_279 = tpu.vector_load_idx %arg10[%broadcast_in_dim3A_278, %broadcast_in_dim3A_144, %add3A_151, %broadcast_in_dim3A_262] : memref<2x2x80x128xf32, #tpu.memory_space<vmem>>[vector<16xi32>, vector<16xi32>, vector<16xi32>, vector<16xi32>], vector<16xf32>,
        %broadcast_in_dim3A_280 = arith.constant 1 : i32
        %broadcast_in_dim3A_281 = vector.broadcast %broadcast_in_dim3A_280 : i32 to vector<16xi32>
        %add3A_282 = arith.constant 64 : i32
        %add3A_283 = vector.broadcast %add3A_282 : i32 to vector<16xi32>
        %add3A_284 = arith.addi %broadcast_in_dim3A_262, %add3A_283 : vector<16xi32>
        %gather3A_285 = tpu.vector_load_idx %arg10[%broadcast_in_dim3A_281, %broadcast_in_dim3A_144, %add3A_151, %add3A_284] : memref<2x2x80x128xf32, #tpu.memory_space<vmem>>[vector<16xi32>, vector<16xi32>, vector<16xi32>, vector<16xi32>], vector<16xf32>,
        %add3A_286 = arith.addf %gather3A_279, %gather3A_285 : vector<16xf32>
        %max3A_287 = arith.constant 0.000000e+00 : f32
        %max3A_288 = vector.broadcast %max3A_287 : f32 to vector<16xf32>
        %max3A_289 = arith.maximumf %add3A_286, %max3A_288 : vector<16xf32>
        %mul3A_290 = arith.mulf %max3A_289, %gather3A : vector<16xf32>
        %add3A_291 = arith.addf %scan3A_258, %mul3A_290 : vector<16xf32>
        %broadcast_in_dim3A_292 = arith.constant 0 : i32
        %broadcast_in_dim3A_293 = vector.broadcast %broadcast_in_dim3A_292 : i32 to vector<16xi32>
        %gather3A_294 = tpu.vector_load_idx %arg10[%broadcast_in_dim3A_293, %broadcast_in_dim3A_144, %add3A_155, %broadcast_in_dim3A_262] : memref<2x2x80x128xf32, #tpu.memory_space<vmem>>[vector<16xi32>, vector<16xi32>, vector<16xi32>, vector<16xi32>], vector<16xf32>,
        %broadcast_in_dim3A_295 = arith.constant 1 : i32
        %broadcast_in_dim3A_296 = vector.broadcast %broadcast_in_dim3A_295 : i32 to vector<16xi32>
        %add3A_297 = arith.constant 64 : i32
        %add3A_298 = vector.broadcast %add3A_297 : i32 to vector<16xi32>
        %add3A_299 = arith.addi %broadcast_in_dim3A_262, %add3A_298 : vector<16xi32>
        %gather3A_300 = tpu.vector_load_idx %arg10[%broadcast_in_dim3A_296, %broadcast_in_dim3A_144, %add3A_155, %add3A_299] : memref<2x2x80x128xf32, #tpu.memory_space<vmem>>[vector<16xi32>, vector<16xi32>, vector<16xi32>, vector<16xi32>], vector<16xf32>,
        %add3A_301 = arith.addf %gather3A_294, %gather3A_300 : vector<16xf32>
        %max3A_302 = arith.constant 0.000000e+00 : f32
        %max3A_303 = vector.broadcast %max3A_302 : f32 to vector<16xf32>
        %max3A_304 = arith.maximumf %add3A_301, %max3A_303 : vector<16xf32>
        %mul3A_305 = arith.mulf %max3A_304, %gather3A : vector<16xf32>
        %add3A_306 = arith.addf %scan3A_259, %mul3A_305 : vector<16xf32>
        %broadcast_in_dim3A_307 = arith.constant 0 : i32
        %broadcast_in_dim3A_308 = vector.broadcast %broadcast_in_dim3A_307 : i32 to vector<16xi32>
        %gather3A_309 = tpu.vector_load_idx %arg10[%broadcast_in_dim3A_308, %broadcast_in_dim3A_144, %add3A_159, %broadcast_in_dim3A_262] : memref<2x2x80x128xf32, #tpu.memory_space<vmem>>[vector<16xi32>, vector<16xi32>, vector<16xi32>, vector<16xi32>], vector<16xf32>,
        %broadcast_in_dim3A_310 = arith.constant 1 : i32
        %broadcast_in_dim3A_311 = vector.broadcast %broadcast_in_dim3A_310 : i32 to vector<16xi32>
        %add3A_312 = arith.constant 64 : i32
        %add3A_313 = vector.broadcast %add3A_312 : i32 to vector<16xi32>
        %add3A_314 = arith.addi %broadcast_in_dim3A_262, %add3A_313 : vector<16xi32>
        %gather3A_315 = tpu.vector_load_idx %arg10[%broadcast_in_dim3A_311, %broadcast_in_dim3A_144, %add3A_159, %add3A_314] : memref<2x2x80x128xf32, #tpu.memory_space<vmem>>[vector<16xi32>, vector<16xi32>, vector<16xi32>, vector<16xi32>], vector<16xf32>,
        %add3A_316 = arith.addf %gather3A_309, %gather3A_315 : vector<16xf32>
        %max3A_317 = arith.constant 0.000000e+00 : f32
        %max3A_318 = vector.broadcast %max3A_317 : f32 to vector<16xf32>
        %max3A_319 = arith.maximumf %add3A_316, %max3A_318 : vector<16xf32>
        %mul3A_320 = arith.mulf %max3A_319, %gather3A : vector<16xf32>
        %add3A_321 = arith.addf %scan3A_260, %mul3A_320 : vector<16xf32>
        %broadcast_in_dim3A_322 = arith.constant 0 : i32
        %broadcast_in_dim3A_323 = vector.broadcast %broadcast_in_dim3A_322 : i32 to vector<16xi32>
        %gather3A_324 = tpu.vector_load_idx %arg10[%broadcast_in_dim3A_323, %broadcast_in_dim3A_144, %add3A_163, %broadcast_in_dim3A_262] : memref<2x2x80x128xf32, #tpu.memory_space<vmem>>[vector<16xi32>, vector<16xi32>, vector<16xi32>, vector<16xi32>], vector<16xf32>,
        %broadcast_in_dim3A_325 = arith.constant 1 : i32
        %broadcast_in_dim3A_326 = vector.broadcast %broadcast_in_dim3A_325 : i32 to vector<16xi32>
        %add3A_327 = arith.constant 64 : i32
        %add3A_328 = vector.broadcast %add3A_327 : i32 to vector<16xi32>
        %add3A_329 = arith.addi %broadcast_in_dim3A_262, %add3A_328 : vector<16xi32>
        %gather3A_330 = tpu.vector_load_idx %arg10[%broadcast_in_dim3A_326, %broadcast_in_dim3A_144, %add3A_163, %add3A_329] : memref<2x2x80x128xf32, #tpu.memory_space<vmem>>[vector<16xi32>, vector<16xi32>, vector<16xi32>, vector<16xi32>], vector<16xf32>,
        %add3A_331 = arith.addf %gather3A_324, %gather3A_330 : vector<16xf32>
        %max3A_332 = arith.constant 0.000000e+00 : f32
        %max3A_333 = vector.broadcast %max3A_332 : f32 to vector<16xf32>
        %max3A_334 = arith.maximumf %add3A_331, %max3A_333 : vector<16xf32>
        %mul3A_335 = arith.mulf %max3A_334, %gather3A : vector<16xf32>
        %add3A_336 = arith.addf %scan3A_261, %mul3A_335 : vector<16xf32>
        scf.yield %add3A_276, %add3A_291, %add3A_306, %add3A_321, %add3A_336 : vector<16xf32>, vector<16xf32>, vector<16xf32>, vector<16xf32>, vector<16xf32>
      }
      %scan3A_179 = arith.constant 64 : i32
      %get3A_180 = arith.constant 0 : index
      %get3A_181 = tpu.vector_load %arg12[%get3A_180] {strides = array<i32>} : memref<16xf32, #tpu.memory_space<vmem>>, vector<16xf32>,
      %add3A_182 = arith.addf %scan3A_178#0, %get3A_181 : vector<16xf32>
      %neg3A = arith.constant 0.000000e+00 : f32
      %neg3A_183 = vector.broadcast %neg3A : f32 to vector<16xf32>
      %neg3A_184 = arith.subf %neg3A_183, %add3A_182 : vector<16xf32>
      %exp3A = math.exp %neg3A_184 : vector<16xf32>
      %add3A_185 = arith.constant 1.000000e+00 : f32
      %add3A_186 = vector.broadcast %add3A_185 : f32 to vector<16xf32>
      %add3A_187 = arith.addf %add3A_186, %exp3A : vector<16xf32>
      %div3A = arith.constant 1.000000e+00 : f32
      %div3A_188 = vector.broadcast %div3A : f32 to vector<16xf32>
      %div3A_189 = arith.divf %div3A_188, %add3A_187 : vector<16xf32>
      %swap3A_190 = arith.constant 1920 : index
      %swap3A_191 = tpu.vector_load %arg13[%swap3A_190] {strides = array<i32>} : memref<2000xf32, #tpu.memory_space<vmem>>, vector<16xf32>,
      tpu.vector_store %arg13[%swap3A_190], %div3A_189 {strides = array<i32>} : memref<2000xf32, #tpu.memory_space<vmem>>, vector<16xf32>,
      %get3A_192 = arith.constant 0 : index
      %get3A_193 = tpu.vector_load %arg12[%get3A_192] {strides = array<i32>} : memref<16xf32, #tpu.memory_space<vmem>>, vector<16xf32>,
      %add3A_194 = arith.addf %scan3A_178#1, %get3A_193 : vector<16xf32>
      %neg3A_195 = arith.constant 0.000000e+00 : f32
      %neg3A_196 = vector.broadcast %neg3A_195 : f32 to vector<16xf32>
      %neg3A_197 = arith.subf %neg3A_196, %add3A_194 : vector<16xf32>
      %exp3A_198 = math.exp %neg3A_197 : vector<16xf32>
      %add3A_199 = arith.constant 1.000000e+00 : f32
      %add3A_200 = vector.broadcast %add3A_199 : f32 to vector<16xf32>
      %add3A_201 = arith.addf %add3A_200, %exp3A_198 : vector<16xf32>
      %div3A_202 = arith.constant 1.000000e+00 : f32
      %div3A_203 = vector.broadcast %div3A_202 : f32 to vector<16xf32>
      %div3A_204 = arith.divf %div3A_203, %add3A_201 : vector<16xf32>
      %swap3A_205 = arith.constant 1936 : index
      %swap3A_206 = tpu.vector_load %arg13[%swap3A_205] {strides = array<i32>} : memref<2000xf32, #tpu.memory_space<vmem>>, vector<16xf32>,
      tpu.vector_store %arg13[%swap3A_205], %div3A_204 {strides = array<i32>} : memref<2000xf32, #tpu.memory_space<vmem>>, vector<16xf32>,
      %get3A_207 = arith.constant 0 : index
      %get3A_208 = tpu.vector_load %arg12[%get3A_207] {strides = array<i32>} : memref<16xf32, #tpu.memory_space<vmem>>, vector<16xf32>,
      %add3A_209 = arith.addf %scan3A_178#2, %get3A_208 : vector<16xf32>
      %neg3A_210 = arith.constant 0.000000e+00 : f32
      %neg3A_211 = vector.broadcast %neg3A_210 : f32 to vector<16xf32>
      %neg3A_212 = arith.subf %neg3A_211, %add3A_209 : vector<16xf32>
      %exp3A_213 = math.exp %neg3A_212 : vector<16xf32>
      %add3A_214 = arith.constant 1.000000e+00 : f32
      %add3A_215 = vector.broadcast %add3A_214 : f32 to vector<16xf32>
      %add3A_216 = arith.addf %add3A_215, %exp3A_213 : vector<16xf32>
      %div3A_217 = arith.constant 1.000000e+00 : f32
      %div3A_218 = vector.broadcast %div3A_217 : f32 to vector<16xf32>
      %div3A_219 = arith.divf %div3A_218, %add3A_216 : vector<16xf32>
      %swap3A_220 = arith.constant 1952 : index
      %swap3A_221 = tpu.vector_load %arg13[%swap3A_220] {strides = array<i32>} : memref<2000xf32, #tpu.memory_space<vmem>>, vector<16xf32>,
      tpu.vector_store %arg13[%swap3A_220], %div3A_219 {strides = array<i32>} : memref<2000xf32, #tpu.memory_space<vmem>>, vector<16xf32>,
      %get3A_222 = arith.constant 0 : index
      %get3A_223 = tpu.vector_load %arg12[%get3A_222] {strides = array<i32>} : memref<16xf32, #tpu.memory_space<vmem>>, vector<16xf32>,
      %add3A_224 = arith.addf %scan3A_178#3, %get3A_223 : vector<16xf32>
      %neg3A_225 = arith.constant 0.000000e+00 : f32
      %neg3A_226 = vector.broadcast %neg3A_225 : f32 to vector<16xf32>
      %neg3A_227 = arith.subf %neg3A_226, %add3A_224 : vector<16xf32>
      %exp3A_228 = math.exp %neg3A_227 : vector<16xf32>
      %add3A_229 = arith.constant 1.000000e+00 : f32
      %add3A_230 = vector.broadcast %add3A_229 : f32 to vector<16xf32>
      %add3A_231 = arith.addf %add3A_230, %exp3A_228 : vector<16xf32>
      %div3A_232 = arith.constant 1.000000e+00 : f32
      %div3A_233 = vector.broadcast %div3A_232 : f32 to vector<16xf32>
      %div3A_234 = arith.divf %div3A_233, %add3A_231 : vector<16xf32>
      %swap3A_235 = arith.constant 1968 : index
      %swap3A_236 = tpu.vector_load %arg13[%swap3A_235] {strides = array<i32>} : memref<2000xf32, #tpu.memory_space<vmem>>, vector<16xf32>,
      tpu.vector_store %arg13[%swap3A_235], %div3A_234 {strides = array<i32>} : memref<2000xf32, #tpu.memory_space<vmem>>, vector<16xf32>,
      %get3A_237 = arith.constant 0 : index
      %get3A_238 = tpu.vector_load %arg12[%get3A_237] {strides = array<i32>} : memref<16xf32, #tpu.memory_space<vmem>>, vector<16xf32>,
      %add3A_239 = arith.addf %scan3A_178#4, %get3A_238 : vector<16xf32>
      %neg3A_240 = arith.constant 0.000000e+00 : f32
      %neg3A_241 = vector.broadcast %neg3A_240 : f32 to vector<16xf32>
      %neg3A_242 = arith.subf %neg3A_241, %add3A_239 : vector<16xf32>
      %exp3A_243 = math.exp %neg3A_242 : vector<16xf32>
      %add3A_244 = arith.constant 1.000000e+00 : f32
      %add3A_245 = vector.broadcast %add3A_244 : f32 to vector<16xf32>
      %add3A_246 = arith.addf %add3A_245, %exp3A_243 : vector<16xf32>
      %div3A_247 = arith.constant 1.000000e+00 : f32
      %div3A_248 = vector.broadcast %div3A_247 : f32 to vector<16xf32>
      %div3A_249 = arith.divf %div3A_248, %add3A_246 : vector<16xf32>
      %swap3A_250 = arith.constant 1984 : index
      %swap3A_251 = tpu.vector_load %arg13[%swap3A_250] {strides = array<i32>} : memref<2000xf32, #tpu.memory_space<vmem>>, vector<16xf32>,
      tpu.vector_store %arg13[%swap3A_250], %div3A_249 {strides = array<i32>} : memref<2000xf32, #tpu.memory_space<vmem>>, vector<16xf32>,
      %mul3A_252 = arith.constant 2000 : i32
      %mul3A_253 = arith.muli %scan3A_9, %mul3A_252 : i32
      %add3A_254 = arith.addi %mul3A_2, %mul3A_253 : i32
      "tpu.region"() ({
        %run_scoped3A = tpu.sem_alloc : memref<!tpu.dma_semaphore, #tpu.memory_space<semaphore_mem>>
        %dma_start3A_256 = tpu.memref_slice %arg7[%add3A_254] : memref<320000xf32, #tpu.memory_space<hbm>> -> memref<2000xf32, #tpu.memory_space<hbm>>
        %dma_start3A_257 = tpu.memref_slice %arg7[%add3A_254] : memref<320000xf32, #tpu.memory_space<hbm>> -> memref<2000xf32, #tpu.memory_space<hbm>>
        tpu.enqueue_dma source(%arg13 : memref<2000xf32, #tpu.memory_space<vmem>>) target(%dma_start3A_257 : memref<2000xf32, #tpu.memory_space<hbm>>) target_semaphore(%run_scoped3A : memref<!tpu.dma_semaphore, #tpu.memory_space<semaphore_mem>>)
        %dma_wait3A_258 = tpu.memref_slice %arg7[%add3A_254] : memref<320000xf32, #tpu.memory_space<hbm>> -> memref<2000xf32, #tpu.memory_space<hbm>>
        %dma_wait3A_259 = tpu.memref_slice %arg7[%add3A_254] : memref<320000xf32, #tpu.memory_space<hbm>> -> memref<2000xf32, #tpu.memory_space<hbm>>
        tpu.wait_dma2 semaphore(%run_scoped3A : memref<!tpu.dma_semaphore, #tpu.memory_space<semaphore_mem>>) src(%arg13 : memref<2000xf32, #tpu.memory_space<vmem>>) dst(%dma_wait3A_259 : memref<2000xf32, #tpu.memory_space<hbm>>)
        tpu.yield
      }) : () -> ()
      %scan3A_255 = arith.constant 0 : i32
      scf.yield %scan3A_255 : i32
    }
    %scan3A_8 = arith.constant 5 : i32
    return
  }
}

#map = affine_map<(d0, d1) -> (0, 0)>
#map1 = affine_map<(d0, d1) -> (0)>
module attributes {stable_mosaic.version = 14 : i64} {
  func.func @_gat_sc_body(%arg0: i32, %arg1: i32, %arg2: memref<10000x128xf32, #tpu.memory_space<hbm>>, %arg3: memref<10000xf32, #tpu.memory_space<hbm>>, %arg4: memref<10000xf32, #tpu.memory_space<hbm>>, %arg5: memref<320000xi32, #tpu.memory_space<hbm>>, %arg6: memref<320000xi32, #tpu.memory_space<hbm>>, %arg7: memref<10240x64xf32, #tpu.memory_space<hbm>>, %arg8: memref<10240x64xf32, #tpu.memory_space<hbm>>, %arg9: memref<10000xf32, #tpu.memory_space<vmem>>, %arg10: memref<10000xf32, #tpu.memory_space<vmem>>, %arg11: memref<640xf32, #tpu.memory_space<vmem>>, %arg12: memref<640x64xf32, #tpu.memory_space<vmem>>, %arg13: memref<8000xi32, #tpu.memory_space<vmem>>, %arg14: memref<8000xi32, #tpu.memory_space<vmem>>, %arg15: memref<96xi32, #tpu.memory_space<vmem>>, %arg16: memref<96xi32, #tpu.memory_space<vmem>>, %arg17: memref<96xf32, #tpu.memory_space<vmem>>, %arg18: memref<80xi32, #tpu.memory_space<vmem>>, %arg19: memref<80x128xf32, #tpu.memory_space<vmem>>, %arg20: memref<!tpu.dma_semaphore, #tpu.memory_space<semaphore_mem>>) attributes {dimension_semantics = [#tpu.dimension_semantics<core_parallel>, #tpu.dimension_semantics<subcore_parallel>], iteration_bounds = array<i64: 2, 16>, scalar_prefetch = 0 : i64, scratch_operands = 12 : i64, tpu.core_type = #tpu.core_type<sc_vector_subcore>, window_params = [{transform_indices = #map}, {transform_indices = #map1}, {transform_indices = #map1}, {transform_indices = #map1}, {transform_indices = #map1}, {transform_indices = #map}, {transform_indices = #map}]} {
    %mul3A = arith.constant 640 : i32
    %mul3A_0 = arith.muli %arg1, %mul3A : i32
    %mul3A_1 = arith.constant 160000 : i32
    %mul3A_2 = arith.muli %arg0, %mul3A_1 : i32
    %broadcast_in_dim3A = arith.constant 0.000000e+00 : f32
    %broadcast_in_dim3A_3 = vector.broadcast %broadcast_in_dim3A : f32 to vector<16xf32>
    %iota3A = tpu.iota {dimensions = array<i32: 0>} : vector<16xi32>
    "tpu.region"() ({
      %run_scoped3A = tpu.sem_alloc : memref<!tpu.dma_semaphore, #tpu.memory_space<semaphore_mem>>
      tpu.enqueue_dma source(%arg3 : memref<10000xf32, #tpu.memory_space<hbm>>) target(%arg9 : memref<10000xf32, #tpu.memory_space<vmem>>) target_semaphore(%run_scoped3A : memref<!tpu.dma_semaphore, #tpu.memory_space<semaphore_mem>>)
      tpu.wait_dma2 semaphore(%run_scoped3A : memref<!tpu.dma_semaphore, #tpu.memory_space<semaphore_mem>>) src(%arg3 : memref<10000xf32, #tpu.memory_space<hbm>>) dst(%arg9 : memref<10000xf32, #tpu.memory_space<vmem>>)
      tpu.yield
    }) : () -> ()
    "tpu.region"() ({
      %run_scoped3A = tpu.sem_alloc : memref<!tpu.dma_semaphore, #tpu.memory_space<semaphore_mem>>
      tpu.enqueue_dma source(%arg4 : memref<10000xf32, #tpu.memory_space<hbm>>) target(%arg10 : memref<10000xf32, #tpu.memory_space<vmem>>) target_semaphore(%run_scoped3A : memref<!tpu.dma_semaphore, #tpu.memory_space<semaphore_mem>>)
      tpu.wait_dma2 semaphore(%run_scoped3A : memref<!tpu.dma_semaphore, #tpu.memory_space<semaphore_mem>>) src(%arg4 : memref<10000xf32, #tpu.memory_space<hbm>>) dst(%arg10 : memref<10000xf32, #tpu.memory_space<vmem>>)
      tpu.yield
    }) : () -> ()
    %scan3A = arith.constant 0 : i32
    %scan3A_4 = arith.constant 0 : i32
    %scan3A_5 = arith.constant 40 : i32
    %scan3A_6 = arith.addi %scan3A_4, %scan3A_5 : i32
    %scan3A_7 = arith.constant 1 : i32
    %scan3A_8 = scf.for %scan3A_201 = %scan3A_4 to %scan3A_6 step %scan3A_7 iter_args(%scan3A_202 = %scan3A) -> (i32)  : i32 {
      %mul3A_203 = arith.constant 16 : i32
      %mul3A_204 = arith.muli %scan3A_201, %mul3A_203 : i32
      %swap3A_205 = arith.index_cast %mul3A_204 : i32 to index
      %swap3A_206 = tpu.vector_load %arg11[%swap3A_205] {strides = array<i32>} : memref<640xf32, #tpu.memory_space<vmem>>, vector<16xf32>,
      tpu.vector_store %arg11[%swap3A_205], %broadcast_in_dim3A_3 {strides = array<i32>} : memref<640xf32, #tpu.memory_space<vmem>>, vector<16xf32>,
      %scan3A_207 = arith.constant 0 : i32
      scf.yield %scan3A_207 : i32
    }
    %scan3A_9 = arith.constant 40 : i32
    %scan3A_10 = arith.constant 0 : i32
    %scan3A_11 = arith.constant 0 : i32
    %scan3A_12 = arith.constant 2560 : i32
    %scan3A_13 = arith.addi %scan3A_11, %scan3A_12 : i32
    %scan3A_14 = arith.constant 1 : i32
    %scan3A_15 = scf.for %scan3A_201 = %scan3A_11 to %scan3A_13 step %scan3A_14 iter_args(%scan3A_202 = %scan3A_10) -> (i32)  : i32 {
      %jit3A_203 = arith.constant 4 : i32
      %div3A = arith.divsi %scan3A_201, %jit3A_203 : i32
      %sign3A = arith.constant 0 : i32
      %sign3A_204 = arith.cmpi sgt, %scan3A_201, %sign3A : i32
      %sign3A_205 = arith.extui %sign3A_204 : i1 to i32
      %sign3A_206 = arith.constant 0 : i32
      %sign3A_207 = arith.cmpi slt, %scan3A_201, %sign3A_206 : i32
      %sign3A_208 = arith.extui %sign3A_207 : i1 to i32
      %sign3A_209 = arith.subi %sign3A_205, %sign3A_208 : i32
      %sign3A_210 = arith.constant 0 : i32
      %sign3A_211 = arith.cmpi sgt, %jit3A_203, %sign3A_210 : i32
      %sign3A_212 = arith.extui %sign3A_211 : i1 to i32
      %sign3A_213 = arith.constant 0 : i32
      %sign3A_214 = arith.cmpi slt, %jit3A_203, %sign3A_213 : i32
      %sign3A_215 = arith.extui %sign3A_214 : i1 to i32
      %sign3A_216 = arith.subi %sign3A_212, %sign3A_215 : i32
      %ne3A = arith.cmpi ne, %sign3A_209, %sign3A_216 : i32
      %rem3A = arith.remsi %scan3A_201, %jit3A_203 : i32
      %ne3A_217 = arith.constant 0 : i32
      %ne3A_218 = arith.cmpi ne, %rem3A, %ne3A_217 : i32
      %and3A = arith.andi %ne3A, %ne3A_218 : i1
      %sub3A = arith.constant 1 : i32
      %sub3A_219 = arith.subi %div3A, %sub3A : i32
      %select_n3A_220 = arith.select %and3A, %sub3A_219, %div3A : i32
      %jit3A_221 = arith.constant 4 : i32
      %eq3A_222 = arith.constant 0 : i32
      %eq3A_223 = arith.cmpi eq, %jit3A_221, %eq3A_222 : i32
      %jit3A_224 = arith.constant 1 : i32
      %select_n3A_225 = arith.select %eq3A_223, %jit3A_224, %jit3A_221 : i32
      %rem3A_226 = arith.remsi %scan3A_201, %select_n3A_225 : i32
      %ne3A_227 = arith.constant 0 : i32
      %ne3A_228 = arith.cmpi ne, %rem3A_226, %ne3A_227 : i32
      %lt3A = arith.constant 0 : i32
      %lt3A_229 = arith.cmpi slt, %rem3A_226, %lt3A : i32
      %lt3A_230 = arith.constant 0 : i32
      %lt3A_231 = arith.cmpi slt, %select_n3A_225, %lt3A_230 : i32
      %ne3A_232 = arith.xori %lt3A_229, %lt3A_231 : i1
      %and3A_233 = arith.andi %ne3A_232, %ne3A_228 : i1
      %add3A_234 = arith.addi %rem3A_226, %select_n3A_225 : i32
      %select_n3A_235 = arith.select %and3A_233, %add3A_234, %rem3A_226 : i32
      %mul3A_236 = arith.constant 16 : i32
      %mul3A_237 = arith.muli %select_n3A_235, %mul3A_236 : i32
      %swap3A_238 = arith.index_cast %select_n3A_220 : i32 to index
      %swap3A_239 = arith.index_cast %mul3A_237 : i32 to index
      %swap3A_240 = tpu.vector_load %arg12[%swap3A_238, %swap3A_239] {strides = array<i32>} : memref<640x64xf32, #tpu.memory_space<vmem>>, vector<16xf32>,
      tpu.vector_store %arg12[%swap3A_238, %swap3A_239], %broadcast_in_dim3A_3 {strides = array<i32>} : memref<640x64xf32, #tpu.memory_space<vmem>>, vector<16xf32>,
      %scan3A_241 = arith.constant 0 : i32
      scf.yield %scan3A_241 : i32
    }
    %scan3A_16 = arith.constant 2560 : i32
    %scan3A_17 = arith.constant 0 : i32
    %scan3A_18 = arith.constant 0 : i32
    %scan3A_19 = arith.constant 40 : i32
    %scan3A_20 = arith.addi %scan3A_18, %scan3A_19 : i32
    %scan3A_21 = arith.constant 1 : i32
    %scan3A_22 = scf.for %scan3A_201 = %scan3A_18 to %scan3A_20 step %scan3A_21 iter_args(%scan3A_202 = %scan3A_17) -> (i32)  : i32 {
      %mul3A_203 = arith.constant 8000 : i32
      %mul3A_204 = arith.muli %scan3A_201, %mul3A_203 : i32
      "tpu.region"() ({
        %run_scoped3A = tpu.sem_alloc : memref<!tpu.dma_semaphore, #tpu.memory_space<semaphore_mem>>
        %dma_start3A = tpu.memref_slice %arg5[%mul3A_204] : memref<320000xi32, #tpu.memory_space<hbm>> -> memref<8000xi32, #tpu.memory_space<hbm>>
        %dma_start3A_215 = tpu.memref_slice %arg5[%mul3A_204] : memref<320000xi32, #tpu.memory_space<hbm>> -> memref<8000xi32, #tpu.memory_space<hbm>>
        tpu.enqueue_dma source(%dma_start3A_215 : memref<8000xi32, #tpu.memory_space<hbm>>) target(%arg13 : memref<8000xi32, #tpu.memory_space<vmem>>) target_semaphore(%run_scoped3A : memref<!tpu.dma_semaphore, #tpu.memory_space<semaphore_mem>>)
        %dma_wait3A = tpu.memref_slice %arg5[%mul3A_204] : memref<320000xi32, #tpu.memory_space<hbm>> -> memref<8000xi32, #tpu.memory_space<hbm>>
        %dma_wait3A_216 = tpu.memref_slice %arg5[%mul3A_204] : memref<320000xi32, #tpu.memory_space<hbm>> -> memref<8000xi32, #tpu.memory_space<hbm>>
        tpu.wait_dma2 semaphore(%run_scoped3A : memref<!tpu.dma_semaphore, #tpu.memory_space<semaphore_mem>>) src(%dma_wait3A_216 : memref<8000xi32, #tpu.memory_space<hbm>>) dst(%arg13 : memref<8000xi32, #tpu.memory_space<vmem>>)
        tpu.yield
      }) : () -> ()
      %mul3A_205 = arith.constant 8000 : i32
      %mul3A_206 = arith.muli %scan3A_201, %mul3A_205 : i32
      "tpu.region"() ({
        %run_scoped3A = tpu.sem_alloc : memref<!tpu.dma_semaphore, #tpu.memory_space<semaphore_mem>>
        %dma_start3A = tpu.memref_slice %arg6[%mul3A_206] : memref<320000xi32, #tpu.memory_space<hbm>> -> memref<8000xi32, #tpu.memory_space<hbm>>
        %dma_start3A_215 = tpu.memref_slice %arg6[%mul3A_206] : memref<320000xi32, #tpu.memory_space<hbm>> -> memref<8000xi32, #tpu.memory_space<hbm>>
        tpu.enqueue_dma source(%dma_start3A_215 : memref<8000xi32, #tpu.memory_space<hbm>>) target(%arg14 : memref<8000xi32, #tpu.memory_space<vmem>>) target_semaphore(%run_scoped3A : memref<!tpu.dma_semaphore, #tpu.memory_space<semaphore_mem>>)
        %dma_wait3A = tpu.memref_slice %arg6[%mul3A_206] : memref<320000xi32, #tpu.memory_space<hbm>> -> memref<8000xi32, #tpu.memory_space<hbm>>
        %dma_wait3A_216 = tpu.memref_slice %arg6[%mul3A_206] : memref<320000xi32, #tpu.memory_space<hbm>> -> memref<8000xi32, #tpu.memory_space<hbm>>
        tpu.wait_dma2 semaphore(%run_scoped3A : memref<!tpu.dma_semaphore, #tpu.memory_space<semaphore_mem>>) src(%dma_wait3A_216 : memref<8000xi32, #tpu.memory_space<hbm>>) dst(%arg14 : memref<8000xi32, #tpu.memory_space<vmem>>)
        tpu.yield
      }) : () -> ()
      %scan3A_207 = arith.constant 0 : i32
      %scan3A_208 = arith.constant 0 : i32
      %scan3A_209 = arith.constant 500 : i32
      %scan3A_210 = arith.addi %scan3A_208, %scan3A_209 : i32
      %scan3A_211 = arith.constant 1 : i32
      %scan3A_212 = scf.for %scan3A_215 = %scan3A_208 to %scan3A_210 step %scan3A_211 iter_args(%scan3A_216 = %scan3A_207) -> (i32)  : i32 {
        %mul3A_217 = arith.constant 16 : i32
        %mul3A_218 = arith.muli %scan3A_215, %mul3A_217 : i32
        %get3A_219 = arith.index_cast %mul3A_218 : i32 to index
        %get3A_220 = tpu.vector_load %arg13[%get3A_219] {strides = array<i32>} : memref<8000xi32, #tpu.memory_space<vmem>>, vector<16xi32>,
        %mul3A_221 = arith.constant 16 : i32
        %mul3A_222 = arith.muli %scan3A_215, %mul3A_221 : i32
        %get3A_223 = arith.index_cast %mul3A_222 : i32 to index
        %get3A_224 = tpu.vector_load %arg14[%get3A_223] {strides = array<i32>} : memref<8000xi32, #tpu.memory_space<vmem>>, vector<16xi32>,
        %gather3A = tpu.vector_load_idx %arg9[%get3A_220] : memref<10000xf32, #tpu.memory_space<vmem>>[vector<16xi32>], vector<16xf32>,
        %gather3A_225 = tpu.vector_load_idx %arg10[%get3A_224] : memref<10000xf32, #tpu.memory_space<vmem>>[vector<16xi32>], vector<16xf32>,
        %add3A_226 = arith.addf %gather3A, %gather3A_225 : vector<16xf32>
        %ge3A_227 = arith.constant 0.000000e+00 : f32
        %ge3A_228 = vector.broadcast %ge3A_227 : f32 to vector<16xf32>
        %ge3A_229 = arith.cmpf oge, %add3A_226, %ge3A_228 : vector<16xf32>
        %mul3A_230 = arith.constant 2.000000e-01 : f32
        %mul3A_231 = vector.broadcast %mul3A_230 : f32 to vector<16xf32>
        %mul3A_232 = arith.mulf %mul3A_231, %add3A_226 : vector<16xf32>
        %select_n3A_233 = arith.select %ge3A_229, %add3A_226, %mul3A_232 : vector<16xi1>, vector<16xf32>
        %exp3A = math.exp %select_n3A_233 : vector<16xf32>
        %ge3A_234 = vector.broadcast %mul3A_0 : i32 to vector<16xi32>
        %ge3A_235 = arith.cmpi sge, %get3A_224, %ge3A_234 : vector<16xi32>
        %add3A_236 = arith.constant 640 : i32
        %add3A_237 = arith.addi %mul3A_0, %add3A_236 : i32
        %lt3A = vector.broadcast %add3A_237 : i32 to vector<16xi32>
        %lt3A_238 = arith.cmpi slt, %get3A_224, %lt3A : vector<16xi32>
        %and3A = arith.andi %ge3A_235, %lt3A_238 : vector<16xi1>
        %sub3A = vector.broadcast %mul3A_0 : i32 to vector<16xi32>
        %sub3A_239 = arith.subi %get3A_224, %sub3A : vector<16xi32>
        %jit3A_240 = arith.constant 0 : i32
        %broadcast_in_dim3A_241 = vector.broadcast %jit3A_240 : i32 to vector<16xi32>
        %select_n3A_242 = arith.select %and3A, %sub3A_239, %broadcast_in_dim3A_241 : vector<16xi1>, vector<16xi32>
        tpu.vector_store_idx %arg11[%select_n3A_242], %exp3A masked %and3A {add = true} : memref<640xf32, #tpu.memory_space<vmem>>[vector<16xi32>], vector<16xf32>, vector<16xi1>
        %scan3A_243 = arith.constant 0 : i32
        scf.yield %scan3A_243 : i32
      }
      %scan3A_213 = arith.constant 500 : i32
      %scan3A_214 = arith.constant 0 : i32
      scf.yield %scan3A_214 : i32
    }
    %scan3A_23 = arith.constant 40 : i32
    %scan3A_24 = arith.constant 0 : i32
    %scan3A_25 = arith.constant 0 : i32
    %scan3A_26 = arith.constant 20 : i32
    %scan3A_27 = arith.addi %scan3A_25, %scan3A_26 : i32
    %scan3A_28 = arith.constant 1 : i32
    %scan3A_29 = scf.for %scan3A_201 = %scan3A_25 to %scan3A_27 step %scan3A_28 iter_args(%scan3A_202 = %scan3A_24) -> (i32)  : i32 {
      %mul3A_203 = arith.constant 8000 : i32
      %mul3A_204 = arith.muli %scan3A_201, %mul3A_203 : i32
      %add3A_205 = arith.addi %mul3A_2, %mul3A_204 : i32
      "tpu.region"() ({
        %run_scoped3A = tpu.sem_alloc : memref<!tpu.dma_semaphore, #tpu.memory_space<semaphore_mem>>
        %dma_start3A = tpu.memref_slice %arg5[%add3A_205] : memref<320000xi32, #tpu.memory_space<hbm>> -> memref<8000xi32, #tpu.memory_space<hbm>>
        %dma_start3A_215 = tpu.memref_slice %arg5[%add3A_205] : memref<320000xi32, #tpu.memory_space<hbm>> -> memref<8000xi32, #tpu.memory_space<hbm>>
        tpu.enqueue_dma source(%dma_start3A_215 : memref<8000xi32, #tpu.memory_space<hbm>>) target(%arg13 : memref<8000xi32, #tpu.memory_space<vmem>>) target_semaphore(%run_scoped3A : memref<!tpu.dma_semaphore, #tpu.memory_space<semaphore_mem>>)
        %dma_wait3A = tpu.memref_slice %arg5[%add3A_205] : memref<320000xi32, #tpu.memory_space<hbm>> -> memref<8000xi32, #tpu.memory_space<hbm>>
        %dma_wait3A_216 = tpu.memref_slice %arg5[%add3A_205] : memref<320000xi32, #tpu.memory_space<hbm>> -> memref<8000xi32, #tpu.memory_space<hbm>>
        tpu.wait_dma2 semaphore(%run_scoped3A : memref<!tpu.dma_semaphore, #tpu.memory_space<semaphore_mem>>) src(%dma_wait3A_216 : memref<8000xi32, #tpu.memory_space<hbm>>) dst(%arg13 : memref<8000xi32, #tpu.memory_space<vmem>>)
        tpu.yield
      }) : () -> ()
      %mul3A_206 = arith.constant 8000 : i32
      %mul3A_207 = arith.muli %scan3A_201, %mul3A_206 : i32
      %add3A_208 = arith.addi %mul3A_2, %mul3A_207 : i32
      "tpu.region"() ({
        %run_scoped3A = tpu.sem_alloc : memref<!tpu.dma_semaphore, #tpu.memory_space<semaphore_mem>>
        %dma_start3A = tpu.memref_slice %arg6[%add3A_208] : memref<320000xi32, #tpu.memory_space<hbm>> -> memref<8000xi32, #tpu.memory_space<hbm>>
        %dma_start3A_215 = tpu.memref_slice %arg6[%add3A_208] : memref<320000xi32, #tpu.memory_space<hbm>> -> memref<8000xi32, #tpu.memory_space<hbm>>
        tpu.enqueue_dma source(%dma_start3A_215 : memref<8000xi32, #tpu.memory_space<hbm>>) target(%arg14 : memref<8000xi32, #tpu.memory_space<vmem>>) target_semaphore(%run_scoped3A : memref<!tpu.dma_semaphore, #tpu.memory_space<semaphore_mem>>)
        %dma_wait3A = tpu.memref_slice %arg6[%add3A_208] : memref<320000xi32, #tpu.memory_space<hbm>> -> memref<8000xi32, #tpu.memory_space<hbm>>
        %dma_wait3A_216 = tpu.memref_slice %arg6[%add3A_208] : memref<320000xi32, #tpu.memory_space<hbm>> -> memref<8000xi32, #tpu.memory_space<hbm>>
        tpu.wait_dma2 semaphore(%run_scoped3A : memref<!tpu.dma_semaphore, #tpu.memory_space<semaphore_mem>>) src(%dma_wait3A_216 : memref<8000xi32, #tpu.memory_space<hbm>>) dst(%arg14 : memref<8000xi32, #tpu.memory_space<vmem>>)
        tpu.yield
      }) : () -> ()
      %scan3A_209 = arith.constant 0 : i32
      %scan3A_210 = arith.constant 500 : i32
      %scan3A_211 = arith.addi %scan3A_209, %scan3A_210 : i32
      %scan3A_212 = arith.constant 1 : i32
      %scan3A_213 = scf.for %scan3A_215 = %scan3A_209 to %scan3A_211 step %scan3A_212 iter_args(%scan3A_216 = %scan3A_202) -> (i32)  : i32 {
        %mul3A_217 = arith.constant 16 : i32
        %mul3A_218 = arith.muli %scan3A_215, %mul3A_217 : i32
        %get3A_219 = arith.index_cast %mul3A_218 : i32 to index
        %get3A_220 = tpu.vector_load %arg13[%get3A_219] {strides = array<i32>} : memref<8000xi32, #tpu.memory_space<vmem>>, vector<16xi32>,
        %mul3A_221 = arith.constant 16 : i32
        %mul3A_222 = arith.muli %scan3A_215, %mul3A_221 : i32
        %get3A_223 = arith.index_cast %mul3A_222 : i32 to index
        %get3A_224 = tpu.vector_load %arg14[%get3A_223] {strides = array<i32>} : memref<8000xi32, #tpu.memory_space<vmem>>, vector<16xi32>,
        %gather3A = tpu.vector_load_idx %arg9[%get3A_220] : memref<10000xf32, #tpu.memory_space<vmem>>[vector<16xi32>], vector<16xf32>,
        %gather3A_225 = tpu.vector_load_idx %arg10[%get3A_224] : memref<10000xf32, #tpu.memory_space<vmem>>[vector<16xi32>], vector<16xf32>,
        %add3A_226 = arith.addf %gather3A, %gather3A_225 : vector<16xf32>
        %ge3A_227 = arith.constant 0.000000e+00 : f32
        %ge3A_228 = vector.broadcast %ge3A_227 : f32 to vector<16xf32>
        %ge3A_229 = arith.cmpf oge, %add3A_226, %ge3A_228 : vector<16xf32>
        %mul3A_230 = arith.constant 2.000000e-01 : f32
        %mul3A_231 = vector.broadcast %mul3A_230 : f32 to vector<16xf32>
        %mul3A_232 = arith.mulf %mul3A_231, %add3A_226 : vector<16xf32>
        %select_n3A_233 = arith.select %ge3A_229, %add3A_226, %mul3A_232 : vector<16xi1>, vector<16xf32>
        %exp3A = math.exp %select_n3A_233 : vector<16xf32>
        %ge3A_234 = vector.broadcast %mul3A_0 : i32 to vector<16xi32>
        %ge3A_235 = arith.cmpi sge, %get3A_224, %ge3A_234 : vector<16xi32>
        %add3A_236 = arith.constant 640 : i32
        %add3A_237 = arith.addi %mul3A_0, %add3A_236 : i32
        %lt3A = vector.broadcast %add3A_237 : i32 to vector<16xi32>
        %lt3A_238 = arith.cmpi slt, %get3A_224, %lt3A : vector<16xi32>
        %and3A = arith.andi %ge3A_235, %lt3A_238 : vector<16xi1>
        %sub3A = vector.broadcast %mul3A_0 : i32 to vector<16xi32>
        %sub3A_239 = arith.subi %get3A_224, %sub3A : vector<16xi32>
        %jit3A_240 = arith.constant 0 : i32
        %broadcast_in_dim3A_241 = vector.broadcast %jit3A_240 : i32 to vector<16xi32>
        %select_n3A_242 = arith.select %and3A, %sub3A_239, %broadcast_in_dim3A_241 : vector<16xi1>, vector<16xi32>
        %gather3A_243 = tpu.vector_load_idx %arg11[%select_n3A_242] : memref<640xf32, #tpu.memory_space<vmem>>[vector<16xi32>], vector<16xf32>,
        %add3A_244 = arith.constant 1.000000e-16 : f32
        %add3A_245 = vector.broadcast %add3A_244 : f32 to vector<16xf32>
        %add3A_246 = arith.addf %gather3A_243, %add3A_245 : vector<16xf32>
        %div3A = arith.divf %exp3A, %add3A_246 : vector<16xf32>
        %jit3A_247 = arith.constant 0.000000e+00 : f32
        %broadcast_in_dim3A_248 = vector.broadcast %jit3A_247 : f32 to vector<16xf32>
        %select_n3A_249 = arith.select %and3A, %div3A, %broadcast_in_dim3A_248 : vector<16xi1>, vector<16xf32>
        %jit3A_250 = arith.constant 1 : i32
        %jit3A_251 = arith.constant 0 : i32
        %broadcast_in_dim3A_252 = vector.broadcast %jit3A_250 : i32 to vector<16xi32>
        %broadcast_in_dim3A_253 = vector.broadcast %jit3A_251 : i32 to vector<16xi32>
        %select_n3A_254 = arith.select %and3A, %broadcast_in_dim3A_252, %broadcast_in_dim3A_253 : vector<16xi1>, vector<16xi32>
        %broadcast_in_dim3A_255 = arith.constant true
        %broadcast_in_dim3A_256 = vector.broadcast %broadcast_in_dim3A_255 : i1 to vector<16xi1>
        %masked_cumsum3A = tpu.scan <sum>, %select_n3A_254 masked %broadcast_in_dim3A_256 : vector<16xi32>, vector<16xi1> -> vector<16xi32>
        %add3A_257 = vector.broadcast %scan3A_216 : i32 to vector<16xi32>
        %add3A_258 = arith.addi %add3A_257, %masked_cumsum3A : vector<16xi32>
        %sub3A_259 = arith.constant 1 : i32
        %sub3A_260 = vector.broadcast %sub3A_259 : i32 to vector<16xi32>
        %sub3A_261 = arith.subi %add3A_258, %sub3A_260 : vector<16xi32>
        tpu.vector_store_idx %arg15[%sub3A_261], %get3A_220 masked %and3A : memref<96xi32, #tpu.memory_space<vmem>>[vector<16xi32>], vector<16xi32>, vector<16xi1>
        tpu.vector_store_idx %arg16[%sub3A_261], %select_n3A_242 masked %and3A : memref<96xi32, #tpu.memory_space<vmem>>[vector<16xi32>], vector<16xi32>, vector<16xi1>
        tpu.vector_store_idx %arg17[%sub3A_261], %select_n3A_249 masked %and3A : memref<96xf32, #tpu.memory_space<vmem>>[vector<16xi32>], vector<16xf32>, vector<16xi1>
        %all_reduce_population_count3A = tpu.all_reduce %and3A {dim = 0 : i64, kind = #tpu.reduction_kind<sum>} : vector<16xi1> -> vector<16xi32>
        %slice3A = vector.extract_strided_slice %all_reduce_population_count3A {offsets = [0], sizes = [1], strides = [1]} : vector<16xi32> to vector<1xi32>
        %squeeze3A = vector.extract %slice3A[0] : i32 from vector<1xi32>
        %add3A_262 = arith.addi %scan3A_216, %squeeze3A : i32
        %ge3A_263 = arith.constant 80 : i32
        %ge3A_264 = arith.cmpi sge, %add3A_262, %ge3A_263 : i32
        %convert_element_type3A_265 = arith.extui %ge3A_264 : i1 to i32
        %cond3A_266 = arith.constant 0 : i32
        %cond3A_267 = arith.cmpi ne, %convert_element_type3A_265, %cond3A_266 : i32
        scf.if %cond3A_267 {
          %get3A_271 = arith.constant 0 : index
          %get3A_272 = tpu.vector_load %arg15[%get3A_271] {strides = array<i32>} : memref<96xi32, #tpu.memory_space<vmem>>, vector<16xi32>,
          %swap3A_273 = arith.constant 0 : index
          %swap3A_274 = tpu.vector_load %arg18[%swap3A_273] {strides = array<i32>} : memref<80xi32, #tpu.memory_space<vmem>>, vector<16xi32>,
          tpu.vector_store %arg18[%swap3A_273], %get3A_272 {strides = array<i32>} : memref<80xi32, #tpu.memory_space<vmem>>, vector<16xi32>,
          %get3A_275 = arith.constant 16 : index
          %get3A_276 = tpu.vector_load %arg15[%get3A_275] {strides = array<i32>} : memref<96xi32, #tpu.memory_space<vmem>>, vector<16xi32>,
          %swap3A_277 = arith.constant 16 : index
          %swap3A_278 = tpu.vector_load %arg18[%swap3A_277] {strides = array<i32>} : memref<80xi32, #tpu.memory_space<vmem>>, vector<16xi32>,
          tpu.vector_store %arg18[%swap3A_277], %get3A_276 {strides = array<i32>} : memref<80xi32, #tpu.memory_space<vmem>>, vector<16xi32>,
          %get3A_279 = arith.constant 32 : index
          %get3A_280 = tpu.vector_load %arg15[%get3A_279] {strides = array<i32>} : memref<96xi32, #tpu.memory_space<vmem>>, vector<16xi32>,
          %swap3A_281 = arith.constant 32 : index
          %swap3A_282 = tpu.vector_load %arg18[%swap3A_281] {strides = array<i32>} : memref<80xi32, #tpu.memory_space<vmem>>, vector<16xi32>,
          tpu.vector_store %arg18[%swap3A_281], %get3A_280 {strides = array<i32>} : memref<80xi32, #tpu.memory_space<vmem>>, vector<16xi32>,
          %get3A_283 = arith.constant 48 : index
          %get3A_284 = tpu.vector_load %arg15[%get3A_283] {strides = array<i32>} : memref<96xi32, #tpu.memory_space<vmem>>, vector<16xi32>,
          %swap3A_285 = arith.constant 48 : index
          %swap3A_286 = tpu.vector_load %arg18[%swap3A_285] {strides = array<i32>} : memref<80xi32, #tpu.memory_space<vmem>>, vector<16xi32>,
          tpu.vector_store %arg18[%swap3A_285], %get3A_284 {strides = array<i32>} : memref<80xi32, #tpu.memory_space<vmem>>, vector<16xi32>,
          %get3A_287 = arith.constant 64 : index
          %get3A_288 = tpu.vector_load %arg15[%get3A_287] {strides = array<i32>} : memref<96xi32, #tpu.memory_space<vmem>>, vector<16xi32>,
          %swap3A_289 = arith.constant 64 : index
          %swap3A_290 = tpu.vector_load %arg18[%swap3A_289] {strides = array<i32>} : memref<80xi32, #tpu.memory_space<vmem>>, vector<16xi32>,
          tpu.vector_store %arg18[%swap3A_289], %get3A_288 {strides = array<i32>} : memref<80xi32, #tpu.memory_space<vmem>>, vector<16xi32>,
          "tpu.region"() ({
            %run_scoped3A = tpu.sem_alloc : memref<!tpu.dma_semaphore, #tpu.memory_space<semaphore_mem>>
            %dma_start3A = arith.constant 0 : i32
            %dma_start3A_310 = arith.constant 0 : i32
            %dma_start3A_311 = tpu.memref_slice %arg2[%dma_start3A, %dma_start3A_310] : memref<10000x128xf32, #tpu.memory_space<hbm>> -> memref<10000x128xf32, #tpu.memory_space<hbm>>
            tpu.enqueue_indirect_dma source(%dma_start3A_311 : memref<10000x128xf32, #tpu.memory_space<hbm>>) target(%arg19 : memref<80x128xf32, #tpu.memory_space<vmem>>) offsets(%arg18 : memref<80xi32, #tpu.memory_space<vmem>>) semaphore(%run_scoped3A : memref<!tpu.dma_semaphore, #tpu.memory_space<semaphore_mem>>)
            %dma_wait3A = arith.constant 0 : i32
            %dma_wait3A_312 = arith.constant 0 : i32
            %dma_wait3A_313 = tpu.memref_slice %arg2[%dma_wait3A, %dma_wait3A_312] : memref<10000x128xf32, #tpu.memory_space<hbm>> -> memref<10000x128xf32, #tpu.memory_space<hbm>>
            tpu.wait_indirect_dma semaphore(%run_scoped3A : memref<!tpu.dma_semaphore, #tpu.memory_space<semaphore_mem>>) src(%dma_wait3A_313 : memref<10000x128xf32, #tpu.memory_space<hbm>>) dst(%arg19 : memref<80x128xf32, #tpu.memory_space<vmem>>)
            tpu.yield
          }) : () -> ()
          %scan3A_291 = arith.constant 0 : i32
          %scan3A_292 = arith.constant 0 : i32
          %scan3A_293 = arith.constant 80 : i32
          %scan3A_294 = arith.addi %scan3A_292, %scan3A_293 : i32
          %scan3A_295 = arith.constant 1 : i32
          %scan3A_296 = scf.for %scan3A_310 = %scan3A_292 to %scan3A_294 step %scan3A_295 iter_args(%scan3A_311 = %scan3A_291) -> (i32)  : i32 {
            %broadcast_in_dim3A_312 = vector.broadcast %scan3A_310 : i32 to vector<16xi32>
            %gather3A_313 = tpu.vector_load_idx %arg17[%broadcast_in_dim3A_312] : memref<96xf32, #tpu.memory_space<vmem>>[vector<16xi32>], vector<16xf32>,
            %gather3A_314 = tpu.vector_load_idx %arg16[%broadcast_in_dim3A_312] : memref<96xi32, #tpu.memory_space<vmem>>[vector<16xi32>], vector<16xi32>,
            %slice3A_315 = vector.extract_strided_slice %gather3A_314 {offsets = [0], sizes = [1], strides = [1]} : vector<16xi32> to vector<1xi32>
            %squeeze3A_316 = vector.extract %slice3A_315[0] : i32 from vector<1xi32>
            %get3A_317 = arith.index_cast %squeeze3A_316 : i32 to index
            %get3A_318 = arith.constant 0 : index
            %get3A_319 = tpu.vector_load %arg12[%get3A_317, %get3A_318] {strides = array<i32>} : memref<640x64xf32, #tpu.memory_space<vmem>>, vector<16xf32>,
            %get3A_320 = arith.index_cast %scan3A_310 : i32 to index
            %get3A_321 = arith.constant 0 : index
            %get3A_322 = tpu.vector_load %arg19[%get3A_320, %get3A_321] {strides = array<i32>} : memref<80x128xf32, #tpu.memory_space<vmem>>, vector<16xf32>,
            %mul3A_323 = arith.mulf %get3A_322, %gather3A_313 : vector<16xf32>
            %add3A_324 = arith.addf %get3A_319, %mul3A_323 : vector<16xf32>
            %swap3A_325 = arith.index_cast %squeeze3A_316 : i32 to index
            %swap3A_326 = arith.constant 0 : index
            %swap3A_327 = tpu.vector_load %arg12[%swap3A_325, %swap3A_326] {strides = array<i32>} : memref<640x64xf32, #tpu.memory_space<vmem>>, vector<16xf32>,
            tpu.vector_store %arg12[%swap3A_325, %swap3A_326], %add3A_324 {strides = array<i32>} : memref<640x64xf32, #tpu.memory_space<vmem>>, vector<16xf32>,
            %get3A_328 = arith.index_cast %squeeze3A_316 : i32 to index
            %get3A_329 = arith.constant 16 : index
            %get3A_330 = tpu.vector_load %arg12[%get3A_328, %get3A_329] {strides = array<i32>} : memref<640x64xf32, #tpu.memory_space<vmem>>, vector<16xf32>,
            %get3A_331 = arith.index_cast %scan3A_310 : i32 to index
            %get3A_332 = arith.constant 16 : index
            %get3A_333 = tpu.vector_load %arg19[%get3A_331, %get3A_332] {strides = array<i32>} : memref<80x128xf32, #tpu.memory_space<vmem>>, vector<16xf32>,
            %mul3A_334 = arith.mulf %get3A_333, %gather3A_313 : vector<16xf32>
            %add3A_335 = arith.addf %get3A_330, %mul3A_334 : vector<16xf32>
            %swap3A_336 = arith.index_cast %squeeze3A_316 : i32 to index
            %swap3A_337 = arith.constant 16 : index
            %swap3A_338 = tpu.vector_load %arg12[%swap3A_336, %swap3A_337] {strides = array<i32>} : memref<640x64xf32, #tpu.memory_space<vmem>>, vector<16xf32>,
            tpu.vector_store %arg12[%swap3A_336, %swap3A_337], %add3A_335 {strides = array<i32>} : memref<640x64xf32, #tpu.memory_space<vmem>>, vector<16xf32>,
            %get3A_339 = arith.index_cast %squeeze3A_316 : i32 to index
            %get3A_340 = arith.constant 32 : index
            %get3A_341 = tpu.vector_load %arg12[%get3A_339, %get3A_340] {strides = array<i32>} : memref<640x64xf32, #tpu.memory_space<vmem>>, vector<16xf32>,
            %get3A_342 = arith.index_cast %scan3A_310 : i32 to index
            %get3A_343 = arith.constant 32 : index
            %get3A_344 = tpu.vector_load %arg19[%get3A_342, %get3A_343] {strides = array<i32>} : memref<80x128xf32, #tpu.memory_space<vmem>>, vector<16xf32>,
            %mul3A_345 = arith.mulf %get3A_344, %gather3A_313 : vector<16xf32>
            %add3A_346 = arith.addf %get3A_341, %mul3A_345 : vector<16xf32>
            %swap3A_347 = arith.index_cast %squeeze3A_316 : i32 to index
            %swap3A_348 = arith.constant 32 : index
            %swap3A_349 = tpu.vector_load %arg12[%swap3A_347, %swap3A_348] {strides = array<i32>} : memref<640x64xf32, #tpu.memory_space<vmem>>, vector<16xf32>,
            tpu.vector_store %arg12[%swap3A_347, %swap3A_348], %add3A_346 {strides = array<i32>} : memref<640x64xf32, #tpu.memory_space<vmem>>, vector<16xf32>,
            %get3A_350 = arith.index_cast %squeeze3A_316 : i32 to index
            %get3A_351 = arith.constant 48 : index
            %get3A_352 = tpu.vector_load %arg12[%get3A_350, %get3A_351] {strides = array<i32>} : memref<640x64xf32, #tpu.memory_space<vmem>>, vector<16xf32>,
            %get3A_353 = arith.index_cast %scan3A_310 : i32 to index
            %get3A_354 = arith.constant 48 : index
            %get3A_355 = tpu.vector_load %arg19[%get3A_353, %get3A_354] {strides = array<i32>} : memref<80x128xf32, #tpu.memory_space<vmem>>, vector<16xf32>,
            %mul3A_356 = arith.mulf %get3A_355, %gather3A_313 : vector<16xf32>
            %add3A_357 = arith.addf %get3A_352, %mul3A_356 : vector<16xf32>
            %swap3A_358 = arith.index_cast %squeeze3A_316 : i32 to index
            %swap3A_359 = arith.constant 48 : index
            %swap3A_360 = tpu.vector_load %arg12[%swap3A_358, %swap3A_359] {strides = array<i32>} : memref<640x64xf32, #tpu.memory_space<vmem>>, vector<16xf32>,
            tpu.vector_store %arg12[%swap3A_358, %swap3A_359], %add3A_357 {strides = array<i32>} : memref<640x64xf32, #tpu.memory_space<vmem>>, vector<16xf32>,
            %scan3A_361 = arith.constant 0 : i32
            scf.yield %scan3A_361 : i32
          }
          %scan3A_297 = arith.constant 80 : i32
          %get3A_298 = arith.constant 80 : index
          %get3A_299 = tpu.vector_load %arg15[%get3A_298] {strides = array<i32>} : memref<96xi32, #tpu.memory_space<vmem>>, vector<16xi32>,
          %swap3A_300 = arith.constant 0 : index
          %swap3A_301 = tpu.vector_load %arg15[%swap3A_300] {strides = array<i32>} : memref<96xi32, #tpu.memory_space<vmem>>, vector<16xi32>,
          tpu.vector_store %arg15[%swap3A_300], %get3A_299 {strides = array<i32>} : memref<96xi32, #tpu.memory_space<vmem>>, vector<16xi32>,
          %get3A_302 = arith.constant 80 : index
          %get3A_303 = tpu.vector_load %arg16[%get3A_302] {strides = array<i32>} : memref<96xi32, #tpu.memory_space<vmem>>, vector<16xi32>,
          %swap3A_304 = arith.constant 0 : index
          %swap3A_305 = tpu.vector_load %arg16[%swap3A_304] {strides = array<i32>} : memref<96xi32, #tpu.memory_space<vmem>>, vector<16xi32>,
          tpu.vector_store %arg16[%swap3A_304], %get3A_303 {strides = array<i32>} : memref<96xi32, #tpu.memory_space<vmem>>, vector<16xi32>,
          %get3A_306 = arith.constant 80 : index
          %get3A_307 = tpu.vector_load %arg17[%get3A_306] {strides = array<i32>} : memref<96xf32, #tpu.memory_space<vmem>>, vector<16xf32>,
          %swap3A_308 = arith.constant 0 : index
          %swap3A_309 = tpu.vector_load %arg17[%swap3A_308] {strides = array<i32>} : memref<96xf32, #tpu.memory_space<vmem>>, vector<16xf32>,
          tpu.vector_store %arg17[%swap3A_308], %get3A_307 {strides = array<i32>} : memref<96xf32, #tpu.memory_space<vmem>>, vector<16xf32>,
        } else {
        }
        %sub3A_268 = arith.constant 80 : i32
        %sub3A_269 = arith.subi %add3A_262, %sub3A_268 : i32
        %select_n3A_270 = arith.select %ge3A_264, %sub3A_269, %add3A_262 : i32
        scf.yield %select_n3A_270 : i32
      }
      %scan3A_214 = arith.constant 500 : i32
      scf.yield %scan3A_213 : i32
    }
    %scan3A_30 = arith.constant 20 : i32
    %add3A = arith.constant 0 : i32
    %add3A_31 = vector.broadcast %add3A : i32 to vector<16xi32>
    %add3A_32 = arith.addi %iota3A, %add3A_31 : vector<16xi32>
    %ge3A = vector.broadcast %scan3A_29 : i32 to vector<16xi32>
    %ge3A_33 = arith.cmpi sge, %add3A_32, %ge3A : vector<16xi32>
    %get3A = arith.constant 0 : index
    %get3A_34 = tpu.vector_load %arg17[%get3A] {strides = array<i32>} : memref<96xf32, #tpu.memory_space<vmem>>, vector<16xf32>,
    %jit3A = arith.constant 0.000000e+00 : f32
    %broadcast_in_dim3A_35 = vector.broadcast %jit3A : f32 to vector<16xf32>
    %select_n3A = arith.select %ge3A_33, %broadcast_in_dim3A_35, %get3A_34 : vector<16xi1>, vector<16xf32>
    %swap3A = arith.constant 0 : index
    %swap3A_36 = tpu.vector_load %arg17[%swap3A] {strides = array<i32>} : memref<96xf32, #tpu.memory_space<vmem>>, vector<16xf32>,
    tpu.vector_store %arg17[%swap3A], %select_n3A {strides = array<i32>} : memref<96xf32, #tpu.memory_space<vmem>>, vector<16xf32>,
    %get3A_37 = arith.constant 0 : index
    %get3A_38 = tpu.vector_load %arg15[%get3A_37] {strides = array<i32>} : memref<96xi32, #tpu.memory_space<vmem>>, vector<16xi32>,
    %jit3A_39 = arith.constant 0 : i32
    %broadcast_in_dim3A_40 = vector.broadcast %jit3A_39 : i32 to vector<16xi32>
    %select_n3A_41 = arith.select %ge3A_33, %broadcast_in_dim3A_40, %get3A_38 : vector<16xi1>, vector<16xi32>
    %swap3A_42 = arith.constant 0 : index
    %swap3A_43 = tpu.vector_load %arg15[%swap3A_42] {strides = array<i32>} : memref<96xi32, #tpu.memory_space<vmem>>, vector<16xi32>,
    tpu.vector_store %arg15[%swap3A_42], %select_n3A_41 {strides = array<i32>} : memref<96xi32, #tpu.memory_space<vmem>>, vector<16xi32>,
    %get3A_44 = arith.constant 0 : index
    %get3A_45 = tpu.vector_load %arg16[%get3A_44] {strides = array<i32>} : memref<96xi32, #tpu.memory_space<vmem>>, vector<16xi32>,
    %jit3A_46 = arith.constant 0 : i32
    %broadcast_in_dim3A_47 = vector.broadcast %jit3A_46 : i32 to vector<16xi32>
    %select_n3A_48 = arith.select %ge3A_33, %broadcast_in_dim3A_47, %get3A_45 : vector<16xi1>, vector<16xi32>
    %swap3A_49 = arith.constant 0 : index
    %swap3A_50 = tpu.vector_load %arg16[%swap3A_49] {strides = array<i32>} : memref<96xi32, #tpu.memory_space<vmem>>, vector<16xi32>,
    tpu.vector_store %arg16[%swap3A_49], %select_n3A_48 {strides = array<i32>} : memref<96xi32, #tpu.memory_space<vmem>>, vector<16xi32>,
    %add3A_51 = arith.constant 16 : i32
    %add3A_52 = vector.broadcast %add3A_51 : i32 to vector<16xi32>
    %add3A_53 = arith.addi %iota3A, %add3A_52 : vector<16xi32>
    %ge3A_54 = vector.broadcast %scan3A_29 : i32 to vector<16xi32>
    %ge3A_55 = arith.cmpi sge, %add3A_53, %ge3A_54 : vector<16xi32>
    %get3A_56 = arith.constant 16 : index
    %get3A_57 = tpu.vector_load %arg17[%get3A_56] {strides = array<i32>} : memref<96xf32, #tpu.memory_space<vmem>>, vector<16xf32>,
    %jit3A_58 = arith.constant 0.000000e+00 : f32
    %broadcast_in_dim3A_59 = vector.broadcast %jit3A_58 : f32 to vector<16xf32>
    %select_n3A_60 = arith.select %ge3A_55, %broadcast_in_dim3A_59, %get3A_57 : vector<16xi1>, vector<16xf32>
    %swap3A_61 = arith.constant 16 : index
    %swap3A_62 = tpu.vector_load %arg17[%swap3A_61] {strides = array<i32>} : memref<96xf32, #tpu.memory_space<vmem>>, vector<16xf32>,
    tpu.vector_store %arg17[%swap3A_61], %select_n3A_60 {strides = array<i32>} : memref<96xf32, #tpu.memory_space<vmem>>, vector<16xf32>,
    %get3A_63 = arith.constant 16 : index
    %get3A_64 = tpu.vector_load %arg15[%get3A_63] {strides = array<i32>} : memref<96xi32, #tpu.memory_space<vmem>>, vector<16xi32>,
    %jit3A_65 = arith.constant 0 : i32
    %broadcast_in_dim3A_66 = vector.broadcast %jit3A_65 : i32 to vector<16xi32>
    %select_n3A_67 = arith.select %ge3A_55, %broadcast_in_dim3A_66, %get3A_64 : vector<16xi1>, vector<16xi32>
    %swap3A_68 = arith.constant 16 : index
    %swap3A_69 = tpu.vector_load %arg15[%swap3A_68] {strides = array<i32>} : memref<96xi32, #tpu.memory_space<vmem>>, vector<16xi32>,
    tpu.vector_store %arg15[%swap3A_68], %select_n3A_67 {strides = array<i32>} : memref<96xi32, #tpu.memory_space<vmem>>, vector<16xi32>,
    %get3A_70 = arith.constant 16 : index
    %get3A_71 = tpu.vector_load %arg16[%get3A_70] {strides = array<i32>} : memref<96xi32, #tpu.memory_space<vmem>>, vector<16xi32>,
    %jit3A_72 = arith.constant 0 : i32
    %broadcast_in_dim3A_73 = vector.broadcast %jit3A_72 : i32 to vector<16xi32>
    %select_n3A_74 = arith.select %ge3A_55, %broadcast_in_dim3A_73, %get3A_71 : vector<16xi1>, vector<16xi32>
    %swap3A_75 = arith.constant 16 : index
    %swap3A_76 = tpu.vector_load %arg16[%swap3A_75] {strides = array<i32>} : memref<96xi32, #tpu.memory_space<vmem>>, vector<16xi32>,
    tpu.vector_store %arg16[%swap3A_75], %select_n3A_74 {strides = array<i32>} : memref<96xi32, #tpu.memory_space<vmem>>, vector<16xi32>,
    %add3A_77 = arith.constant 32 : i32
    %add3A_78 = vector.broadcast %add3A_77 : i32 to vector<16xi32>
    %add3A_79 = arith.addi %iota3A, %add3A_78 : vector<16xi32>
    %ge3A_80 = vector.broadcast %scan3A_29 : i32 to vector<16xi32>
    %ge3A_81 = arith.cmpi sge, %add3A_79, %ge3A_80 : vector<16xi32>
    %get3A_82 = arith.constant 32 : index
    %get3A_83 = tpu.vector_load %arg17[%get3A_82] {strides = array<i32>} : memref<96xf32, #tpu.memory_space<vmem>>, vector<16xf32>,
    %jit3A_84 = arith.constant 0.000000e+00 : f32
    %broadcast_in_dim3A_85 = vector.broadcast %jit3A_84 : f32 to vector<16xf32>
    %select_n3A_86 = arith.select %ge3A_81, %broadcast_in_dim3A_85, %get3A_83 : vector<16xi1>, vector<16xf32>
    %swap3A_87 = arith.constant 32 : index
    %swap3A_88 = tpu.vector_load %arg17[%swap3A_87] {strides = array<i32>} : memref<96xf32, #tpu.memory_space<vmem>>, vector<16xf32>,
    tpu.vector_store %arg17[%swap3A_87], %select_n3A_86 {strides = array<i32>} : memref<96xf32, #tpu.memory_space<vmem>>, vector<16xf32>,
    %get3A_89 = arith.constant 32 : index
    %get3A_90 = tpu.vector_load %arg15[%get3A_89] {strides = array<i32>} : memref<96xi32, #tpu.memory_space<vmem>>, vector<16xi32>,
    %jit3A_91 = arith.constant 0 : i32
    %broadcast_in_dim3A_92 = vector.broadcast %jit3A_91 : i32 to vector<16xi32>
    %select_n3A_93 = arith.select %ge3A_81, %broadcast_in_dim3A_92, %get3A_90 : vector<16xi1>, vector<16xi32>
    %swap3A_94 = arith.constant 32 : index
    %swap3A_95 = tpu.vector_load %arg15[%swap3A_94] {strides = array<i32>} : memref<96xi32, #tpu.memory_space<vmem>>, vector<16xi32>,
    tpu.vector_store %arg15[%swap3A_94], %select_n3A_93 {strides = array<i32>} : memref<96xi32, #tpu.memory_space<vmem>>, vector<16xi32>,
    %get3A_96 = arith.constant 32 : index
    %get3A_97 = tpu.vector_load %arg16[%get3A_96] {strides = array<i32>} : memref<96xi32, #tpu.memory_space<vmem>>, vector<16xi32>,
    %jit3A_98 = arith.constant 0 : i32
    %broadcast_in_dim3A_99 = vector.broadcast %jit3A_98 : i32 to vector<16xi32>
    %select_n3A_100 = arith.select %ge3A_81, %broadcast_in_dim3A_99, %get3A_97 : vector<16xi1>, vector<16xi32>
    %swap3A_101 = arith.constant 32 : index
    %swap3A_102 = tpu.vector_load %arg16[%swap3A_101] {strides = array<i32>} : memref<96xi32, #tpu.memory_space<vmem>>, vector<16xi32>,
    tpu.vector_store %arg16[%swap3A_101], %select_n3A_100 {strides = array<i32>} : memref<96xi32, #tpu.memory_space<vmem>>, vector<16xi32>,
    %add3A_103 = arith.constant 48 : i32
    %add3A_104 = vector.broadcast %add3A_103 : i32 to vector<16xi32>
    %add3A_105 = arith.addi %iota3A, %add3A_104 : vector<16xi32>
    %ge3A_106 = vector.broadcast %scan3A_29 : i32 to vector<16xi32>
    %ge3A_107 = arith.cmpi sge, %add3A_105, %ge3A_106 : vector<16xi32>
    %get3A_108 = arith.constant 48 : index
    %get3A_109 = tpu.vector_load %arg17[%get3A_108] {strides = array<i32>} : memref<96xf32, #tpu.memory_space<vmem>>, vector<16xf32>,
    %jit3A_110 = arith.constant 0.000000e+00 : f32
    %broadcast_in_dim3A_111 = vector.broadcast %jit3A_110 : f32 to vector<16xf32>
    %select_n3A_112 = arith.select %ge3A_107, %broadcast_in_dim3A_111, %get3A_109 : vector<16xi1>, vector<16xf32>
    %swap3A_113 = arith.constant 48 : index
    %swap3A_114 = tpu.vector_load %arg17[%swap3A_113] {strides = array<i32>} : memref<96xf32, #tpu.memory_space<vmem>>, vector<16xf32>,
    tpu.vector_store %arg17[%swap3A_113], %select_n3A_112 {strides = array<i32>} : memref<96xf32, #tpu.memory_space<vmem>>, vector<16xf32>,
    %get3A_115 = arith.constant 48 : index
    %get3A_116 = tpu.vector_load %arg15[%get3A_115] {strides = array<i32>} : memref<96xi32, #tpu.memory_space<vmem>>, vector<16xi32>,
    %jit3A_117 = arith.constant 0 : i32
    %broadcast_in_dim3A_118 = vector.broadcast %jit3A_117 : i32 to vector<16xi32>
    %select_n3A_119 = arith.select %ge3A_107, %broadcast_in_dim3A_118, %get3A_116 : vector<16xi1>, vector<16xi32>
    %swap3A_120 = arith.constant 48 : index
    %swap3A_121 = tpu.vector_load %arg15[%swap3A_120] {strides = array<i32>} : memref<96xi32, #tpu.memory_space<vmem>>, vector<16xi32>,
    tpu.vector_store %arg15[%swap3A_120], %select_n3A_119 {strides = array<i32>} : memref<96xi32, #tpu.memory_space<vmem>>, vector<16xi32>,
    %get3A_122 = arith.constant 48 : index
    %get3A_123 = tpu.vector_load %arg16[%get3A_122] {strides = array<i32>} : memref<96xi32, #tpu.memory_space<vmem>>, vector<16xi32>,
    %jit3A_124 = arith.constant 0 : i32
    %broadcast_in_dim3A_125 = vector.broadcast %jit3A_124 : i32 to vector<16xi32>
    %select_n3A_126 = arith.select %ge3A_107, %broadcast_in_dim3A_125, %get3A_123 : vector<16xi1>, vector<16xi32>
    %swap3A_127 = arith.constant 48 : index
    %swap3A_128 = tpu.vector_load %arg16[%swap3A_127] {strides = array<i32>} : memref<96xi32, #tpu.memory_space<vmem>>, vector<16xi32>,
    tpu.vector_store %arg16[%swap3A_127], %select_n3A_126 {strides = array<i32>} : memref<96xi32, #tpu.memory_space<vmem>>, vector<16xi32>,
    %add3A_129 = arith.constant 64 : i32
    %add3A_130 = vector.broadcast %add3A_129 : i32 to vector<16xi32>
    %add3A_131 = arith.addi %iota3A, %add3A_130 : vector<16xi32>
    %ge3A_132 = vector.broadcast %scan3A_29 : i32 to vector<16xi32>
    %ge3A_133 = arith.cmpi sge, %add3A_131, %ge3A_132 : vector<16xi32>
    %get3A_134 = arith.constant 64 : index
    %get3A_135 = tpu.vector_load %arg17[%get3A_134] {strides = array<i32>} : memref<96xf32, #tpu.memory_space<vmem>>, vector<16xf32>,
    %jit3A_136 = arith.constant 0.000000e+00 : f32
    %broadcast_in_dim3A_137 = vector.broadcast %jit3A_136 : f32 to vector<16xf32>
    %select_n3A_138 = arith.select %ge3A_133, %broadcast_in_dim3A_137, %get3A_135 : vector<16xi1>, vector<16xf32>
    %swap3A_139 = arith.constant 64 : index
    %swap3A_140 = tpu.vector_load %arg17[%swap3A_139] {strides = array<i32>} : memref<96xf32, #tpu.memory_space<vmem>>, vector<16xf32>,
    tpu.vector_store %arg17[%swap3A_139], %select_n3A_138 {strides = array<i32>} : memref<96xf32, #tpu.memory_space<vmem>>, vector<16xf32>,
    %get3A_141 = arith.constant 64 : index
    %get3A_142 = tpu.vector_load %arg15[%get3A_141] {strides = array<i32>} : memref<96xi32, #tpu.memory_space<vmem>>, vector<16xi32>,
    %jit3A_143 = arith.constant 0 : i32
    %broadcast_in_dim3A_144 = vector.broadcast %jit3A_143 : i32 to vector<16xi32>
    %select_n3A_145 = arith.select %ge3A_133, %broadcast_in_dim3A_144, %get3A_142 : vector<16xi1>, vector<16xi32>
    %swap3A_146 = arith.constant 64 : index
    %swap3A_147 = tpu.vector_load %arg15[%swap3A_146] {strides = array<i32>} : memref<96xi32, #tpu.memory_space<vmem>>, vector<16xi32>,
    tpu.vector_store %arg15[%swap3A_146], %select_n3A_145 {strides = array<i32>} : memref<96xi32, #tpu.memory_space<vmem>>, vector<16xi32>,
    %get3A_148 = arith.constant 64 : index
    %get3A_149 = tpu.vector_load %arg16[%get3A_148] {strides = array<i32>} : memref<96xi32, #tpu.memory_space<vmem>>, vector<16xi32>,
    %jit3A_150 = arith.constant 0 : i32
    %broadcast_in_dim3A_151 = vector.broadcast %jit3A_150 : i32 to vector<16xi32>
    %select_n3A_152 = arith.select %ge3A_133, %broadcast_in_dim3A_151, %get3A_149 : vector<16xi1>, vector<16xi32>
    %swap3A_153 = arith.constant 64 : index
    %swap3A_154 = tpu.vector_load %arg16[%swap3A_153] {strides = array<i32>} : memref<96xi32, #tpu.memory_space<vmem>>, vector<16xi32>,
    tpu.vector_store %arg16[%swap3A_153], %select_n3A_152 {strides = array<i32>} : memref<96xi32, #tpu.memory_space<vmem>>, vector<16xi32>,
    %get3A_155 = arith.constant 0 : index
    %get3A_156 = tpu.vector_load %arg15[%get3A_155] {strides = array<i32>} : memref<96xi32, #tpu.memory_space<vmem>>, vector<16xi32>,
    %swap3A_157 = arith.constant 0 : index
    %swap3A_158 = tpu.vector_load %arg18[%swap3A_157] {strides = array<i32>} : memref<80xi32, #tpu.memory_space<vmem>>, vector<16xi32>,
    tpu.vector_store %arg18[%swap3A_157], %get3A_156 {strides = array<i32>} : memref<80xi32, #tpu.memory_space<vmem>>, vector<16xi32>,
    %get3A_159 = arith.constant 16 : index
    %get3A_160 = tpu.vector_load %arg15[%get3A_159] {strides = array<i32>} : memref<96xi32, #tpu.memory_space<vmem>>, vector<16xi32>,
    %swap3A_161 = arith.constant 16 : index
    %swap3A_162 = tpu.vector_load %arg18[%swap3A_161] {strides = array<i32>} : memref<80xi32, #tpu.memory_space<vmem>>, vector<16xi32>,
    tpu.vector_store %arg18[%swap3A_161], %get3A_160 {strides = array<i32>} : memref<80xi32, #tpu.memory_space<vmem>>, vector<16xi32>,
    %get3A_163 = arith.constant 32 : index
    %get3A_164 = tpu.vector_load %arg15[%get3A_163] {strides = array<i32>} : memref<96xi32, #tpu.memory_space<vmem>>, vector<16xi32>,
    %swap3A_165 = arith.constant 32 : index
    %swap3A_166 = tpu.vector_load %arg18[%swap3A_165] {strides = array<i32>} : memref<80xi32, #tpu.memory_space<vmem>>, vector<16xi32>,
    tpu.vector_store %arg18[%swap3A_165], %get3A_164 {strides = array<i32>} : memref<80xi32, #tpu.memory_space<vmem>>, vector<16xi32>,
    %get3A_167 = arith.constant 48 : index
    %get3A_168 = tpu.vector_load %arg15[%get3A_167] {strides = array<i32>} : memref<96xi32, #tpu.memory_space<vmem>>, vector<16xi32>,
    %swap3A_169 = arith.constant 48 : index
    %swap3A_170 = tpu.vector_load %arg18[%swap3A_169] {strides = array<i32>} : memref<80xi32, #tpu.memory_space<vmem>>, vector<16xi32>,
    tpu.vector_store %arg18[%swap3A_169], %get3A_168 {strides = array<i32>} : memref<80xi32, #tpu.memory_space<vmem>>, vector<16xi32>,
    %get3A_171 = arith.constant 64 : index
    %get3A_172 = tpu.vector_load %arg15[%get3A_171] {strides = array<i32>} : memref<96xi32, #tpu.memory_space<vmem>>, vector<16xi32>,
    %swap3A_173 = arith.constant 64 : index
    %swap3A_174 = tpu.vector_load %arg18[%swap3A_173] {strides = array<i32>} : memref<80xi32, #tpu.memory_space<vmem>>, vector<16xi32>,
    tpu.vector_store %arg18[%swap3A_173], %get3A_172 {strides = array<i32>} : memref<80xi32, #tpu.memory_space<vmem>>, vector<16xi32>,
    "tpu.region"() ({
      %run_scoped3A = tpu.sem_alloc : memref<!tpu.dma_semaphore, #tpu.memory_space<semaphore_mem>>
      %dma_start3A = arith.constant 0 : i32
      %dma_start3A_201 = arith.constant 0 : i32
      %dma_start3A_202 = tpu.memref_slice %arg2[%dma_start3A, %dma_start3A_201] : memref<10000x128xf32, #tpu.memory_space<hbm>> -> memref<10000x128xf32, #tpu.memory_space<hbm>>
      tpu.enqueue_indirect_dma source(%dma_start3A_202 : memref<10000x128xf32, #tpu.memory_space<hbm>>) target(%arg19 : memref<80x128xf32, #tpu.memory_space<vmem>>) offsets(%arg18 : memref<80xi32, #tpu.memory_space<vmem>>) semaphore(%run_scoped3A : memref<!tpu.dma_semaphore, #tpu.memory_space<semaphore_mem>>)
      %dma_wait3A = arith.constant 0 : i32
      %dma_wait3A_203 = arith.constant 0 : i32
      %dma_wait3A_204 = tpu.memref_slice %arg2[%dma_wait3A, %dma_wait3A_203] : memref<10000x128xf32, #tpu.memory_space<hbm>> -> memref<10000x128xf32, #tpu.memory_space<hbm>>
      tpu.wait_indirect_dma semaphore(%run_scoped3A : memref<!tpu.dma_semaphore, #tpu.memory_space<semaphore_mem>>) src(%dma_wait3A_204 : memref<10000x128xf32, #tpu.memory_space<hbm>>) dst(%arg19 : memref<80x128xf32, #tpu.memory_space<vmem>>)
      tpu.yield
    }) : () -> ()
    %scan3A_175 = arith.constant 0 : i32
    %scan3A_176 = arith.constant 0 : i32
    %scan3A_177 = arith.constant 80 : i32
    %scan3A_178 = arith.addi %scan3A_176, %scan3A_177 : i32
    %scan3A_179 = arith.constant 1 : i32
    %scan3A_180 = scf.for %scan3A_201 = %scan3A_176 to %scan3A_178 step %scan3A_179 iter_args(%scan3A_202 = %scan3A_175) -> (i32)  : i32 {
      %broadcast_in_dim3A_203 = vector.broadcast %scan3A_201 : i32 to vector<16xi32>
      %gather3A = tpu.vector_load_idx %arg17[%broadcast_in_dim3A_203] : memref<96xf32, #tpu.memory_space<vmem>>[vector<16xi32>], vector<16xf32>,
      %gather3A_204 = tpu.vector_load_idx %arg16[%broadcast_in_dim3A_203] : memref<96xi32, #tpu.memory_space<vmem>>[vector<16xi32>], vector<16xi32>,
      %slice3A = vector.extract_strided_slice %gather3A_204 {offsets = [0], sizes = [1], strides = [1]} : vector<16xi32> to vector<1xi32>
      %squeeze3A = vector.extract %slice3A[0] : i32 from vector<1xi32>
      %get3A_205 = arith.index_cast %squeeze3A : i32 to index
      %get3A_206 = arith.constant 0 : index
      %get3A_207 = tpu.vector_load %arg12[%get3A_205, %get3A_206] {strides = array<i32>} : memref<640x64xf32, #tpu.memory_space<vmem>>, vector<16xf32>,
      %get3A_208 = arith.index_cast %scan3A_201 : i32 to index
      %get3A_209 = arith.constant 0 : index
      %get3A_210 = tpu.vector_load %arg19[%get3A_208, %get3A_209] {strides = array<i32>} : memref<80x128xf32, #tpu.memory_space<vmem>>, vector<16xf32>,
      %mul3A_211 = arith.mulf %get3A_210, %gather3A : vector<16xf32>
      %add3A_212 = arith.addf %get3A_207, %mul3A_211 : vector<16xf32>
      %swap3A_213 = arith.index_cast %squeeze3A : i32 to index
      %swap3A_214 = arith.constant 0 : index
      %swap3A_215 = tpu.vector_load %arg12[%swap3A_213, %swap3A_214] {strides = array<i32>} : memref<640x64xf32, #tpu.memory_space<vmem>>, vector<16xf32>,
      tpu.vector_store %arg12[%swap3A_213, %swap3A_214], %add3A_212 {strides = array<i32>} : memref<640x64xf32, #tpu.memory_space<vmem>>, vector<16xf32>,
      %get3A_216 = arith.index_cast %squeeze3A : i32 to index
      %get3A_217 = arith.constant 16 : index
      %get3A_218 = tpu.vector_load %arg12[%get3A_216, %get3A_217] {strides = array<i32>} : memref<640x64xf32, #tpu.memory_space<vmem>>, vector<16xf32>,
      %get3A_219 = arith.index_cast %scan3A_201 : i32 to index
      %get3A_220 = arith.constant 16 : index
      %get3A_221 = tpu.vector_load %arg19[%get3A_219, %get3A_220] {strides = array<i32>} : memref<80x128xf32, #tpu.memory_space<vmem>>, vector<16xf32>,
      %mul3A_222 = arith.mulf %get3A_221, %gather3A : vector<16xf32>
      %add3A_223 = arith.addf %get3A_218, %mul3A_222 : vector<16xf32>
      %swap3A_224 = arith.index_cast %squeeze3A : i32 to index
      %swap3A_225 = arith.constant 16 : index
      %swap3A_226 = tpu.vector_load %arg12[%swap3A_224, %swap3A_225] {strides = array<i32>} : memref<640x64xf32, #tpu.memory_space<vmem>>, vector<16xf32>,
      tpu.vector_store %arg12[%swap3A_224, %swap3A_225], %add3A_223 {strides = array<i32>} : memref<640x64xf32, #tpu.memory_space<vmem>>, vector<16xf32>,
      %get3A_227 = arith.index_cast %squeeze3A : i32 to index
      %get3A_228 = arith.constant 32 : index
      %get3A_229 = tpu.vector_load %arg12[%get3A_227, %get3A_228] {strides = array<i32>} : memref<640x64xf32, #tpu.memory_space<vmem>>, vector<16xf32>,
      %get3A_230 = arith.index_cast %scan3A_201 : i32 to index
      %get3A_231 = arith.constant 32 : index
      %get3A_232 = tpu.vector_load %arg19[%get3A_230, %get3A_231] {strides = array<i32>} : memref<80x128xf32, #tpu.memory_space<vmem>>, vector<16xf32>,
      %mul3A_233 = arith.mulf %get3A_232, %gather3A : vector<16xf32>
      %add3A_234 = arith.addf %get3A_229, %mul3A_233 : vector<16xf32>
      %swap3A_235 = arith.index_cast %squeeze3A : i32 to index
      %swap3A_236 = arith.constant 32 : index
      %swap3A_237 = tpu.vector_load %arg12[%swap3A_235, %swap3A_236] {strides = array<i32>} : memref<640x64xf32, #tpu.memory_space<vmem>>, vector<16xf32>,
      tpu.vector_store %arg12[%swap3A_235, %swap3A_236], %add3A_234 {strides = array<i32>} : memref<640x64xf32, #tpu.memory_space<vmem>>, vector<16xf32>,
      %get3A_238 = arith.index_cast %squeeze3A : i32 to index
      %get3A_239 = arith.constant 48 : index
      %get3A_240 = tpu.vector_load %arg12[%get3A_238, %get3A_239] {strides = array<i32>} : memref<640x64xf32, #tpu.memory_space<vmem>>, vector<16xf32>,
      %get3A_241 = arith.index_cast %scan3A_201 : i32 to index
      %get3A_242 = arith.constant 48 : index
      %get3A_243 = tpu.vector_load %arg19[%get3A_241, %get3A_242] {strides = array<i32>} : memref<80x128xf32, #tpu.memory_space<vmem>>, vector<16xf32>,
      %mul3A_244 = arith.mulf %get3A_243, %gather3A : vector<16xf32>
      %add3A_245 = arith.addf %get3A_240, %mul3A_244 : vector<16xf32>
      %swap3A_246 = arith.index_cast %squeeze3A : i32 to index
      %swap3A_247 = arith.constant 48 : index
      %swap3A_248 = tpu.vector_load %arg12[%swap3A_246, %swap3A_247] {strides = array<i32>} : memref<640x64xf32, #tpu.memory_space<vmem>>, vector<16xf32>,
      tpu.vector_store %arg12[%swap3A_246, %swap3A_247], %add3A_245 {strides = array<i32>} : memref<640x64xf32, #tpu.memory_space<vmem>>, vector<16xf32>,
      %scan3A_249 = arith.constant 0 : i32
      scf.yield %scan3A_249 : i32
    }
    %scan3A_181 = arith.constant 80 : i32
    %get3A_182 = arith.constant 80 : index
    %get3A_183 = tpu.vector_load %arg15[%get3A_182] {strides = array<i32>} : memref<96xi32, #tpu.memory_space<vmem>>, vector<16xi32>,
    %swap3A_184 = arith.constant 0 : index
    %swap3A_185 = tpu.vector_load %arg15[%swap3A_184] {strides = array<i32>} : memref<96xi32, #tpu.memory_space<vmem>>, vector<16xi32>,
    tpu.vector_store %arg15[%swap3A_184], %get3A_183 {strides = array<i32>} : memref<96xi32, #tpu.memory_space<vmem>>, vector<16xi32>,
    %get3A_186 = arith.constant 80 : index
    %get3A_187 = tpu.vector_load %arg16[%get3A_186] {strides = array<i32>} : memref<96xi32, #tpu.memory_space<vmem>>, vector<16xi32>,
    %swap3A_188 = arith.constant 0 : index
    %swap3A_189 = tpu.vector_load %arg16[%swap3A_188] {strides = array<i32>} : memref<96xi32, #tpu.memory_space<vmem>>, vector<16xi32>,
    tpu.vector_store %arg16[%swap3A_188], %get3A_187 {strides = array<i32>} : memref<96xi32, #tpu.memory_space<vmem>>, vector<16xi32>,
    %get3A_190 = arith.constant 80 : index
    %get3A_191 = tpu.vector_load %arg17[%get3A_190] {strides = array<i32>} : memref<96xf32, #tpu.memory_space<vmem>>, vector<16xf32>,
    %swap3A_192 = arith.constant 0 : index
    %swap3A_193 = tpu.vector_load %arg17[%swap3A_192] {strides = array<i32>} : memref<96xf32, #tpu.memory_space<vmem>>, vector<16xf32>,
    tpu.vector_store %arg17[%swap3A_192], %get3A_191 {strides = array<i32>} : memref<96xf32, #tpu.memory_space<vmem>>, vector<16xf32>,
    %eq3A = arith.constant 0 : i32
    %eq3A_194 = arith.cmpi eq, %arg0, %eq3A : i32
    %convert_element_type3A = arith.extui %eq3A_194 : i1 to i32
    %cond3A = arith.constant 0 : i32
    %cond3A_195 = arith.cmpi ne, %convert_element_type3A, %cond3A : i32
    scf.if %cond3A_195 {
      %mul3A_201 = arith.constant 640 : i32
      %mul3A_202 = arith.muli %arg1, %mul3A_201 : i32
      "tpu.region"() ({
        %run_scoped3A = tpu.sem_alloc : memref<!tpu.dma_semaphore, #tpu.memory_space<semaphore_mem>>
        %dma_start3A = arith.constant 0 : i32
        %dma_start3A_203 = tpu.memref_slice %arg7[%mul3A_202, %dma_start3A] : memref<10240x64xf32, #tpu.memory_space<hbm>> -> memref<640x64xf32, #tpu.memory_space<hbm>>
        %dma_start3A_204 = arith.constant 0 : i32
        %dma_start3A_205 = tpu.memref_slice %arg7[%mul3A_202, %dma_start3A_204] : memref<10240x64xf32, #tpu.memory_space<hbm>> -> memref<640x64xf32, #tpu.memory_space<hbm>>
        tpu.enqueue_dma source(%arg12 : memref<640x64xf32, #tpu.memory_space<vmem>>) target(%dma_start3A_205 : memref<640x64xf32, #tpu.memory_space<hbm>>) target_semaphore(%run_scoped3A : memref<!tpu.dma_semaphore, #tpu.memory_space<semaphore_mem>>)
        %dma_wait3A = arith.constant 0 : i32
        %dma_wait3A_206 = tpu.memref_slice %arg7[%mul3A_202, %dma_wait3A] : memref<10240x64xf32, #tpu.memory_space<hbm>> -> memref<640x64xf32, #tpu.memory_space<hbm>>
        %dma_wait3A_207 = arith.constant 0 : i32
        %dma_wait3A_208 = tpu.memref_slice %arg7[%mul3A_202, %dma_wait3A_207] : memref<10240x64xf32, #tpu.memory_space<hbm>> -> memref<640x64xf32, #tpu.memory_space<hbm>>
        tpu.wait_dma2 semaphore(%run_scoped3A : memref<!tpu.dma_semaphore, #tpu.memory_space<semaphore_mem>>) src(%arg12 : memref<640x64xf32, #tpu.memory_space<vmem>>) dst(%dma_wait3A_208 : memref<640x64xf32, #tpu.memory_space<hbm>>)
        tpu.yield
      }) : () -> ()
    } else {
    }
    %eq3A_196 = arith.constant 1 : i32
    %eq3A_197 = arith.cmpi eq, %arg0, %eq3A_196 : i32
    %convert_element_type3A_198 = arith.extui %eq3A_197 : i1 to i32
    %cond3A_199 = arith.constant 0 : i32
    %cond3A_200 = arith.cmpi ne, %convert_element_type3A_198, %cond3A_199 : i32
    scf.if %cond3A_200 {
      %mul3A_201 = arith.constant 640 : i32
      %mul3A_202 = arith.muli %arg1, %mul3A_201 : i32
      "tpu.region"() ({
        %run_scoped3A = tpu.sem_alloc : memref<!tpu.dma_semaphore, #tpu.memory_space<semaphore_mem>>
        %dma_start3A = arith.constant 0 : i32
        %dma_start3A_203 = tpu.memref_slice %arg8[%mul3A_202, %dma_start3A] : memref<10240x64xf32, #tpu.memory_space<hbm>> -> memref<640x64xf32, #tpu.memory_space<hbm>>
        %dma_start3A_204 = arith.constant 0 : i32
        %dma_start3A_205 = tpu.memref_slice %arg8[%mul3A_202, %dma_start3A_204] : memref<10240x64xf32, #tpu.memory_space<hbm>> -> memref<640x64xf32, #tpu.memory_space<hbm>>
        tpu.enqueue_dma source(%arg12 : memref<640x64xf32, #tpu.memory_space<vmem>>) target(%dma_start3A_205 : memref<640x64xf32, #tpu.memory_space<hbm>>) target_semaphore(%run_scoped3A : memref<!tpu.dma_semaphore, #tpu.memory_space<semaphore_mem>>)
        %dma_wait3A = arith.constant 0 : i32
        %dma_wait3A_206 = tpu.memref_slice %arg8[%mul3A_202, %dma_wait3A] : memref<10240x64xf32, #tpu.memory_space<hbm>> -> memref<640x64xf32, #tpu.memory_space<hbm>>
        %dma_wait3A_207 = arith.constant 0 : i32
        %dma_wait3A_208 = tpu.memref_slice %arg8[%mul3A_202, %dma_wait3A_207] : memref<10240x64xf32, #tpu.memory_space<hbm>> -> memref<640x64xf32, #tpu.memory_space<hbm>>
        tpu.wait_dma2 semaphore(%run_scoped3A : memref<!tpu.dma_semaphore, #tpu.memory_space<semaphore_mem>>) src(%arg12 : memref<640x64xf32, #tpu.memory_space<vmem>>) dst(%dma_wait3A_208 : memref<640x64xf32, #tpu.memory_space<hbm>>)
        tpu.yield
      }) : () -> ()
    } else {
    }
    return
  }
}

module attributes {stable_mosaic.version = 14 : i64} {
  func.func @_tc_first_body(%arg0: i32, %arg1: memref<1000x128xf32, #tpu.memory_space<vmem>>, %arg2: memref<128x64xf32, #tpu.memory_space<vmem>>, %arg3: memref<64x64xf32, #tpu.memory_space<vmem>>, %arg4: memref<1000x128xf32, #tpu.memory_space<vmem>>) attributes {dimension_semantics = [#tpu.dimension_semantics<arbitrary>], iteration_bounds = array<i64: 10>, scalar_prefetch = 0 : i64, scratch_operands = 0 : i64, tpu.core_type = #tpu.core_type<tc>, window_params = [{transform_indices = @transform_0, window_bounds = array<i64: 1000, 128>}, {pipeline_mode = #tpu.pipeline_mode<synchronous>, transform_indices = @transform_1, window_bounds = array<i64: 128, 64>}, {pipeline_mode = #tpu.pipeline_mode<synchronous>, transform_indices = @transform_2, window_bounds = array<i64: 64, 64>}, {transform_indices = @transform_3, window_bounds = array<i64: 1000, 128>}]} {
    %get3A = arith.constant 0 : index
    %get3A_0 = arith.constant 0 : index
    %get3A_1 = vector.load %arg1[%get3A, %get3A_0] : memref<1000x128xf32, #tpu.memory_space<vmem>>, vector<1000x128xf32>
    %get3A_2 = arith.constant 0 : index
    %get3A_3 = arith.constant 0 : index
    %get3A_4 = vector.load %arg2[%get3A_2, %get3A_3] : memref<128x64xf32, #tpu.memory_space<vmem>>, vector<128x64xf32>
    %dot_general3A = arith.constant dense<0.000000e+00> : vector<1000x64xf32>
    %dot_general3A_5 = tpu.matmul %get3A_1, %get3A_4, %dot_general3A {dimension_numbers = #tpu.dot_dimension_numbers<[1], [0], [0], [1], [0, 0, 1, 1], [], []>, transpose_lhs_hint = false} : vector<1000x128xf32>, vector<128x64xf32>, vector<1000x64xf32> -> vector<1000x64xf32>
    %get3A_6 = arith.constant 0 : index
    %get3A_7 = arith.constant 0 : index
    %get3A_8 = vector.load %arg3[%get3A_6, %get3A_7] : memref<64x64xf32, #tpu.memory_space<vmem>>, vector<64x64xf32>
    %dot_general3A_9 = arith.constant dense<0.000000e+00> : vector<1000x64xf32>
    %dot_general3A_10 = tpu.matmul %dot_general3A_5, %get3A_8, %dot_general3A_9 {dimension_numbers = #tpu.dot_dimension_numbers<[1], [0], [0], [1], [0, 0, 1, 1], [], []>, transpose_lhs_hint = false} : vector<1000x64xf32>, vector<64x64xf32>, vector<1000x64xf32> -> vector<1000x64xf32>
    %concatenate3A = tpu.concatenate %dot_general3A_5, %dot_general3A_10 in 1 : vector<1000x64xf32>, vector<1000x64xf32> -> vector<1000x128xf32>
    %swap3A = arith.constant 0 : index
    %swap3A_11 = arith.constant 0 : index
    %swap3A_12 = vector.load %arg4[%swap3A, %swap3A_11] : memref<1000x128xf32, #tpu.memory_space<vmem>>, vector<1000x128xf32>
    tpu.vector_store %arg4[%swap3A, %swap3A_11], %concatenate3A {strides = array<i32>} : memref<1000x128xf32, #tpu.memory_space<vmem>>, vector<1000x128xf32>,
    return
  }
  func.func @transform_0(%arg0: i32) -> (i32, i32) {
    %c0_i32 = arith.constant 0 : i32
    %c0_i32_0 = arith.constant 0 : i32
    return %arg0, %c0_i32 : i32, i32
  }
  func.func @transform_1(%arg0: i32) -> (i32, i32) {
    %c0_i32 = arith.constant 0 : i32
    %c0_i32_0 = arith.constant 0 : i32
    %c0_i32_1 = arith.constant 0 : i32
    return %c0_i32, %c0_i32_0 : i32, i32
  }
  func.func @transform_2(%arg0: i32) -> (i32, i32) {
    %c0_i32 = arith.constant 0 : i32
    %c0_i32_0 = arith.constant 0 : i32
    %c0_i32_1 = arith.constant 0 : i32
    return %c0_i32, %c0_i32_0 : i32, i32
  }
  func.func @transform_3(%arg0: i32) -> (i32, i32) {
    %c0_i32 = arith.constant 0 : i32
    %c0_i32_0 = arith.constant 0 : i32
    return %arg0, %c0_i32 : i32, i32
  }
}

module attributes {stable_mosaic.version = 14 : i64} {
  func.func @_tc_mid_body(%arg0: i32, %arg1: memref<1000x64xf32, #tpu.memory_space<vmem>>, %arg2: memref<1000x64xf32, #tpu.memory_space<vmem>>, %arg3: memref<1x64xf32, #tpu.memory_space<vmem>>, %arg4: memref<64x64xf32, #tpu.memory_space<vmem>>, %arg5: memref<64x64xf32, #tpu.memory_space<vmem>>, %arg6: memref<1000x128xf32, #tpu.memory_space<vmem>>) attributes {dimension_semantics = [#tpu.dimension_semantics<arbitrary>], iteration_bounds = array<i64: 10>, scalar_prefetch = 0 : i64, scratch_operands = 0 : i64, tpu.core_type = #tpu.core_type<tc>, window_params = [{transform_indices = @transform_0, window_bounds = array<i64: 1000, 64>}, {transform_indices = @transform_1, window_bounds = array<i64: 1000, 64>}, {pipeline_mode = #tpu.pipeline_mode<synchronous>, transform_indices = @transform_2, window_bounds = array<i64: 1, 64>}, {pipeline_mode = #tpu.pipeline_mode<synchronous>, transform_indices = @transform_3, window_bounds = array<i64: 64, 64>}, {pipeline_mode = #tpu.pipeline_mode<synchronous>, transform_indices = @transform_4, window_bounds = array<i64: 64, 64>}, {transform_indices = @transform_5, window_bounds = array<i64: 1000, 128>}]} {
    %get3A = arith.constant 0 : index
    %get3A_0 = arith.constant 0 : index
    %get3A_1 = vector.load %arg1[%get3A, %get3A_0] : memref<1000x64xf32, #tpu.memory_space<vmem>>, vector<1000x64xf32>
    %get3A_2 = arith.constant 0 : index
    %get3A_3 = arith.constant 0 : index
    %get3A_4 = vector.load %arg2[%get3A_2, %get3A_3] : memref<1000x64xf32, #tpu.memory_space<vmem>>, vector<1000x64xf32>
    %add3A = arith.addf %get3A_1, %get3A_4 : vector<1000x64xf32>
    %get3A_5 = arith.constant 0 : index
    %get3A_6 = arith.constant 0 : index
    %get3A_7 = vector.load %arg3[%get3A_5, %get3A_6] : memref<1x64xf32, #tpu.memory_space<vmem>>, vector<1x64xf32>
    %add3A_8 = vector.broadcast %get3A_7 : vector<1x64xf32> to vector<1000x64xf32>
    %add3A_9 = arith.addf %add3A, %add3A_8 : vector<1000x64xf32>
    %max3A = arith.constant 0.000000e+00 : f32
    %max3A_10 = vector.broadcast %max3A : f32 to vector<1000x64xf32>
    %max3A_11 = arith.maximumf %add3A_9, %max3A_10 : vector<1000x64xf32>
    %get3A_12 = arith.constant 0 : index
    %get3A_13 = arith.constant 0 : index
    %get3A_14 = vector.load %arg4[%get3A_12, %get3A_13] : memref<64x64xf32, #tpu.memory_space<vmem>>, vector<64x64xf32>
    %dot_general3A = arith.constant dense<0.000000e+00> : vector<1000x64xf32>
    %dot_general3A_15 = tpu.matmul %max3A_11, %get3A_14, %dot_general3A {dimension_numbers = #tpu.dot_dimension_numbers<[1], [0], [0], [1], [0, 0, 1, 1], [], []>, transpose_lhs_hint = false} : vector<1000x64xf32>, vector<64x64xf32>, vector<1000x64xf32> -> vector<1000x64xf32>
    %get3A_16 = arith.constant 0 : index
    %get3A_17 = arith.constant 0 : index
    %get3A_18 = vector.load %arg5[%get3A_16, %get3A_17] : memref<64x64xf32, #tpu.memory_space<vmem>>, vector<64x64xf32>
    %dot_general3A_19 = arith.constant dense<0.000000e+00> : vector<1000x64xf32>
    %dot_general3A_20 = tpu.matmul %dot_general3A_15, %get3A_18, %dot_general3A_19 {dimension_numbers = #tpu.dot_dimension_numbers<[1], [0], [0], [1], [0, 0, 1, 1], [], []>, transpose_lhs_hint = false} : vector<1000x64xf32>, vector<64x64xf32>, vector<1000x64xf32> -> vector<1000x64xf32>
    %concatenate3A = tpu.concatenate %dot_general3A_15, %dot_general3A_20 in 1 : vector<1000x64xf32>, vector<1000x64xf32> -> vector<1000x128xf32>
    %swap3A = arith.constant 0 : index
    %swap3A_21 = arith.constant 0 : index
    %swap3A_22 = vector.load %arg6[%swap3A, %swap3A_21] : memref<1000x128xf32, #tpu.memory_space<vmem>>, vector<1000x128xf32>
    tpu.vector_store %arg6[%swap3A, %swap3A_21], %concatenate3A {strides = array<i32>} : memref<1000x128xf32, #tpu.memory_space<vmem>>, vector<1000x128xf32>,
    return
  }
  func.func @transform_0(%arg0: i32) -> (i32, i32) {
    %c0_i32 = arith.constant 0 : i32
    %c0_i32_0 = arith.constant 0 : i32
    return %arg0, %c0_i32 : i32, i32
  }
  func.func @transform_1(%arg0: i32) -> (i32, i32) {
    %c0_i32 = arith.constant 0 : i32
    %c0_i32_0 = arith.constant 0 : i32
    return %arg0, %c0_i32 : i32, i32
  }
  func.func @transform_2(%arg0: i32) -> (i32, i32) {
    %c0_i32 = arith.constant 0 : i32
    %c0_i32_0 = arith.constant 0 : i32
    %c0_i32_1 = arith.constant 0 : i32
    return %c0_i32, %c0_i32_0 : i32, i32
  }
  func.func @transform_3(%arg0: i32) -> (i32, i32) {
    %c0_i32 = arith.constant 0 : i32
    %c0_i32_0 = arith.constant 0 : i32
    %c0_i32_1 = arith.constant 0 : i32
    return %c0_i32, %c0_i32_0 : i32, i32
  }
  func.func @transform_4(%arg0: i32) -> (i32, i32) {
    %c0_i32 = arith.constant 0 : i32
    %c0_i32_0 = arith.constant 0 : i32
    %c0_i32_1 = arith.constant 0 : i32
    return %c0_i32, %c0_i32_0 : i32, i32
  }
  func.func @transform_5(%arg0: i32) -> (i32, i32) {
    %c0_i32 = arith.constant 0 : i32
    %c0_i32_0 = arith.constant 0 : i32
    return %arg0, %c0_i32 : i32, i32
  }
}

module attributes {stable_mosaic.version = 14 : i64} {
  func.func @_tc_final_body(%arg0: i32, %arg1: memref<1000x64xf32, #tpu.memory_space<vmem>>, %arg2: memref<1000x64xf32, #tpu.memory_space<vmem>>, %arg3: memref<1x64xf32, #tpu.memory_space<vmem>>, %arg4: memref<64x64xf32, #tpu.memory_space<vmem>>, %arg5: memref<1x64xf32, #tpu.memory_space<vmem>>, %arg6: memref<64x128xf32, #tpu.memory_space<vmem>>, %arg7: memref<1x128xf32, #tpu.memory_space<vmem>>, %arg8: memref<64x128xf32, #tpu.memory_space<vmem>>, %arg9: memref<1x128xf32, #tpu.memory_space<vmem>>, %arg10: memref<1000x128xf32, #tpu.memory_space<vmem>>, %arg11: memref<1000x128xf32, #tpu.memory_space<vmem>>) attributes {dimension_semantics = [#tpu.dimension_semantics<arbitrary>], iteration_bounds = array<i64: 10>, scalar_prefetch = 0 : i64, scratch_operands = 0 : i64, tpu.core_type = #tpu.core_type<tc>, window_params = [{transform_indices = @transform_0, window_bounds = array<i64: 1000, 64>}, {transform_indices = @transform_1, window_bounds = array<i64: 1000, 64>}, {pipeline_mode = #tpu.pipeline_mode<synchronous>, transform_indices = @transform_2, window_bounds = array<i64: 1, 64>}, {pipeline_mode = #tpu.pipeline_mode<synchronous>, transform_indices = @transform_3, window_bounds = array<i64: 64, 64>}, {pipeline_mode = #tpu.pipeline_mode<synchronous>, transform_indices = @transform_4, window_bounds = array<i64: 1, 64>}, {pipeline_mode = #tpu.pipeline_mode<synchronous>, transform_indices = @transform_5, window_bounds = array<i64: 64, 128>}, {pipeline_mode = #tpu.pipeline_mode<synchronous>, transform_indices = @transform_6, window_bounds = array<i64: 1, 128>}, {pipeline_mode = #tpu.pipeline_mode<synchronous>, transform_indices = @transform_7, window_bounds = array<i64: 64, 128>}, {pipeline_mode = #tpu.pipeline_mode<synchronous>, transform_indices = @transform_8, window_bounds = array<i64: 1, 128>}, {transform_indices = @transform_9, window_bounds = array<i64: 1000, 128>}, {transform_indices = @transform_10, window_bounds = array<i64: 1000, 128>}]} {
    %get3A = arith.constant 0 : index
    %get3A_0 = arith.constant 0 : index
    %get3A_1 = vector.load %arg1[%get3A, %get3A_0] : memref<1000x64xf32, #tpu.memory_space<vmem>>, vector<1000x64xf32>
    %get3A_2 = arith.constant 0 : index
    %get3A_3 = arith.constant 0 : index
    %get3A_4 = vector.load %arg2[%get3A_2, %get3A_3] : memref<1000x64xf32, #tpu.memory_space<vmem>>, vector<1000x64xf32>
    %add3A = arith.addf %get3A_1, %get3A_4 : vector<1000x64xf32>
    %get3A_5 = arith.constant 0 : index
    %get3A_6 = arith.constant 0 : index
    %get3A_7 = vector.load %arg3[%get3A_5, %get3A_6] : memref<1x64xf32, #tpu.memory_space<vmem>>, vector<1x64xf32>
    %add3A_8 = vector.broadcast %get3A_7 : vector<1x64xf32> to vector<1000x64xf32>
    %add3A_9 = arith.addf %add3A, %add3A_8 : vector<1000x64xf32>
    %max3A = arith.constant 0.000000e+00 : f32
    %max3A_10 = vector.broadcast %max3A : f32 to vector<1000x64xf32>
    %max3A_11 = arith.maximumf %add3A_9, %max3A_10 : vector<1000x64xf32>
    %get3A_12 = arith.constant 0 : index
    %get3A_13 = arith.constant 0 : index
    %get3A_14 = vector.load %arg4[%get3A_12, %get3A_13] : memref<64x64xf32, #tpu.memory_space<vmem>>, vector<64x64xf32>
    %dot_general3A = arith.constant dense<0.000000e+00> : vector<1000x64xf32>
    %dot_general3A_15 = tpu.matmul %max3A_11, %get3A_14, %dot_general3A {dimension_numbers = #tpu.dot_dimension_numbers<[1], [0], [0], [1], [0, 0, 1, 1], [], []>, transpose_lhs_hint = false} : vector<1000x64xf32>, vector<64x64xf32>, vector<1000x64xf32> -> vector<1000x64xf32>
    %get3A_16 = arith.constant 0 : index
    %get3A_17 = arith.constant 0 : index
    %get3A_18 = vector.load %arg5[%get3A_16, %get3A_17] : memref<1x64xf32, #tpu.memory_space<vmem>>, vector<1x64xf32>
    %add3A_19 = vector.broadcast %get3A_18 : vector<1x64xf32> to vector<1000x64xf32>
    %add3A_20 = arith.addf %dot_general3A_15, %add3A_19 : vector<1000x64xf32>
    %max3A_21 = arith.constant 0.000000e+00 : f32
    %max3A_22 = vector.broadcast %max3A_21 : f32 to vector<1000x64xf32>
    %max3A_23 = arith.maximumf %add3A_20, %max3A_22 : vector<1000x64xf32>
    %get3A_24 = arith.constant 0 : index
    %get3A_25 = arith.constant 0 : index
    %get3A_26 = vector.load %arg6[%get3A_24, %get3A_25] : memref<64x128xf32, #tpu.memory_space<vmem>>, vector<64x128xf32>
    %dot_general3A_27 = arith.constant dense<0.000000e+00> : vector<1000x128xf32>
    %dot_general3A_28 = tpu.matmul %max3A_23, %get3A_26, %dot_general3A_27 {dimension_numbers = #tpu.dot_dimension_numbers<[1], [0], [0], [1], [0, 0, 1, 1], [], []>, transpose_lhs_hint = false} : vector<1000x64xf32>, vector<64x128xf32>, vector<1000x128xf32> -> vector<1000x128xf32>
    %get3A_29 = arith.constant 0 : index
    %get3A_30 = arith.constant 0 : index
    %get3A_31 = vector.load %arg7[%get3A_29, %get3A_30] : memref<1x128xf32, #tpu.memory_space<vmem>>, vector<1x128xf32>
    %add3A_32 = vector.broadcast %get3A_31 : vector<1x128xf32> to vector<1000x128xf32>
    %add3A_33 = arith.addf %dot_general3A_28, %add3A_32 : vector<1000x128xf32>
    %swap3A = arith.constant 0 : index
    %swap3A_34 = arith.constant 0 : index
    %swap3A_35 = vector.load %arg10[%swap3A, %swap3A_34] : memref<1000x128xf32, #tpu.memory_space<vmem>>, vector<1000x128xf32>
    tpu.vector_store %arg10[%swap3A, %swap3A_34], %add3A_33 {strides = array<i32>} : memref<1000x128xf32, #tpu.memory_space<vmem>>, vector<1000x128xf32>,
    %get3A_36 = arith.constant 0 : index
    %get3A_37 = arith.constant 0 : index
    %get3A_38 = vector.load %arg8[%get3A_36, %get3A_37] : memref<64x128xf32, #tpu.memory_space<vmem>>, vector<64x128xf32>
    %dot_general3A_39 = arith.constant dense<0.000000e+00> : vector<1000x128xf32>
    %dot_general3A_40 = tpu.matmul %max3A_11, %get3A_38, %dot_general3A_39 {dimension_numbers = #tpu.dot_dimension_numbers<[1], [0], [0], [1], [0, 0, 1, 1], [], []>, transpose_lhs_hint = false} : vector<1000x64xf32>, vector<64x128xf32>, vector<1000x128xf32> -> vector<1000x128xf32>
    %get3A_41 = arith.constant 0 : index
    %get3A_42 = arith.constant 0 : index
    %get3A_43 = vector.load %arg9[%get3A_41, %get3A_42] : memref<1x128xf32, #tpu.memory_space<vmem>>, vector<1x128xf32>
    %add3A_44 = vector.broadcast %get3A_43 : vector<1x128xf32> to vector<1000x128xf32>
    %add3A_45 = arith.addf %dot_general3A_40, %add3A_44 : vector<1000x128xf32>
    %swap3A_46 = arith.constant 0 : index
    %swap3A_47 = arith.constant 0 : index
    %swap3A_48 = vector.load %arg11[%swap3A_46, %swap3A_47] : memref<1000x128xf32, #tpu.memory_space<vmem>>, vector<1000x128xf32>
    tpu.vector_store %arg11[%swap3A_46, %swap3A_47], %add3A_45 {strides = array<i32>} : memref<1000x128xf32, #tpu.memory_space<vmem>>, vector<1000x128xf32>,
    return
  }
  func.func @transform_0(%arg0: i32) -> (i32, i32) {
    %c0_i32 = arith.constant 0 : i32
    %c0_i32_0 = arith.constant 0 : i32
    return %arg0, %c0_i32 : i32, i32
  }
  func.func @transform_1(%arg0: i32) -> (i32, i32) {
    %c0_i32 = arith.constant 0 : i32
    %c0_i32_0 = arith.constant 0 : i32
    return %arg0, %c0_i32 : i32, i32
  }
  func.func @transform_2(%arg0: i32) -> (i32, i32) {
    %c0_i32 = arith.constant 0 : i32
    %c0_i32_0 = arith.constant 0 : i32
    %c0_i32_1 = arith.constant 0 : i32
    return %c0_i32, %c0_i32_0 : i32, i32
  }
  func.func @transform_3(%arg0: i32) -> (i32, i32) {
    %c0_i32 = arith.constant 0 : i32
    %c0_i32_0 = arith.constant 0 : i32
    %c0_i32_1 = arith.constant 0 : i32
    return %c0_i32, %c0_i32_0 : i32, i32
  }
  func.func @transform_4(%arg0: i32) -> (i32, i32) {
    %c0_i32 = arith.constant 0 : i32
    %c0_i32_0 = arith.constant 0 : i32
    %c0_i32_1 = arith.constant 0 : i32
    return %c0_i32, %c0_i32_0 : i32, i32
  }
  func.func @transform_5(%arg0: i32) -> (i32, i32) {
    %c0_i32 = arith.constant 0 : i32
    %c0_i32_0 = arith.constant 0 : i32
    %c0_i32_1 = arith.constant 0 : i32
    return %c0_i32, %c0_i32_0 : i32, i32
  }
  func.func @transform_6(%arg0: i32) -> (i32, i32) {
    %c0_i32 = arith.constant 0 : i32
    %c0_i32_0 = arith.constant 0 : i32
    %c0_i32_1 = arith.constant 0 : i32
    return %c0_i32, %c0_i32_0 : i32, i32
  }
  func.func @transform_7(%arg0: i32) -> (i32, i32) {
    %c0_i32 = arith.constant 0 : i32
    %c0_i32_0 = arith.constant 0 : i32
    %c0_i32_1 = arith.constant 0 : i32
    return %c0_i32, %c0_i32_0 : i32, i32
  }
  func.func @transform_8(%arg0: i32) -> (i32, i32) {
    %c0_i32 = arith.constant 0 : i32
    %c0_i32_0 = arith.constant 0 : i32
    %c0_i32_1 = arith.constant 0 : i32
    return %c0_i32, %c0_i32_0 : i32, i32
  }
  func.func @transform_9(%arg0: i32) -> (i32, i32) {
    %c0_i32 = arith.constant 0 : i32
    %c0_i32_0 = arith.constant 0 : i32
    return %arg0, %c0_i32 : i32, i32
  }
  func.func @transform_10(%arg0: i32) -> (i32, i32) {
    %c0_i32 = arith.constant 0 : i32
    %c0_i32_0 = arith.constant 0 : i32
    return %arg0, %c0_i32 : i32, i32
  }
}

</mosaic_0001>

<sc_bundles>
// kernel: kernel.10.cloned.1.call-start
scs
__scs_entry_jumppad:
0x0: {  	(pc) =	sbr.rel $0x88, $3  }
0x1: {  	(tag) =	ssettag $0x0;
	lr =	simm.s32 $0x1  }
0x2: {  	[smem:$0x3F8B] =	sst lr;
	_ =	strace $0xD0000000  }
0x3: {  	_ = 	snop  }
0x4: {  	_ = 	snop  }
0x5: {  	_ = 	snop  }
0x6: {  	_ = 	snop  }
0x7: {  	_ = 	snop  }
__scs_overlays_trampoline_lowered:
0x8: {  	[smem:$0x3F9A] =	sst s0  }
0x9: {  	[smem:$0x3F9B] =	sst s1  }
0xa: {  	[smem:$0x3F9C] =	sst s2  }
0xb: {  	[smem:$0x3F9D] =	sst s3  }
0xc: {  	[smem:$0x3F9E] =	sst s4  }
0xd: {  	[smem:$0x3F9F] =	sst s5  }
0xe: {  	[smem:$0x3FA0] =	sst s6  }
0xf: {  	[smem:$0x3FA1] =	sst s7  }
0x10: {  	[smem:$0x3FA2] =	sst s8  }
0x11: {  	[smem:$0x3FA3] =	sst s9;
	s0 =	simm.s32 @!p0 $0x0  }
0x12: {  	s1 =	sld [smem:$0x3F89];
	s0 =	simm.s32 @p0 $0x1  }
0x13: {  	[smem:$0x3FA4] =	sst s0;
	s0 =	simm.s32 @!p1 $0x0  }
0x14: {  	s2 =	sld [smem:$0x3F88];
	s0 =	simm.s32 @p1 $0x1  }
0x15: {  	[smem:$0x3FA5] =	sst s0;
	s0 =	simm.s32 @!p2 $0x0  }
0x16: {  	s3 =	sld [smem:$0x3FDB];
	s0 =	simm.s32 @p2 $0x1  }
0x17: {  	s4 =	simm.s32 $0x1BF5;
	[smem:$0x3FA7] =	sst s0  }
0x18: {  	s0 =	sld [smem:$0x3F8A];
	_ =	swait.ge [sflag:s4], $0x0  }
0x19: {  	s7 =	sld [smem:$0x3F8B]  }
0x1a: {  	s8 =	sadd.s32 $0xFFFFE003, lr  }
0x1b: {  	s9 =	sadd.s32 $0xFFFFFEF7, lr;
	s5 =	simm.s32 $0xFFFFFFFF;
	p2 =	slt.u32 s8, $0xFFFFF086  }
0x1c: {  	p1 =	slt.u32 s9, $0xF7A;
	s5 =	simm.s32 @!p2 $0x0  }
0x1d: {  	s5 =	simm.s32 @p1 $0x1;
	p0 =	seq.s32 s7, s2  }
0x1e: {  	s7 =	smul.u32 @!p0 $0xF7A, s2;
	p2 =	seq.s32 @!p0 s5, $0x0  }
0x1f: {  	s9 =	smul.u32 $0xF7A, s1;
	s8 =	simm.s32 @!p0 $0x1BF5;
	p2 =	por !p2, p0  }
0x20: {  	[sflag:s8] =	ssyncset.s32 @!p0 $0xFFFFF086;
	s6 =	sadd.s32 @!p0 s3, s7;
	s7 =	simm.s32 @!p0 $0x108  }
0x21: {  	s3 =	sadd.s32 s3, s9;
	s6 =	sadd.s32 @!p0 $0x88, s6;
	s7 =	simm.s32 @p2 $0x1082  }
0x22: {  	[simem:s7], [sflag:s8] =	dma.local @!p0 [hbm:s6], $0xF7A  }
0x23: {  	s9 =	sor.u32 $0xD0000000, s2;
	s6 =	simm.s32 $0x108;
	_ =	swait.ge @!p0 [sflag:s8], $0x0  }
0x24: {  	s3 =	sadd.s32 $0x88, s3;
	s6 =	simm.s32 @!p1 $0x1082;
	[sflag:s4] =	ssyncset.s32 $0xFFFFF086  }
0x25: {  	[simem:s6], [sflag:s4] =	dma.local [hbm:s3], $0xF7A  }
0x26: {  	[smem:$0x3F8B] =	sst s1;
	(tag) =	ssettag s2;
	_ =	strace s9  }
0x27: {  	s1 =	sld [smem:$0x3F9B]  }
0x28: {  	s2 =	sld [smem:$0x3F9C]  }
0x29: {  	s4 =	sld [smem:$0x3F9E]  }
0x2a: {  	p0 =	seq.s32 s5, $0x0;
	s5 =	sld [smem:$0x3F9F]  }
0x2b: {  	s6 =	sld [smem:$0x3FA0]  }
0x2c: {  	s7 =	sld [smem:$0x3FA1]  }
0x2d: {  	s3 =	simm.s32 $0x108;
	s8 =	sld [smem:$0x3FA2]  }
0x2e: {  	s3 =	simm.s32 @!p0 $0x1082;
	s9 =	sld [smem:$0x3FA3]  }
0x2f: {  	lr =	sadd.s32 s0, s3;
	s0 =	sld [smem:$0x3F9A]  }
0x30: {  	s3 =	sld [smem:$0x3F9D]  }
0x31: {  	[smem:$0x3FA6] =	sst s10  }
0x32: {  	s10 =	sld [smem:$0x3FA4];
	_ =	sdelay $0x3  }
0x33: {  	p0 =	seq.s32 s10, $0x1;
	s10 =	sld [smem:$0x3FA6];
	_ =	sdelay $0x3  }
0x34: {  	[smem:$0x3FA6] =	sst s10  }
0x35: {  	s10 =	sld [smem:$0x3FA5];
	_ =	sdelay $0x3  }
0x36: {  	p1 =	seq.s32 s10, $0x1;
	s10 =	sld [smem:$0x3FA6];
	_ =	sdelay $0x3  }
0x37: {  	[smem:$0x3FA6] =	sst s10  }
0x38: {  	s10 =	sld [smem:$0x3FA7]  }
0x39: {  	_ = 	snop;
	(pc) =	sbr.ind lr, $3  }
0x3a: {  	_ = 	snop  }
0x3b: {  	_ = 	snop  }
0x3c: {  	p2 =	seq.s32 s10, $0x1;
	s10 =	sld [smem:$0x3FA6]  }
0x3d: {  	_ =	shalt  }
0x3e: {  	_ =	shalt  }
0x3f: {  	_ =	shalt  }
0x40: {  	_ =	shalt  }
0x41: {  	_ =	shalt  }
0x42: {  	_ =	shalt  }
0x43: {  	_ =	shalt  }
0x44: {  	_ =	shalt  }
0x45: {  	_ =	shalt  }
0x46: {  	_ =	shalt  }
0x47: {  	_ =	shalt  }
0x48: {  	_ =	shalt  }
0x49: {  	_ =	shalt  }
0x4a: {  	_ =	shalt  }
0x4b: {  	_ =	shalt  }
0x4c: {  	_ =	shalt  }
0x4d: {  	_ =	shalt  }
0x4e: {  	_ =	shalt  }
0x4f: {  	_ =	shalt  }
0x50: {  	_ =	shalt  }
0x51: {  	_ =	shalt  }
0x52: {  	_ =	shalt  }
0x53: {  	_ =	shalt  }
0x54: {  	_ =	shalt  }
0x55: {  	_ =	shalt  }
0x56: {  	_ =	shalt  }
0x57: {  	_ =	shalt  }
0x58: {  	_ =	shalt  }
0x59: {  	_ =	shalt  }
0x5a: {  	_ =	shalt  }
0x5b: {  	_ =	shalt  }
0x5c: {  	_ =	shalt  }
0x5d: {  	_ =	shalt  }
0x5e: {  	_ =	shalt  }
0x5f: {  	_ =	shalt  }
0x60: {  	_ =	shalt  }
0x61: {  	_ =	shalt  }
0x62: {  	_ =	shalt  }
0x63: {  	_ =	shalt  }
0x64: {  	_ =	shalt  }
0x65: {  	_ =	shalt  }
0x66: {  	_ =	shalt  }
0x67: {  	_ =	shalt  }
0x68: {  	_ =	shalt  }
0x69: {  	_ =	shalt  }
0x6a: {  	_ =	shalt  }
0x6b: {  	_ =	shalt  }
0x6c: {  	_ =	shalt  }
0x6d: {  	_ =	shalt  }
0x6e: {  	_ =	shalt  }
0x6f: {  	_ =	shalt  }
0x70: {  	_ =	shalt  }
0x71: {  	_ =	shalt  }
0x72: {  	_ =	shalt  }
0x73: {  	_ =	shalt  }
0x74: {  	_ =	shalt  }
0x75: {  	_ =	shalt  }
0x76: {  	_ =	shalt  }
0x77: {  	_ =	shalt  }
0x78: {  	_ =	shalt  }
0x79: {  	_ =	shalt  }
0x7a: {  	_ =	shalt  }
0x7b: {  	_ =	shalt  }
0x7c: {  	_ =	shalt  }
0x7d: {  	_ =	shalt  }
0x7e: {  	_ =	shalt  }
0x7f: {  	_ =	shalt  }
0x80: {  	_ =	shalt  }
0x81: {  	_ =	shalt  }
0x82: {  	_ =	shalt  }
0x83: {  	_ =	shalt  }
0x84: {  	_ =	shalt  }
0x85: {  	_ =	shalt  }
0x86: {  	_ =	shalt  }
0x87: {  	_ =	shalt  }
.Lfunc_end0:
.L_simem_size_0:
called_computation_lowered:
.L_overlay_start_0:
0x88: {  	s2 =	sld [smem:$0x3FD9]  }
0x89: {  	s3 =	sld [smem:$0x3FFE];
	_ =	sdelay $0x1  }
0x8a: {  	s1 =	srdreg.scid  }
0x8b: {  	s0 =	sand.u32 $0x1, s1  }
0x8c: {  	s14 =	sshll.u32 s0, $0xA;
	s2 =	sadd.s32 s3, s2  }
0x8d: {  	s2 =	sadd.s32 s2, s14  }
0x8e: {  	[smem:$0x3FB2] =	sst s2  }
0x8f: {  	_ = 	snop  }
0x90: {  	s2 =	sld [smem:$0x3FD0];
	_ =	sdelay $0x2  }
0x91: {  	s15 =	simm.s32 $0xA;
	s4 =	simm.s32 $0x10  }
0x92: {  	[smem:s4], [sflag:s15] =	dma.local [hbm:s2], $0x1  }
0x93: {  	_ =	swait.eq [sflag:s15], $0x1  }
0x94: {  	[sflag:s15] =	ssyncset.done $0x0  }
0x95: {  	s16 =	sld [smem:$0x10];
	[sflag:s15] =	ssyncadd.s32 $0xFFFFFFFF  }
0x96: {  	s17 =	sld [smem:$0x11];
	(tm) =	ssettm $0x1  }
0x97: {  	s18 =	sld [smem:$0x3FFB];
	_ =	sdelay $0x3  }
0x98: {  	_ =	strace s18  }
0x99: {  	s4 =	sld [smem:$0x3FFC];
	_ =	sdelay $0x3  }
0x9a: {  	_ =	strace s4  }
0x9b: {  	s4 =	sld [smem:$0x3FFD];
	_ =	sdelay $0x3  }
0x9c: {  	_ =	strace s4  }
0x9d: {  	_ =	strace $0x8FFFFFFF  }
0x9e: {  	s19 =	sld [smem:$0x3FDB];
	_ =	sdelay $0x1  }
0x9f: {  	s5 =	simm.s32 $_scs_section_size  }
0xa0: {  	s6 =	simm.s32 $_size__tile_overlayer_lowered;
	s7 =	simm.s32 $_tile_overlayer_lowered  }
0xa1: {  	s22 =	simm.s32 $0x1BFF;
	s21 =	sshll.u32 s7, $0x1;
	s4 =	sadd.s32 s5, s19  }
0xa2: {  	s8 =	simm.s32 $0x0;
	s20 =	sshll.u32 s6, $0x1;
	s6 =	sadd.s32 s21, s4  }
0xa3: {  	[timem:s8], [sflag:s22] =	dma.local [hbm:s6], s20  }
0xa4: {  	_ =	swait.ge [sflag:s22], s20  }
0xa5: {  	s5 =	ssub.s32 $0x0, s20;
	[sflag:s22] =	ssyncset.done $0x0  }
0xa6: {  	[sflag:s22] =	ssyncadd.s32 s5;
	_ =	sdelay $0x1  }
0xa7: {  	s23 =	simm.s32 $0x1B8B  }
0xa8: {  	_ =	swait.ge [sflag:s23], $0x1  }
0xa9: {  	[sflag:s23] =	ssyncset.done $0x0  }
0xaa: {  	s25 =	simm.s32 $0x1B8E;
	s24 =	sld [smem:$0x3FFE];
	[sflag:s23] =	ssyncadd.s32 $0xFFFFFFFF  }
0xab: {  	s26 =	simm.s32 $execute0_lowered;
	[smem:$0x3FD2] =	sst s25  }
0xac: {  	s6 =	sshll.u32 s26, $0x1;
	_ =	strace $0x80000046;
	[dreg:$0x1] =	wrdreg $0xFFFFFFFF  }
0xad: {  	s28 =	simm.s32 $_size_execute0_lowered;
	s4 =	sadd.s32 s4, s6;
	[dreg:$0x0] =	wrdreg $0x0  }
0xae: {  	s6 =	sshll.u32 s28, $0x1;
	[dreg:$0x2] =	wrdreg s4  }
0xaf: {  	[dreg:$0x3] =	wrdreg s6  }
0xb0: {  	[dreg:$0x4] =	wrdreg $0xC0  }
0xb1: {  	_ =	task [dreg:s8], $0x5FFFF  }
0xb2: {  	[dreg:$0x1] =	wrdreg $0xFFFFFFFF  }
0xb3: {  	[dreg:$0x0] =	wrdreg $0x60  }
0xb4: {  	[dreg:$0x2] =	wrdreg s16  }
0xb5: {  	[dreg:$0x3] =	wrdreg s24  }
0xb6: {  	[dreg:$0x4] =	wrdreg s17  }
0xb7: {  	[dreg:$0x5] =	wrdreg $0x9  }
0xb8: {  	_ =	task.clear_ibuf [dreg:s8], $0x6FFFF;
	_ =	strace $0x90000046  }
0xb9: {  	s29 =	simm.s32 $0x9;
	_ =	strace $0x80000048  }
0xba: {  	_ =	swait.ge [sflag:s29], $0x1  }
0xbb: {  	[sflag:s29] =	ssyncadd.s32 $0xFFFFFFFF  }
0xbc: {  	_ =	strace $0x90000048  }
0xbd: {  	_ =	sfence  }
0xbe: {  	s30 =	sld [smem:$0x0];
	_ =	sdelay $0x2  }
0xbf: {  	s31 =	sshll.u32 s1, $0xD;
	s1 =	sshrl.u32 s1, $0x2  }
0xc0: {  	s3 =	sand.u32 $0x4000, s31;
	s1 =	sadd.s32 s1, s30  }
0xc1: {  	s0 =	sor.u32 s3, s0;
	s1 =	sshll.u32 s1, $0x11  }
0xc2: {  	s0 =	sor.u32 s1, s0  }
0xc3: {  	s0 =	sadd.s32 $0x8F2B, s0  }
0xc4: {  	[sflag:s0] =	ssyncadd.remote.s32 $0x1  }
0xc5: {  	_ =	sfence.sel $0xFFFF  }
0xc6: {  	[dreg:$0x0] =	wrdreg $0xFFFFFFFF;
	(pc) =	sbr.abs _section_cstart, $3  }
0xc7: {  	[dreg:$0x1] =	wrdreg $0xFFFFFFFF  }
0xc8: {  	_ =	task.clear_ibuf [dreg:s8], $0x2FFFF;
	_ =	strace $0x9FFFFFFF  }
0xc9: {  	(tm) =	ssettm $0x7FFFFFFF  }
tec
execute0_lowered:
.L_overlay_start_1:
0x0: {  	(tag) =	ssettag $0x1  }
0x1: {  	s1 =	rddreg [dreg:$0x0]  }
0x2: {  	s0 =	rddreg [dreg:$0x1]  }
0x3: {  	s2 =	rddreg [dreg:$0x2];
	s3 =	simm.s32 $0x0;
	s4 =	srdreg.scid  }
0x4: {  	s11 =	simm.s32 $0x3E400;
	s13 =	simm.s32 $0x19180;
	s14 =	simm.s32 $0x1B100  }
0x5: {  	s16 =	simm.s32 $0x1D080;
	s17 =	simm.s32 $0x1D100;
	s18 =	simm.s32 $0x1D180  }
0x6: {  	s19 =	simm.s32 $0x50;
	s20 =	simm.s32 $0x1D200;
	s21 =	simm.s32 $0x1D280  }
0x7: {  	s22 =	simm.s32 $0x5180;
	s23 =	simm.s32 $0x0;
	[smem:$0x7FF] =	sst s3  }
0x8: {  	s8 =	sand.u32 $0x1, s4;
	s5 =	sadd.s32 $0x2200, s0;
	s4 =	stileid.u32  }
0x9: {  	s6 =	sadd.s32 $0xC600, s0;
	s7 =	sadd.s32 $0x2800, s0;
	s12 =	smul.u32 $0x280, s4  }
0xa: {  	_ =	strace $0x80000047;
	s9 =	ssub.s32 $0x2, s8;
	s31 =	smul.u32 $0x2800, s4  }
0xb: {  	v8 =	vlaneseq.u32;
	p0 =	seq.s32 s8, $0x1;
	s8 =	smul.u32 $0x27100, s8;
	s10 =	sshrl.u32 s9, $0x1  }
0xc: {  	v2 =	vimm.f32 $0.0e+00;
	v3 =	vimm.s32 $0x0;
	v4 =	vadd.s32 $0x1, v8;
	s11 =	simm.s32 @!p0 $0x16400;
	s9 =	ssub.s32 s9, s10;
	s15 =	sadd.s32 $0x280, s12  }
0xd: {  	v5 =	vadd.s32 $0x11, v8;
	v6 =	vadd.s32 $0x21, v8;
	s0 =	sadd.s32 s11, s0;
	s11 =	simm.s32 $0x1;
	v0 =	vmov s12;
	s12 =	simm.s32 $0x2780  }
0xe: {  	v7 =	vadd.s32 $0x31, v8;
	v8 =	vadd.s32 $0x41, v8;
	s9 =	smax.u32 s9, $0x1;
	s10 =	sadd.s32 s0, s31;
	v1 =	vmov s15;
	s15 =	simm.s32 $0x4F00  }
.LBB2_1:
0xf: {  	[tilespmem:s3], [sflag:$0x1] =	stream.linear.gather [hbm4b:s5+s3], $0x2780, $0x38;
	[tilespmem:$0x1FA80] =	vst v63  }
0x10: {  	_ =	swait.ge [sflag:s11], $0x2780  }
0x11: {  	[sflag:s11] =	ssyncset.done $0x0  }
0x12: {  	[sflag:s11] =	ssyncadd.s32 $0xFFFFD880  }
0x13: {  	[tilespmem:s12], [sflag:$0x1] =	stream.linear.gather [hbm4b:s2+s3], $0x2780, $0x38;
	[tilespmem:$0x1FA80] =	vst v63  }
0x14: {  	_ =	swait.ge [sflag:s11], $0x2780  }
0x15: {  	[sflag:s11] =	ssyncset.done $0x0  }
0x16: {  	[sflag:s11] =	ssyncadd.s32 $0xFFFFD880  }
0x17: {  	[tilespmem:$0x4F00] =	vst v2  }
0x18: {  	[tilespmem:$0x4F10] =	vst v2  }
0x19: {  	[tilespmem:$0x4F20] =	vst v2  }
0x1a: {  	[tilespmem:$0x4F30] =	vst v2  }
0x1b: {  	[tilespmem:$0x4F40] =	vst v2  }
0x1c: {  	[tilespmem:$0x4F50] =	vst v2  }
0x1d: {  	[tilespmem:$0x4F60] =	vst v2  }
0x1e: {  	[tilespmem:$0x4F70] =	vst v2  }
0x1f: {  	[tilespmem:$0x4F80] =	vst v2  }
0x20: {  	[tilespmem:$0x4F90] =	vst v2  }
0x21: {  	[tilespmem:$0x4FA0] =	vst v2  }
0x22: {  	[tilespmem:$0x4FB0] =	vst v2  }
0x23: {  	[tilespmem:$0x4FC0] =	vst v2  }
0x24: {  	[tilespmem:$0x4FD0] =	vst v2  }
0x25: {  	[tilespmem:$0x4FE0] =	vst v2  }
0x26: {  	[tilespmem:$0x4FF0] =	vst v2  }
0x27: {  	[tilespmem:$0x5000] =	vst v2  }
0x28: {  	[tilespmem:$0x5010] =	vst v2  }
0x29: {  	[tilespmem:$0x5020] =	vst v2  }
0x2a: {  	[tilespmem:$0x5030] =	vst v2  }
0x2b: {  	[tilespmem:$0x5040] =	vst v2  }
0x2c: {  	[tilespmem:$0x5050] =	vst v2  }
0x2d: {  	[tilespmem:$0x5060] =	vst v2  }
0x2e: {  	[tilespmem:$0x5070] =	vst v2  }
0x2f: {  	[tilespmem:$0x5080] =	vst v2  }
0x30: {  	[tilespmem:$0x5090] =	vst v2  }
0x31: {  	[tilespmem:$0x50A0] =	vst v2  }
0x32: {  	[tilespmem:$0x50B0] =	vst v2  }
0x33: {  	[tilespmem:$0x50C0] =	vst v2  }
0x34: {  	[tilespmem:$0x50D0] =	vst v2  }
0x35: {  	[tilespmem:$0x50E0] =	vst v2  }
0x36: {  	[tilespmem:$0x50F0] =	vst v2  }
0x37: {  	[tilespmem:$0x5100] =	vst v2  }
0x38: {  	[tilespmem:$0x5110] =	vst v2  }
0x39: {  	[tilespmem:$0x5120] =	vst v2  }
0x3a: {  	[tilespmem:$0x5130] =	vst v2  }
0x3b: {  	[tilespmem:$0x5140] =	vst v2  }
0x3c: {  	s0 =	sand.u32 $0x7FE00, s3;
	[tilespmem:$0x5150] =	vst v2  }
0x3d: {  	s24 =	sand.u32 $0x30, s3;
	s25 =	sshrl.u32 s0, $0x2;
	[tilespmem:$0x5160] =	vst v2  }
0x3e: {  	s0 =	simm.s32 $0x80;
	s26 =	sor.u32 s24, s25;
	s25 =	simm.s32 $0x0;
	[tilespmem:$0x5170] =	vst v2  }
.LBB2_2:
0x3f: {  	p0 =	sne.s32 s0, $0x4FF80  }
0x40: {  	[tilespmem:s26+$0x5180] =	vst v2;
	s25 =	sadd.s32 $0x10, s25;
	s24 =	smov.u32 s0;
	s0 =	sadd.s32 $0x80, s0  }
.Ltmp0:
0x41: {  	(pc) =	sbr.rel @p0 .LBB2_2-.Ltmp0, $4  }
0x42: {  	_ = 	snop  }
0x43: {  	s24 =	sand.u32 $0x7FE00, s24  }
0x44: {  	s26 =	sand.u32 $0x30, s25;
	s24 =	sshrl.u32 s24, $0x2  }
0x45: {  	s26 =	sor.u32 s26, s24;
	s24 =	simm.s32 $0x0  }
0x46: {  	[tilespmem:s26+$0x5180] =	vst v2;
	s26 =	simm.s32 $0x0  }
.LBB2_4:
0x47: {  	s0 =	smul.u32 $0x3E8, s26;
	_ =	sdelay $0x1  }
0x48: {  	s25 =	sadd.s32 s6, s0  }
0x49: {  	[tilespmem:s13], [sflag:$0x1] =	stream.linear.gather [hbm4b:s25+s24], $0x1F40, $0x38;
	[tilespmem:$0x1FA80] =	vst v63  }
0x4a: {  	_ =	swait.ge [sflag:s11], $0x1F40  }
0x4b: {  	[sflag:s11] =	ssyncset.done $0x0  }
0x4c: {  	s0 =	sadd.s32 s7, s0;
	[sflag:s11] =	ssyncadd.s32 $0xFFFFE0C0  }
0x4d: {  	[tilespmem:s14], [sflag:$0x1] =	stream.linear.gather [hbm4b:s0+s24], $0x1F40, $0x38;
	[tilespmem:$0x1FA80] =	vst v63  }
0x4e: {  	_ =	swait.ge [sflag:s11], $0x1F40  }
0x4f: {  	[sflag:s11] =	ssyncset.done $0x0  }
0x50: {  	s25 =	simm.s32 $0x0;
	[sflag:s11] =	ssyncadd.s32 $0xFFFFE0C0  }
0x51: {  	s0 =	simm.s32 $0x40;
	v9 =	vld [tilespmem:s25+$0x19180]  }
.LBB2_5:
0x52: {  	p0 =	sne.s32 s0, $0x7CC0;
	v10 =	vld [tilespmem:s25+$0x1B100];
	_ =	sdelay $0x6  }
0x53: {  	v9 =	vld.idx.msk [tilespmem:v9+s3+$0x0], $0xffff  }
0x54: {  	v11 =	vld.idx.msk [tilespmem:v10+s12+$0x0], $0xffff;
	_ =	sdelay $0x5  }
0x55: {  	v9 =	vadd.f32 v11, v9;
	_ =	sdelay $0x1  }
0x56: {  	v11 =	vmul.f32 $2.000000030e-01, v9  }
0x57: {  	vm0 =	vge.f32 v9, $0.0e+00  }
0x58: {  	v9 =	vsel vm0, v9, v11  }
0x59: {  	v9 =	vmul.f32 $1.442695020e+00, v9;
	_ =	sdelay $0x1  }
0x5a: {  	(erf) = vpow2.f32 v9;
	_ =	sdelay $0x2  }
0x5b: {  	vm1 =	vlt.s32 v10, v1;
	vm0 =	vge.s32 v10, v0  }
0x5c: {  	vm0 =	vmand vm0, vm1;
	v9 =	vsub.s32 v10, v0  }
0x5d: {  	v9 =	vnsel vm0, $0x0, v9;
	_ =	sdelay $0x1  }
.Ltmp1:
0x5e: {  	(pc) =	sbr.rel @p0 .LBB2_5-.Ltmp1, $4  }
0x5f: {  	_ = 	snop  }
0x60: {  	v10 =	vpop (erf)  }
0x61: {  	s25 =	sshra.s32 s0, $0x2;
	[tilespmem:v9+s15+$0x0] =	vst.idx.add.f32.msk vm0, v10  }
0x62: {  	s0 =	sadd.s32 $0x40, s0;
	v9 =	vld [tilespmem:s25+$0x19180]  }
0x63: {  	_ = 	snop  }
0x64: {  	v10 =	vld [tilespmem:s25+$0x1B100];
	_ =	sdelay $0x6  }
0x65: {  	v9 =	vld.idx.msk [tilespmem:v9+s3+$0x0], $0xffff  }
0x66: {  	v11 =	vld.idx.msk [tilespmem:v10+s12+$0x0], $0xffff;
	_ =	sdelay $0x4  }
0x67: {  	v9 =	vadd.f32 v11, v9;
	_ =	sdelay $0x1  }
0x68: {  	v11 =	vmul.f32 $2.000000030e-01, v9  }
0x69: {  	vm0 =	vge.f32 v9, $0.0e+00  }
0x6a: {  	v9 =	vsel vm0, v9, v11  }
0x6b: {  	v9 =	vmul.f32 $1.442695020e+00, v9;
	_ =	sdelay $0x1  }
0x6c: {  	(erf) = vpow2.f32 v9;
	_ =	sdelay $0x2  }
0x6d: {  	vm15 =	vge.s32 v10, v0;
	vm1 =	vlt.s32 v10, v1  }
0x6e: {  	s26 =	sadd.s32 $0x1, s26;
	vm0 =	vmand vm15, vm1;
	v9 =	vsub.s32 v10, v0  }
0x6f: {  	p0 =	sne.s32 s26, $0x28;
	v9 =	vnsel vm0, $0x0, v9  }
.Ltmp2:
0x70: {  	_ = 	snop;
	(pc) =	sbr.rel @p0 .LBB2_4-.Ltmp2, $3  }
0x71: {  	_ =	sdelay $0x1  }
0x72: {  	v10 =	vpop (erf)  }
0x73: {  	s25 =	simm.s32 $0x0;
	[tilespmem:v9+s15+$0x0] =	vst.idx.add.f32.msk vm0, v10  }
.Ltmp3:
0x74: {  	(pc) =	sbr.rel .LBB2_8-.Ltmp3, $2  }
0x75: {  	_ =	sdelay $0x2  }
0x76: {  	s24 =	simm.s32 $0x0;
	s26 =	simm.s32 $0x0  }
.LBB2_14:
0x77: {  	s26 =	sadd.s32 $0x1, s26  }
0x78: {  	p0 =	sne.s32 s26, $0x14  }
.Ltmp4:
0x79: {  	_ = 	snop;
	(pc) =	sbr.rel @!p0 .LBB2_15-.Ltmp4, $1  }
0x7a: {  	_ =	sdelay $0x3  }
.LBB2_8:
0x7b: {  	s0 =	smul.u32 $0x1F40, s26;
	_ =	sdelay $0x1  }
0x7c: {  	s0 =	sadd.s32 s8, s0  }
0x7d: {  	s0 =	sshrl.u32 s0, $0x3  }
0x7e: {  	s28 =	sadd.s32 s6, s0  }
0x7f: {  	[tilespmem:s13], [sflag:$0x1] =	stream.linear.gather [hbm4b:s28+s25], $0x1F40, $0x38;
	[tilespmem:$0x1FA80] =	vst v63  }
0x80: {  	_ =	swait.ge [sflag:s11], $0x1F40  }
0x81: {  	[sflag:s11] =	ssyncset.done $0x0  }
.Ltmp5:
0x82: {  	s0 =	sadd.s32 s7, s0;
	[sflag:s11] =	ssyncadd.s32 $0xFFFFE0C0;
	(pc) =	sbr.rel .LBB2_9-.Ltmp5, $4  }
0x83: {  	[tilespmem:s14], [sflag:$0x1] =	stream.linear.gather [hbm4b:s0+s25], $0x1F40, $0x38;
	[tilespmem:$0x1FA80] =	vst v63  }
0x84: {  	_ =	swait.ge [sflag:s11], $0x1F40  }
0x85: {  	[sflag:s11] =	ssyncset.done $0x0  }
0x86: {  	s28 =	simm.s32 $0x0;
	[sflag:s11] =	ssyncadd.s32 $0xFFFFE0C0  }
.LBB2_12:
0x87: {  	_ =	sdelay $0x2  }
0x88: {  	[tilespmem:s31+$0x51B0] =	vst v10  }
0x89: {  	v10 =	vld.idx.msk [tilespmem:v9+s17+$0x0], $0xffff;
	_ =	sdelay $0x4  }
0x8a: {  	(v2sf) =	vpush v10, $0x0;
	_ =	sdelay $0xe  }
0x8b: {  	s0 =	sadd.s32 $0x80, s29;
	v9 =	vld.idx.msk [tilespmem:v9+s18+$0x0], $0xffff;
	s31 =	spop (v2sf)  }
0x8c: {  	v10 =	vld [tilespmem:s0+$0xFFFFFFE0];
	s29 =	sshll.u32 s31, $0x9  }
0x8d: {  	s29 =	sshra.s32 s29, $0x2  }
0x8e: {  	v11 =	vld [tilespmem:s29+$0x5180];
	_ =	sdelay $0x2  }
0x8f: {  	v10 =	vmul.f32 v10, v9;
	_ =	sdelay $0x1  }
0x90: {  	v10 =	vadd.f32 v10, v11;
	_ =	sdelay $0x1  }
0x91: {  	[tilespmem:s29+$0x5180] =	vst v10  }
0x92: {  	v10 =	vld [tilespmem:s0+$0xFFFFFFF0];
	_ =	sdelay $0x1  }
0x93: {  	v11 =	vld [tilespmem:s29+$0x5190];
	_ =	sdelay $0x2  }
0x94: {  	v10 =	vmul.f32 v10, v9;
	_ =	sdelay $0x1  }
0x95: {  	v10 =	vadd.f32 v10, v11;
	_ =	sdelay $0x1  }
0x96: {  	[tilespmem:s29+$0x5190] =	vst v10  }
0x97: {  	v10 =	vld [tilespmem:s0+$0x0];
	_ =	sdelay $0x1  }
0x98: {  	v11 =	vld [tilespmem:s29+$0x51A0];
	_ =	sdelay $0x2  }
0x99: {  	v10 =	vmul.f32 v10, v9;
	_ =	sdelay $0x1  }
0x9a: {  	v10 =	vadd.f32 v10, v11;
	_ =	sdelay $0x1  }
0x9b: {  	[tilespmem:s29+$0x51A0] =	vst v10  }
0x9c: {  	v10 =	vld [tilespmem:s0+$0x10];
	_ =	sdelay $0x1  }
0x9d: {  	v11 =	vld [tilespmem:s29+$0x51B0];
	_ =	sdelay $0x2  }
0x9e: {  	v9 =	vmul.f32 v10, v9;
	_ =	sdelay $0x1  }
0x9f: {  	v9 =	vadd.f32 v9, v11;
	_ =	sdelay $0x1  }
0xa0: {  	[tilespmem:s29+$0x51B0] =	vst v9  }
0xa1: {  	v9 =	vld [tilespmem:$0x1D0D0]  }
0xa2: {  	v10 =	vld [tilespmem:$0x1D150]  }
0xa3: {  	v11 =	vld [tilespmem:$0x1D1D0];
	_ =	sdelay $0x2  }
0xa4: {  	[tilespmem:$0x1D080] =	vst v9  }
0xa5: {  	[tilespmem:$0x1D100] =	vst v10  }
0xa6: {  	[tilespmem:$0x1D180] =	vst v11  }
.LBB2_13:
0xa7: {  	s28 =	sadd.s32 $0x1, s28  }
0xa8: {  	p1 =	sne.s32 s28, $0x1F4  }
.Ltmp6:
0xa9: {  	_ = 	snop;
	(pc) =	sbr.rel @!p1 .LBB2_14-.Ltmp6, $3  }
0xaa: {  	_ =	sdelay $0x1  }
0xab: {  	p0 =	sgt.s32 s24, $0x4F;
	s0 =	sadd.s32 $0xFFFFFFB0, s24  }
0xac: {  	s24 =	smov.u32 @p0 s0  }
.LBB2_9:
0xad: {  	s0 =	sshll.u32 s28, $0x4  }
0xae: {  	v9 =	vld [tilespmem:s0+$0x19180]  }
0xaf: {  	v10 =	vld [tilespmem:s0+$0x1B100];
	_ =	sdelay $0x6  }
0xb0: {  	vm0 =	vge.s32 v10, v0;
	vm1 =	vlt.s32 v10, v1;
	v11 =	vld.idx.msk [tilespmem:v9+s3+$0x0], $0xffff  }
0xb1: {  	vm0 =	vmand vm0, vm1;
	v12 =	vld.idx.msk [tilespmem:v10+s12+$0x0], $0xffff;
	v10 =	vsub.s32 v10, v0  }
0xb2: {  	v10 =	vnsel vm0, $0x0, v10  }
0xb3: {  	v13 =	vmpcnt.ones.xlane vm0;
	_ =	sdelay $0x1  }
0xb4: {  	(v2sf) =	vpush v13, $0x0  }
0xb5: {  	v11 =	vadd.f32 v12, v11  }
0xb6: {  	v59 =	vld.idx.msk [tilespmem:v10+s15+$0x0], $0xffff  }
0xb7: {  	v14 =	vmul.f32 $2.000000030e-01, v11  }
0xb8: {  	vm15 =	vge.f32 v11, $0.0e+00  }
0xb9: {  	v11 =	vsel vm15, v11, v14  }
0xba: {  	v11 =	vmul.f32 $1.442695020e+00, v11  }
0xbb: {  	v60 =	vsel vm0, $0x1, v3;
	v12 =	vadd.f32 $1.000000020e-16, v59  }
0xbc: {  	(xrf0) =	vadd.scan.msk.s32 $0xffff, v60;
	(erf) = vpow2.f32 v11  }
0xbd: {  	(erf) = vrcp.f32 v12;
	_ =	sdelay $0x1  }
0xbe: {  	v11 =	vmov s24  }
0xbf: {  	v11 =	vadd.s32 $0xFFFFFFFF, v11  }
0xc0: {  	v11 =	vbroadcast v11, $0x0  }
0xc1: {  	v61, _, _ =	vpop (xrf0)  }
0xc2: {  	v11 =	vadd.s32 v61, v11;
	s31 =	spop (v2sf)  }
0xc3: {  	s24 =	sadd.s32 s24, s31  }
0xc4: {  	p0 =	slt.s32 s24, $0x50;
	v62 =	vpop (erf)  }
.Ltmp7:
0xc5: {  	v63 =	vpop (erf);
	(pc) =	sbr.rel @p0 .LBB2_13-.Ltmp7, $4  }
0xc6: {  	v12 =	vmul.f32 v62, v63  }
0xc7: {  	[tilespmem:v11+s16+$0x0] =	vst.idx.msk vm0, v9  }
0xc8: {  	[tilespmem:v11+s17+$0x0] =	vst.idx.msk vm0, v10;
	v9 =	vnsel vm0, $0x0, v12  }
0xc9: {  	[tilespmem:v11+s18+$0x0] =	vst.idx.msk vm0, v9  }
0xca: {  	v9 =	vld [tilespmem:$0x1D080]  }
0xcb: {  	v10 =	vld [tilespmem:$0x1D090]  }
0xcc: {  	v11 =	vld [tilespmem:$0x1D0A0]  }
0xcd: {  	v12 =	vld [tilespmem:$0x1D0B0]  }
0xce: {  	v13 =	vld [tilespmem:$0x1D0C0]  }
0xcf: {  	[tilespmem:$0x1D200] =	vst v9  }
0xd0: {  	[tilespmem:$0x1D210] =	vst v10  }
0xd1: {  	[tilespmem:$0x1D220] =	vst v11  }
0xd2: {  	s0 =	simm.s32 $0x0;
	[tilespmem:$0x1D230] =	vst v12  }
0xd3: {  	[tilespmem:$0x1D240] =	vst v13;
	v9 =	vmov s0  }
0xd4: {  	[tilespmem:s21], [sflag:$0x1] =	stream.indirect.gather [hbm4b:s1+s19], $0x80, s20, s19, $0xb8;
	[tilespmem:$0x1FA80] =	vst v63  }
0xd5: {  	_ =	swait.ge [sflag:s11], $0x2800  }
0xd6: {  	[sflag:s11] =	ssyncset.done $0x0  }
0xd7: {  	[sflag:s11] =	ssyncadd.s32 $0xFFFFD800  }
0xd8: {  	v10 =	vld.idx.msk [tilespmem:v9+s17+$0x0], $0xffff;
	_ =	sdelay $0x4  }
0xd9: {  	(v2sf) =	vpush v10, $0x0;
	_ =	sdelay $0xe  }
0xda: {  	s29 =	simm.s32 $0x1D2A0;
	v9 =	vld.idx.msk [tilespmem:v9+s18+$0x0], $0xffff;
	s0 =	spop (v2sf)  }
0xdb: {  	v10 =	vld [tilespmem:s29+$0xFFFFFFE0];
	s0 =	sshll.u32 s0, $0x9  }
0xdc: {  	s31 =	sshra.s32 s0, $0x2  }
0xdd: {  	v11 =	vld [tilespmem:s31+$0x5180];
	_ =	sdelay $0x2  }
0xde: {  	v10 =	vmul.f32 v10, v9;
	_ =	sdelay $0x1  }
0xdf: {  	v10 =	vadd.f32 v10, v11;
	_ =	sdelay $0x1  }
0xe0: {  	[tilespmem:s31+$0x5180] =	vst v10  }
0xe1: {  	v10 =	vld [tilespmem:s29+$0xFFFFFFF0];
	_ =	sdelay $0x1  }
0xe2: {  	v11 =	vld [tilespmem:s31+$0x5190];
	_ =	sdelay $0x2  }
0xe3: {  	v10 =	vmul.f32 v10, v9;
	_ =	sdelay $0x1  }
0xe4: {  	v10 =	vadd.f32 v10, v11;
	_ =	sdelay $0x1  }
0xe5: {  	[tilespmem:s31+$0x5190] =	vst v10  }
0xe6: {  	v10 =	vld [tilespmem:s29+$0x0];
	_ =	sdelay $0x1  }
0xe7: {  	v11 =	vld [tilespmem:s31+$0x51A0];
	_ =	sdelay $0x2  }
0xe8: {  	v10 =	vmul.f32 v10, v9;
	_ =	sdelay $0x1  }
0xe9: {  	v10 =	vadd.f32 v10, v11;
	_ =	sdelay $0x1  }
0xea: {  	[tilespmem:s31+$0x51A0] =	vst v10  }
0xeb: {  	v10 =	vld [tilespmem:s29+$0x10];
	_ =	sdelay $0x1  }
0xec: {  	v11 =	vld [tilespmem:s31+$0x51B0];
	_ =	sdelay $0x1  }
0xed: {  	s0 =	simm.s32 $0x1  }
0xee: {  	v10 =	vmul.f32 v10, v9;
	v9 =	vmov s0;
	_ =	sdelay $0x1  }
0xef: {  	s30 =	simm.s32 $0x2;
	v10 =	vadd.f32 v10, v11  }
.LBB2_11:
0xf0: {  	p0 =	sne.s32 s30, $0x4F  }
0xf1: {  	[tilespmem:s31+$0x51B0] =	vst v10;
	s29 =	sadd.s32 $0x80, s29;
	s0 =	smov.u32 s30;
	s30 =	sadd.s32 $0x1, s30  }
0xf2: {  	v10 =	vld.idx.msk [tilespmem:v9+s17+$0x0], $0xffff;
	_ =	sdelay $0x5  }
0xf3: {  	(v2sf) =	vpush v10, $0x0;
	_ =	sdelay $0xe  }
0xf4: {  	v10 =	vld.idx.msk [tilespmem:v9+s18+$0x0], $0xffff;
	s31 =	spop (v2sf)  }
0xf5: {  	s31 =	sshll.u32 s31, $0x9;
	v9 =	vld [tilespmem:s29+$0xFFFFFFE0]  }
0xf6: {  	s31 =	sshra.s32 s31, $0x2  }
0xf7: {  	v11 =	vld [tilespmem:s31+$0x5180];
	_ =	sdelay $0x2  }
0xf8: {  	v9 =	vmul.f32 v9, v10;
	_ =	sdelay $0x1  }
0xf9: {  	v9 =	vadd.f32 v9, v11;
	_ =	sdelay $0x1  }
0xfa: {  	[tilespmem:s31+$0x5180] =	vst v9  }
0xfb: {  	v9 =	vld [tilespmem:s29+$0xFFFFFFF0];
	_ =	sdelay $0x1  }
0xfc: {  	v11 =	vld [tilespmem:s31+$0x5190];
	_ =	sdelay $0x2  }
0xfd: {  	v9 =	vmul.f32 v9, v10;
	_ =	sdelay $0x1  }
0xfe: {  	v9 =	vadd.f32 v9, v11;
	_ =	sdelay $0x1  }
0xff: {  	[tilespmem:s31+$0x5190] =	vst v9  }
0x100: {  	v9 =	vld [tilespmem:s29+$0x0];
	_ =	sdelay $0x1  }
0x101: {  	v11 =	vld [tilespmem:s31+$0x51A0];
	_ =	sdelay $0x2  }
0x102: {  	v9 =	vmul.f32 v9, v10;
	_ =	sdelay $0x1  }
0x103: {  	v9 =	vadd.f32 v9, v11;
	_ =	sdelay $0x1  }
0x104: {  	[tilespmem:s31+$0x51A0] =	vst v9  }
0x105: {  	v11 =	vld [tilespmem:s29+$0x10];
	_ =	sdelay $0x1  }
0x106: {  	v12 =	vld [tilespmem:s31+$0x51B0]  }
.Ltmp8:
0x107: {  	(pc) =	sbr.rel @p0 .LBB2_11-.Ltmp8, $3  }
0x108: {  	_ = 	snop  }
0x109: {  	v9 =	vmov s0;
	v10 =	vmul.f32 v11, v10;
	_ =	sdelay $0x1  }
0x10a: {  	v10 =	vadd.f32 v10, v12  }
.Ltmp9:
0x10b: {  	_ = 	snop;
	(pc) =	sbr.rel .LBB2_12-.Ltmp9, $1  }
0x10c: {  	_ =	sdelay $0x3  }
.LBB2_15:
0x10d: {  	v9 =	vld [tilespmem:$0x1D180]  }
0x10e: {  	v10 =	vld [tilespmem:$0x1D080]  }
0x10f: {  	v11 =	vld [tilespmem:$0x1D100]  }
0x110: {  	v12 =	vmov s24;
	v13 =	vld [tilespmem:$0x1D190]  }
0x111: {  	v14 =	vld [tilespmem:$0x1D090];
	vm0 =	vlt.s32 v12, v4  }
0x112: {  	v15 =	vld [tilespmem:$0x1D110];
	v9 =	vsel vm0, $0x0, v9  }
0x113: {  	[tilespmem:$0x1D180] =	vst v9;
	v9 =	vsel vm0, $0x0, v10;
	v10 =	vld [tilespmem:$0x1D1A0]  }
0x114: {  	vm12 =	vlt.s32 v12, v5;
	[tilespmem:$0x1D080] =	vst v9;
	v9 =	vsel vm0, $0x0, v11;
	v11 =	vld [tilespmem:$0x1D0A0]  }
0x115: {  	v57 =	vld [tilespmem:$0x1D120];
	[tilespmem:$0x1D100] =	vst v9;
	v9 =	vsel vm12, $0x0, v13  }
0x116: {  	v58 =	vld [tilespmem:$0x1D1B0];
	[tilespmem:$0x1D190] =	vst v9;
	v9 =	vsel vm12, $0x0, v14  }
0x117: {  	v59 =	vld [tilespmem:$0x1D0B0];
	vm13 =	vlt.s32 v12, v6;
	[tilespmem:$0x1D090] =	vst v9;
	v9 =	vsel vm12, $0x0, v15  }
0x118: {  	[tilespmem:$0x1D110] =	vst v9;
	v9 =	vsel vm13, $0x0, v10;
	v10 =	vld [tilespmem:$0x1D130]  }
0x119: {  	[tilespmem:$0x1D1A0] =	vst v9;
	v9 =	vsel vm13, $0x0, v11;
	v11 =	vld [tilespmem:$0x1D1C0]  }
0x11a: {  	v60 =	vld [tilespmem:$0x1D0C0];
	vm14 =	vlt.s32 v12, v7;
	[tilespmem:$0x1D0A0] =	vst v9;
	v9 =	vsel vm13, $0x0, v57  }
0x11b: {  	v61 =	vld [tilespmem:$0x1D140];
	[tilespmem:$0x1D120] =	vst v9;
	v9 =	vsel vm14, $0x0, v58  }
0x11c: {  	[tilespmem:$0x1D1B0] =	vst v9;
	v9 =	vsel vm14, $0x0, v59  }
0x11d: {  	vm15 =	vlt.s32 v12, v8;
	v62 =	vld [tilespmem:$0x1D0A0];
	[tilespmem:$0x1D0B0] =	vst v9;
	v9 =	vsel vm14, $0x0, v10  }
0x11e: {  	v10 =	vld [tilespmem:$0x1D080];
	[tilespmem:$0x1D130] =	vst v9;
	v9 =	vsel vm15, $0x0, v11  }
0x11f: {  	v11 =	vld [tilespmem:$0x1D090];
	[tilespmem:$0x1D1C0] =	vst v9;
	v9 =	vsel vm15, $0x0, v60  }
0x120: {  	v63 =	vld [tilespmem:$0x1D0B0];
	[tilespmem:$0x1D0C0] =	vst v9;
	v9 =	vsel vm15, $0x0, v61  }
0x121: {  	[tilespmem:$0x1D140] =	vst v9;
	v9 =	vld [tilespmem:$0x1D0C0]  }
0x122: {  	[tilespmem:$0x1D220] =	vst v62  }
0x123: {  	[tilespmem:$0x1D200] =	vst v10  }
0x124: {  	[tilespmem:$0x1D210] =	vst v11  }
0x125: {  	s0 =	simm.s32 $0x0;
	[tilespmem:$0x1D230] =	vst v63  }
0x126: {  	[tilespmem:$0x1D240] =	vst v9;
	v9 =	vmov s0  }
0x127: {  	[tilespmem:s21], [sflag:$0x1] =	stream.indirect.gather [hbm4b:s1+s19], $0x80, s20, s19, $0xb8;
	[tilespmem:$0x1FA80] =	vst v63  }
0x128: {  	_ =	swait.ge [sflag:s11], $0x2800  }
0x129: {  	[sflag:s11] =	ssyncset.done $0x0  }
0x12a: {  	[sflag:s11] =	ssyncadd.s32 $0xFFFFD800  }
0x12b: {  	v10 =	vld.idx.msk [tilespmem:v9+s17+$0x0], $0xffff;
	_ =	sdelay $0x4  }
0x12c: {  	(v2sf) =	vpush v10, $0x0;
	_ =	sdelay $0xe  }
0x12d: {  	s24 =	simm.s32 $0x1D2A0;
	v9 =	vld.idx.msk [tilespmem:v9+s18+$0x0], $0xffff;
	s30 =	spop (v2sf)  }
0x12e: {  	v10 =	vld [tilespmem:s24+$0xFFFFFFE0];
	s0 =	sshll.u32 s30, $0x9  }
0x12f: {  	s26 =	sshra.s32 s0, $0x2  }
0x130: {  	v11 =	vld [tilespmem:s26+$0x5180];
	_ =	sdelay $0x2  }
0x131: {  	v10 =	vmul.f32 v10, v9;
	_ =	sdelay $0x1  }
0x132: {  	v10 =	vadd.f32 v10, v11;
	_ =	sdelay $0x1  }
0x133: {  	[tilespmem:s26+$0x5180] =	vst v10  }
0x134: {  	v10 =	vld [tilespmem:s24+$0xFFFFFFF0];
	_ =	sdelay $0x1  }
0x135: {  	v11 =	vld [tilespmem:s26+$0x5190];
	_ =	sdelay $0x2  }
0x136: {  	v10 =	vmul.f32 v10, v9;
	_ =	sdelay $0x1  }
0x137: {  	v10 =	vadd.f32 v10, v11;
	_ =	sdelay $0x1  }
0x138: {  	[tilespmem:s26+$0x5190] =	vst v10  }
0x139: {  	v10 =	vld [tilespmem:s24+$0x0];
	_ =	sdelay $0x1  }
0x13a: {  	v11 =	vld [tilespmem:s26+$0x51A0];
	_ =	sdelay $0x2  }
0x13b: {  	v10 =	vmul.f32 v10, v9;
	_ =	sdelay $0x1  }
0x13c: {  	v10 =	vadd.f32 v10, v11;
	_ =	sdelay $0x1  }
0x13d: {  	[tilespmem:s26+$0x51A0] =	vst v10  }
0x13e: {  	v10 =	vld [tilespmem:s24+$0x10];
	_ =	sdelay $0x1  }
0x13f: {  	v11 =	vld [tilespmem:s26+$0x51B0];
	_ =	sdelay $0x1  }
0x140: {  	s31 =	simm.s32 $0x1  }
0x141: {  	v10 =	vmul.f32 v10, v9;
	v9 =	vmov s31;
	_ =	sdelay $0x1  }
0x142: {  	s25 =	simm.s32 $0x2;
	v10 =	vadd.f32 v10, v11  }
.LBB2_16:
0x143: {  	p0 =	sne.s32 s25, $0x4F  }
0x144: {  	s24 =	sadd.s32 $0x80, s24;
	s0 =	smov.u32 s25;
	s25 =	sadd.s32 $0x1, s25;
	[tilespmem:s26+$0x51B0] =	vst v10  }
0x145: {  	v10 =	vld.idx.msk [tilespmem:v9+s17+$0x0], $0xffff;
	_ =	sdelay $0x5  }
0x146: {  	(v2sf) =	vpush v10, $0x0;
	_ =	sdelay $0xe  }
0x147: {  	v10 =	vld.idx.msk [tilespmem:v9+s18+$0x0], $0xffff;
	s26 =	spop (v2sf)  }
0x148: {  	s26 =	sshll.u32 s26, $0x9;
	v9 =	vld [tilespmem:s24+$0xFFFFFFE0]  }
0x149: {  	s26 =	sshra.s32 s26, $0x2  }
0x14a: {  	v11 =	vld [tilespmem:s26+$0x5180];
	_ =	sdelay $0x2  }
0x14b: {  	v9 =	vmul.f32 v9, v10;
	_ =	sdelay $0x1  }
0x14c: {  	v9 =	vadd.f32 v9, v11;
	_ =	sdelay $0x1  }
0x14d: {  	[tilespmem:s26+$0x5180] =	vst v9  }
0x14e: {  	v9 =	vld [tilespmem:s24+$0xFFFFFFF0];
	_ =	sdelay $0x1  }
0x14f: {  	v11 =	vld [tilespmem:s26+$0x5190];
	_ =	sdelay $0x2  }
0x150: {  	v9 =	vmul.f32 v9, v10;
	_ =	sdelay $0x1  }
0x151: {  	v9 =	vadd.f32 v9, v11;
	_ =	sdelay $0x1  }
0x152: {  	[tilespmem:s26+$0x5190] =	vst v9  }
0x153: {  	v9 =	vld [tilespmem:s24+$0x0];
	_ =	sdelay $0x1  }
0x154: {  	v11 =	vld [tilespmem:s26+$0x51A0];
	_ =	sdelay $0x2  }
0x155: {  	v9 =	vmul.f32 v9, v10;
	_ =	sdelay $0x1  }
0x156: {  	v9 =	vadd.f32 v9, v11;
	_ =	sdelay $0x1  }
0x157: {  	[tilespmem:s26+$0x51A0] =	vst v9  }
0x158: {  	v11 =	vld [tilespmem:s24+$0x10];
	_ =	sdelay $0x1  }
0x159: {  	v12 =	vld [tilespmem:s26+$0x51B0]  }
.Ltmp10:
0x15a: {  	(pc) =	sbr.rel @p0 .LBB2_16-.Ltmp10, $3  }
0x15b: {  	_ = 	snop  }
0x15c: {  	v9 =	vmov s0;
	v10 =	vmul.f32 v11, v10;
	_ =	sdelay $0x1  }
0x15d: {  	v10 =	vadd.f32 v10, v12  }
0x15e: {  	_ =	sdelay $0x2  }
0x15f: {  	[tilespmem:s26+$0x51B0] =	vst v10  }
0x160: {  	v10 =	vld.idx.msk [tilespmem:v9+s17+$0x0], $0xffff;
	_ =	sdelay $0x4  }
0x161: {  	(v2sf) =	vpush v10, $0x0;
	_ =	sdelay $0xe  }
0x162: {  	s0 =	sadd.s32 $0x80, s24;
	v9 =	vld.idx.msk [tilespmem:v9+s18+$0x0], $0xffff;
	s31 =	spop (v2sf)  }
0x163: {  	v10 =	vld [tilespmem:s0+$0xFFFFFFE0];
	s24 =	sshll.u32 s31, $0x9  }
0x164: {  	s24 =	sshra.s32 s24, $0x2  }
0x165: {  	v11 =	vld [tilespmem:s24+$0x5180];
	_ =	sdelay $0x2  }
0x166: {  	v10 =	vmul.f32 v10, v9;
	_ =	sdelay $0x1  }
0x167: {  	v10 =	vadd.f32 v10, v11;
	_ =	sdelay $0x1  }
0x168: {  	[tilespmem:s24+$0x5180] =	vst v10  }
0x169: {  	v10 =	vld [tilespmem:s0+$0xFFFFFFF0];
	_ =	sdelay $0x1  }
0x16a: {  	v11 =	vld [tilespmem:s24+$0x5190];
	_ =	sdelay $0x2  }
0x16b: {  	v10 =	vmul.f32 v10, v9;
	_ =	sdelay $0x1  }
0x16c: {  	v10 =	vadd.f32 v10, v11;
	_ =	sdelay $0x1  }
0x16d: {  	[tilespmem:s24+$0x5190] =	vst v10  }
0x16e: {  	v10 =	vld [tilespmem:s0+$0x0];
	_ =	sdelay $0x1  }
0x16f: {  	v11 =	vld [tilespmem:s24+$0x51A0];
	_ =	sdelay $0x2  }
0x170: {  	v10 =	vmul.f32 v10, v9;
	_ =	sdelay $0x1  }
0x171: {  	v10 =	vadd.f32 v10, v11;
	_ =	sdelay $0x1  }
0x172: {  	[tilespmem:s24+$0x51A0] =	vst v10  }
0x173: {  	v10 =	vld [tilespmem:s0+$0x10];
	_ =	sdelay $0x1  }
0x174: {  	v11 =	vld [tilespmem:s24+$0x51B0];
	_ =	sdelay $0x2  }
0x175: {  	v9 =	vmul.f32 v10, v9;
	_ =	sdelay $0x1  }
0x176: {  	v9 =	vadd.f32 v9, v11;
	_ =	sdelay $0x1  }
0x177: {  	[tilespmem:s24+$0x51B0] =	vst v9  }
0x178: {  	v9 =	vld [tilespmem:$0x1D0D0]  }
0x179: {  	v10 =	vld [tilespmem:$0x1D150]  }
0x17a: {  	v11 =	vld [tilespmem:$0x1D1D0];
	_ =	sdelay $0x2  }
0x17b: {  	s23 =	sadd.s32 $0x1, s23;
	[tilespmem:$0x1D080] =	vst v9  }
0x17c: {  	p0 =	sne.s32 s23, s9;
	[tilespmem:$0x1D100] =	vst v10  }
.Ltmp11:
0x17d: {  	[tilespmem:$0x1D180] =	vst v11;
	(pc) =	sbr.rel @p0 .LBB2_1-.Ltmp11, $4  }
0x17e: {  	[hbm4b:s10+s3] =	stream.linear.scatter [tilespmem:s22], [sflag:$0x1], $0x14000, $0x38;
	[tilespmem:$0x1FA80] =	vst v63  }
0x17f: {  	_ =	swait.ge [sflag:s11], $0x14000  }
0x180: {  	[sflag:s11] =	ssyncset.done $0x0  }
0x181: {  	[sflag:s11] =	ssyncadd.s32 $0xFFFEC000  }
0x182: {  	_ =	sfence.sel $0x180000  }
0x183: {  	[bflag:$0x0] =	sbarrier.arrive $0xFFFF  }
0x184: {  	_ =	strace $0x90000047  }
0x185: {  	[bflag:$0x2] =	sbarrier.arrive $0xFFFF  }
0x186: {  	p0 =	sne.s32 s4, $0x0;
	s0 =	rddreg [dreg:$0x3]  }
0x187: {  	s0 =	sadd.s32 @!p0 $0x100000, s0  }
0x188: {  	[sflag:s0] =	ssyncadd.tile.s32 @!p0 $0x1;
	_ =	shalt  }
.Lfunc_end2:
_tile_overlayer_lowered:
.L_overlay_start_2:
0x189: {  	(tag) =	ssettag $0x2  }
0x18a: {  	s0 =	rddreg [dreg:$0x0];
	s2 =	stileid.u32  }
0x18b: {  	s1 =	rddreg [dreg:$0x1];
	p0 =	sne.s32 s2, $0x0  }
0x18c: {  	s3 =	rddreg [dreg:$0x2];
	[bflag:$0x3] =	sbarrier.arrive $0xFFFF;
	s2 =	simm.s32 @!p0 $0x1C01  }
0x18d: {  	[timem:s3], [sflag:s2] =	dma.local @!p0 [hbm:s0], s1  }
0x18e: {  	s0 =	simm.s32 @!p0 $0x1  }
0x18f: {  	_ =	swait.ge @!p0 [sflag:s0], s1  }
0x190: {  	s1 =	ssub.s32 @!p0 $0x0, s1;
	[sflag:s0] =	ssyncset.done @!p0 $0x0  }
0x191: {  	[sflag:s0] =	ssyncadd.s32 @!p0 s1  }
0x192: {  	[bflag:$0x3] =	sbarrier.arrive $0xFFFF  }
0x193: {  	_ =	shalt  }

// kernel: kernel.13.cloned.1.call-start
scs
__scs_entry_jumppad:
0x0: {  	(pc) =	sbr.rel $0x88, $3  }
0x1: {  	(tag) =	ssettag $0x0;
	lr =	simm.s32 $0x1  }
0x2: {  	[smem:$0x3F8B] =	sst lr;
	_ =	strace $0xD0000000  }
0x3: {  	_ = 	snop  }
0x4: {  	_ = 	snop  }
0x5: {  	_ = 	snop  }
0x6: {  	_ = 	snop  }
0x7: {  	_ = 	snop  }
__scs_overlays_trampoline_lowered:
0x8: {  	[smem:$0x3F9A] =	sst s0  }
0x9: {  	[smem:$0x3F9B] =	sst s1  }
0xa: {  	[smem:$0x3F9C] =	sst s2  }
0xb: {  	[smem:$0x3F9D] =	sst s3  }
0xc: {  	[smem:$0x3F9E] =	sst s4  }
0xd: {  	[smem:$0x3F9F] =	sst s5  }
0xe: {  	[smem:$0x3FA0] =	sst s6  }
0xf: {  	[smem:$0x3FA1] =	sst s7  }
0x10: {  	[smem:$0x3FA2] =	sst s8  }
0x11: {  	[smem:$0x3FA3] =	sst s9;
	s0 =	simm.s32 @!p0 $0x0  }
0x12: {  	s1 =	sld [smem:$0x3F89];
	s0 =	simm.s32 @p0 $0x1  }
0x13: {  	[smem:$0x3FA4] =	sst s0;
	s0 =	simm.s32 @!p1 $0x0  }
0x14: {  	s2 =	sld [smem:$0x3F88];
	s0 =	simm.s32 @p1 $0x1  }
0x15: {  	[smem:$0x3FA5] =	sst s0;
	s0 =	simm.s32 @!p2 $0x0  }
0x16: {  	s3 =	sld [smem:$0x3FDB];
	s0 =	simm.s32 @p2 $0x1  }
0x17: {  	s4 =	simm.s32 $0x1BF5;
	[smem:$0x3FA7] =	sst s0  }
0x18: {  	s0 =	sld [smem:$0x3F8A];
	_ =	swait.ge [sflag:s4], $0x0  }
0x19: {  	s7 =	sld [smem:$0x3F8B]  }
0x1a: {  	s8 =	sadd.s32 $0xFFFFE003, lr  }
0x1b: {  	s9 =	sadd.s32 $0xFFFFFEF7, lr;
	s5 =	simm.s32 $0xFFFFFFFF;
	p2 =	slt.u32 s8, $0xFFFFF086  }
0x1c: {  	p1 =	slt.u32 s9, $0xF7A;
	s5 =	simm.s32 @!p2 $0x0  }
0x1d: {  	s5 =	simm.s32 @p1 $0x1;
	p0 =	seq.s32 s7, s2  }
0x1e: {  	s7 =	smul.u32 @!p0 $0xF7A, s2;
	p2 =	seq.s32 @!p0 s5, $0x0  }
0x1f: {  	s9 =	smul.u32 $0xF7A, s1;
	s8 =	simm.s32 @!p0 $0x1BF5;
	p2 =	por !p2, p0  }
0x20: {  	[sflag:s8] =	ssyncset.s32 @!p0 $0xFFFFF086;
	s6 =	sadd.s32 @!p0 s3, s7;
	s7 =	simm.s32 @!p0 $0x108  }
0x21: {  	s3 =	sadd.s32 s3, s9;
	s6 =	sadd.s32 @!p0 $0x88, s6;
	s7 =	simm.s32 @p2 $0x1082  }
0x22: {  	[simem:s7], [sflag:s8] =	dma.local @!p0 [hbm:s6], $0xF7A  }
0x23: {  	s9 =	sor.u32 $0xD0000000, s2;
	s6 =	simm.s32 $0x108;
	_ =	swait.ge @!p0 [sflag:s8], $0x0  }
0x24: {  	s3 =	sadd.s32 $0x88, s3;
	s6 =	simm.s32 @!p1 $0x1082;
	[sflag:s4] =	ssyncset.s32 $0xFFFFF086  }
0x25: {  	[simem:s6], [sflag:s4] =	dma.local [hbm:s3], $0xF7A  }
0x26: {  	[smem:$0x3F8B] =	sst s1;
	(tag) =	ssettag s2;
	_ =	strace s9  }
0x27: {  	s1 =	sld [smem:$0x3F9B]  }
0x28: {  	s2 =	sld [smem:$0x3F9C]  }
0x29: {  	s4 =	sld [smem:$0x3F9E]  }
0x2a: {  	p0 =	seq.s32 s5, $0x0;
	s5 =	sld [smem:$0x3F9F]  }
0x2b: {  	s6 =	sld [smem:$0x3FA0]  }
0x2c: {  	s7 =	sld [smem:$0x3FA1]  }
0x2d: {  	s3 =	simm.s32 $0x108;
	s8 =	sld [smem:$0x3FA2]  }
0x2e: {  	s3 =	simm.s32 @!p0 $0x1082;
	s9 =	sld [smem:$0x3FA3]  }
0x2f: {  	lr =	sadd.s32 s0, s3;
	s0 =	sld [smem:$0x3F9A]  }
0x30: {  	s3 =	sld [smem:$0x3F9D]  }
0x31: {  	[smem:$0x3FA6] =	sst s10  }
0x32: {  	s10 =	sld [smem:$0x3FA4];
	_ =	sdelay $0x3  }
0x33: {  	p0 =	seq.s32 s10, $0x1;
	s10 =	sld [smem:$0x3FA6];
	_ =	sdelay $0x3  }
0x34: {  	[smem:$0x3FA6] =	sst s10  }
0x35: {  	s10 =	sld [smem:$0x3FA5];
	_ =	sdelay $0x3  }
0x36: {  	p1 =	seq.s32 s10, $0x1;
	s10 =	sld [smem:$0x3FA6];
	_ =	sdelay $0x3  }
0x37: {  	[smem:$0x3FA6] =	sst s10  }
0x38: {  	s10 =	sld [smem:$0x3FA7]  }
0x39: {  	_ = 	snop;
	(pc) =	sbr.ind lr, $3  }
0x3a: {  	_ = 	snop  }
0x3b: {  	_ = 	snop  }
0x3c: {  	p2 =	seq.s32 s10, $0x1;
	s10 =	sld [smem:$0x3FA6]  }
0x3d: {  	_ =	shalt  }
0x3e: {  	_ =	shalt  }
0x3f: {  	_ =	shalt  }
0x40: {  	_ =	shalt  }
0x41: {  	_ =	shalt  }
0x42: {  	_ =	shalt  }
0x43: {  	_ =	shalt  }
0x44: {  	_ =	shalt  }
0x45: {  	_ =	shalt  }
0x46: {  	_ =	shalt  }
0x47: {  	_ =	shalt  }
0x48: {  	_ =	shalt  }
0x49: {  	_ =	shalt  }
0x4a: {  	_ =	shalt  }
0x4b: {  	_ =	shalt  }
0x4c: {  	_ =	shalt  }
0x4d: {  	_ =	shalt  }
0x4e: {  	_ =	shalt  }
0x4f: {  	_ =	shalt  }
0x50: {  	_ =	shalt  }
0x51: {  	_ =	shalt  }
0x52: {  	_ =	shalt  }
0x53: {  	_ =	shalt  }
0x54: {  	_ =	shalt  }
0x55: {  	_ =	shalt  }
0x56: {  	_ =	shalt  }
0x57: {  	_ =	shalt  }
0x58: {  	_ =	shalt  }
0x59: {  	_ =	shalt  }
0x5a: {  	_ =	shalt  }
0x5b: {  	_ =	shalt  }
0x5c: {  	_ =	shalt  }
0x5d: {  	_ =	shalt  }
0x5e: {  	_ =	shalt  }
0x5f: {  	_ =	shalt  }
0x60: {  	_ =	shalt  }
0x61: {  	_ =	shalt  }
0x62: {  	_ =	shalt  }
0x63: {  	_ =	shalt  }
0x64: {  	_ =	shalt  }
0x65: {  	_ =	shalt  }
0x66: {  	_ =	shalt  }
0x67: {  	_ =	shalt  }
0x68: {  	_ =	shalt  }
0x69: {  	_ =	shalt  }
0x6a: {  	_ =	shalt  }
0x6b: {  	_ =	shalt  }
0x6c: {  	_ =	shalt  }
0x6d: {  	_ =	shalt  }
0x6e: {  	_ =	shalt  }
0x6f: {  	_ =	shalt  }
0x70: {  	_ =	shalt  }
0x71: {  	_ =	shalt  }
0x72: {  	_ =	shalt  }
0x73: {  	_ =	shalt  }
0x74: {  	_ =	shalt  }
0x75: {  	_ =	shalt  }
0x76: {  	_ =	shalt  }
0x77: {  	_ =	shalt  }
0x78: {  	_ =	shalt  }
0x79: {  	_ =	shalt  }
0x7a: {  	_ =	shalt  }
0x7b: {  	_ =	shalt  }
0x7c: {  	_ =	shalt  }
0x7d: {  	_ =	shalt  }
0x7e: {  	_ =	shalt  }
0x7f: {  	_ =	shalt  }
0x80: {  	_ =	shalt  }
0x81: {  	_ =	shalt  }
0x82: {  	_ =	shalt  }
0x83: {  	_ =	shalt  }
0x84: {  	_ =	shalt  }
0x85: {  	_ =	shalt  }
0x86: {  	_ =	shalt  }
0x87: {  	_ =	shalt  }
.Lfunc_end0:
.L_simem_size_0:
called_computation.1_lowered:
.L_overlay_start_0:
0x88: {  	s2 =	sld [smem:$0x3FD9]  }
0x89: {  	s3 =	sld [smem:$0x3FFE];
	_ =	sdelay $0x1  }
0x8a: {  	s1 =	srdreg.scid  }
0x8b: {  	s0 =	sand.u32 $0x1, s1  }
0x8c: {  	s14 =	sshll.u32 s0, $0xA;
	s2 =	sadd.s32 s3, s2  }
0x8d: {  	s2 =	sadd.s32 s2, s14  }
0x8e: {  	[smem:$0x3FB2] =	sst s2  }
0x8f: {  	_ = 	snop  }
0x90: {  	s2 =	sld [smem:$0x3FD0];
	_ =	sdelay $0x2  }
0x91: {  	s15 =	simm.s32 $0xA;
	s4 =	simm.s32 $0x10  }
0x92: {  	[smem:s4], [sflag:s15] =	dma.local [hbm:s2], $0x1  }
0x93: {  	_ =	swait.eq [sflag:s15], $0x1  }
0x94: {  	[sflag:s15] =	ssyncset.done $0x0  }
0x95: {  	s16 =	sld [smem:$0x10];
	[sflag:s15] =	ssyncadd.s32 $0xFFFFFFFF  }
0x96: {  	s17 =	sld [smem:$0x11];
	(tm) =	ssettm $0x1  }
0x97: {  	s18 =	sld [smem:$0x3FFB];
	_ =	sdelay $0x3  }
0x98: {  	_ =	strace s18  }
0x99: {  	s4 =	sld [smem:$0x3FFC];
	_ =	sdelay $0x3  }
0x9a: {  	_ =	strace s4  }
0x9b: {  	s4 =	sld [smem:$0x3FFD];
	_ =	sdelay $0x3  }
0x9c: {  	_ =	strace s4  }
0x9d: {  	_ =	strace $0x8FFFFFFF  }
0x9e: {  	s19 =	sld [smem:$0x3FDB];
	_ =	sdelay $0x1  }
0x9f: {  	s5 =	simm.s32 $_scs_section_size  }
0xa0: {  	s6 =	simm.s32 $_size__tile_overlayer_lowered;
	s7 =	simm.s32 $_tile_overlayer_lowered  }
0xa1: {  	s22 =	simm.s32 $0x1BFF;
	s21 =	sshll.u32 s7, $0x1;
	s4 =	sadd.s32 s5, s19  }
0xa2: {  	s8 =	simm.s32 $0x0;
	s20 =	sshll.u32 s6, $0x1;
	s6 =	sadd.s32 s21, s4  }
0xa3: {  	[timem:s8], [sflag:s22] =	dma.local [hbm:s6], s20  }
0xa4: {  	_ =	swait.ge [sflag:s22], s20  }
0xa5: {  	s5 =	ssub.s32 $0x0, s20;
	[sflag:s22] =	ssyncset.done $0x0  }
0xa6: {  	[sflag:s22] =	ssyncadd.s32 s5;
	_ =	sdelay $0x1  }
0xa7: {  	s23 =	simm.s32 $0x1B8B  }
0xa8: {  	_ =	swait.ge [sflag:s23], $0x1  }
0xa9: {  	[sflag:s23] =	ssyncset.done $0x0  }
0xaa: {  	s25 =	simm.s32 $0x1B8E;
	s24 =	sld [smem:$0x3FFE];
	[sflag:s23] =	ssyncadd.s32 $0xFFFFFFFF  }
0xab: {  	s26 =	simm.s32 $execute0_lowered;
	[smem:$0x3FD2] =	sst s25  }
0xac: {  	s6 =	sshll.u32 s26, $0x1;
	_ =	strace $0x80000049;
	[dreg:$0x1] =	wrdreg $0xFFFFFFFF  }
0xad: {  	s28 =	simm.s32 $_size_execute0_lowered;
	s4 =	sadd.s32 s4, s6;
	[dreg:$0x0] =	wrdreg $0x0  }
0xae: {  	s6 =	sshll.u32 s28, $0x1;
	[dreg:$0x2] =	wrdreg s4  }
0xaf: {  	[dreg:$0x3] =	wrdreg s6  }
0xb0: {  	[dreg:$0x4] =	wrdreg $0xC0  }
0xb1: {  	_ =	task [dreg:s8], $0x5FFFF  }
0xb2: {  	[dreg:$0x1] =	wrdreg $0xFFFFFFFF  }
0xb3: {  	[dreg:$0x0] =	wrdreg $0x60  }
0xb4: {  	[dreg:$0x2] =	wrdreg s16  }
0xb5: {  	[dreg:$0x3] =	wrdreg s24  }
0xb6: {  	[dreg:$0x4] =	wrdreg s17  }
0xb7: {  	[dreg:$0x5] =	wrdreg $0x9  }
0xb8: {  	_ =	task.clear_ibuf [dreg:s8], $0x6FFFF;
	_ =	strace $0x90000049  }
0xb9: {  	s29 =	simm.s32 $0x9;
	_ =	strace $0x8000004B  }
0xba: {  	_ =	swait.ge [sflag:s29], $0x1  }
0xbb: {  	[sflag:s29] =	ssyncadd.s32 $0xFFFFFFFF  }
0xbc: {  	_ =	strace $0x9000004B  }
0xbd: {  	_ =	sfence  }
0xbe: {  	s30 =	sld [smem:$0x0];
	_ =	sdelay $0x2  }
0xbf: {  	s31 =	sshll.u32 s1, $0xD;
	s1 =	sshrl.u32 s1, $0x2  }
0xc0: {  	s3 =	sand.u32 $0x4000, s31;
	s1 =	sadd.s32 s1, s30  }
0xc1: {  	s0 =	sor.u32 s3, s0;
	s1 =	sshll.u32 s1, $0x11  }
0xc2: {  	s0 =	sor.u32 s1, s0  }
0xc3: {  	s0 =	sadd.s32 $0x8F2B, s0  }
0xc4: {  	[sflag:s0] =	ssyncadd.remote.s32 $0x1  }
0xc5: {  	_ =	sfence.sel $0xFFFF  }
0xc6: {  	[dreg:$0x0] =	wrdreg $0xFFFFFFFF;
	(pc) =	sbr.abs _section_cstart, $3  }
0xc7: {  	[dreg:$0x1] =	wrdreg $0xFFFFFFFF  }
0xc8: {  	_ =	task.clear_ibuf [dreg:s8], $0x2FFFF;
	_ =	strace $0x9FFFFFFF  }
0xc9: {  	(tm) =	ssettm $0x7FFFFFFF  }
tec
execute0_lowered:
.L_overlay_start_1:
0x0: {  	(tag) =	ssettag $0x1  }
0x1: {  	s1 =	rddreg [dreg:$0x0]  }
0x2: {  	s0 =	rddreg [dreg:$0x1]  }
0x3: {  	s2 =	rddreg [dreg:$0x2];
	s3 =	simm.s32 $0x0;
	s4 =	srdreg.scid  }
0x4: {  	s11 =	simm.s32 $0x3E400;
	s13 =	simm.s32 $0x19180;
	s14 =	simm.s32 $0x1B100  }
0x5: {  	s16 =	simm.s32 $0x1D080;
	s17 =	simm.s32 $0x1D100;
	s18 =	simm.s32 $0x1D180  }
0x6: {  	s19 =	simm.s32 $0x50;
	s20 =	simm.s32 $0x1D200;
	s21 =	simm.s32 $0x1D280  }
0x7: {  	s22 =	simm.s32 $0x5180;
	s23 =	simm.s32 $0x0;
	[smem:$0x7FF] =	sst s3  }
0x8: {  	s8 =	sand.u32 $0x1, s4;
	s5 =	sadd.s32 $0x2200, s0;
	s4 =	stileid.u32  }
0x9: {  	s6 =	sadd.s32 $0xC600, s0;
	s7 =	sadd.s32 $0x2800, s0;
	s12 =	smul.u32 $0x280, s4  }
0xa: {  	_ =	strace $0x8000004A;
	s9 =	ssub.s32 $0x2, s8;
	s31 =	smul.u32 $0x2800, s4  }
0xb: {  	v8 =	vlaneseq.u32;
	p0 =	seq.s32 s8, $0x1;
	s8 =	smul.u32 $0x27100, s8;
	s10 =	sshrl.u32 s9, $0x1  }
0xc: {  	v2 =	vimm.f32 $0.0e+00;
	v3 =	vimm.s32 $0x0;
	v4 =	vadd.s32 $0x1, v8;
	s11 =	simm.s32 @!p0 $0x16400;
	s9 =	ssub.s32 s9, s10;
	s15 =	sadd.s32 $0x280, s12  }
0xd: {  	v5 =	vadd.s32 $0x11, v8;
	v6 =	vadd.s32 $0x21, v8;
	s0 =	sadd.s32 s11, s0;
	s11 =	simm.s32 $0x1;
	v0 =	vmov s12;
	s12 =	simm.s32 $0x2780  }
0xe: {  	v7 =	vadd.s32 $0x31, v8;
	v8 =	vadd.s32 $0x41, v8;
	s9 =	smax.u32 s9, $0x1;
	s10 =	sadd.s32 s0, s31;
	v1 =	vmov s15;
	s15 =	simm.s32 $0x4F00  }
.LBB2_1:
0xf: {  	[tilespmem:s3], [sflag:$0x1] =	stream.linear.gather [hbm4b:s5+s3], $0x2780, $0x38;
	[tilespmem:$0x1FA80] =	vst v63  }
0x10: {  	_ =	swait.ge [sflag:s11], $0x2780  }
0x11: {  	[sflag:s11] =	ssyncset.done $0x0  }
0x12: {  	[sflag:s11] =	ssyncadd.s32 $0xFFFFD880  }
0x13: {  	[tilespmem:s12], [sflag:$0x1] =	stream.linear.gather [hbm4b:s2+s3], $0x2780, $0x38;
	[tilespmem:$0x1FA80] =	vst v63  }
0x14: {  	_ =	swait.ge [sflag:s11], $0x2780  }
0x15: {  	[sflag:s11] =	ssyncset.done $0x0  }
0x16: {  	[sflag:s11] =	ssyncadd.s32 $0xFFFFD880  }
0x17: {  	[tilespmem:$0x4F00] =	vst v2  }
0x18: {  	[tilespmem:$0x4F10] =	vst v2  }
0x19: {  	[tilespmem:$0x4F20] =	vst v2  }
0x1a: {  	[tilespmem:$0x4F30] =	vst v2  }
0x1b: {  	[tilespmem:$0x4F40] =	vst v2  }
0x1c: {  	[tilespmem:$0x4F50] =	vst v2  }
0x1d: {  	[tilespmem:$0x4F60] =	vst v2  }
0x1e: {  	[tilespmem:$0x4F70] =	vst v2  }
0x1f: {  	[tilespmem:$0x4F80] =	vst v2  }
0x20: {  	[tilespmem:$0x4F90] =	vst v2  }
0x21: {  	[tilespmem:$0x4FA0] =	vst v2  }
0x22: {  	[tilespmem:$0x4FB0] =	vst v2  }
0x23: {  	[tilespmem:$0x4FC0] =	vst v2  }
0x24: {  	[tilespmem:$0x4FD0] =	vst v2  }
0x25: {  	[tilespmem:$0x4FE0] =	vst v2  }
0x26: {  	[tilespmem:$0x4FF0] =	vst v2  }
0x27: {  	[tilespmem:$0x5000] =	vst v2  }
0x28: {  	[tilespmem:$0x5010] =	vst v2  }
0x29: {  	[tilespmem:$0x5020] =	vst v2  }
0x2a: {  	[tilespmem:$0x5030] =	vst v2  }
0x2b: {  	[tilespmem:$0x5040] =	vst v2  }
0x2c: {  	[tilespmem:$0x5050] =	vst v2  }
0x2d: {  	[tilespmem:$0x5060] =	vst v2  }
0x2e: {  	[tilespmem:$0x5070] =	vst v2  }
0x2f: {  	[tilespmem:$0x5080] =	vst v2  }
0x30: {  	[tilespmem:$0x5090] =	vst v2  }
0x31: {  	[tilespmem:$0x50A0] =	vst v2  }
0x32: {  	[tilespmem:$0x50B0] =	vst v2  }
0x33: {  	[tilespmem:$0x50C0] =	vst v2  }
0x34: {  	[tilespmem:$0x50D0] =	vst v2  }
0x35: {  	[tilespmem:$0x50E0] =	vst v2  }
0x36: {  	[tilespmem:$0x50F0] =	vst v2  }
0x37: {  	[tilespmem:$0x5100] =	vst v2  }
0x38: {  	[tilespmem:$0x5110] =	vst v2  }
0x39: {  	[tilespmem:$0x5120] =	vst v2  }
0x3a: {  	[tilespmem:$0x5130] =	vst v2  }
0x3b: {  	[tilespmem:$0x5140] =	vst v2  }
0x3c: {  	s0 =	sand.u32 $0x7FE00, s3;
	[tilespmem:$0x5150] =	vst v2  }
0x3d: {  	s24 =	sand.u32 $0x30, s3;
	s25 =	sshrl.u32 s0, $0x2;
	[tilespmem:$0x5160] =	vst v2  }
0x3e: {  	s0 =	simm.s32 $0x80;
	s26 =	sor.u32 s24, s25;
	s25 =	simm.s32 $0x0;
	[tilespmem:$0x5170] =	vst v2  }
.LBB2_2:
0x3f: {  	p0 =	sne.s32 s0, $0x4FF80  }
0x40: {  	[tilespmem:s26+$0x5180] =	vst v2;
	s25 =	sadd.s32 $0x10, s25;
	s24 =	smov.u32 s0;
	s0 =	sadd.s32 $0x80, s0  }
.Ltmp0:
0x41: {  	(pc) =	sbr.rel @p0 .LBB2_2-.Ltmp0, $4  }
0x42: {  	_ = 	snop  }
0x43: {  	s24 =	sand.u32 $0x7FE00, s24  }
0x44: {  	s26 =	sand.u32 $0x30, s25;
	s24 =	sshrl.u32 s24, $0x2  }
0x45: {  	s26 =	sor.u32 s26, s24;
	s24 =	simm.s32 $0x0  }
0x46: {  	[tilespmem:s26+$0x5180] =	vst v2;
	s26 =	simm.s32 $0x0  }
.LBB2_4:
0x47: {  	s0 =	smul.u32 $0x3E8, s26;
	_ =	sdelay $0x1  }
0x48: {  	s25 =	sadd.s32 s6, s0  }
0x49: {  	[tilespmem:s13], [sflag:$0x1] =	stream.linear.gather [hbm4b:s25+s24], $0x1F40, $0x38;
	[tilespmem:$0x1FA80] =	vst v63  }
0x4a: {  	_ =	swait.ge [sflag:s11], $0x1F40  }
0x4b: {  	[sflag:s11] =	ssyncset.done $0x0  }
0x4c: {  	s0 =	sadd.s32 s7, s0;
	[sflag:s11] =	ssyncadd.s32 $0xFFFFE0C0  }
0x4d: {  	[tilespmem:s14], [sflag:$0x1] =	stream.linear.gather [hbm4b:s0+s24], $0x1F40, $0x38;
	[tilespmem:$0x1FA80] =	vst v63  }
0x4e: {  	_ =	swait.ge [sflag:s11], $0x1F40  }
0x4f: {  	[sflag:s11] =	ssyncset.done $0x0  }
0x50: {  	s25 =	simm.s32 $0x0;
	[sflag:s11] =	ssyncadd.s32 $0xFFFFE0C0  }
0x51: {  	s0 =	simm.s32 $0x40;
	v9 =	vld [tilespmem:s25+$0x19180]  }
.LBB2_5:
0x52: {  	p0 =	sne.s32 s0, $0x7CC0;
	v10 =	vld [tilespmem:s25+$0x1B100];
	_ =	sdelay $0x6  }
0x53: {  	v9 =	vld.idx.msk [tilespmem:v9+s3+$0x0], $0xffff  }
0x54: {  	v11 =	vld.idx.msk [tilespmem:v10+s12+$0x0], $0xffff;
	_ =	sdelay $0x5  }
0x55: {  	v9 =	vadd.f32 v11, v9;
	_ =	sdelay $0x1  }
0x56: {  	v11 =	vmul.f32 $2.000000030e-01, v9  }
0x57: {  	vm0 =	vge.f32 v9, $0.0e+00  }
0x58: {  	v9 =	vsel vm0, v9, v11  }
0x59: {  	v9 =	vmul.f32 $1.442695020e+00, v9;
	_ =	sdelay $0x1  }
0x5a: {  	(erf) = vpow2.f32 v9;
	_ =	sdelay $0x2  }
0x5b: {  	vm1 =	vlt.s32 v10, v1;
	vm0 =	vge.s32 v10, v0  }
0x5c: {  	vm0 =	vmand vm0, vm1;
	v9 =	vsub.s32 v10, v0  }
0x5d: {  	v9 =	vnsel vm0, $0x0, v9;
	_ =	sdelay $0x1  }
.Ltmp1:
0x5e: {  	(pc) =	sbr.rel @p0 .LBB2_5-.Ltmp1, $4  }
0x5f: {  	_ = 	snop  }
0x60: {  	v10 =	vpop (erf)  }
0x61: {  	s25 =	sshra.s32 s0, $0x2;
	[tilespmem:v9+s15+$0x0] =	vst.idx.add.f32.msk vm0, v10  }
0x62: {  	s0 =	sadd.s32 $0x40, s0;
	v9 =	vld [tilespmem:s25+$0x19180]  }
0x63: {  	_ = 	snop  }
0x64: {  	v10 =	vld [tilespmem:s25+$0x1B100];
	_ =	sdelay $0x6  }
0x65: {  	v9 =	vld.idx.msk [tilespmem:v9+s3+$0x0], $0xffff  }
0x66: {  	v11 =	vld.idx.msk [tilespmem:v10+s12+$0x0], $0xffff;
	_ =	sdelay $0x4  }
0x67: {  	v9 =	vadd.f32 v11, v9;
	_ =	sdelay $0x1  }
0x68: {  	v11 =	vmul.f32 $2.000000030e-01, v9  }
0x69: {  	vm0 =	vge.f32 v9, $0.0e+00  }
0x6a: {  	v9 =	vsel vm0, v9, v11  }
0x6b: {  	v9 =	vmul.f32 $1.442695020e+00, v9;
	_ =	sdelay $0x1  }
0x6c: {  	(erf) = vpow2.f32 v9;
	_ =	sdelay $0x2  }
0x6d: {  	vm15 =	vge.s32 v10, v0;
	vm1 =	vlt.s32 v10, v1  }
0x6e: {  	s26 =	sadd.s32 $0x1, s26;
	vm0 =	vmand vm15, vm1;
	v9 =	vsub.s32 v10, v0  }
0x6f: {  	p0 =	sne.s32 s26, $0x28;
	v9 =	vnsel vm0, $0x0, v9  }
.Ltmp2:
0x70: {  	_ = 	snop;
	(pc) =	sbr.rel @p0 .LBB2_4-.Ltmp2, $3  }
0x71: {  	_ =	sdelay $0x1  }
0x72: {  	v10 =	vpop (erf)  }
0x73: {  	s25 =	simm.s32 $0x0;
	[tilespmem:v9+s15+$0x0] =	vst.idx.add.f32.msk vm0, v10  }
.Ltmp3:
0x74: {  	(pc) =	sbr.rel .LBB2_8-.Ltmp3, $2  }
0x75: {  	_ =	sdelay $0x2  }
0x76: {  	s24 =	simm.s32 $0x0;
	s26 =	simm.s32 $0x0  }
.LBB2_14:
0x77: {  	s26 =	sadd.s32 $0x1, s26  }
0x78: {  	p0 =	sne.s32 s26, $0x14  }
.Ltmp4:
0x79: {  	_ = 	snop;
	(pc) =	sbr.rel @!p0 .LBB2_15-.Ltmp4, $1  }
0x7a: {  	_ =	sdelay $0x3  }
.LBB2_8:
0x7b: {  	s0 =	smul.u32 $0x1F40, s26;
	_ =	sdelay $0x1  }
0x7c: {  	s0 =	sadd.s32 s8, s0  }
0x7d: {  	s0 =	sshrl.u32 s0, $0x3  }
0x7e: {  	s28 =	sadd.s32 s6, s0  }
0x7f: {  	[tilespmem:s13], [sflag:$0x1] =	stream.linear.gather [hbm4b:s28+s25], $0x1F40, $0x38;
	[tilespmem:$0x1FA80] =	vst v63  }
0x80: {  	_ =	swait.ge [sflag:s11], $0x1F40  }
0x81: {  	[sflag:s11] =	ssyncset.done $0x0  }
.Ltmp5:
0x82: {  	s0 =	sadd.s32 s7, s0;
	[sflag:s11] =	ssyncadd.s32 $0xFFFFE0C0;
	(pc) =	sbr.rel .LBB2_9-.Ltmp5, $4  }
0x83: {  	[tilespmem:s14], [sflag:$0x1] =	stream.linear.gather [hbm4b:s0+s25], $0x1F40, $0x38;
	[tilespmem:$0x1FA80] =	vst v63  }
0x84: {  	_ =	swait.ge [sflag:s11], $0x1F40  }
0x85: {  	[sflag:s11] =	ssyncset.done $0x0  }
0x86: {  	s28 =	simm.s32 $0x0;
	[sflag:s11] =	ssyncadd.s32 $0xFFFFE0C0  }
.LBB2_12:
0x87: {  	_ =	sdelay $0x2  }
0x88: {  	[tilespmem:s31+$0x51B0] =	vst v10  }
0x89: {  	v10 =	vld.idx.msk [tilespmem:v9+s17+$0x0], $0xffff;
	_ =	sdelay $0x4  }
0x8a: {  	(v2sf) =	vpush v10, $0x0;
	_ =	sdelay $0xe  }
0x8b: {  	s0 =	sadd.s32 $0x80, s29;
	v9 =	vld.idx.msk [tilespmem:v9+s18+$0x0], $0xffff;
	s31 =	spop (v2sf)  }
0x8c: {  	v10 =	vld [tilespmem:s0+$0xFFFFFFE0];
	s29 =	sshll.u32 s31, $0x9  }
0x8d: {  	s29 =	sshra.s32 s29, $0x2  }
0x8e: {  	v11 =	vld [tilespmem:s29+$0x5180];
	_ =	sdelay $0x2  }
0x8f: {  	v10 =	vmul.f32 v10, v9;
	_ =	sdelay $0x1  }
0x90: {  	v10 =	vadd.f32 v10, v11;
	_ =	sdelay $0x1  }
0x91: {  	[tilespmem:s29+$0x5180] =	vst v10  }
0x92: {  	v10 =	vld [tilespmem:s0+$0xFFFFFFF0];
	_ =	sdelay $0x1  }
0x93: {  	v11 =	vld [tilespmem:s29+$0x5190];
	_ =	sdelay $0x2  }
0x94: {  	v10 =	vmul.f32 v10, v9;
	_ =	sdelay $0x1  }
0x95: {  	v10 =	vadd.f32 v10, v11;
	_ =	sdelay $0x1  }
0x96: {  	[tilespmem:s29+$0x5190] =	vst v10  }
0x97: {  	v10 =	vld [tilespmem:s0+$0x0];
	_ =	sdelay $0x1  }
0x98: {  	v11 =	vld [tilespmem:s29+$0x51A0];
	_ =	sdelay $0x2  }
0x99: {  	v10 =	vmul.f32 v10, v9;
	_ =	sdelay $0x1  }
0x9a: {  	v10 =	vadd.f32 v10, v11;
	_ =	sdelay $0x1  }
0x9b: {  	[tilespmem:s29+$0x51A0] =	vst v10  }
0x9c: {  	v10 =	vld [tilespmem:s0+$0x10];
	_ =	sdelay $0x1  }
0x9d: {  	v11 =	vld [tilespmem:s29+$0x51B0];
	_ =	sdelay $0x2  }
0x9e: {  	v9 =	vmul.f32 v10, v9;
	_ =	sdelay $0x1  }
0x9f: {  	v9 =	vadd.f32 v9, v11;
	_ =	sdelay $0x1  }
0xa0: {  	[tilespmem:s29+$0x51B0] =	vst v9  }
0xa1: {  	v9 =	vld [tilespmem:$0x1D0D0]  }
0xa2: {  	v10 =	vld [tilespmem:$0x1D150]  }
0xa3: {  	v11 =	vld [tilespmem:$0x1D1D0];
	_ =	sdelay $0x2  }
0xa4: {  	[tilespmem:$0x1D080] =	vst v9  }
0xa5: {  	[tilespmem:$0x1D100] =	vst v10  }
0xa6: {  	[tilespmem:$0x1D180] =	vst v11  }
.LBB2_13:
0xa7: {  	s28 =	sadd.s32 $0x1, s28  }
0xa8: {  	p1 =	sne.s32 s28, $0x1F4  }
.Ltmp6:
0xa9: {  	_ = 	snop;
	(pc) =	sbr.rel @!p1 .LBB2_14-.Ltmp6, $3  }
0xaa: {  	_ =	sdelay $0x1  }
0xab: {  	p0 =	sgt.s32 s24, $0x4F;
	s0 =	sadd.s32 $0xFFFFFFB0, s24  }
0xac: {  	s24 =	smov.u32 @p0 s0  }
.LBB2_9:
0xad: {  	s0 =	sshll.u32 s28, $0x4  }
0xae: {  	v9 =	vld [tilespmem:s0+$0x19180]  }
0xaf: {  	v10 =	vld [tilespmem:s0+$0x1B100];
	_ =	sdelay $0x6  }
0xb0: {  	vm0 =	vge.s32 v10, v0;
	vm1 =	vlt.s32 v10, v1;
	v11 =	vld.idx.msk [tilespmem:v9+s3+$0x0], $0xffff  }
0xb1: {  	vm0 =	vmand vm0, vm1;
	v12 =	vld.idx.msk [tilespmem:v10+s12+$0x0], $0xffff;
	v10 =	vsub.s32 v10, v0  }
0xb2: {  	v10 =	vnsel vm0, $0x0, v10  }
0xb3: {  	v13 =	vmpcnt.ones.xlane vm0;
	_ =	sdelay $0x1  }
0xb4: {  	(v2sf) =	vpush v13, $0x0  }
0xb5: {  	v11 =	vadd.f32 v12, v11  }
0xb6: {  	v59 =	vld.idx.msk [tilespmem:v10+s15+$0x0], $0xffff  }
0xb7: {  	v14 =	vmul.f32 $2.000000030e-01, v11  }
0xb8: {  	vm15 =	vge.f32 v11, $0.0e+00  }
0xb9: {  	v11 =	vsel vm15, v11, v14  }
0xba: {  	v11 =	vmul.f32 $1.442695020e+00, v11  }
0xbb: {  	v60 =	vsel vm0, $0x1, v3;
	v12 =	vadd.f32 $1.000000020e-16, v59  }
0xbc: {  	(xrf0) =	vadd.scan.msk.s32 $0xffff, v60;
	(erf) = vpow2.f32 v11  }
0xbd: {  	(erf) = vrcp.f32 v12;
	_ =	sdelay $0x1  }
0xbe: {  	v11 =	vmov s24  }
0xbf: {  	v11 =	vadd.s32 $0xFFFFFFFF, v11  }
0xc0: {  	v11 =	vbroadcast v11, $0x0  }
0xc1: {  	v61, _, _ =	vpop (xrf0)  }
0xc2: {  	v11 =	vadd.s32 v61, v11;
	s31 =	spop (v2sf)  }
0xc3: {  	s24 =	sadd.s32 s24, s31  }
0xc4: {  	p0 =	slt.s32 s24, $0x50;
	v62 =	vpop (erf)  }
.Ltmp7:
0xc5: {  	v63 =	vpop (erf);
	(pc) =	sbr.rel @p0 .LBB2_13-.Ltmp7, $4  }
0xc6: {  	v12 =	vmul.f32 v62, v63  }
0xc7: {  	[tilespmem:v11+s16+$0x0] =	vst.idx.msk vm0, v9  }
0xc8: {  	[tilespmem:v11+s17+$0x0] =	vst.idx.msk vm0, v10;
	v9 =	vnsel vm0, $0x0, v12  }
0xc9: {  	[tilespmem:v11+s18+$0x0] =	vst.idx.msk vm0, v9  }
0xca: {  	v9 =	vld [tilespmem:$0x1D080]  }
0xcb: {  	v10 =	vld [tilespmem:$0x1D090]  }
0xcc: {  	v11 =	vld [tilespmem:$0x1D0A0]  }
0xcd: {  	v12 =	vld [tilespmem:$0x1D0B0]  }
0xce: {  	v13 =	vld [tilespmem:$0x1D0C0]  }
0xcf: {  	[tilespmem:$0x1D200] =	vst v9  }
0xd0: {  	[tilespmem:$0x1D210] =	vst v10  }
0xd1: {  	[tilespmem:$0x1D220] =	vst v11  }
0xd2: {  	s0 =	simm.s32 $0x0;
	[tilespmem:$0x1D230] =	vst v12  }
0xd3: {  	[tilespmem:$0x1D240] =	vst v13;
	v9 =	vmov s0  }
0xd4: {  	[tilespmem:s21], [sflag:$0x1] =	stream.indirect.gather [hbm4b:s1+s19], $0x80, s20, s19, $0xb8;
	[tilespmem:$0x1FA80] =	vst v63  }
0xd5: {  	_ =	swait.ge [sflag:s11], $0x2800  }
0xd6: {  	[sflag:s11] =	ssyncset.done $0x0  }
0xd7: {  	[sflag:s11] =	ssyncadd.s32 $0xFFFFD800  }
0xd8: {  	v10 =	vld.idx.msk [tilespmem:v9+s17+$0x0], $0xffff;
	_ =	sdelay $0x4  }
0xd9: {  	(v2sf) =	vpush v10, $0x0;
	_ =	sdelay $0xe  }
0xda: {  	s29 =	simm.s32 $0x1D2A0;
	v9 =	vld.idx.msk [tilespmem:v9+s18+$0x0], $0xffff;
	s0 =	spop (v2sf)  }
0xdb: {  	v10 =	vld [tilespmem:s29+$0xFFFFFFE0];
	s0 =	sshll.u32 s0, $0x9  }
0xdc: {  	s31 =	sshra.s32 s0, $0x2  }
0xdd: {  	v11 =	vld [tilespmem:s31+$0x5180];
	_ =	sdelay $0x2  }
0xde: {  	v10 =	vmul.f32 v10, v9;
	_ =	sdelay $0x1  }
0xdf: {  	v10 =	vadd.f32 v10, v11;
	_ =	sdelay $0x1  }
0xe0: {  	[tilespmem:s31+$0x5180] =	vst v10  }
0xe1: {  	v10 =	vld [tilespmem:s29+$0xFFFFFFF0];
	_ =	sdelay $0x1  }
0xe2: {  	v11 =	vld [tilespmem:s31+$0x5190];
	_ =	sdelay $0x2  }
0xe3: {  	v10 =	vmul.f32 v10, v9;
	_ =	sdelay $0x1  }
0xe4: {  	v10 =	vadd.f32 v10, v11;
	_ =	sdelay $0x1  }
0xe5: {  	[tilespmem:s31+$0x5190] =	vst v10  }
0xe6: {  	v10 =	vld [tilespmem:s29+$0x0];
	_ =	sdelay $0x1  }
0xe7: {  	v11 =	vld [tilespmem:s31+$0x51A0];
	_ =	sdelay $0x2  }
0xe8: {  	v10 =	vmul.f32 v10, v9;
	_ =	sdelay $0x1  }
0xe9: {  	v10 =	vadd.f32 v10, v11;
	_ =	sdelay $0x1  }
0xea: {  	[tilespmem:s31+$0x51A0] =	vst v10  }
0xeb: {  	v10 =	vld [tilespmem:s29+$0x10];
	_ =	sdelay $0x1  }
0xec: {  	v11 =	vld [tilespmem:s31+$0x51B0];
	_ =	sdelay $0x1  }
0xed: {  	s0 =	simm.s32 $0x1  }
0xee: {  	v10 =	vmul.f32 v10, v9;
	v9 =	vmov s0;
	_ =	sdelay $0x1  }
0xef: {  	s30 =	simm.s32 $0x2;
	v10 =	vadd.f32 v10, v11  }
.LBB2_11:
0xf0: {  	p0 =	sne.s32 s30, $0x4F  }
0xf1: {  	[tilespmem:s31+$0x51B0] =	vst v10;
	s29 =	sadd.s32 $0x80, s29;
	s0 =	smov.u32 s30;
	s30 =	sadd.s32 $0x1, s30  }
0xf2: {  	v10 =	vld.idx.msk [tilespmem:v9+s17+$0x0], $0xffff;
	_ =	sdelay $0x5  }
0xf3: {  	(v2sf) =	vpush v10, $0x0;
	_ =	sdelay $0xe  }
0xf4: {  	v10 =	vld.idx.msk [tilespmem:v9+s18+$0x0], $0xffff;
	s31 =	spop (v2sf)  }
0xf5: {  	s31 =	sshll.u32 s31, $0x9;
	v9 =	vld [tilespmem:s29+$0xFFFFFFE0]  }
0xf6: {  	s31 =	sshra.s32 s31, $0x2  }
0xf7: {  	v11 =	vld [tilespmem:s31+$0x5180];
	_ =	sdelay $0x2  }
0xf8: {  	v9 =	vmul.f32 v9, v10;
	_ =	sdelay $0x1  }
0xf9: {  	v9 =	vadd.f32 v9, v11;
	_ =	sdelay $0x1  }
0xfa: {  	[tilespmem:s31+$0x5180] =	vst v9  }
0xfb: {  	v9 =	vld [tilespmem:s29+$0xFFFFFFF0];
	_ =	sdelay $0x1  }
0xfc: {  	v11 =	vld [tilespmem:s31+$0x5190];
	_ =	sdelay $0x2  }
0xfd: {  	v9 =	vmul.f32 v9, v10;
	_ =	sdelay $0x1  }
0xfe: {  	v9 =	vadd.f32 v9, v11;
	_ =	sdelay $0x1  }
0xff: {  	[tilespmem:s31+$0x5190] =	vst v9  }
0x100: {  	v9 =	vld [tilespmem:s29+$0x0];
	_ =	sdelay $0x1  }
0x101: {  	v11 =	vld [tilespmem:s31+$0x51A0];
	_ =	sdelay $0x2  }
0x102: {  	v9 =	vmul.f32 v9, v10;
	_ =	sdelay $0x1  }
0x103: {  	v9 =	vadd.f32 v9, v11;
	_ =	sdelay $0x1  }
0x104: {  	[tilespmem:s31+$0x51A0] =	vst v9  }
0x105: {  	v11 =	vld [tilespmem:s29+$0x10];
	_ =	sdelay $0x1  }
0x106: {  	v12 =	vld [tilespmem:s31+$0x51B0]  }
.Ltmp8:
0x107: {  	(pc) =	sbr.rel @p0 .LBB2_11-.Ltmp8, $3  }
0x108: {  	_ = 	snop  }
0x109: {  	v9 =	vmov s0;
	v10 =	vmul.f32 v11, v10;
	_ =	sdelay $0x1  }
0x10a: {  	v10 =	vadd.f32 v10, v12  }
.Ltmp9:
0x10b: {  	_ = 	snop;
	(pc) =	sbr.rel .LBB2_12-.Ltmp9, $1  }
0x10c: {  	_ =	sdelay $0x3  }
.LBB2_15:
0x10d: {  	v9 =	vld [tilespmem:$0x1D180]  }
0x10e: {  	v10 =	vld [tilespmem:$0x1D080]  }
0x10f: {  	v11 =	vld [tilespmem:$0x1D100]  }
0x110: {  	v12 =	vmov s24;
	v13 =	vld [tilespmem:$0x1D190]  }
0x111: {  	v14 =	vld [tilespmem:$0x1D090];
	vm0 =	vlt.s32 v12, v4  }
0x112: {  	v15 =	vld [tilespmem:$0x1D110];
	v9 =	vsel vm0, $0x0, v9  }
0x113: {  	[tilespmem:$0x1D180] =	vst v9;
	v9 =	vsel vm0, $0x0, v10;
	v10 =	vld [tilespmem:$0x1D1A0]  }
0x114: {  	vm12 =	vlt.s32 v12, v5;
	[tilespmem:$0x1D080] =	vst v9;
	v9 =	vsel vm0, $0x0, v11;
	v11 =	vld [tilespmem:$0x1D0A0]  }
0x115: {  	v57 =	vld [tilespmem:$0x1D120];
	[tilespmem:$0x1D100] =	vst v9;
	v9 =	vsel vm12, $0x0, v13  }
0x116: {  	v58 =	vld [tilespmem:$0x1D1B0];
	[tilespmem:$0x1D190] =	vst v9;
	v9 =	vsel vm12, $0x0, v14  }
0x117: {  	v59 =	vld [tilespmem:$0x1D0B0];
	vm13 =	vlt.s32 v12, v6;
	[tilespmem:$0x1D090] =	vst v9;
	v9 =	vsel vm12, $0x0, v15  }
0x118: {  	[tilespmem:$0x1D110] =	vst v9;
	v9 =	vsel vm13, $0x0, v10;
	v10 =	vld [tilespmem:$0x1D130]  }
0x119: {  	[tilespmem:$0x1D1A0] =	vst v9;
	v9 =	vsel vm13, $0x0, v11;
	v11 =	vld [tilespmem:$0x1D1C0]  }
0x11a: {  	v60 =	vld [tilespmem:$0x1D0C0];
	vm14 =	vlt.s32 v12, v7;
	[tilespmem:$0x1D0A0] =	vst v9;
	v9 =	vsel vm13, $0x0, v57  }
0x11b: {  	v61 =	vld [tilespmem:$0x1D140];
	[tilespmem:$0x1D120] =	vst v9;
	v9 =	vsel vm14, $0x0, v58  }
0x11c: {  	[tilespmem:$0x1D1B0] =	vst v9;
	v9 =	vsel vm14, $0x0, v59  }
0x11d: {  	vm15 =	vlt.s32 v12, v8;
	v62 =	vld [tilespmem:$0x1D0A0];
	[tilespmem:$0x1D0B0] =	vst v9;
	v9 =	vsel vm14, $0x0, v10  }
0x11e: {  	v10 =	vld [tilespmem:$0x1D080];
	[tilespmem:$0x1D130] =	vst v9;
	v9 =	vsel vm15, $0x0, v11  }
0x11f: {  	v11 =	vld [tilespmem:$0x1D090];
	[tilespmem:$0x1D1C0] =	vst v9;
	v9 =	vsel vm15, $0x0, v60  }
0x120: {  	v63 =	vld [tilespmem:$0x1D0B0];
	[tilespmem:$0x1D0C0] =	vst v9;
	v9 =	vsel vm15, $0x0, v61  }
0x121: {  	[tilespmem:$0x1D140] =	vst v9;
	v9 =	vld [tilespmem:$0x1D0C0]  }
0x122: {  	[tilespmem:$0x1D220] =	vst v62  }
0x123: {  	[tilespmem:$0x1D200] =	vst v10  }
0x124: {  	[tilespmem:$0x1D210] =	vst v11  }
0x125: {  	s0 =	simm.s32 $0x0;
	[tilespmem:$0x1D230] =	vst v63  }
0x126: {  	[tilespmem:$0x1D240] =	vst v9;
	v9 =	vmov s0  }
0x127: {  	[tilespmem:s21], [sflag:$0x1] =	stream.indirect.gather [hbm4b:s1+s19], $0x80, s20, s19, $0xb8;
	[tilespmem:$0x1FA80] =	vst v63  }
0x128: {  	_ =	swait.ge [sflag:s11], $0x2800  }
0x129: {  	[sflag:s11] =	ssyncset.done $0x0  }
0x12a: {  	[sflag:s11] =	ssyncadd.s32 $0xFFFFD800  }
0x12b: {  	v10 =	vld.idx.msk [tilespmem:v9+s17+$0x0], $0xffff;
	_ =	sdelay $0x4  }
0x12c: {  	(v2sf) =	vpush v10, $0x0;
	_ =	sdelay $0xe  }
0x12d: {  	s24 =	simm.s32 $0x1D2A0;
	v9 =	vld.idx.msk [tilespmem:v9+s18+$0x0], $0xffff;
	s30 =	spop (v2sf)  }
0x12e: {  	v10 =	vld [tilespmem:s24+$0xFFFFFFE0];
	s0 =	sshll.u32 s30, $0x9  }
0x12f: {  	s26 =	sshra.s32 s0, $0x2  }
0x130: {  	v11 =	vld [tilespmem:s26+$0x5180];
	_ =	sdelay $0x2  }
0x131: {  	v10 =	vmul.f32 v10, v9;
	_ =	sdelay $0x1  }
0x132: {  	v10 =	vadd.f32 v10, v11;
	_ =	sdelay $0x1  }
0x133: {  	[tilespmem:s26+$0x5180] =	vst v10  }
0x134: {  	v10 =	vld [tilespmem:s24+$0xFFFFFFF0];
	_ =	sdelay $0x1  }
0x135: {  	v11 =	vld [tilespmem:s26+$0x5190];
	_ =	sdelay $0x2  }
0x136: {  	v10 =	vmul.f32 v10, v9;
	_ =	sdelay $0x1  }
0x137: {  	v10 =	vadd.f32 v10, v11;
	_ =	sdelay $0x1  }
0x138: {  	[tilespmem:s26+$0x5190] =	vst v10  }
0x139: {  	v10 =	vld [tilespmem:s24+$0x0];
	_ =	sdelay $0x1  }
0x13a: {  	v11 =	vld [tilespmem:s26+$0x51A0];
	_ =	sdelay $0x2  }
0x13b: {  	v10 =	vmul.f32 v10, v9;
	_ =	sdelay $0x1  }
0x13c: {  	v10 =	vadd.f32 v10, v11;
	_ =	sdelay $0x1  }
0x13d: {  	[tilespmem:s26+$0x51A0] =	vst v10  }
0x13e: {  	v10 =	vld [tilespmem:s24+$0x10];
	_ =	sdelay $0x1  }
0x13f: {  	v11 =	vld [tilespmem:s26+$0x51B0];
	_ =	sdelay $0x1  }
0x140: {  	s31 =	simm.s32 $0x1  }
0x141: {  	v10 =	vmul.f32 v10, v9;
	v9 =	vmov s31;
	_ =	sdelay $0x1  }
0x142: {  	s25 =	simm.s32 $0x2;
	v10 =	vadd.f32 v10, v11  }
.LBB2_16:
0x143: {  	p0 =	sne.s32 s25, $0x4F  }
0x144: {  	s24 =	sadd.s32 $0x80, s24;
	s0 =	smov.u32 s25;
	s25 =	sadd.s32 $0x1, s25;
	[tilespmem:s26+$0x51B0] =	vst v10  }
0x145: {  	v10 =	vld.idx.msk [tilespmem:v9+s17+$0x0], $0xffff;
	_ =	sdelay $0x5  }
0x146: {  	(v2sf) =	vpush v10, $0x0;
	_ =	sdelay $0xe  }
0x147: {  	v10 =	vld.idx.msk [tilespmem:v9+s18+$0x0], $0xffff;
	s26 =	spop (v2sf)  }
0x148: {  	s26 =	sshll.u32 s26, $0x9;
	v9 =	vld [tilespmem:s24+$0xFFFFFFE0]  }
0x149: {  	s26 =	sshra.s32 s26, $0x2  }
0x14a: {  	v11 =	vld [tilespmem:s26+$0x5180];
	_ =	sdelay $0x2  }
0x14b: {  	v9 =	vmul.f32 v9, v10;
	_ =	sdelay $0x1  }
0x14c: {  	v9 =	vadd.f32 v9, v11;
	_ =	sdelay $0x1  }
0x14d: {  	[tilespmem:s26+$0x5180] =	vst v9  }
0x14e: {  	v9 =	vld [tilespmem:s24+$0xFFFFFFF0];
	_ =	sdelay $0x1  }
0x14f: {  	v11 =	vld [tilespmem:s26+$0x5190];
	_ =	sdelay $0x2  }
0x150: {  	v9 =	vmul.f32 v9, v10;
	_ =	sdelay $0x1  }
0x151: {  	v9 =	vadd.f32 v9, v11;
	_ =	sdelay $0x1  }
0x152: {  	[tilespmem:s26+$0x5190] =	vst v9  }
0x153: {  	v9 =	vld [tilespmem:s24+$0x0];
	_ =	sdelay $0x1  }
0x154: {  	v11 =	vld [tilespmem:s26+$0x51A0];
	_ =	sdelay $0x2  }
0x155: {  	v9 =	vmul.f32 v9, v10;
	_ =	sdelay $0x1  }
0x156: {  	v9 =	vadd.f32 v9, v11;
	_ =	sdelay $0x1  }
0x157: {  	[tilespmem:s26+$0x51A0] =	vst v9  }
0x158: {  	v11 =	vld [tilespmem:s24+$0x10];
	_ =	sdelay $0x1  }
0x159: {  	v12 =	vld [tilespmem:s26+$0x51B0]  }
.Ltmp10:
0x15a: {  	(pc) =	sbr.rel @p0 .LBB2_16-.Ltmp10, $3  }
0x15b: {  	_ = 	snop  }
0x15c: {  	v9 =	vmov s0;
	v10 =	vmul.f32 v11, v10;
	_ =	sdelay $0x1  }
0x15d: {  	v10 =	vadd.f32 v10, v12  }
0x15e: {  	_ =	sdelay $0x2  }
0x15f: {  	[tilespmem:s26+$0x51B0] =	vst v10  }
0x160: {  	v10 =	vld.idx.msk [tilespmem:v9+s17+$0x0], $0xffff;
	_ =	sdelay $0x4  }
0x161: {  	(v2sf) =	vpush v10, $0x0;
	_ =	sdelay $0xe  }
0x162: {  	s0 =	sadd.s32 $0x80, s24;
	v9 =	vld.idx.msk [tilespmem:v9+s18+$0x0], $0xffff;
	s31 =	spop (v2sf)  }
0x163: {  	v10 =	vld [tilespmem:s0+$0xFFFFFFE0];
	s24 =	sshll.u32 s31, $0x9  }
0x164: {  	s24 =	sshra.s32 s24, $0x2  }
0x165: {  	v11 =	vld [tilespmem:s24+$0x5180];
	_ =	sdelay $0x2  }
0x166: {  	v10 =	vmul.f32 v10, v9;
	_ =	sdelay $0x1  }
0x167: {  	v10 =	vadd.f32 v10, v11;
	_ =	sdelay $0x1  }
0x168: {  	[tilespmem:s24+$0x5180] =	vst v10  }
0x169: {  	v10 =	vld [tilespmem:s0+$0xFFFFFFF0];
	_ =	sdelay $0x1  }
0x16a: {  	v11 =	vld [tilespmem:s24+$0x5190];
	_ =	sdelay $0x2  }
0x16b: {  	v10 =	vmul.f32 v10, v9;
	_ =	sdelay $0x1  }
0x16c: {  	v10 =	vadd.f32 v10, v11;
	_ =	sdelay $0x1  }
0x16d: {  	[tilespmem:s24+$0x5190] =	vst v10  }
0x16e: {  	v10 =	vld [tilespmem:s0+$0x0];
	_ =	sdelay $0x1  }
0x16f: {  	v11 =	vld [tilespmem:s24+$0x51A0];
	_ =	sdelay $0x2  }
0x170: {  	v10 =	vmul.f32 v10, v9;
	_ =	sdelay $0x1  }
0x171: {  	v10 =	vadd.f32 v10, v11;
	_ =	sdelay $0x1  }
0x172: {  	[tilespmem:s24+$0x51A0] =	vst v10  }
0x173: {  	v10 =	vld [tilespmem:s0+$0x10];
	_ =	sdelay $0x1  }
0x174: {  	v11 =	vld [tilespmem:s24+$0x51B0];
	_ =	sdelay $0x2  }
0x175: {  	v9 =	vmul.f32 v10, v9;
	_ =	sdelay $0x1  }
0x176: {  	v9 =	vadd.f32 v9, v11;
	_ =	sdelay $0x1  }
0x177: {  	[tilespmem:s24+$0x51B0] =	vst v9  }
0x178: {  	v9 =	vld [tilespmem:$0x1D0D0]  }
0x179: {  	v10 =	vld [tilespmem:$0x1D150]  }
0x17a: {  	v11 =	vld [tilespmem:$0x1D1D0];
	_ =	sdelay $0x2  }
0x17b: {  	s23 =	sadd.s32 $0x1, s23;
	[tilespmem:$0x1D080] =	vst v9  }
0x17c: {  	p0 =	sne.s32 s23, s9;
	[tilespmem:$0x1D100] =	vst v10  }
.Ltmp11:
0x17d: {  	[tilespmem:$0x1D180] =	vst v11;
	(pc) =	sbr.rel @p0 .LBB2_1-.Ltmp11, $4  }
0x17e: {  	[hbm4b:s10+s3] =	stream.linear.scatter [tilespmem:s22], [sflag:$0x1], $0x14000, $0x38;
	[tilespmem:$0x1FA80] =	vst v63  }
0x17f: {  	_ =	swait.ge [sflag:s11], $0x14000  }
0x180: {  	[sflag:s11] =	ssyncset.done $0x0  }
0x181: {  	[sflag:s11] =	ssyncadd.s32 $0xFFFEC000  }
0x182: {  	_ =	sfence.sel $0x180000  }
0x183: {  	[bflag:$0x0] =	sbarrier.arrive $0xFFFF  }
0x184: {  	_ =	strace $0x9000004A  }
0x185: {  	[bflag:$0x2] =	sbarrier.arrive $0xFFFF  }
0x186: {  	p0 =	sne.s32 s4, $0x0;
	s0 =	rddreg [dreg:$0x3]  }
0x187: {  	s0 =	sadd.s32 @!p0 $0x100000, s0  }
0x188: {  	[sflag:s0] =	ssyncadd.tile.s32 @!p0 $0x1;
	_ =	shalt  }
.Lfunc_end2:
_tile_overlayer_lowered:
.L_overlay_start_2:
0x189: {  	(tag) =	ssettag $0x2  }
0x18a: {  	s0 =	rddreg [dreg:$0x0];
	s2 =	stileid.u32  }
0x18b: {  	s1 =	rddreg [dreg:$0x1];
	p0 =	sne.s32 s2, $0x0  }
0x18c: {  	s3 =	rddreg [dreg:$0x2];
	[bflag:$0x3] =	sbarrier.arrive $0xFFFF;
	s2 =	simm.s32 @!p0 $0x1C01  }
0x18d: {  	[timem:s3], [sflag:s2] =	dma.local @!p0 [hbm:s0], s1  }
0x18e: {  	s0 =	simm.s32 @!p0 $0x1  }
0x18f: {  	_ =	swait.ge @!p0 [sflag:s0], s1  }
0x190: {  	s1 =	ssub.s32 @!p0 $0x0, s1;
	[sflag:s0] =	ssyncset.done @!p0 $0x0  }
0x191: {  	[sflag:s0] =	ssyncadd.s32 @!p0 s1  }
0x192: {  	[bflag:$0x3] =	sbarrier.arrive $0xFFFF  }
0x193: {  	_ =	shalt  }

// kernel: kernel.16.cloned.1.call-start
scs
__scs_entry_jumppad:
0x0: {  	(pc) =	sbr.rel $0x88, $3  }
0x1: {  	(tag) =	ssettag $0x0;
	lr =	simm.s32 $0x1  }
0x2: {  	[smem:$0x3F8B] =	sst lr;
	_ =	strace $0xD0000000  }
0x3: {  	_ = 	snop  }
0x4: {  	_ = 	snop  }
0x5: {  	_ = 	snop  }
0x6: {  	_ = 	snop  }
0x7: {  	_ = 	snop  }
__scs_overlays_trampoline_lowered:
0x8: {  	[smem:$0x3F9A] =	sst s0  }
0x9: {  	[smem:$0x3F9B] =	sst s1  }
0xa: {  	[smem:$0x3F9C] =	sst s2  }
0xb: {  	[smem:$0x3F9D] =	sst s3  }
0xc: {  	[smem:$0x3F9E] =	sst s4  }
0xd: {  	[smem:$0x3F9F] =	sst s5  }
0xe: {  	[smem:$0x3FA0] =	sst s6  }
0xf: {  	[smem:$0x3FA1] =	sst s7  }
0x10: {  	[smem:$0x3FA2] =	sst s8  }
0x11: {  	[smem:$0x3FA3] =	sst s9;
	s0 =	simm.s32 @!p0 $0x0  }
0x12: {  	s1 =	sld [smem:$0x3F89];
	s0 =	simm.s32 @p0 $0x1  }
0x13: {  	[smem:$0x3FA4] =	sst s0;
	s0 =	simm.s32 @!p1 $0x0  }
0x14: {  	s2 =	sld [smem:$0x3F88];
	s0 =	simm.s32 @p1 $0x1  }
0x15: {  	[smem:$0x3FA5] =	sst s0;
	s0 =	simm.s32 @!p2 $0x0  }
0x16: {  	s3 =	sld [smem:$0x3FDB];
	s0 =	simm.s32 @p2 $0x1  }
0x17: {  	s4 =	simm.s32 $0x1BF5;
	[smem:$0x3FA7] =	sst s0  }
0x18: {  	s0 =	sld [smem:$0x3F8A];
	_ =	swait.ge [sflag:s4], $0x0  }
0x19: {  	s7 =	sld [smem:$0x3F8B]  }
0x1a: {  	s8 =	sadd.s32 $0xFFFFE003, lr  }
0x1b: {  	s9 =	sadd.s32 $0xFFFFFEF7, lr;
	s5 =	simm.s32 $0xFFFFFFFF;
	p2 =	slt.u32 s8, $0xFFFFF086  }
0x1c: {  	p1 =	slt.u32 s9, $0xF7A;
	s5 =	simm.s32 @!p2 $0x0  }
0x1d: {  	s5 =	simm.s32 @p1 $0x1;
	p0 =	seq.s32 s7, s2  }
0x1e: {  	s7 =	smul.u32 @!p0 $0xF7A, s2;
	p2 =	seq.s32 @!p0 s5, $0x0  }
0x1f: {  	s9 =	smul.u32 $0xF7A, s1;
	s8 =	simm.s32 @!p0 $0x1BF5;
	p2 =	por !p2, p0  }
0x20: {  	[sflag:s8] =	ssyncset.s32 @!p0 $0xFFFFF086;
	s6 =	sadd.s32 @!p0 s3, s7;
	s7 =	simm.s32 @!p0 $0x108  }
0x21: {  	s3 =	sadd.s32 s3, s9;
	s6 =	sadd.s32 @!p0 $0x88, s6;
	s7 =	simm.s32 @p2 $0x1082  }
0x22: {  	[simem:s7], [sflag:s8] =	dma.local @!p0 [hbm:s6], $0xF7A  }
0x23: {  	s9 =	sor.u32 $0xD0000000, s2;
	s6 =	simm.s32 $0x108;
	_ =	swait.ge @!p0 [sflag:s8], $0x0  }
0x24: {  	s3 =	sadd.s32 $0x88, s3;
	s6 =	simm.s32 @!p1 $0x1082;
	[sflag:s4] =	ssyncset.s32 $0xFFFFF086  }
0x25: {  	[simem:s6], [sflag:s4] =	dma.local [hbm:s3], $0xF7A  }
0x26: {  	[smem:$0x3F8B] =	sst s1;
	(tag) =	ssettag s2;
	_ =	strace s9  }
0x27: {  	s1 =	sld [smem:$0x3F9B]  }
0x28: {  	s2 =	sld [smem:$0x3F9C]  }
0x29: {  	s4 =	sld [smem:$0x3F9E]  }
0x2a: {  	p0 =	seq.s32 s5, $0x0;
	s5 =	sld [smem:$0x3F9F]  }
0x2b: {  	s6 =	sld [smem:$0x3FA0]  }
0x2c: {  	s7 =	sld [smem:$0x3FA1]  }
0x2d: {  	s3 =	simm.s32 $0x108;
	s8 =	sld [smem:$0x3FA2]  }
0x2e: {  	s3 =	simm.s32 @!p0 $0x1082;
	s9 =	sld [smem:$0x3FA3]  }
0x2f: {  	lr =	sadd.s32 s0, s3;
	s0 =	sld [smem:$0x3F9A]  }
0x30: {  	s3 =	sld [smem:$0x3F9D]  }
0x31: {  	[smem:$0x3FA6] =	sst s10  }
0x32: {  	s10 =	sld [smem:$0x3FA4];
	_ =	sdelay $0x3  }
0x33: {  	p0 =	seq.s32 s10, $0x1;
	s10 =	sld [smem:$0x3FA6];
	_ =	sdelay $0x3  }
0x34: {  	[smem:$0x3FA6] =	sst s10  }
0x35: {  	s10 =	sld [smem:$0x3FA5];
	_ =	sdelay $0x3  }
0x36: {  	p1 =	seq.s32 s10, $0x1;
	s10 =	sld [smem:$0x3FA6];
	_ =	sdelay $0x3  }
0x37: {  	[smem:$0x3FA6] =	sst s10  }
0x38: {  	s10 =	sld [smem:$0x3FA7]  }
0x39: {  	_ = 	snop;
	(pc) =	sbr.ind lr, $3  }
0x3a: {  	_ = 	snop  }
0x3b: {  	_ = 	snop  }
0x3c: {  	p2 =	seq.s32 s10, $0x1;
	s10 =	sld [smem:$0x3FA6]  }
0x3d: {  	_ =	shalt  }
0x3e: {  	_ =	shalt  }
0x3f: {  	_ =	shalt  }
0x40: {  	_ =	shalt  }
0x41: {  	_ =	shalt  }
0x42: {  	_ =	shalt  }
0x43: {  	_ =	shalt  }
0x44: {  	_ =	shalt  }
0x45: {  	_ =	shalt  }
0x46: {  	_ =	shalt  }
0x47: {  	_ =	shalt  }
0x48: {  	_ =	shalt  }
0x49: {  	_ =	shalt  }
0x4a: {  	_ =	shalt  }
0x4b: {  	_ =	shalt  }
0x4c: {  	_ =	shalt  }
0x4d: {  	_ =	shalt  }
0x4e: {  	_ =	shalt  }
0x4f: {  	_ =	shalt  }
0x50: {  	_ =	shalt  }
0x51: {  	_ =	shalt  }
0x52: {  	_ =	shalt  }
0x53: {  	_ =	shalt  }
0x54: {  	_ =	shalt  }
0x55: {  	_ =	shalt  }
0x56: {  	_ =	shalt  }
0x57: {  	_ =	shalt  }
0x58: {  	_ =	shalt  }
0x59: {  	_ =	shalt  }
0x5a: {  	_ =	shalt  }
0x5b: {  	_ =	shalt  }
0x5c: {  	_ =	shalt  }
0x5d: {  	_ =	shalt  }
0x5e: {  	_ =	shalt  }
0x5f: {  	_ =	shalt  }
0x60: {  	_ =	shalt  }
0x61: {  	_ =	shalt  }
0x62: {  	_ =	shalt  }
0x63: {  	_ =	shalt  }
0x64: {  	_ =	shalt  }
0x65: {  	_ =	shalt  }
0x66: {  	_ =	shalt  }
0x67: {  	_ =	shalt  }
0x68: {  	_ =	shalt  }
0x69: {  	_ =	shalt  }
0x6a: {  	_ =	shalt  }
0x6b: {  	_ =	shalt  }
0x6c: {  	_ =	shalt  }
0x6d: {  	_ =	shalt  }
0x6e: {  	_ =	shalt  }
0x6f: {  	_ =	shalt  }
0x70: {  	_ =	shalt  }
0x71: {  	_ =	shalt  }
0x72: {  	_ =	shalt  }
0x73: {  	_ =	shalt  }
0x74: {  	_ =	shalt  }
0x75: {  	_ =	shalt  }
0x76: {  	_ =	shalt  }
0x77: {  	_ =	shalt  }
0x78: {  	_ =	shalt  }
0x79: {  	_ =	shalt  }
0x7a: {  	_ =	shalt  }
0x7b: {  	_ =	shalt  }
0x7c: {  	_ =	shalt  }
0x7d: {  	_ =	shalt  }
0x7e: {  	_ =	shalt  }
0x7f: {  	_ =	shalt  }
0x80: {  	_ =	shalt  }
0x81: {  	_ =	shalt  }
0x82: {  	_ =	shalt  }
0x83: {  	_ =	shalt  }
0x84: {  	_ =	shalt  }
0x85: {  	_ =	shalt  }
0x86: {  	_ =	shalt  }
0x87: {  	_ =	shalt  }
.Lfunc_end0:
.L_simem_size_0:
called_computation.2_lowered:
.L_overlay_start_0:
0x88: {  	s2 =	sld [smem:$0x3FD9]  }
0x89: {  	s3 =	sld [smem:$0x3FFE];
	_ =	sdelay $0x1  }
0x8a: {  	s1 =	srdreg.scid  }
0x8b: {  	s0 =	sand.u32 $0x1, s1  }
0x8c: {  	s14 =	sshll.u32 s0, $0xA;
	s2 =	sadd.s32 s3, s2  }
0x8d: {  	s2 =	sadd.s32 s2, s14  }
0x8e: {  	[smem:$0x3FB2] =	sst s2  }
0x8f: {  	_ = 	snop  }
0x90: {  	s2 =	sld [smem:$0x3FD0];
	_ =	sdelay $0x2  }
0x91: {  	s15 =	simm.s32 $0xA;
	s4 =	simm.s32 $0x10  }
0x92: {  	[smem:s4], [sflag:s15] =	dma.local [hbm:s2], $0x1  }
0x93: {  	_ =	swait.eq [sflag:s15], $0x1  }
0x94: {  	[sflag:s15] =	ssyncset.done $0x0  }
0x95: {  	s16 =	sld [smem:$0x10];
	[sflag:s15] =	ssyncadd.s32 $0xFFFFFFFF  }
0x96: {  	s17 =	sld [smem:$0x11];
	(tm) =	ssettm $0x1  }
0x97: {  	s18 =	sld [smem:$0x3FFB];
	_ =	sdelay $0x3  }
0x98: {  	_ =	strace s18  }
0x99: {  	s4 =	sld [smem:$0x3FFC];
	_ =	sdelay $0x3  }
0x9a: {  	_ =	strace s4  }
0x9b: {  	s4 =	sld [smem:$0x3FFD];
	_ =	sdelay $0x3  }
0x9c: {  	_ =	strace s4  }
0x9d: {  	_ =	strace $0x8FFFFFFF  }
0x9e: {  	s19 =	sld [smem:$0x3FDB];
	_ =	sdelay $0x1  }
0x9f: {  	s5 =	simm.s32 $_scs_section_size  }
0xa0: {  	s6 =	simm.s32 $_size__tile_overlayer_lowered;
	s7 =	simm.s32 $_tile_overlayer_lowered  }
0xa1: {  	s22 =	simm.s32 $0x1BFF;
	s21 =	sshll.u32 s7, $0x1;
	s4 =	sadd.s32 s5, s19  }
0xa2: {  	s8 =	simm.s32 $0x0;
	s20 =	sshll.u32 s6, $0x1;
	s6 =	sadd.s32 s21, s4  }
0xa3: {  	[timem:s8], [sflag:s22] =	dma.local [hbm:s6], s20  }
0xa4: {  	_ =	swait.ge [sflag:s22], s20  }
0xa5: {  	s5 =	ssub.s32 $0x0, s20;
	[sflag:s22] =	ssyncset.done $0x0  }
0xa6: {  	[sflag:s22] =	ssyncadd.s32 s5;
	_ =	sdelay $0x1  }
0xa7: {  	s23 =	simm.s32 $0x1B8B  }
0xa8: {  	_ =	swait.ge [sflag:s23], $0x1  }
0xa9: {  	[sflag:s23] =	ssyncset.done $0x0  }
0xaa: {  	s25 =	simm.s32 $0x1B8E;
	s24 =	sld [smem:$0x3FFE];
	[sflag:s23] =	ssyncadd.s32 $0xFFFFFFFF  }
0xab: {  	s26 =	simm.s32 $execute0_lowered;
	[smem:$0x3FD2] =	sst s25  }
0xac: {  	s6 =	sshll.u32 s26, $0x1;
	_ =	strace $0x8000004C;
	[dreg:$0x1] =	wrdreg $0xFFFFFFFF  }
0xad: {  	s28 =	simm.s32 $_size_execute0_lowered;
	s4 =	sadd.s32 s4, s6;
	[dreg:$0x0] =	wrdreg $0x0  }
0xae: {  	s6 =	sshll.u32 s28, $0x1;
	[dreg:$0x2] =	wrdreg s4  }
0xaf: {  	[dreg:$0x3] =	wrdreg s6  }
0xb0: {  	[dreg:$0x4] =	wrdreg $0xC0  }
0xb1: {  	_ =	task [dreg:s8], $0x5FFFF  }
0xb2: {  	[dreg:$0x1] =	wrdreg $0xFFFFFFFF  }
0xb3: {  	[dreg:$0x0] =	wrdreg $0x60  }
0xb4: {  	[dreg:$0x2] =	wrdreg s16  }
0xb5: {  	[dreg:$0x3] =	wrdreg s24  }
0xb6: {  	[dreg:$0x4] =	wrdreg s17  }
0xb7: {  	[dreg:$0x5] =	wrdreg $0x9  }
0xb8: {  	_ =	task.clear_ibuf [dreg:s8], $0x6FFFF;
	_ =	strace $0x9000004C  }
0xb9: {  	s29 =	simm.s32 $0x9;
	_ =	strace $0x8000004E  }
0xba: {  	_ =	swait.ge [sflag:s29], $0x1  }
0xbb: {  	[sflag:s29] =	ssyncadd.s32 $0xFFFFFFFF  }
0xbc: {  	_ =	strace $0x9000004E  }
0xbd: {  	_ =	sfence  }
0xbe: {  	s30 =	sld [smem:$0x0];
	_ =	sdelay $0x2  }
0xbf: {  	s31 =	sshll.u32 s1, $0xD;
	s1 =	sshrl.u32 s1, $0x2  }
0xc0: {  	s3 =	sand.u32 $0x4000, s31;
	s1 =	sadd.s32 s1, s30  }
0xc1: {  	s0 =	sor.u32 s3, s0;
	s1 =	sshll.u32 s1, $0x11  }
0xc2: {  	s0 =	sor.u32 s1, s0  }
0xc3: {  	s0 =	sadd.s32 $0x8F2B, s0  }
0xc4: {  	[sflag:s0] =	ssyncadd.remote.s32 $0x1  }
0xc5: {  	_ =	sfence.sel $0xFFFF  }
0xc6: {  	[dreg:$0x0] =	wrdreg $0xFFFFFFFF;
	(pc) =	sbr.abs _section_cstart, $3  }
0xc7: {  	[dreg:$0x1] =	wrdreg $0xFFFFFFFF  }
0xc8: {  	_ =	task.clear_ibuf [dreg:s8], $0x2FFFF;
	_ =	strace $0x9FFFFFFF  }
0xc9: {  	(tm) =	ssettm $0x7FFFFFFF  }
tec
execute0_lowered:
.L_overlay_start_1:
0x0: {  	(tag) =	ssettag $0x1  }
0x1: {  	s1 =	rddreg [dreg:$0x0]  }
0x2: {  	s0 =	rddreg [dreg:$0x1]  }
0x3: {  	s2 =	rddreg [dreg:$0x2];
	s3 =	simm.s32 $0x0;
	s4 =	srdreg.scid  }
0x4: {  	s11 =	simm.s32 $0x3E400;
	s13 =	simm.s32 $0x19180;
	s14 =	simm.s32 $0x1B100  }
0x5: {  	s16 =	simm.s32 $0x1D080;
	s17 =	simm.s32 $0x1D100;
	s18 =	simm.s32 $0x1D180  }
0x6: {  	s19 =	simm.s32 $0x50;
	s20 =	simm.s32 $0x1D200;
	s21 =	simm.s32 $0x1D280  }
0x7: {  	s22 =	simm.s32 $0x5180;
	s23 =	simm.s32 $0x0;
	[smem:$0x7FF] =	sst s3  }
0x8: {  	s8 =	sand.u32 $0x1, s4;
	s5 =	sadd.s32 $0x1E00, s0;
	s4 =	stileid.u32  }
0x9: {  	s6 =	sadd.s32 $0xC600, s0;
	s7 =	sadd.s32 $0x2800, s0;
	s12 =	smul.u32 $0x280, s4  }
0xa: {  	_ =	strace $0x8000004D;
	s9 =	ssub.s32 $0x2, s8;
	s31 =	smul.u32 $0x2800, s4  }
0xb: {  	v8 =	vlaneseq.u32;
	p0 =	seq.s32 s8, $0x1;
	s8 =	smul.u32 $0x27100, s8;
	s10 =	sshrl.u32 s9, $0x1  }
0xc: {  	v2 =	vimm.f32 $0.0e+00;
	v3 =	vimm.s32 $0x0;
	v4 =	vadd.s32 $0x1, v8;
	s11 =	simm.s32 @!p0 $0x16400;
	s9 =	ssub.s32 s9, s10;
	s15 =	sadd.s32 $0x280, s12  }
0xd: {  	v5 =	vadd.s32 $0x11, v8;
	v6 =	vadd.s32 $0x21, v8;
	s0 =	sadd.s32 s11, s0;
	s11 =	simm.s32 $0x1;
	v0 =	vmov s12;
	s12 =	simm.s32 $0x2780  }
0xe: {  	v7 =	vadd.s32 $0x31, v8;
	v8 =	vadd.s32 $0x41, v8;
	s9 =	smax.u32 s9, $0x1;
	s10 =	sadd.s32 s0, s31;
	v1 =	vmov s15;
	s15 =	simm.s32 $0x4F00  }
.LBB2_1:
0xf: {  	[tilespmem:s3], [sflag:$0x1] =	stream.linear.gather [hbm4b:s5+s3], $0x2780, $0x38;
	[tilespmem:$0x1FA80] =	vst v63  }
0x10: {  	_ =	swait.ge [sflag:s11], $0x2780  }
0x11: {  	[sflag:s11] =	ssyncset.done $0x0  }
0x12: {  	[sflag:s11] =	ssyncadd.s32 $0xFFFFD880  }
0x13: {  	[tilespmem:s12], [sflag:$0x1] =	stream.linear.gather [hbm4b:s2+s3], $0x2780, $0x38;
	[tilespmem:$0x1FA80] =	vst v63  }
0x14: {  	_ =	swait.ge [sflag:s11], $0x2780  }
0x15: {  	[sflag:s11] =	ssyncset.done $0x0  }
0x16: {  	[sflag:s11] =	ssyncadd.s32 $0xFFFFD880  }
0x17: {  	[tilespmem:$0x4F00] =	vst v2  }
0x18: {  	[tilespmem:$0x4F10] =	vst v2  }
0x19: {  	[tilespmem:$0x4F20] =	vst v2  }
0x1a: {  	[tilespmem:$0x4F30] =	vst v2  }
0x1b: {  	[tilespmem:$0x4F40] =	vst v2  }
0x1c: {  	[tilespmem:$0x4F50] =	vst v2  }
0x1d: {  	[tilespmem:$0x4F60] =	vst v2  }
0x1e: {  	[tilespmem:$0x4F70] =	vst v2  }
0x1f: {  	[tilespmem:$0x4F80] =	vst v2  }
0x20: {  	[tilespmem:$0x4F90] =	vst v2  }
0x21: {  	[tilespmem:$0x4FA0] =	vst v2  }
0x22: {  	[tilespmem:$0x4FB0] =	vst v2  }
0x23: {  	[tilespmem:$0x4FC0] =	vst v2  }
0x24: {  	[tilespmem:$0x4FD0] =	vst v2  }
0x25: {  	[tilespmem:$0x4FE0] =	vst v2  }
0x26: {  	[tilespmem:$0x4FF0] =	vst v2  }
0x27: {  	[tilespmem:$0x5000] =	vst v2  }
0x28: {  	[tilespmem:$0x5010] =	vst v2  }
0x29: {  	[tilespmem:$0x5020] =	vst v2  }
0x2a: {  	[tilespmem:$0x5030] =	vst v2  }
0x2b: {  	[tilespmem:$0x5040] =	vst v2  }
0x2c: {  	[tilespmem:$0x5050] =	vst v2  }
0x2d: {  	[tilespmem:$0x5060] =	vst v2  }
0x2e: {  	[tilespmem:$0x5070] =	vst v2  }
0x2f: {  	[tilespmem:$0x5080] =	vst v2  }
0x30: {  	[tilespmem:$0x5090] =	vst v2  }
0x31: {  	[tilespmem:$0x50A0] =	vst v2  }
0x32: {  	[tilespmem:$0x50B0] =	vst v2  }
0x33: {  	[tilespmem:$0x50C0] =	vst v2  }
0x34: {  	[tilespmem:$0x50D0] =	vst v2  }
0x35: {  	[tilespmem:$0x50E0] =	vst v2  }
0x36: {  	[tilespmem:$0x50F0] =	vst v2  }
0x37: {  	[tilespmem:$0x5100] =	vst v2  }
0x38: {  	[tilespmem:$0x5110] =	vst v2  }
0x39: {  	[tilespmem:$0x5120] =	vst v2  }
0x3a: {  	[tilespmem:$0x5130] =	vst v2  }
0x3b: {  	[tilespmem:$0x5140] =	vst v2  }
0x3c: {  	s0 =	sand.u32 $0x7FE00, s3;
	[tilespmem:$0x5150] =	vst v2  }
0x3d: {  	s24 =	sand.u32 $0x30, s3;
	s25 =	sshrl.u32 s0, $0x2;
	[tilespmem:$0x5160] =	vst v2  }
0x3e: {  	s0 =	simm.s32 $0x80;
	s26 =	sor.u32 s24, s25;
	s25 =	simm.s32 $0x0;
	[tilespmem:$0x5170] =	vst v2  }
.LBB2_2:
0x3f: {  	p0 =	sne.s32 s0, $0x4FF80  }
0x40: {  	[tilespmem:s26+$0x5180] =	vst v2;
	s25 =	sadd.s32 $0x10, s25;
	s24 =	smov.u32 s0;
	s0 =	sadd.s32 $0x80, s0  }
.Ltmp0:
0x41: {  	(pc) =	sbr.rel @p0 .LBB2_2-.Ltmp0, $4  }
0x42: {  	_ = 	snop  }
0x43: {  	s24 =	sand.u32 $0x7FE00, s24  }
0x44: {  	s26 =	sand.u32 $0x30, s25;
	s24 =	sshrl.u32 s24, $0x2  }
0x45: {  	s26 =	sor.u32 s26, s24;
	s24 =	simm.s32 $0x0  }
0x46: {  	[tilespmem:s26+$0x5180] =	vst v2;
	s26 =	simm.s32 $0x0  }
.LBB2_4:
0x47: {  	s0 =	smul.u32 $0x3E8, s26;
	_ =	sdelay $0x1  }
0x48: {  	s25 =	sadd.s32 s6, s0  }
0x49: {  	[tilespmem:s13], [sflag:$0x1] =	stream.linear.gather [hbm4b:s25+s24], $0x1F40, $0x38;
	[tilespmem:$0x1FA80] =	vst v63  }
0x4a: {  	_ =	swait.ge [sflag:s11], $0x1F40  }
0x4b: {  	[sflag:s11] =	ssyncset.done $0x0  }
0x4c: {  	s0 =	sadd.s32 s7, s0;
	[sflag:s11] =	ssyncadd.s32 $0xFFFFE0C0  }
0x4d: {  	[tilespmem:s14], [sflag:$0x1] =	stream.linear.gather [hbm4b:s0+s24], $0x1F40, $0x38;
	[tilespmem:$0x1FA80] =	vst v63  }
0x4e: {  	_ =	swait.ge [sflag:s11], $0x1F40  }
0x4f: {  	[sflag:s11] =	ssyncset.done $0x0  }
0x50: {  	s25 =	simm.s32 $0x0;
	[sflag:s11] =	ssyncadd.s32 $0xFFFFE0C0  }
0x51: {  	s0 =	simm.s32 $0x40;
	v9 =	vld [tilespmem:s25+$0x19180]  }
.LBB2_5:
0x52: {  	p0 =	sne.s32 s0, $0x7CC0;
	v10 =	vld [tilespmem:s25+$0x1B100];
	_ =	sdelay $0x6  }
0x53: {  	v9 =	vld.idx.msk [tilespmem:v9+s3+$0x0], $0xffff  }
0x54: {  	v11 =	vld.idx.msk [tilespmem:v10+s12+$0x0], $0xffff;
	_ =	sdelay $0x5  }
0x55: {  	v9 =	vadd.f32 v11, v9;
	_ =	sdelay $0x1  }
0x56: {  	v11 =	vmul.f32 $2.000000030e-01, v9  }
0x57: {  	vm0 =	vge.f32 v9, $0.0e+00  }
0x58: {  	v9 =	vsel vm0, v9, v11  }
0x59: {  	v9 =	vmul.f32 $1.442695020e+00, v9;
	_ =	sdelay $0x1  }
0x5a: {  	(erf) = vpow2.f32 v9;
	_ =	sdelay $0x2  }
0x5b: {  	vm1 =	vlt.s32 v10, v1;
	vm0 =	vge.s32 v10, v0  }
0x5c: {  	vm0 =	vmand vm0, vm1;
	v9 =	vsub.s32 v10, v0  }
0x5d: {  	v9 =	vnsel vm0, $0x0, v9;
	_ =	sdelay $0x1  }
.Ltmp1:
0x5e: {  	(pc) =	sbr.rel @p0 .LBB2_5-.Ltmp1, $4  }
0x5f: {  	_ = 	snop  }
0x60: {  	v10 =	vpop (erf)  }
0x61: {  	s25 =	sshra.s32 s0, $0x2;
	[tilespmem:v9+s15+$0x0] =	vst.idx.add.f32.msk vm0, v10  }
0x62: {  	s0 =	sadd.s32 $0x40, s0;
	v9 =	vld [tilespmem:s25+$0x19180]  }
0x63: {  	_ = 	snop  }
0x64: {  	v10 =	vld [tilespmem:s25+$0x1B100];
	_ =	sdelay $0x6  }
0x65: {  	v9 =	vld.idx.msk [tilespmem:v9+s3+$0x0], $0xffff  }
0x66: {  	v11 =	vld.idx.msk [tilespmem:v10+s12+$0x0], $0xffff;
	_ =	sdelay $0x4  }
0x67: {  	v9 =	vadd.f32 v11, v9;
	_ =	sdelay $0x1  }
0x68: {  	v11 =	vmul.f32 $2.000000030e-01, v9  }
0x69: {  	vm0 =	vge.f32 v9, $0.0e+00  }
0x6a: {  	v9 =	vsel vm0, v9, v11  }
0x6b: {  	v9 =	vmul.f32 $1.442695020e+00, v9;
	_ =	sdelay $0x1  }
0x6c: {  	(erf) = vpow2.f32 v9;
	_ =	sdelay $0x2  }
0x6d: {  	vm15 =	vge.s32 v10, v0;
	vm1 =	vlt.s32 v10, v1  }
0x6e: {  	s26 =	sadd.s32 $0x1, s26;
	vm0 =	vmand vm15, vm1;
	v9 =	vsub.s32 v10, v0  }
0x6f: {  	p0 =	sne.s32 s26, $0x28;
	v9 =	vnsel vm0, $0x0, v9  }
.Ltmp2:
0x70: {  	_ = 	snop;
	(pc) =	sbr.rel @p0 .LBB2_4-.Ltmp2, $3  }
0x71: {  	_ =	sdelay $0x1  }
0x72: {  	v10 =	vpop (erf)  }
0x73: {  	s25 =	simm.s32 $0x0;
	[tilespmem:v9+s15+$0x0] =	vst.idx.add.f32.msk vm0, v10  }
.Ltmp3:
0x74: {  	(pc) =	sbr.rel .LBB2_8-.Ltmp3, $2  }
0x75: {  	_ =	sdelay $0x2  }
0x76: {  	s24 =	simm.s32 $0x0;
	s26 =	simm.s32 $0x0  }
.LBB2_14:
0x77: {  	s26 =	sadd.s32 $0x1, s26  }
0x78: {  	p0 =	sne.s32 s26, $0x14  }
.Ltmp4:
0x79: {  	_ = 	snop;
	(pc) =	sbr.rel @!p0 .LBB2_15-.Ltmp4, $1  }
0x7a: {  	_ =	sdelay $0x3  }
.LBB2_8:
0x7b: {  	s0 =	smul.u32 $0x1F40, s26;
	_ =	sdelay $0x1  }
0x7c: {  	s0 =	sadd.s32 s8, s0  }
0x7d: {  	s0 =	sshrl.u32 s0, $0x3  }
0x7e: {  	s28 =	sadd.s32 s6, s0  }
0x7f: {  	[tilespmem:s13], [sflag:$0x1] =	stream.linear.gather [hbm4b:s28+s25], $0x1F40, $0x38;
	[tilespmem:$0x1FA80] =	vst v63  }
0x80: {  	_ =	swait.ge [sflag:s11], $0x1F40  }
0x81: {  	[sflag:s11] =	ssyncset.done $0x0  }
.Ltmp5:
0x82: {  	s0 =	sadd.s32 s7, s0;
	[sflag:s11] =	ssyncadd.s32 $0xFFFFE0C0;
	(pc) =	sbr.rel .LBB2_9-.Ltmp5, $4  }
0x83: {  	[tilespmem:s14], [sflag:$0x1] =	stream.linear.gather [hbm4b:s0+s25], $0x1F40, $0x38;
	[tilespmem:$0x1FA80] =	vst v63  }
0x84: {  	_ =	swait.ge [sflag:s11], $0x1F40  }
0x85: {  	[sflag:s11] =	ssyncset.done $0x0  }
0x86: {  	s28 =	simm.s32 $0x0;
	[sflag:s11] =	ssyncadd.s32 $0xFFFFE0C0  }
.LBB2_12:
0x87: {  	_ =	sdelay $0x2  }
0x88: {  	[tilespmem:s31+$0x51B0] =	vst v10  }
0x89: {  	v10 =	vld.idx.msk [tilespmem:v9+s17+$0x0], $0xffff;
	_ =	sdelay $0x4  }
0x8a: {  	(v2sf) =	vpush v10, $0x0;
	_ =	sdelay $0xe  }
0x8b: {  	s0 =	sadd.s32 $0x80, s29;
	v9 =	vld.idx.msk [tilespmem:v9+s18+$0x0], $0xffff;
	s31 =	spop (v2sf)  }
0x8c: {  	v10 =	vld [tilespmem:s0+$0xFFFFFFE0];
	s29 =	sshll.u32 s31, $0x9  }
0x8d: {  	s29 =	sshra.s32 s29, $0x2  }
0x8e: {  	v11 =	vld [tilespmem:s29+$0x5180];
	_ =	sdelay $0x2  }
0x8f: {  	v10 =	vmul.f32 v10, v9;
	_ =	sdelay $0x1  }
0x90: {  	v10 =	vadd.f32 v10, v11;
	_ =	sdelay $0x1  }
0x91: {  	[tilespmem:s29+$0x5180] =	vst v10  }
0x92: {  	v10 =	vld [tilespmem:s0+$0xFFFFFFF0];
	_ =	sdelay $0x1  }
0x93: {  	v11 =	vld [tilespmem:s29+$0x5190];
	_ =	sdelay $0x2  }
0x94: {  	v10 =	vmul.f32 v10, v9;
	_ =	sdelay $0x1  }
0x95: {  	v10 =	vadd.f32 v10, v11;
	_ =	sdelay $0x1  }
0x96: {  	[tilespmem:s29+$0x5190] =	vst v10  }
0x97: {  	v10 =	vld [tilespmem:s0+$0x0];
	_ =	sdelay $0x1  }
0x98: {  	v11 =	vld [tilespmem:s29+$0x51A0];
	_ =	sdelay $0x2  }
0x99: {  	v10 =	vmul.f32 v10, v9;
	_ =	sdelay $0x1  }
0x9a: {  	v10 =	vadd.f32 v10, v11;
	_ =	sdelay $0x1  }
0x9b: {  	[tilespmem:s29+$0x51A0] =	vst v10  }
0x9c: {  	v10 =	vld [tilespmem:s0+$0x10];
	_ =	sdelay $0x1  }
0x9d: {  	v11 =	vld [tilespmem:s29+$0x51B0];
	_ =	sdelay $0x2  }
0x9e: {  	v9 =	vmul.f32 v10, v9;
	_ =	sdelay $0x1  }
0x9f: {  	v9 =	vadd.f32 v9, v11;
	_ =	sdelay $0x1  }
0xa0: {  	[tilespmem:s29+$0x51B0] =	vst v9  }
0xa1: {  	v9 =	vld [tilespmem:$0x1D0D0]  }
0xa2: {  	v10 =	vld [tilespmem:$0x1D150]  }
0xa3: {  	v11 =	vld [tilespmem:$0x1D1D0];
	_ =	sdelay $0x2  }
0xa4: {  	[tilespmem:$0x1D080] =	vst v9  }
0xa5: {  	[tilespmem:$0x1D100] =	vst v10  }
0xa6: {  	[tilespmem:$0x1D180] =	vst v11  }
.LBB2_13:
0xa7: {  	s28 =	sadd.s32 $0x1, s28  }
0xa8: {  	p1 =	sne.s32 s28, $0x1F4  }
.Ltmp6:
0xa9: {  	_ = 	snop;
	(pc) =	sbr.rel @!p1 .LBB2_14-.Ltmp6, $3  }
0xaa: {  	_ =	sdelay $0x1  }
0xab: {  	p0 =	sgt.s32 s24, $0x4F;
	s0 =	sadd.s32 $0xFFFFFFB0, s24  }
0xac: {  	s24 =	smov.u32 @p0 s0  }
.LBB2_9:
0xad: {  	s0 =	sshll.u32 s28, $0x4  }
0xae: {  	v9 =	vld [tilespmem:s0+$0x19180]  }
0xaf: {  	v10 =	vld [tilespmem:s0+$0x1B100];
	_ =	sdelay $0x6  }
0xb0: {  	vm0 =	vge.s32 v10, v0;
	vm1 =	vlt.s32 v10, v1;
	v11 =	vld.idx.msk [tilespmem:v9+s3+$0x0], $0xffff  }
0xb1: {  	vm0 =	vmand vm0, vm1;
	v12 =	vld.idx.msk [tilespmem:v10+s12+$0x0], $0xffff;
	v10 =	vsub.s32 v10, v0  }
0xb2: {  	v10 =	vnsel vm0, $0x0, v10  }
0xb3: {  	v13 =	vmpcnt.ones.xlane vm0;
	_ =	sdelay $0x1  }
0xb4: {  	(v2sf) =	vpush v13, $0x0  }
0xb5: {  	v11 =	vadd.f32 v12, v11  }
0xb6: {  	v59 =	vld.idx.msk [tilespmem:v10+s15+$0x0], $0xffff  }
0xb7: {  	v14 =	vmul.f32 $2.000000030e-01, v11  }
0xb8: {  	vm15 =	vge.f32 v11, $0.0e+00  }
0xb9: {  	v11 =	vsel vm15, v11, v14  }
0xba: {  	v11 =	vmul.f32 $1.442695020e+00, v11  }
0xbb: {  	v60 =	vsel vm0, $0x1, v3;
	v12 =	vadd.f32 $1.000000020e-16, v59  }
0xbc: {  	(xrf0) =	vadd.scan.msk.s32 $0xffff, v60;
	(erf) = vpow2.f32 v11  }
0xbd: {  	(erf) = vrcp.f32 v12;
	_ =	sdelay $0x1  }
0xbe: {  	v11 =	vmov s24  }
0xbf: {  	v11 =	vadd.s32 $0xFFFFFFFF, v11  }
0xc0: {  	v11 =	vbroadcast v11, $0x0  }
0xc1: {  	v61, _, _ =	vpop (xrf0)  }
0xc2: {  	v11 =	vadd.s32 v61, v11;
	s31 =	spop (v2sf)  }
0xc3: {  	s24 =	sadd.s32 s24, s31  }
0xc4: {  	p0 =	slt.s32 s24, $0x50;
	v62 =	vpop (erf)  }
.Ltmp7:
0xc5: {  	v63 =	vpop (erf);
	(pc) =	sbr.rel @p0 .LBB2_13-.Ltmp7, $4  }
0xc6: {  	v12 =	vmul.f32 v62, v63  }
0xc7: {  	[tilespmem:v11+s16+$0x0] =	vst.idx.msk vm0, v9  }
0xc8: {  	[tilespmem:v11+s17+$0x0] =	vst.idx.msk vm0, v10;
	v9 =	vnsel vm0, $0x0, v12  }
0xc9: {  	[tilespmem:v11+s18+$0x0] =	vst.idx.msk vm0, v9  }
0xca: {  	v9 =	vld [tilespmem:$0x1D080]  }
0xcb: {  	v10 =	vld [tilespmem:$0x1D090]  }
0xcc: {  	v11 =	vld [tilespmem:$0x1D0A0]  }
0xcd: {  	v12 =	vld [tilespmem:$0x1D0B0]  }
0xce: {  	v13 =	vld [tilespmem:$0x1D0C0]  }
0xcf: {  	[tilespmem:$0x1D200] =	vst v9  }
0xd0: {  	[tilespmem:$0x1D210] =	vst v10  }
0xd1: {  	[tilespmem:$0x1D220] =	vst v11  }
0xd2: {  	s0 =	simm.s32 $0x0;
	[tilespmem:$0x1D230] =	vst v12  }
0xd3: {  	[tilespmem:$0x1D240] =	vst v13;
	v9 =	vmov s0  }
0xd4: {  	[tilespmem:s21], [sflag:$0x1] =	stream.indirect.gather [hbm4b:s1+s19], $0x80, s20, s19, $0xb8;
	[tilespmem:$0x1FA80] =	vst v63  }
0xd5: {  	_ =	swait.ge [sflag:s11], $0x2800  }
0xd6: {  	[sflag:s11] =	ssyncset.done $0x0  }
0xd7: {  	[sflag:s11] =	ssyncadd.s32 $0xFFFFD800  }
0xd8: {  	v10 =	vld.idx.msk [tilespmem:v9+s17+$0x0], $0xffff;
	_ =	sdelay $0x4  }
0xd9: {  	(v2sf) =	vpush v10, $0x0;
	_ =	sdelay $0xe  }
0xda: {  	s29 =	simm.s32 $0x1D2A0;
	v9 =	vld.idx.msk [tilespmem:v9+s18+$0x0], $0xffff;
	s0 =	spop (v2sf)  }
0xdb: {  	v10 =	vld [tilespmem:s29+$0xFFFFFFE0];
	s0 =	sshll.u32 s0, $0x9  }
0xdc: {  	s31 =	sshra.s32 s0, $0x2  }
0xdd: {  	v11 =	vld [tilespmem:s31+$0x5180];
	_ =	sdelay $0x2  }
0xde: {  	v10 =	vmul.f32 v10, v9;
	_ =	sdelay $0x1  }
0xdf: {  	v10 =	vadd.f32 v10, v11;
	_ =	sdelay $0x1  }
0xe0: {  	[tilespmem:s31+$0x5180] =	vst v10  }
0xe1: {  	v10 =	vld [tilespmem:s29+$0xFFFFFFF0];
	_ =	sdelay $0x1  }
0xe2: {  	v11 =	vld [tilespmem:s31+$0x5190];
	_ =	sdelay $0x2  }
0xe3: {  	v10 =	vmul.f32 v10, v9;
	_ =	sdelay $0x1  }
0xe4: {  	v10 =	vadd.f32 v10, v11;
	_ =	sdelay $0x1  }
0xe5: {  	[tilespmem:s31+$0x5190] =	vst v10  }
0xe6: {  	v10 =	vld [tilespmem:s29+$0x0];
	_ =	sdelay $0x1  }
0xe7: {  	v11 =	vld [tilespmem:s31+$0x51A0];
	_ =	sdelay $0x2  }
0xe8: {  	v10 =	vmul.f32 v10, v9;
	_ =	sdelay $0x1  }
0xe9: {  	v10 =	vadd.f32 v10, v11;
	_ =	sdelay $0x1  }
0xea: {  	[tilespmem:s31+$0x51A0] =	vst v10  }
0xeb: {  	v10 =	vld [tilespmem:s29+$0x10];
	_ =	sdelay $0x1  }
0xec: {  	v11 =	vld [tilespmem:s31+$0x51B0];
	_ =	sdelay $0x1  }
0xed: {  	s0 =	simm.s32 $0x1  }
0xee: {  	v10 =	vmul.f32 v10, v9;
	v9 =	vmov s0;
	_ =	sdelay $0x1  }
0xef: {  	s30 =	simm.s32 $0x2;
	v10 =	vadd.f32 v10, v11  }
.LBB2_11:
0xf0: {  	p0 =	sne.s32 s30, $0x4F  }
0xf1: {  	[tilespmem:s31+$0x51B0] =	vst v10;
	s29 =	sadd.s32 $0x80, s29;
	s0 =	smov.u32 s30;
	s30 =	sadd.s32 $0x1, s30  }
0xf2: {  	v10 =	vld.idx.msk [tilespmem:v9+s17+$0x0], $0xffff;
	_ =	sdelay $0x5  }
0xf3: {  	(v2sf) =	vpush v10, $0x0;
	_ =	sdelay $0xe  }
0xf4: {  	v10 =	vld.idx.msk [tilespmem:v9+s18+$0x0], $0xffff;
	s31 =	spop (v2sf)  }
0xf5: {  	s31 =	sshll.u32 s31, $0x9;
	v9 =	vld [tilespmem:s29+$0xFFFFFFE0]  }
0xf6: {  	s31 =	sshra.s32 s31, $0x2  }
0xf7: {  	v11 =	vld [tilespmem:s31+$0x5180];
	_ =	sdelay $0x2  }
0xf8: {  	v9 =	vmul.f32 v9, v10;
	_ =	sdelay $0x1  }
0xf9: {  	v9 =	vadd.f32 v9, v11;
	_ =	sdelay $0x1  }
0xfa: {  	[tilespmem:s31+$0x5180] =	vst v9  }
0xfb: {  	v9 =	vld [tilespmem:s29+$0xFFFFFFF0];
	_ =	sdelay $0x1  }
0xfc: {  	v11 =	vld [tilespmem:s31+$0x5190];
	_ =	sdelay $0x2  }
0xfd: {  	v9 =	vmul.f32 v9, v10;
	_ =	sdelay $0x1  }
0xfe: {  	v9 =	vadd.f32 v9, v11;
	_ =	sdelay $0x1  }
0xff: {  	[tilespmem:s31+$0x5190] =	vst v9  }
0x100: {  	v9 =	vld [tilespmem:s29+$0x0];
	_ =	sdelay $0x1  }
0x101: {  	v11 =	vld [tilespmem:s31+$0x51A0];
	_ =	sdelay $0x2  }
0x102: {  	v9 =	vmul.f32 v9, v10;
	_ =	sdelay $0x1  }
0x103: {  	v9 =	vadd.f32 v9, v11;
	_ =	sdelay $0x1  }
0x104: {  	[tilespmem:s31+$0x51A0] =	vst v9  }
0x105: {  	v11 =	vld [tilespmem:s29+$0x10];
	_ =	sdelay $0x1  }
0x106: {  	v12 =	vld [tilespmem:s31+$0x51B0]  }
.Ltmp8:
0x107: {  	(pc) =	sbr.rel @p0 .LBB2_11-.Ltmp8, $3  }
0x108: {  	_ = 	snop  }
0x109: {  	v9 =	vmov s0;
	v10 =	vmul.f32 v11, v10;
	_ =	sdelay $0x1  }
0x10a: {  	v10 =	vadd.f32 v10, v12  }
.Ltmp9:
0x10b: {  	_ = 	snop;
	(pc) =	sbr.rel .LBB2_12-.Ltmp9, $1  }
0x10c: {  	_ =	sdelay $0x3  }
.LBB2_15:
0x10d: {  	v9 =	vld [tilespmem:$0x1D180]  }
0x10e: {  	v10 =	vld [tilespmem:$0x1D080]  }
0x10f: {  	v11 =	vld [tilespmem:$0x1D100]  }
0x110: {  	v12 =	vmov s24;
	v13 =	vld [tilespmem:$0x1D190]  }
0x111: {  	v14 =	vld [tilespmem:$0x1D090];
	vm0 =	vlt.s32 v12, v4  }
0x112: {  	v15 =	vld [tilespmem:$0x1D110];
	v9 =	vsel vm0, $0x0, v9  }
0x113: {  	[tilespmem:$0x1D180] =	vst v9;
	v9 =	vsel vm0, $0x0, v10;
	v10 =	vld [tilespmem:$0x1D1A0]  }
0x114: {  	vm12 =	vlt.s32 v12, v5;
	[tilespmem:$0x1D080] =	vst v9;
	v9 =	vsel vm0, $0x0, v11;
	v11 =	vld [tilespmem:$0x1D0A0]  }
0x115: {  	v57 =	vld [tilespmem:$0x1D120];
	[tilespmem:$0x1D100] =	vst v9;
	v9 =	vsel vm12, $0x0, v13  }
0x116: {  	v58 =	vld [tilespmem:$0x1D1B0];
	[tilespmem:$0x1D190] =	vst v9;
	v9 =	vsel vm12, $0x0, v14  }
0x117: {  	v59 =	vld [tilespmem:$0x1D0B0];
	vm13 =	vlt.s32 v12, v6;
	[tilespmem:$0x1D090] =	vst v9;
	v9 =	vsel vm12, $0x0, v15  }
0x118: {  	[tilespmem:$0x1D110] =	vst v9;
	v9 =	vsel vm13, $0x0, v10;
	v10 =	vld [tilespmem:$0x1D130]  }
0x119: {  	[tilespmem:$0x1D1A0] =	vst v9;
	v9 =	vsel vm13, $0x0, v11;
	v11 =	vld [tilespmem:$0x1D1C0]  }
0x11a: {  	v60 =	vld [tilespmem:$0x1D0C0];
	vm14 =	vlt.s32 v12, v7;
	[tilespmem:$0x1D0A0] =	vst v9;
	v9 =	vsel vm13, $0x0, v57  }
0x11b: {  	v61 =	vld [tilespmem:$0x1D140];
	[tilespmem:$0x1D120] =	vst v9;
	v9 =	vsel vm14, $0x0, v58  }
0x11c: {  	[tilespmem:$0x1D1B0] =	vst v9;
	v9 =	vsel vm14, $0x0, v59  }
0x11d: {  	vm15 =	vlt.s32 v12, v8;
	v62 =	vld [tilespmem:$0x1D0A0];
	[tilespmem:$0x1D0B0] =	vst v9;
	v9 =	vsel vm14, $0x0, v10  }
0x11e: {  	v10 =	vld [tilespmem:$0x1D080];
	[tilespmem:$0x1D130] =	vst v9;
	v9 =	vsel vm15, $0x0, v11  }
0x11f: {  	v11 =	vld [tilespmem:$0x1D090];
	[tilespmem:$0x1D1C0] =	vst v9;
	v9 =	vsel vm15, $0x0, v60  }
0x120: {  	v63 =	vld [tilespmem:$0x1D0B0];
	[tilespmem:$0x1D0C0] =	vst v9;
	v9 =	vsel vm15, $0x0, v61  }
0x121: {  	[tilespmem:$0x1D140] =	vst v9;
	v9 =	vld [tilespmem:$0x1D0C0]  }
0x122: {  	[tilespmem:$0x1D220] =	vst v62  }
0x123: {  	[tilespmem:$0x1D200] =	vst v10  }
0x124: {  	[tilespmem:$0x1D210] =	vst v11  }
0x125: {  	s0 =	simm.s32 $0x0;
	[tilespmem:$0x1D230] =	vst v63  }
0x126: {  	[tilespmem:$0x1D240] =	vst v9;
	v9 =	vmov s0  }
0x127: {  	[tilespmem:s21], [sflag:$0x1] =	stream.indirect.gather [hbm4b:s1+s19], $0x80, s20, s19, $0xb8;
	[tilespmem:$0x1FA80] =	vst v63  }
0x128: {  	_ =	swait.ge [sflag:s11], $0x2800  }
0x129: {  	[sflag:s11] =	ssyncset.done $0x0  }
0x12a: {  	[sflag:s11] =	ssyncadd.s32 $0xFFFFD800  }
0x12b: {  	v10 =	vld.idx.msk [tilespmem:v9+s17+$0x0], $0xffff;
	_ =	sdelay $0x4  }
0x12c: {  	(v2sf) =	vpush v10, $0x0;
	_ =	sdelay $0xe  }
0x12d: {  	s24 =	simm.s32 $0x1D2A0;
	v9 =	vld.idx.msk [tilespmem:v9+s18+$0x0], $0xffff;
	s30 =	spop (v2sf)  }
0x12e: {  	v10 =	vld [tilespmem:s24+$0xFFFFFFE0];
	s0 =	sshll.u32 s30, $0x9  }
0x12f: {  	s26 =	sshra.s32 s0, $0x2  }
0x130: {  	v11 =	vld [tilespmem:s26+$0x5180];
	_ =	sdelay $0x2  }
0x131: {  	v10 =	vmul.f32 v10, v9;
	_ =	sdelay $0x1  }
0x132: {  	v10 =	vadd.f32 v10, v11;
	_ =	sdelay $0x1  }
0x133: {  	[tilespmem:s26+$0x5180] =	vst v10  }
0x134: {  	v10 =	vld [tilespmem:s24+$0xFFFFFFF0];
	_ =	sdelay $0x1  }
0x135: {  	v11 =	vld [tilespmem:s26+$0x5190];
	_ =	sdelay $0x2  }
0x136: {  	v10 =	vmul.f32 v10, v9;
	_ =	sdelay $0x1  }
0x137: {  	v10 =	vadd.f32 v10, v11;
	_ =	sdelay $0x1  }
0x138: {  	[tilespmem:s26+$0x5190] =	vst v10  }
0x139: {  	v10 =	vld [tilespmem:s24+$0x0];
	_ =	sdelay $0x1  }
0x13a: {  	v11 =	vld [tilespmem:s26+$0x51A0];
	_ =	sdelay $0x2  }
0x13b: {  	v10 =	vmul.f32 v10, v9;
	_ =	sdelay $0x1  }
0x13c: {  	v10 =	vadd.f32 v10, v11;
	_ =	sdelay $0x1  }
0x13d: {  	[tilespmem:s26+$0x51A0] =	vst v10  }
0x13e: {  	v10 =	vld [tilespmem:s24+$0x10];
	_ =	sdelay $0x1  }
0x13f: {  	v11 =	vld [tilespmem:s26+$0x51B0];
	_ =	sdelay $0x1  }
0x140: {  	s31 =	simm.s32 $0x1  }
0x141: {  	v10 =	vmul.f32 v10, v9;
	v9 =	vmov s31;
	_ =	sdelay $0x1  }
0x142: {  	s25 =	simm.s32 $0x2;
	v10 =	vadd.f32 v10, v11  }
.LBB2_16:
0x143: {  	p0 =	sne.s32 s25, $0x4F  }
0x144: {  	s24 =	sadd.s32 $0x80, s24;
	s0 =	smov.u32 s25;
	s25 =	sadd.s32 $0x1, s25;
	[tilespmem:s26+$0x51B0] =	vst v10  }
0x145: {  	v10 =	vld.idx.msk [tilespmem:v9+s17+$0x0], $0xffff;
	_ =	sdelay $0x5  }
0x146: {  	(v2sf) =	vpush v10, $0x0;
	_ =	sdelay $0xe  }
0x147: {  	v10 =	vld.idx.msk [tilespmem:v9+s18+$0x0], $0xffff;
	s26 =	spop (v2sf)  }
0x148: {  	s26 =	sshll.u32 s26, $0x9;
	v9 =	vld [tilespmem:s24+$0xFFFFFFE0]  }
0x149: {  	s26 =	sshra.s32 s26, $0x2  }
0x14a: {  	v11 =	vld [tilespmem:s26+$0x5180];
	_ =	sdelay $0x2  }
0x14b: {  	v9 =	vmul.f32 v9, v10;
	_ =	sdelay $0x1  }
0x14c: {  	v9 =	vadd.f32 v9, v11;
	_ =	sdelay $0x1  }
0x14d: {  	[tilespmem:s26+$0x5180] =	vst v9  }
0x14e: {  	v9 =	vld [tilespmem:s24+$0xFFFFFFF0];
	_ =	sdelay $0x1  }
0x14f: {  	v11 =	vld [tilespmem:s26+$0x5190];
	_ =	sdelay $0x2  }
0x150: {  	v9 =	vmul.f32 v9, v10;
	_ =	sdelay $0x1  }
0x151: {  	v9 =	vadd.f32 v9, v11;
	_ =	sdelay $0x1  }
0x152: {  	[tilespmem:s26+$0x5190] =	vst v9  }
0x153: {  	v9 =	vld [tilespmem:s24+$0x0];
	_ =	sdelay $0x1  }
0x154: {  	v11 =	vld [tilespmem:s26+$0x51A0];
	_ =	sdelay $0x2  }
0x155: {  	v9 =	vmul.f32 v9, v10;
	_ =	sdelay $0x1  }
0x156: {  	v9 =	vadd.f32 v9, v11;
	_ =	sdelay $0x1  }
0x157: {  	[tilespmem:s26+$0x51A0] =	vst v9  }
0x158: {  	v11 =	vld [tilespmem:s24+$0x10];
	_ =	sdelay $0x1  }
0x159: {  	v12 =	vld [tilespmem:s26+$0x51B0]  }
.Ltmp10:
0x15a: {  	(pc) =	sbr.rel @p0 .LBB2_16-.Ltmp10, $3  }
0x15b: {  	_ = 	snop  }
0x15c: {  	v9 =	vmov s0;
	v10 =	vmul.f32 v11, v10;
	_ =	sdelay $0x1  }
0x15d: {  	v10 =	vadd.f32 v10, v12  }
0x15e: {  	_ =	sdelay $0x2  }
0x15f: {  	[tilespmem:s26+$0x51B0] =	vst v10  }
0x160: {  	v10 =	vld.idx.msk [tilespmem:v9+s17+$0x0], $0xffff;
	_ =	sdelay $0x4  }
0x161: {  	(v2sf) =	vpush v10, $0x0;
	_ =	sdelay $0xe  }
0x162: {  	s0 =	sadd.s32 $0x80, s24;
	v9 =	vld.idx.msk [tilespmem:v9+s18+$0x0], $0xffff;
	s31 =	spop (v2sf)  }
0x163: {  	v10 =	vld [tilespmem:s0+$0xFFFFFFE0];
	s24 =	sshll.u32 s31, $0x9  }
0x164: {  	s24 =	sshra.s32 s24, $0x2  }
0x165: {  	v11 =	vld [tilespmem:s24+$0x5180];
	_ =	sdelay $0x2  }
0x166: {  	v10 =	vmul.f32 v10, v9;
	_ =	sdelay $0x1  }
0x167: {  	v10 =	vadd.f32 v10, v11;
	_ =	sdelay $0x1  }
0x168: {  	[tilespmem:s24+$0x5180] =	vst v10  }
0x169: {  	v10 =	vld [tilespmem:s0+$0xFFFFFFF0];
	_ =	sdelay $0x1  }
0x16a: {  	v11 =	vld [tilespmem:s24+$0x5190];
	_ =	sdelay $0x2  }
0x16b: {  	v10 =	vmul.f32 v10, v9;
	_ =	sdelay $0x1  }
0x16c: {  	v10 =	vadd.f32 v10, v11;
	_ =	sdelay $0x1  }
0x16d: {  	[tilespmem:s24+$0x5190] =	vst v10  }
0x16e: {  	v10 =	vld [tilespmem:s0+$0x0];
	_ =	sdelay $0x1  }
0x16f: {  	v11 =	vld [tilespmem:s24+$0x51A0];
	_ =	sdelay $0x2  }
0x170: {  	v10 =	vmul.f32 v10, v9;
	_ =	sdelay $0x1  }
0x171: {  	v10 =	vadd.f32 v10, v11;
	_ =	sdelay $0x1  }
0x172: {  	[tilespmem:s24+$0x51A0] =	vst v10  }
0x173: {  	v10 =	vld [tilespmem:s0+$0x10];
	_ =	sdelay $0x1  }
0x174: {  	v11 =	vld [tilespmem:s24+$0x51B0];
	_ =	sdelay $0x2  }
0x175: {  	v9 =	vmul.f32 v10, v9;
	_ =	sdelay $0x1  }
0x176: {  	v9 =	vadd.f32 v9, v11;
	_ =	sdelay $0x1  }
0x177: {  	[tilespmem:s24+$0x51B0] =	vst v9  }
0x178: {  	v9 =	vld [tilespmem:$0x1D0D0]  }
0x179: {  	v10 =	vld [tilespmem:$0x1D150]  }
0x17a: {  	v11 =	vld [tilespmem:$0x1D1D0];
	_ =	sdelay $0x2  }
0x17b: {  	s23 =	sadd.s32 $0x1, s23;
	[tilespmem:$0x1D080] =	vst v9  }
0x17c: {  	p0 =	sne.s32 s23, s9;
	[tilespmem:$0x1D100] =	vst v10  }
.Ltmp11:
0x17d: {  	[tilespmem:$0x1D180] =	vst v11;
	(pc) =	sbr.rel @p0 .LBB2_1-.Ltmp11, $4  }
0x17e: {  	[hbm4b:s10+s3] =	stream.linear.scatter [tilespmem:s22], [sflag:$0x1], $0x14000, $0x38;
	[tilespmem:$0x1FA80] =	vst v63  }
0x17f: {  	_ =	swait.ge [sflag:s11], $0x14000  }
0x180: {  	[sflag:s11] =	ssyncset.done $0x0  }
0x181: {  	[sflag:s11] =	ssyncadd.s32 $0xFFFEC000  }
0x182: {  	_ =	sfence.sel $0x180000  }
0x183: {  	[bflag:$0x0] =	sbarrier.arrive $0xFFFF  }
0x184: {  	_ =	strace $0x9000004D  }
0x185: {  	[bflag:$0x2] =	sbarrier.arrive $0xFFFF  }
0x186: {  	p0 =	sne.s32 s4, $0x0;
	s0 =	rddreg [dreg:$0x3]  }
0x187: {  	s0 =	sadd.s32 @!p0 $0x100000, s0  }
0x188: {  	[sflag:s0] =	ssyncadd.tile.s32 @!p0 $0x1;
	_ =	shalt  }
.Lfunc_end2:
_tile_overlayer_lowered:
.L_overlay_start_2:
0x189: {  	(tag) =	ssettag $0x2  }
0x18a: {  	s0 =	rddreg [dreg:$0x0];
	s2 =	stileid.u32  }
0x18b: {  	s1 =	rddreg [dreg:$0x1];
	p0 =	sne.s32 s2, $0x0  }
0x18c: {  	s3 =	rddreg [dreg:$0x2];
	[bflag:$0x3] =	sbarrier.arrive $0xFFFF;
	s2 =	simm.s32 @!p0 $0x1C01  }
0x18d: {  	[timem:s3], [sflag:s2] =	dma.local @!p0 [hbm:s0], s1  }
0x18e: {  	s0 =	simm.s32 @!p0 $0x1  }
0x18f: {  	_ =	swait.ge @!p0 [sflag:s0], s1  }
0x190: {  	s1 =	ssub.s32 @!p0 $0x0, s1;
	[sflag:s0] =	ssyncset.done @!p0 $0x0  }
0x191: {  	[sflag:s0] =	ssyncadd.s32 @!p0 s1  }
0x192: {  	[bflag:$0x3] =	sbarrier.arrive $0xFFFF  }
0x193: {  	_ =	shalt  }

// kernel: kernel.19.cloned.1.call-start
scs
__scs_entry_jumppad:
0x0: {  	(pc) =	sbr.rel $0x88, $3  }
0x1: {  	(tag) =	ssettag $0x0;
	lr =	simm.s32 $0x1  }
0x2: {  	[smem:$0x3F8B] =	sst lr;
	_ =	strace $0xD0000000  }
0x3: {  	_ = 	snop  }
0x4: {  	_ = 	snop  }
0x5: {  	_ = 	snop  }
0x6: {  	_ = 	snop  }
0x7: {  	_ = 	snop  }
__scs_overlays_trampoline_lowered:
0x8: {  	[smem:$0x3F9A] =	sst s0  }
0x9: {  	[smem:$0x3F9B] =	sst s1  }
0xa: {  	[smem:$0x3F9C] =	sst s2  }
0xb: {  	[smem:$0x3F9D] =	sst s3  }
0xc: {  	[smem:$0x3F9E] =	sst s4  }
0xd: {  	[smem:$0x3F9F] =	sst s5  }
0xe: {  	[smem:$0x3FA0] =	sst s6  }
0xf: {  	[smem:$0x3FA1] =	sst s7  }
0x10: {  	[smem:$0x3FA2] =	sst s8  }
0x11: {  	[smem:$0x3FA3] =	sst s9;
	s0 =	simm.s32 @!p0 $0x0  }
0x12: {  	s1 =	sld [smem:$0x3F89];
	s0 =	simm.s32 @p0 $0x1  }
0x13: {  	[smem:$0x3FA4] =	sst s0;
	s0 =	simm.s32 @!p1 $0x0  }
0x14: {  	s2 =	sld [smem:$0x3F88];
	s0 =	simm.s32 @p1 $0x1  }
0x15: {  	[smem:$0x3FA5] =	sst s0;
	s0 =	simm.s32 @!p2 $0x0  }
0x16: {  	s3 =	sld [smem:$0x3FDB];
	s0 =	simm.s32 @p2 $0x1  }
0x17: {  	s4 =	simm.s32 $0x1BF5;
	[smem:$0x3FA7] =	sst s0  }
0x18: {  	s0 =	sld [smem:$0x3F8A];
	_ =	swait.ge [sflag:s4], $0x0  }
0x19: {  	s7 =	sld [smem:$0x3F8B]  }
0x1a: {  	s8 =	sadd.s32 $0xFFFFE003, lr  }
0x1b: {  	s9 =	sadd.s32 $0xFFFFFEF7, lr;
	s5 =	simm.s32 $0xFFFFFFFF;
	p2 =	slt.u32 s8, $0xFFFFF086  }
0x1c: {  	p1 =	slt.u32 s9, $0xF7A;
	s5 =	simm.s32 @!p2 $0x0  }
0x1d: {  	s5 =	simm.s32 @p1 $0x1;
	p0 =	seq.s32 s7, s2  }
0x1e: {  	s7 =	smul.u32 @!p0 $0xF7A, s2;
	p2 =	seq.s32 @!p0 s5, $0x0  }
0x1f: {  	s9 =	smul.u32 $0xF7A, s1;
	s8 =	simm.s32 @!p0 $0x1BF5;
	p2 =	por !p2, p0  }
0x20: {  	[sflag:s8] =	ssyncset.s32 @!p0 $0xFFFFF086;
	s6 =	sadd.s32 @!p0 s3, s7;
	s7 =	simm.s32 @!p0 $0x108  }
0x21: {  	s3 =	sadd.s32 s3, s9;
	s6 =	sadd.s32 @!p0 $0x88, s6;
	s7 =	simm.s32 @p2 $0x1082  }
0x22: {  	[simem:s7], [sflag:s8] =	dma.local @!p0 [hbm:s6], $0xF7A  }
0x23: {  	s9 =	sor.u32 $0xD0000000, s2;
	s6 =	simm.s32 $0x108;
	_ =	swait.ge @!p0 [sflag:s8], $0x0  }
0x24: {  	s3 =	sadd.s32 $0x88, s3;
	s6 =	simm.s32 @!p1 $0x1082;
	[sflag:s4] =	ssyncset.s32 $0xFFFFF086  }
0x25: {  	[simem:s6], [sflag:s4] =	dma.local [hbm:s3], $0xF7A  }
0x26: {  	[smem:$0x3F8B] =	sst s1;
	(tag) =	ssettag s2;
	_ =	strace s9  }
0x27: {  	s1 =	sld [smem:$0x3F9B]  }
0x28: {  	s2 =	sld [smem:$0x3F9C]  }
0x29: {  	s4 =	sld [smem:$0x3F9E]  }
0x2a: {  	p0 =	seq.s32 s5, $0x0;
	s5 =	sld [smem:$0x3F9F]  }
0x2b: {  	s6 =	sld [smem:$0x3FA0]  }
0x2c: {  	s7 =	sld [smem:$0x3FA1]  }
0x2d: {  	s3 =	simm.s32 $0x108;
	s8 =	sld [smem:$0x3FA2]  }
0x2e: {  	s3 =	simm.s32 @!p0 $0x1082;
	s9 =	sld [smem:$0x3FA3]  }
0x2f: {  	lr =	sadd.s32 s0, s3;
	s0 =	sld [smem:$0x3F9A]  }
0x30: {  	s3 =	sld [smem:$0x3F9D]  }
0x31: {  	[smem:$0x3FA6] =	sst s10  }
0x32: {  	s10 =	sld [smem:$0x3FA4];
	_ =	sdelay $0x3  }
0x33: {  	p0 =	seq.s32 s10, $0x1;
	s10 =	sld [smem:$0x3FA6];
	_ =	sdelay $0x3  }
0x34: {  	[smem:$0x3FA6] =	sst s10  }
0x35: {  	s10 =	sld [smem:$0x3FA5];
	_ =	sdelay $0x3  }
0x36: {  	p1 =	seq.s32 s10, $0x1;
	s10 =	sld [smem:$0x3FA6];
	_ =	sdelay $0x3  }
0x37: {  	[smem:$0x3FA6] =	sst s10  }
0x38: {  	s10 =	sld [smem:$0x3FA7]  }
0x39: {  	_ = 	snop;
	(pc) =	sbr.ind lr, $3  }
0x3a: {  	_ = 	snop  }
0x3b: {  	_ = 	snop  }
0x3c: {  	p2 =	seq.s32 s10, $0x1;
	s10 =	sld [smem:$0x3FA6]  }
0x3d: {  	_ =	shalt  }
0x3e: {  	_ =	shalt  }
0x3f: {  	_ =	shalt  }
0x40: {  	_ =	shalt  }
0x41: {  	_ =	shalt  }
0x42: {  	_ =	shalt  }
0x43: {  	_ =	shalt  }
0x44: {  	_ =	shalt  }
0x45: {  	_ =	shalt  }
0x46: {  	_ =	shalt  }
0x47: {  	_ =	shalt  }
0x48: {  	_ =	shalt  }
0x49: {  	_ =	shalt  }
0x4a: {  	_ =	shalt  }
0x4b: {  	_ =	shalt  }
0x4c: {  	_ =	shalt  }
0x4d: {  	_ =	shalt  }
0x4e: {  	_ =	shalt  }
0x4f: {  	_ =	shalt  }
0x50: {  	_ =	shalt  }
0x51: {  	_ =	shalt  }
0x52: {  	_ =	shalt  }
0x53: {  	_ =	shalt  }
0x54: {  	_ =	shalt  }
0x55: {  	_ =	shalt  }
0x56: {  	_ =	shalt  }
0x57: {  	_ =	shalt  }
0x58: {  	_ =	shalt  }
0x59: {  	_ =	shalt  }
0x5a: {  	_ =	shalt  }
0x5b: {  	_ =	shalt  }
0x5c: {  	_ =	shalt  }
0x5d: {  	_ =	shalt  }
0x5e: {  	_ =	shalt  }
0x5f: {  	_ =	shalt  }
0x60: {  	_ =	shalt  }
0x61: {  	_ =	shalt  }
0x62: {  	_ =	shalt  }
0x63: {  	_ =	shalt  }
0x64: {  	_ =	shalt  }
0x65: {  	_ =	shalt  }
0x66: {  	_ =	shalt  }
0x67: {  	_ =	shalt  }
0x68: {  	_ =	shalt  }
0x69: {  	_ =	shalt  }
0x6a: {  	_ =	shalt  }
0x6b: {  	_ =	shalt  }
0x6c: {  	_ =	shalt  }
0x6d: {  	_ =	shalt  }
0x6e: {  	_ =	shalt  }
0x6f: {  	_ =	shalt  }
0x70: {  	_ =	shalt  }
0x71: {  	_ =	shalt  }
0x72: {  	_ =	shalt  }
0x73: {  	_ =	shalt  }
0x74: {  	_ =	shalt  }
0x75: {  	_ =	shalt  }
0x76: {  	_ =	shalt  }
0x77: {  	_ =	shalt  }
0x78: {  	_ =	shalt  }
0x79: {  	_ =	shalt  }
0x7a: {  	_ =	shalt  }
0x7b: {  	_ =	shalt  }
0x7c: {  	_ =	shalt  }
0x7d: {  	_ =	shalt  }
0x7e: {  	_ =	shalt  }
0x7f: {  	_ =	shalt  }
0x80: {  	_ =	shalt  }
0x81: {  	_ =	shalt  }
0x82: {  	_ =	shalt  }
0x83: {  	_ =	shalt  }
0x84: {  	_ =	shalt  }
0x85: {  	_ =	shalt  }
0x86: {  	_ =	shalt  }
0x87: {  	_ =	shalt  }
.Lfunc_end0:
.L_simem_size_0:
called_computation.3_lowered:
.L_overlay_start_0:
0x88: {  	s2 =	sld [smem:$0x3FD9]  }
0x89: {  	s3 =	sld [smem:$0x3FFE];
	_ =	sdelay $0x1  }
0x8a: {  	s1 =	srdreg.scid  }
0x8b: {  	s0 =	sand.u32 $0x1, s1  }
0x8c: {  	s14 =	sshll.u32 s0, $0xA;
	s2 =	sadd.s32 s3, s2  }
0x8d: {  	s2 =	sadd.s32 s2, s14  }
0x8e: {  	[smem:$0x3FB2] =	sst s2  }
0x8f: {  	_ = 	snop  }
0x90: {  	s2 =	sld [smem:$0x3FD0];
	_ =	sdelay $0x2  }
0x91: {  	s4 =	simm.s32 $0xA;
	s5 =	simm.s32 $0x10;
	s15 =	sld [smem:$0x3FB5]  }
0x92: {  	[smem:s5], [sflag:s4] =	dma.local [hbm:s2], $0x1  }
0x93: {  	_ =	swait.eq [sflag:s4], $0x1  }
0x94: {  	[sflag:s4] =	ssyncset.done $0x0  }
0x95: {  	[sflag:s4] =	ssyncadd.s32 $0xFFFFFFFF  }
0x96: {  	s16 =	sld [smem:$0x11];
	(tm) =	ssettm $0x1  }
0x97: {  	s17 =	sld [smem:$0x3FFB];
	_ =	sdelay $0x3  }
0x98: {  	_ =	strace s17  }
0x99: {  	s4 =	sld [smem:$0x3FFC];
	_ =	sdelay $0x3  }
0x9a: {  	_ =	strace s4  }
0x9b: {  	s4 =	sld [smem:$0x3FFD];
	_ =	sdelay $0x3  }
0x9c: {  	_ =	strace s4  }
0x9d: {  	_ =	strace $0x8FFFFFFF  }
0x9e: {  	s18 =	sld [smem:$0x3FDB];
	_ =	sdelay $0x1  }
0x9f: {  	s19 =	simm.s32 $_scs_section_size  }
0xa0: {  	s6 =	simm.s32 $_size__tile_overlayer_lowered;
	s7 =	simm.s32 $_tile_overlayer_lowered  }
0xa1: {  	s22 =	simm.s32 $0x1BFF;
	s21 =	sshll.u32 s7, $0x1;
	s4 =	sadd.s32 s19, s18  }
0xa2: {  	s8 =	simm.s32 $0x0;
	s20 =	sshll.u32 s6, $0x1;
	s6 =	sadd.s32 s21, s4  }
0xa3: {  	[timem:s8], [sflag:s22] =	dma.local [hbm:s6], s20  }
0xa4: {  	_ =	swait.ge [sflag:s22], s20  }
0xa5: {  	s5 =	ssub.s32 $0x0, s20;
	[sflag:s22] =	ssyncset.done $0x0  }
0xa6: {  	[sflag:s22] =	ssyncadd.s32 s5;
	_ =	sdelay $0x1  }
0xa7: {  	s23 =	simm.s32 $0x1B8B  }
0xa8: {  	_ =	swait.ge [sflag:s23], $0x1  }
0xa9: {  	[sflag:s23] =	ssyncset.done $0x0  }
0xaa: {  	s25 =	simm.s32 $0x1B8E;
	s24 =	sld [smem:$0x3FFE];
	[sflag:s23] =	ssyncadd.s32 $0xFFFFFFFF  }
0xab: {  	s26 =	simm.s32 $execute0_lowered;
	[smem:$0x3FD2] =	sst s25  }
0xac: {  	s6 =	sshll.u32 s26, $0x1;
	_ =	strace $0x8000004F;
	[dreg:$0x1] =	wrdreg $0xFFFFFFFF  }
0xad: {  	s28 =	simm.s32 $_size_execute0_lowered;
	s4 =	sadd.s32 s4, s6;
	[dreg:$0x0] =	wrdreg $0x0  }
0xae: {  	s6 =	sshll.u32 s28, $0x1;
	[dreg:$0x2] =	wrdreg s4  }
0xaf: {  	[dreg:$0x3] =	wrdreg s6  }
0xb0: {  	[dreg:$0x4] =	wrdreg $0xC0  }
0xb1: {  	_ =	task [dreg:s8], $0x5FFFF  }
0xb2: {  	[dreg:$0x1] =	wrdreg $0xFFFFFFFF  }
0xb3: {  	[dreg:$0x0] =	wrdreg $0x60  }
0xb4: {  	[dreg:$0x2] =	wrdreg s24  }
0xb5: {  	[dreg:$0x3] =	wrdreg s15  }
0xb6: {  	[dreg:$0x4] =	wrdreg s16  }
0xb7: {  	[dreg:$0x5] =	wrdreg $0x9  }
0xb8: {  	_ =	task.clear_ibuf [dreg:s8], $0x6FFFF;
	_ =	strace $0x9000004F  }
0xb9: {  	s29 =	simm.s32 $0x9;
	_ =	strace $0x80000051  }
0xba: {  	_ =	swait.ge [sflag:s29], $0x1  }
0xbb: {  	[sflag:s29] =	ssyncadd.s32 $0xFFFFFFFF  }
0xbc: {  	_ =	strace $0x90000051  }
0xbd: {  	_ =	sfence  }
0xbe: {  	s30 =	sld [smem:$0x0];
	_ =	sdelay $0x2  }
0xbf: {  	s31 =	sshll.u32 s1, $0xD;
	s1 =	sshrl.u32 s1, $0x2  }
0xc0: {  	s3 =	sand.u32 $0x4000, s31;
	s1 =	sadd.s32 s1, s30  }
0xc1: {  	s0 =	sor.u32 s3, s0;
	s1 =	sshll.u32 s1, $0x11  }
0xc2: {  	s0 =	sor.u32 s1, s0  }
0xc3: {  	s0 =	sadd.s32 $0x8F2B, s0  }
0xc4: {  	[sflag:s0] =	ssyncadd.remote.s32 $0x1  }
0xc5: {  	_ =	sfence.sel $0xFFFF  }
0xc6: {  	[dreg:$0x0] =	wrdreg $0xFFFFFFFF;
	(pc) =	sbr.abs _section_cstart, $3  }
0xc7: {  	[dreg:$0x1] =	wrdreg $0xFFFFFFFF  }
0xc8: {  	_ =	task.clear_ibuf [dreg:s8], $0x2FFFF;
	_ =	strace $0x9FFFFFFF  }
0xc9: {  	(tm) =	ssettm $0x7FFFFFFF  }
tec
execute0_lowered:
.L_overlay_start_1:
0x0: {  	(tag) =	ssettag $0x1  }
0x1: {  	s0 =	rddreg [dreg:$0x0]  }
0x2: {  	s1 =	simm.s32 $0x0;
	s29 =	srdreg.scid;
	s4 =	stileid.u32  }
0x3: {  	s11 =	simm.s32 $0xB000;
	s12 =	simm.s32 $0x5;
	s15 =	simm.s32 $0x50  }
0x4: {  	v0 =	vlaneseq.u32;
	s16 =	simm.s32 $0xB900;
	s17 =	simm.s32 $0x1000;
	s18 =	simm.s32 $0xBA00  }
0x5: {  	s19 =	simm.s32 $0x6000;
	s20 =	simm.s32 $0xB980;
	s21 =	simm.s32 $0x3800;
	v0 =	vmul.u32 $0x80, v0  }
0x6: {  	s22 =	simm.s32 $0xBA80;
	s23 =	simm.s32 $0x8800;
	s24 =	simm.s32 $0x1  }
0x7: {  	s25 =	simm.s32 $0x3;
	s26 =	simm.s32 $0x2;
	s28 =	simm.s32 $0x4;
	v1 =	vor.u32 $0x5040, v0  }
0x8: {  	[smem:$0x7FF] =	sst s1;
	s5 =	sadd.s32 $0x16400, s0;
	s1 =	sand.u32 $0x1, s29;
	v2 =	vor.u32 $0x800, v0;
	v3 =	vor.u32 $0x5840, v0;
	v4 =	vor.u32 $0x1000, v0  }
0x9: {  	s2 =	sadd.s32 $0xC600, s0;
	s7 =	sadd.s32 $0x2800, s0;
	s30 =	ssub.s32 $0x2, s1;
	v5 =	vor.u32 $0x6040, v0;
	v6 =	vor.u32 $0x1800, v0;
	v7 =	vor.u32 $0x6840, v0  }
0xa: {  	s4 =	sshll.u32 s4, $0x1;
	s8 =	sadd.s32 $0x3D600, s0;
	s3 =	sshrl.u32 s30, $0x1;
	v8 =	vor.u32 $0x2000, v0;
	v9 =	vor.u32 $0x7040, v0;
	v10 =	vor.u32 $0x2800, v0  }
0xb: {  	_ =	strace $0x80000050;
	[dreg:$0x4] =	wrdreg s2;
	v11 =	vor.u32 $0x7840, v0;
	v12 =	vor.u32 $0x3000, v0;
	v13 =	vor.u32 $0x8040, v0;
	s31 =	ssub.s32 s30, s3  }
0xc: {  	s1 =	sor.u32 s1, s4;
	s4 =	simm.s32 $0x0;
	v14 =	vor.u32 $0x3800, v0;
	v15 =	vor.u32 $0x8840, v0;
	v16 =	vor.u32 $0x4000, v0;
	s0 =	smax.u32 s31, $0x1  }
0xd: {  	s9 =	smul.u32 $0x2710, s1;
	v17 =	vor.u32 $0x9040, v0;
	v18 =	vor.u32 $0x4800, v0;
	v19 =	vor.u32 $0x9840, v0;
	s1 =	simm.s32 $0x0;
	[dreg:$0x5] =	wrdreg s0  }
.LBB2_1:
0xe: {  	[dreg:$0x6] =	wrdreg s1  }
0xf: {  	s0 =	rddreg [dreg:$0x1];
	s29 =	simm.s32 $0x0  }
0x10: {  	[tilespmem:s11], [sflag:$0x5] =	stream.linear.gather [hbm4b:s0+s29], $0x80, $0x38;
	[tilespmem:$0xBB00] =	vst v63  }
0x11: {  	_ =	swait.ge [sflag:s12], $0x80  }
0x12: {  	[sflag:s12] =	ssyncset.done $0x0  }
0x13: {  	[sflag:s12] =	ssyncadd.s32 $0xFFFFFF80  }
0x14: {  	s2 =	simm.s32 $0xB080;
	s30 =	rddreg [dreg:$0x2]  }
0x15: {  	[tilespmem:s2], [sflag:$0x5] =	stream.linear.gather [hbm4b:s30+s29], $0x80, $0x38;
	[tilespmem:$0xBB00] =	vst v63  }
0x16: {  	_ =	swait.ge [sflag:s12], $0x80  }
0x17: {  	[sflag:s12] =	ssyncset.done $0x0  }
0x18: {  	s31 =	simm.s32 $0x0;
	[sflag:s12] =	ssyncadd.s32 $0xFFFFFF80  }
.LBB2_2:
0x19: {  	s0 =	smul.u32 $0x7D0, s31;
	_ =	sdelay $0x1  }
0x1a: {  	s0 =	sadd.s32 s9, s0  }
0x1b: {  	s1 =	rddreg [dreg:$0x4];
	s0 =	sshrl.u32 s0, $0x3  }
0x1c: {  	s1 =	sadd.s32 s1, s0  }
0x1d: {  	[tilespmem:s4], [sflag:$0x5] =	stream.linear.gather [hbm4b:s1+s4], $0x7D0, $0x38;
	[tilespmem:$0xBB00] =	vst v63  }
0x1e: {  	_ =	swait.ge [sflag:s12], $0x7D0  }
0x1f: {  	[sflag:s12] =	ssyncset.done $0x0  }
0x20: {  	s2 =	simm.s32 $0x800;
	s30 =	sadd.s32 s7, s0;
	[sflag:s12] =	ssyncadd.s32 $0xFFFFF830  }
0x21: {  	[tilespmem:s2], [sflag:$0x5] =	stream.linear.gather [hbm4b:s30+s4], $0x7D0, $0x38;
	[tilespmem:$0xBB00] =	vst v63  }
0x22: {  	_ =	swait.ge [sflag:s12], $0x7D0  }
0x23: {  	[sflag:s12] =	ssyncset.done $0x0  }
0x24: {  	[sflag:s12] =	ssyncadd.s32 $0xFFFFF830  }
0x25: {  	v20 =	vld [tilespmem:$0x0]  }
0x26: {  	v21 =	vld [tilespmem:$0x800]  }
0x27: {  	v22 =	vld [tilespmem:$0x10]  }
0x28: {  	v23 =	vld [tilespmem:$0x810]  }
0x29: {  	v24 =	vld [tilespmem:$0x20]  }
0x2a: {  	v60 =	vld [tilespmem:$0x30];
	[tilespmem:$0xB900] =	vst v20  }
0x2b: {  	v61 =	vld [tilespmem:$0x830];
	[tilespmem:$0xBA00] =	vst v21  }
0x2c: {  	v62 =	vld [tilespmem:$0x40];
	[tilespmem:$0xB910] =	vst v22  }
0x2d: {  	v63 =	vld [tilespmem:$0x840];
	[tilespmem:$0xBA10] =	vst v23  }
0x2e: {  	v20 =	vld [tilespmem:$0x820];
	[tilespmem:$0xB920] =	vst v24  }
0x2f: {  	[tilespmem:$0xB930] =	vst v60  }
0x30: {  	[tilespmem:$0xBA30] =	vst v61  }
0x31: {  	[tilespmem:$0xB940] =	vst v62  }
0x32: {  	[tilespmem:$0xBA40] =	vst v63  }
0x33: {  	[tilespmem:$0xBA20] =	vst v20  }
0x34: {  	[tilespmem:s17], [sflag:$0x1] =	stream.indirect.gather [hbm4b:s5+s15], $0x80, s16, s15, $0xb8;
	[tilespmem:$0xBB00] =	vst v63  }
0x35: {  	s1 =	simm.s32 $0x0  }
0x36: {  	[tilespmem:s19], [sflag:$0x3] =	stream.indirect.gather [hbm4b:s5+s15], $0x80, s18, s15, $0xb8;
	[tilespmem:$0xBB00] =	vst v63  }
.LBB2_3:
0x37: {  	s3 =	smul.u32 $0xA0, s1;
	_ =	sdelay $0x1  }
0x38: {  	v20 =	vld [tilespmem:s3+$0x50];
	_ =	sdelay $0x4  }
0x39: {  	[tilespmem:$0xB980] =	vst v20  }
0x3a: {  	v20 =	vld [tilespmem:s3+$0x850];
	_ =	sdelay $0x4  }
0x3b: {  	[tilespmem:$0xBA80] =	vst v20  }
0x3c: {  	v20 =	vld [tilespmem:s3+$0x60];
	_ =	sdelay $0x4  }
0x3d: {  	[tilespmem:$0xB990] =	vst v20  }
0x3e: {  	v20 =	vld [tilespmem:s3+$0x860];
	_ =	sdelay $0x4  }
0x3f: {  	[tilespmem:$0xBA90] =	vst v20  }
0x40: {  	v20 =	vld [tilespmem:s3+$0x70];
	_ =	sdelay $0x4  }
0x41: {  	[tilespmem:$0xB9A0] =	vst v20  }
0x42: {  	v20 =	vld [tilespmem:s3+$0x870];
	_ =	sdelay $0x4  }
0x43: {  	s2 =	sand.u32 $0xFE0, s3;
	[tilespmem:$0xBAA0] =	vst v20  }
0x44: {  	v20 =	vld [tilespmem:s2+$0x80];
	_ =	sdelay $0x4  }
0x45: {  	[tilespmem:$0xB9B0] =	vst v20  }
0x46: {  	v20 =	vld [tilespmem:s2+$0x880];
	_ =	sdelay $0x4  }
0x47: {  	[tilespmem:$0xBAB0] =	vst v20  }
0x48: {  	v20 =	vld [tilespmem:s3+$0x90];
	_ =	sdelay $0x4  }
0x49: {  	[tilespmem:$0xB9C0] =	vst v20  }
0x4a: {  	v20 =	vld [tilespmem:s3+$0x890];
	_ =	sdelay $0x4  }
0x4b: {  	[tilespmem:$0xBAC0] =	vst v20  }
0x4c: {  	[tilespmem:s21], [sflag:$0x2] =	stream.indirect.gather [hbm4b:s5+s15], $0x80, s20, s15, $0xb8;
	[tilespmem:$0xBB00] =	vst v63  }
0x4d: {  	_ = 	snop  }
0x4e: {  	[tilespmem:s23], [sflag:$0x4] =	stream.indirect.gather [hbm4b:s5+s15], $0x80, s22, s15, $0xb8;
	[tilespmem:$0xBB00] =	vst v63  }
0x4f: {  	_ =	swait.ge [sflag:s24], $0x2800  }
0x50: {  	v20 =	vor.u32 s4, v9;
	[sflag:s24] =	ssyncset.done $0x0  }
0x51: {  	v21 =	vor.u32 s4, v8;
	[sflag:s24] =	ssyncadd.s32 $0xFFFFD800  }
0x52: {  	v22 =	vor.u32 s4, v7;
	_ =	swait.ge [sflag:s25], $0x2800  }
0x53: {  	v23 =	vor.u32 s4, v6;
	[sflag:s25] =	ssyncset.done $0x0  }
0x54: {  	v24 =	vor.u32 s4, v4;
	[sflag:s25] =	ssyncadd.s32 $0xFFFFD800  }
0x55: {  	v25 =	vor.u32 s4, v5;
	v26 =	vld.idx.msk [tilespmem:v20+s17+$0x0], $0xffff  }
0x56: {  	v27 =	vor.u32 s4, v2;
	v21 =	vld.idx.msk [tilespmem:v21+s17+$0x0], $0xffff  }
0x57: {  	v28 =	vmov s4;
	v22 =	vld.idx.msk [tilespmem:v22+s17+$0x0], $0xffff  }
0x58: {  	v32 =	vor.u32 s4, v1;
	v29 =	vld.idx.msk [tilespmem:v23+s17+$0x0], $0xffff  }
0x59: {  	v20 =	vor.u32 s4, v3;
	v24 =	vld.idx.msk [tilespmem:v24+s17+$0x0], $0xffff  }
0x5a: {  	s10 =	simm.s32 $0x1;
	v34 =	vor.u32 s4, v0;
	v25 =	vld.idx.msk [tilespmem:v25+s17+$0x0], $0xffff  }
0x5b: {  	v38 =	vor.u32 s10, v9;
	v42 =	vld.idx.msk [tilespmem:v27+s17+$0x0], $0xffff  }
0x5c: {  	v41 =	vor.u32 s10, v8;
	v43 =	vor.u32 s10, v6;
	v23 =	vld.idx.msk [tilespmem:v28+s11+$0x0], $0xffff  }
0x5d: {  	v44 =	vor.u32 s10, v7;
	v30 =	vor.u32 s10, v5;
	v31 =	vor.u32 s10, v3;
	v37 =	vld.idx.msk [tilespmem:v32+s17+$0x0], $0xffff  }
0x5e: {  	v35 =	vor.u32 s10, v4;
	v33 =	vor.u32 s10, v0;
	v39 =	vld.idx.msk [tilespmem:v20+s17+$0x0], $0xffff;
	v26 =	vadd.f32 v26, v21  }
0x5f: {  	v36 =	vor.u32 s10, v1;
	v40 =	vld.idx.msk [tilespmem:v34+s17+$0x0], $0xffff;
	v24 =	vadd.f32 v25, v24;
	v28 =	vadd.f32 v22, v29  }
0x60: {  	v27 =	vor.u32 s10, v2;
	v32 =	vimm.f32 $0.0e+00;
	v20 =	vimm.f32 $0.0e+00;
	v21 =	vld.idx.msk [tilespmem:v38+s17+$0x0], $0xffff  }
0x61: {  	v22 =	vld.idx.msk [tilespmem:v41+s17+$0x0], $0xffff;
	v26 =	vmax.f32 v26, $0.0e+00;
	v38 =	vmax.f32 v24, $0.0e+00;
	v34 =	vmax.f32 v28, $0.0e+00  }
0x62: {  	s29 =	simm.s32 $0x2;
	s14 =	sadd.s32 $0x50, s3;
	s30 =	sadd.s32 $0x60, s3;
	v25 =	vld.idx.msk [tilespmem:v44+s17+$0x0], $0xffff;
	v24 =	vimm.f32 $0.0e+00;
	v29 =	vmul.f32 v26, v23;
	v26 =	vimm.f32 $0.0e+00  }
0x63: {  	s13 =	sadd.s32 $0x80, s2;
	s2 =	sadd.s32 $0x90, s3;
	v28 =	vld.idx.msk [tilespmem:v43+s17+$0x0], $0xffff;
	v41 =	vadd.f32 v39, v42;
	v42 =	vmov s10;
	s10 =	sadd.s32 $0x70, s3;
	v39 =	vimm.f32 $0.0e+00  }
.LBB2_4:
0x64: {  	p0 =	sne.s32 s29, $0x3F;
	v43 =	vld.idx.msk [tilespmem:v35+s17+$0x0], $0xffff;
	v38 =	vmul.f32 v38, v23;
	s6 =	smov.u32 s29;
	s29 =	sadd.s32 $0x1, s29  }
0x65: {  	v34 =	vmul.f32 v34, v23;
	v44 =	vor.u32 s6, v6;
	v45 =	vld.idx.msk [tilespmem:v30+s17+$0x0], $0xffff;
	v20 =	vadd.f32 v29, v20  }
0x66: {  	v29 =	vor.u32 s6, v9;
	v30 =	vmax.f32 v41, $0.0e+00;
	v46 =	vld.idx.msk [tilespmem:v31+s17+$0x0], $0xffff;
	v31 =	vadd.f32 v37, v40  }
0x67: {  	v41 =	vor.u32 s6, v7;
	v47 =	vor.u32 s6, v8;
	v49 =	vmul.f32 v30, v23;
	v48 =	vld.idx.msk [tilespmem:v27+s17+$0x0], $0xffff  }
0x68: {  	v30 =	vor.u32 s6, v5;
	v27 =	vor.u32 s6, v2;
	v50 =	vld.idx.msk [tilespmem:v42+s11+$0x0], $0xffff;
	v42 =	vmax.f32 v31, $0.0e+00  }
0x69: {  	v35 =	vor.u32 s6, v4;
	v26 =	vadd.f32 v38, v26;
	v31 =	vor.u32 s6, v3;
	v37 =	vld.idx.msk [tilespmem:v36+s17+$0x0], $0xffff  }
.Ltmp0:
0x6a: {  	v38 =	vadd.f32 v21, v22;
	v36 =	vor.u32 s6, v1;
	v40 =	vld.idx.msk [tilespmem:v33+s17+$0x0], $0xffff;
	v33 =	vor.u32 s6, v0;
	(pc) =	sbr.rel @p0 .LBB2_4-.Ltmp0, $4  }
0x6b: {  	v51 =	vmul.f32 v42, v23;
	v21 =	vld.idx.msk [tilespmem:v29+s17+$0x0], $0xffff;
	v29 =	vadd.f32 v45, v43;
	v43 =	vadd.f32 v25, v28  }
0x6c: {  	v24 =	vadd.f32 v34, v24;
	v32 =	vadd.f32 v49, v32;
	v45 =	vmax.f32 v38, $0.0e+00;
	v22 =	vld.idx.msk [tilespmem:v47+s17+$0x0], $0xffff  }
0x6d: {  	v39 =	vadd.f32 v51, v39;
	v25 =	vld.idx.msk [tilespmem:v41+s17+$0x0], $0xffff;
	v41 =	vadd.f32 v46, v48;
	v38 =	vmax.f32 v29, $0.0e+00  }
0x6e: {  	v42 =	vmov s6;
	v34 =	vmax.f32 v43, $0.0e+00;
	v29 =	vmul.f32 v45, v50;
	v23 =	vmovc v50;
	v28 =	vld.idx.msk [tilespmem:v44+s17+$0x0], $0xffff  }
0x6f: {  	_ =	sdelay $0x3  }
0x70: {  	v36 =	vld.idx.msk [tilespmem:v36+s17+$0x0], $0xffff  }
0x71: {  	v33 =	vld.idx.msk [tilespmem:v33+s17+$0x0], $0xffff;
	_ =	sdelay $0x2  }
0x72: {  	v37 =	vadd.f32 v37, v40;
	v54 =	vld.idx.msk [tilespmem:v42+s11+$0x0], $0xffff;
	_ =	sdelay $0x1  }
0x73: {  	v37 =	vmax.f32 v37, $0.0e+00;
	v33 =	vadd.f32 v36, v33  }
0x74: {  	v55 =	vmul.f32 v37, v23  }
0x75: {  	v56 =	vld [tilespmem:$0xB080];
	v33 =	vmax.f32 v33, $0.0e+00  }
0x76: {  	v36 =	vadd.f32 v55, v39;
	v33 =	vmul.f32 v33, v54;
	_ =	sdelay $0x1  }
0x77: {  	v33 =	vadd.f32 v33, v36;
	_ =	sdelay $0x1  }
0x78: {  	v33 =	vadd.f32 v56, v33;
	_ =	sdelay $0x1  }
0x79: {  	v33 =	vsub.f32 $0.0e+00, v33;
	_ =	sdelay $0x1  }
0x7a: {  	v33 =	vmul.f32 $1.442695020e+00, v33;
	_ =	sdelay $0x1  }
0x7b: {  	(erf) = vpow2.f32 v33;
	_ =	sdelay $0x8  }
0x7c: {  	v33 =	vpop (erf)  }
0x7d: {  	v33 =	vadd.f32 $1.000000000e+00, v33;
	_ =	sdelay $0x1  }
0x7e: {  	(erf) = vrcp.f32 v33;
	_ =	sdelay $0x2  }
0x7f: {  	v31 =	vld.idx.msk [tilespmem:v31+s17+$0x0], $0xffff  }
0x80: {  	v27 =	vld.idx.msk [tilespmem:v27+s17+$0x0], $0xffff;
	_ =	sdelay $0x4  }
0x81: {  	v57 =	vld.idx.msk [tilespmem:v35+s17+$0x0], $0xffff;
	v58 =	vmax.f32 v41, $0.0e+00;
	v27 =	vadd.f32 v31, v27;
	v31 =	vpop (erf)  }
0x82: {  	v30 =	vld.idx.msk [tilespmem:v30+s17+$0x0], $0xffff;
	v35 =	vmul.f32 v58, v23;
	[tilespmem:s3+$0xB100] =	vst v31  }
0x83: {  	v27 =	vmax.f32 v27, $0.0e+00;
	v31 =	vld [tilespmem:$0xB080]  }
0x84: {  	v32 =	vadd.f32 v35, v32;
	v27 =	vmul.f32 v27, v54;
	_ =	sdelay $0x1  }
0x85: {  	v27 =	vadd.f32 v27, v32;
	_ =	sdelay $0x1  }
0x86: {  	v27 =	vadd.f32 v31, v27;
	_ =	sdelay $0x1  }
0x87: {  	v27 =	vsub.f32 $0.0e+00, v27;
	_ =	sdelay $0x1  }
0x88: {  	v27 =	vmul.f32 $1.442695020e+00, v27;
	_ =	sdelay $0x1  }
0x89: {  	(erf) = vpow2.f32 v27;
	_ =	sdelay $0x8  }
0x8a: {  	v27 =	vpop (erf)  }
0x8b: {  	v27 =	vadd.f32 $1.000000000e+00, v27;
	_ =	sdelay $0x1  }
0x8c: {  	(erf) = vrcp.f32 v27;
	_ =	sdelay $0x8  }
0x8d: {  	v27 =	vadd.f32 v30, v57;
	v30 =	vpop (erf)  }
0x8e: {  	v31 =	vmul.f32 v38, v23;
	[tilespmem:s3+$0xB110] =	vst v30  }
0x8f: {  	v27 =	vmax.f32 v27, $0.0e+00;
	v30 =	vld [tilespmem:$0xB080]  }
0x90: {  	v26 =	vadd.f32 v31, v26;
	v27 =	vmul.f32 v27, v54;
	_ =	sdelay $0x1  }
0x91: {  	v26 =	vadd.f32 v27, v26;
	_ =	sdelay $0x1  }
0x92: {  	v26 =	vadd.f32 v30, v26;
	_ =	sdelay $0x1  }
0x93: {  	v26 =	vsub.f32 $0.0e+00, v26;
	_ =	sdelay $0x1  }
0x94: {  	v26 =	vmul.f32 $1.442695020e+00, v26;
	_ =	sdelay $0x1  }
0x95: {  	(erf) = vpow2.f32 v26;
	_ =	sdelay $0x8  }
0x96: {  	v26 =	vpop (erf)  }
0x97: {  	v26 =	vadd.f32 $1.000000000e+00, v26;
	_ =	sdelay $0x1  }
0x98: {  	(erf) = vrcp.f32 v26;
	_ =	sdelay $0x8  }
0x99: {  	v25 =	vadd.f32 v25, v28;
	v26 =	vpop (erf)  }
0x9a: {  	v23 =	vmul.f32 v34, v23;
	[tilespmem:s3+$0xB120] =	vst v26  }
0x9b: {  	v25 =	vmax.f32 v25, $0.0e+00;
	v26 =	vld [tilespmem:$0xB080]  }
0x9c: {  	v23 =	vadd.f32 v23, v24;
	v24 =	vmul.f32 v25, v54;
	_ =	sdelay $0x1  }
0x9d: {  	v23 =	vadd.f32 v24, v23;
	_ =	sdelay $0x1  }
0x9e: {  	v23 =	vadd.f32 v26, v23;
	_ =	sdelay $0x1  }
0x9f: {  	v23 =	vsub.f32 $0.0e+00, v23;
	_ =	sdelay $0x1  }
0xa0: {  	v23 =	vmul.f32 $1.442695020e+00, v23;
	_ =	sdelay $0x1  }
0xa1: {  	(erf) = vpow2.f32 v23;
	_ =	sdelay $0x8  }
0xa2: {  	v23 =	vpop (erf)  }
0xa3: {  	v23 =	vadd.f32 $1.000000000e+00, v23;
	_ =	sdelay $0x1  }
0xa4: {  	(erf) = vrcp.f32 v23;
	_ =	sdelay $0x8  }
0xa5: {  	v21 =	vadd.f32 v21, v22;
	v22 =	vpop (erf)  }
0xa6: {  	[tilespmem:s3+$0xB130] =	vst v22  }
0xa7: {  	v21 =	vmax.f32 v21, $0.0e+00;
	v22 =	vld [tilespmem:$0xB080]  }
0xa8: {  	v20 =	vadd.f32 v29, v20;
	v21 =	vmul.f32 v21, v54;
	_ =	sdelay $0x1  }
0xa9: {  	v20 =	vadd.f32 v21, v20;
	_ =	sdelay $0x1  }
0xaa: {  	v20 =	vadd.f32 v22, v20;
	_ =	sdelay $0x1  }
0xab: {  	v20 =	vsub.f32 $0.0e+00, v20;
	_ =	sdelay $0x1  }
0xac: {  	v20 =	vmul.f32 $1.442695020e+00, v20;
	_ =	sdelay $0x1  }
0xad: {  	(erf) = vpow2.f32 v20;
	_ =	sdelay $0x8  }
0xae: {  	v20 =	vpop (erf)  }
0xaf: {  	v20 =	vadd.f32 $1.000000000e+00, v20;
	_ =	sdelay $0x1  }
0xb0: {  	(erf) = vrcp.f32 v20;
	_ =	sdelay $0x5  }
0xb1: {  	v20 =	vld [tilespmem:s3+$0xA0];
	_ =	sdelay $0x2  }
0xb2: {  	v21 =	vpop (erf)  }
0xb3: {  	[tilespmem:s3+$0xB140] =	vst v21  }
0xb4: {  	[tilespmem:$0xB900] =	vst v20  }
0xb5: {  	v20 =	vld [tilespmem:s3+$0x8A0];
	_ =	sdelay $0x4  }
0xb6: {  	[tilespmem:$0xBA00] =	vst v20  }
0xb7: {  	v20 =	vld [tilespmem:s3+$0xB0];
	_ =	sdelay $0x4  }
0xb8: {  	[tilespmem:$0xB910] =	vst v20  }
0xb9: {  	v20 =	vld [tilespmem:s3+$0x8B0];
	_ =	sdelay $0x4  }
0xba: {  	[tilespmem:$0xBA10] =	vst v20  }
0xbb: {  	v20 =	vld [tilespmem:s3+$0xC0];
	_ =	sdelay $0x4  }
0xbc: {  	[tilespmem:$0xB920] =	vst v20  }
0xbd: {  	v20 =	vld [tilespmem:s3+$0x8C0];
	_ =	sdelay $0x4  }
0xbe: {  	[tilespmem:$0xBA20] =	vst v20  }
0xbf: {  	v20 =	vld [tilespmem:s3+$0xD0];
	_ =	sdelay $0x4  }
0xc0: {  	[tilespmem:$0xB930] =	vst v20  }
0xc1: {  	v20 =	vld [tilespmem:s3+$0x8D0];
	_ =	sdelay $0x4  }
0xc2: {  	[tilespmem:$0xBA30] =	vst v20  }
0xc3: {  	v20 =	vld [tilespmem:s3+$0xE0];
	_ =	sdelay $0x4  }
0xc4: {  	[tilespmem:$0xB940] =	vst v20  }
0xc5: {  	v20 =	vld [tilespmem:s3+$0x8E0];
	_ =	sdelay $0x4  }
0xc6: {  	[tilespmem:$0xBA40] =	vst v20  }
0xc7: {  	[tilespmem:s17], [sflag:$0x1] =	stream.indirect.gather [hbm4b:s5+s15], $0x80, s16, s15, $0xb8;
	[tilespmem:$0xBB00] =	vst v63  }
0xc8: {  	_ = 	snop  }
0xc9: {  	[tilespmem:s19], [sflag:$0x3] =	stream.indirect.gather [hbm4b:s5+s15], $0x80, s18, s15, $0xb8;
	[tilespmem:$0xBB00] =	vst v63  }
0xca: {  	s29 =	simm.s32 $0x0;
	_ =	swait.ge [sflag:s26], $0x2800  }
0xcb: {  	v20 =	vor.u32 s29, v19;
	[sflag:s26] =	ssyncset.done $0x0  }
0xcc: {  	v21 =	vor.u32 s29, v18;
	[sflag:s26] =	ssyncadd.s32 $0xFFFFD800  }
0xcd: {  	v22 =	vor.u32 s29, v17;
	_ =	swait.ge [sflag:s28], $0x2800  }
0xce: {  	v23 =	vor.u32 s29, v16;
	[sflag:s28] =	ssyncset.done $0x0  }
0xcf: {  	v24 =	vor.u32 s29, v14;
	[sflag:s28] =	ssyncadd.s32 $0xFFFFD800  }
0xd0: {  	v25 =	vor.u32 s29, v15;
	v26 =	vld.idx.msk [tilespmem:v20+s17+$0x0], $0xffff  }
0xd1: {  	v27 =	vor.u32 s29, v12;
	v21 =	vld.idx.msk [tilespmem:v21+s17+$0x0], $0xffff  }
0xd2: {  	v29 =	vmov s29;
	v22 =	vld.idx.msk [tilespmem:v22+s17+$0x0], $0xffff  }
0xd3: {  	v59 =	vor.u32 s29, v11;
	v30 =	vld.idx.msk [tilespmem:v23+s17+$0x0], $0xffff  }
0xd4: {  	v20 =	vor.u32 s29, v13;
	v24 =	vld.idx.msk [tilespmem:v24+s17+$0x0], $0xffff  }
0xd5: {  	s6 =	simm.s32 $0x1;
	v60 =	vor.u32 s29, v10;
	v25 =	vld.idx.msk [tilespmem:v25+s17+$0x0], $0xffff  }
0xd6: {  	v61 =	vor.u32 s6, v19;
	v27 =	vld.idx.msk [tilespmem:v27+s17+$0x0], $0xffff  }
0xd7: {  	v63 =	vor.u32 s6, v18;
	v43 =	vor.u32 s6, v16;
	v23 =	vld.idx.msk [tilespmem:v29+s11+$0x0], $0xffff  }
0xd8: {  	v44 =	vor.u32 s6, v17;
	v42 =	vmov s6;
	v35 =	vor.u32 s6, v14;
	v37 =	vld.idx.msk [tilespmem:v59+s17+$0x0], $0xffff  }
0xd9: {  	v28 =	vor.u32 s6, v12;
	v32 =	vor.u32 s6, v13;
	v36 =	vor.u32 s6, v11;
	v62 =	vld.idx.msk [tilespmem:v20+s17+$0x0], $0xffff  }
0xda: {  	v34 =	vor.u32 s6, v10;
	v38 =	vimm.f32 $0.0e+00;
	v40 =	vld.idx.msk [tilespmem:v60+s17+$0x0], $0xffff;
	v26 =	vadd.f32 v26, v21  }
0xdb: {  	v31 =	vor.u32 s6, v15;
	v24 =	vadd.f32 v25, v24;
	v21 =	vld.idx.msk [tilespmem:v61+s17+$0x0], $0xffff;
	v29 =	vadd.f32 v22, v30  }
0xdc: {  	v20 =	vimm.f32 $0.0e+00;
	v22 =	vld.idx.msk [tilespmem:v63+s17+$0x0], $0xffff;
	v30 =	vimm.f32 $0.0e+00;
	v26 =	vmax.f32 v26, $0.0e+00  }
0xdd: {  	v25 =	vld.idx.msk [tilespmem:v44+s17+$0x0], $0xffff;
	v39 =	vmax.f32 v24, $0.0e+00;
	v33 =	vmax.f32 v29, $0.0e+00;
	v24 =	vimm.f32 $0.0e+00  }
0xde: {  	s3 =	simm.s32 $0x2;
	v29 =	vmul.f32 v26, v23;
	v26 =	vimm.f32 $0.0e+00;
	v41 =	vadd.f32 v62, v27;
	v27 =	vld.idx.msk [tilespmem:v43+s17+$0x0], $0xffff  }
.LBB2_6:
0xdf: {  	p0 =	sne.s32 s3, $0x3F;
	v43 =	vld.idx.msk [tilespmem:v35+s17+$0x0], $0xffff;
	v39 =	vmul.f32 v39, v23;
	s6 =	smov.u32 s3;
	s3 =	sadd.s32 $0x1, s3  }
0xe0: {  	v33 =	vmul.f32 v33, v23;
	v44 =	vor.u32 s6, v16;
	v45 =	vld.idx.msk [tilespmem:v31+s17+$0x0], $0xffff;
	v20 =	vadd.f32 v29, v20  }
0xe1: {  	v29 =	vor.u32 s6, v19;
	v31 =	vmax.f32 v41, $0.0e+00;
	v46 =	vld.idx.msk [tilespmem:v32+s17+$0x0], $0xffff;
	v32 =	vadd.f32 v37, v40  }
0xe2: {  	v41 =	vor.u32 s6, v17;
	v47 =	vor.u32 s6, v18;
	v49 =	vmul.f32 v31, v23;
	v48 =	vld.idx.msk [tilespmem:v28+s17+$0x0], $0xffff  }
0xe3: {  	v31 =	vor.u32 s6, v15;
	v28 =	vor.u32 s6, v12;
	v50 =	vld.idx.msk [tilespmem:v42+s11+$0x0], $0xffff;
	v42 =	vmax.f32 v32, $0.0e+00  }
0xe4: {  	v35 =	vor.u32 s6, v14;
	v26 =	vadd.f32 v39, v26;
	v32 =	vor.u32 s6, v13;
	v37 =	vld.idx.msk [tilespmem:v36+s17+$0x0], $0xffff  }
.Ltmp1:
0xe5: {  	v39 =	vadd.f32 v21, v22;
	v36 =	vor.u32 s6, v11;
	v40 =	vld.idx.msk [tilespmem:v34+s17+$0x0], $0xffff;
	v34 =	vor.u32 s6, v10;
	(pc) =	sbr.rel @p0 .LBB2_6-.Ltmp1, $4  }
0xe6: {  	v51 =	vmul.f32 v42, v23;
	v21 =	vld.idx.msk [tilespmem:v29+s17+$0x0], $0xffff;
	v29 =	vadd.f32 v45, v43;
	v43 =	vadd.f32 v25, v27  }
0xe7: {  	v24 =	vadd.f32 v33, v24;
	v30 =	vadd.f32 v49, v30;
	v45 =	vmax.f32 v39, $0.0e+00;
	v22 =	vld.idx.msk [tilespmem:v47+s17+$0x0], $0xffff  }
0xe8: {  	v38 =	vadd.f32 v51, v38;
	v25 =	vld.idx.msk [tilespmem:v41+s17+$0x0], $0xffff;
	v41 =	vadd.f32 v46, v48;
	v39 =	vmax.f32 v29, $0.0e+00  }
0xe9: {  	v42 =	vmov s6;
	v33 =	vmax.f32 v43, $0.0e+00;
	v29 =	vmul.f32 v45, v50;
	v23 =	vmovc v50;
	v27 =	vld.idx.msk [tilespmem:v44+s17+$0x0], $0xffff  }
0xea: {  	_ =	sdelay $0x3  }
0xeb: {  	v36 =	vld.idx.msk [tilespmem:v36+s17+$0x0], $0xffff  }
0xec: {  	v34 =	vld.idx.msk [tilespmem:v34+s17+$0x0], $0xffff;
	_ =	sdelay $0x2  }
0xed: {  	v37 =	vadd.f32 v37, v40;
	v52 =	vld.idx.msk [tilespmem:v42+s11+$0x0], $0xffff;
	_ =	sdelay $0x1  }
0xee: {  	v37 =	vmax.f32 v37, $0.0e+00;
	v34 =	vadd.f32 v36, v34  }
0xef: {  	v53 =	vmul.f32 v37, v23  }
0xf0: {  	v54 =	vld [tilespmem:$0xB080];
	v34 =	vmax.f32 v34, $0.0e+00  }
0xf1: {  	v36 =	vadd.f32 v53, v38;
	v34 =	vmul.f32 v34, v52;
	_ =	sdelay $0x1  }
0xf2: {  	v34 =	vadd.f32 v34, v36;
	_ =	sdelay $0x1  }
0xf3: {  	v34 =	vadd.f32 v54, v34;
	_ =	sdelay $0x1  }
0xf4: {  	v34 =	vsub.f32 $0.0e+00, v34;
	_ =	sdelay $0x1  }
0xf5: {  	v34 =	vmul.f32 $1.442695020e+00, v34;
	_ =	sdelay $0x1  }
0xf6: {  	(erf) = vpow2.f32 v34;
	_ =	sdelay $0x8  }
0xf7: {  	v34 =	vpop (erf)  }
0xf8: {  	v34 =	vadd.f32 $1.000000000e+00, v34;
	_ =	sdelay $0x1  }
0xf9: {  	(erf) = vrcp.f32 v34;
	_ =	sdelay $0x2  }
0xfa: {  	v32 =	vld.idx.msk [tilespmem:v32+s17+$0x0], $0xffff  }
0xfb: {  	v28 =	vld.idx.msk [tilespmem:v28+s17+$0x0], $0xffff;
	_ =	sdelay $0x4  }
0xfc: {  	v55 =	vld.idx.msk [tilespmem:v35+s17+$0x0], $0xffff;
	v56 =	vmax.f32 v41, $0.0e+00;
	v28 =	vadd.f32 v32, v28;
	v57 =	vpop (erf)  }
0xfd: {  	v31 =	vld.idx.msk [tilespmem:v31+s17+$0x0], $0xffff;
	v35 =	vmul.f32 v56, v23;
	[tilespmem:s14+$0xB100] =	vst v57  }
0xfe: {  	v28 =	vmax.f32 v28, $0.0e+00;
	v32 =	vld [tilespmem:$0xB080]  }
0xff: {  	v30 =	vadd.f32 v35, v30;
	v28 =	vmul.f32 v28, v52;
	_ =	sdelay $0x1  }
0x100: {  	v28 =	vadd.f32 v28, v30;
	_ =	sdelay $0x1  }
0x101: {  	v28 =	vadd.f32 v32, v28;
	_ =	sdelay $0x1  }
0x102: {  	v28 =	vsub.f32 $0.0e+00, v28;
	_ =	sdelay $0x1  }
0x103: {  	v28 =	vmul.f32 $1.442695020e+00, v28;
	_ =	sdelay $0x1  }
0x104: {  	(erf) = vpow2.f32 v28;
	_ =	sdelay $0x8  }
0x105: {  	v28 =	vpop (erf)  }
0x106: {  	v28 =	vadd.f32 $1.000000000e+00, v28;
	_ =	sdelay $0x1  }
0x107: {  	(erf) = vrcp.f32 v28;
	_ =	sdelay $0x8  }
0x108: {  	v58 =	vadd.f32 v31, v55;
	v59 =	vpop (erf)  }
0x109: {  	v60 =	vmul.f32 v39, v23;
	[tilespmem:s30+$0xB100] =	vst v59  }
0x10a: {  	v28 =	vmax.f32 v58, $0.0e+00;
	v30 =	vld [tilespmem:$0xB080]  }
0x10b: {  	v26 =	vadd.f32 v60, v26;
	v28 =	vmul.f32 v28, v52;
	_ =	sdelay $0x1  }
0x10c: {  	v26 =	vadd.f32 v28, v26;
	_ =	sdelay $0x1  }
0x10d: {  	v26 =	vadd.f32 v30, v26;
	_ =	sdelay $0x1  }
0x10e: {  	v26 =	vsub.f32 $0.0e+00, v26;
	_ =	sdelay $0x1  }
0x10f: {  	v26 =	vmul.f32 $1.442695020e+00, v26;
	_ =	sdelay $0x1  }
0x110: {  	(erf) = vpow2.f32 v26;
	_ =	sdelay $0x8  }
0x111: {  	v26 =	vpop (erf)  }
0x112: {  	v26 =	vadd.f32 $1.000000000e+00, v26;
	_ =	sdelay $0x1  }
0x113: {  	(erf) = vrcp.f32 v26;
	_ =	sdelay $0x8  }
0x114: {  	v25 =	vadd.f32 v25, v27;
	v26 =	vpop (erf)  }
0x115: {  	v61 =	vmul.f32 v33, v23;
	[tilespmem:s10+$0xB100] =	vst v26  }
0x116: {  	v25 =	vmax.f32 v25, $0.0e+00;
	v26 =	vld [tilespmem:$0xB080]  }
0x117: {  	v23 =	vadd.f32 v61, v24;
	v62 =	vmul.f32 v25, v52;
	_ =	sdelay $0x1  }
0x118: {  	v23 =	vadd.f32 v62, v23;
	_ =	sdelay $0x1  }
0x119: {  	v23 =	vadd.f32 v26, v23;
	_ =	sdelay $0x1  }
0x11a: {  	v23 =	vsub.f32 $0.0e+00, v23;
	_ =	sdelay $0x1  }
0x11b: {  	v23 =	vmul.f32 $1.442695020e+00, v23;
	_ =	sdelay $0x1  }
0x11c: {  	(erf) = vpow2.f32 v23;
	_ =	sdelay $0x8  }
0x11d: {  	v23 =	vpop (erf)  }
0x11e: {  	v23 =	vadd.f32 $1.000000000e+00, v23;
	_ =	sdelay $0x1  }
0x11f: {  	(erf) = vrcp.f32 v23;
	_ =	sdelay $0x8  }
0x120: {  	v21 =	vadd.f32 v21, v22;
	v63 =	vpop (erf)  }
0x121: {  	[tilespmem:s13+$0xB100] =	vst v63  }
0x122: {  	v21 =	vmax.f32 v21, $0.0e+00;
	v22 =	vld [tilespmem:$0xB080]  }
0x123: {  	v20 =	vadd.f32 v29, v20;
	v21 =	vmul.f32 v21, v52;
	_ =	sdelay $0x1  }
0x124: {  	v20 =	vadd.f32 v21, v20;
	_ =	sdelay $0x1  }
0x125: {  	v20 =	vadd.f32 v22, v20;
	_ =	sdelay $0x1  }
0x126: {  	v20 =	vsub.f32 $0.0e+00, v20;
	_ =	sdelay $0x1  }
0x127: {  	v20 =	vmul.f32 $1.442695020e+00, v20;
	_ =	sdelay $0x1  }
0x128: {  	(erf) = vpow2.f32 v20;
	_ =	sdelay $0x8  }
0x129: {  	v20 =	vpop (erf)  }
0x12a: {  	v20 =	vadd.f32 $1.000000000e+00, v20;
	_ =	sdelay $0x1  }
0x12b: {  	(erf) = vrcp.f32 v20;
	_ =	sdelay $0x3  }
0x12c: {  	s1 =	sadd.s32 $0x1, s1  }
0x12d: {  	p0 =	sne.s32 s1, $0xC  }
.Ltmp2:
0x12e: {  	_ = 	snop;
	(pc) =	sbr.rel @p0 .LBB2_3-.Ltmp2, $3  }
0x12f: {  	_ =	sdelay $0x1  }
0x130: {  	v20 =	vpop (erf)  }
0x131: {  	[tilespmem:s2+$0xB100] =	vst v20  }
0x132: {  	_ =	swait.ge [sflag:s24], $0x2800;
	s1 =	simm.s32 $0x0  }
0x133: {  	[sflag:s24] =	ssyncset.done $0x0;
	v20 =	vor.u32 s1, v9  }
0x134: {  	v21 =	vor.u32 s1, v8;
	[sflag:s24] =	ssyncadd.s32 $0xFFFFD800  }
0x135: {  	v22 =	vor.u32 s1, v7;
	_ =	swait.ge [sflag:s25], $0x2800  }
0x136: {  	v23 =	vor.u32 s1, v6;
	[sflag:s25] =	ssyncset.done $0x0  }
0x137: {  	v24 =	vor.u32 s1, v4;
	[sflag:s25] =	ssyncadd.s32 $0xFFFFD800  }
0x138: {  	v25 =	vor.u32 s1, v5;
	v26 =	vld.idx.msk [tilespmem:v20+s17+$0x0], $0xffff  }
0x139: {  	v27 =	vor.u32 s1, v2;
	v21 =	vld.idx.msk [tilespmem:v21+s17+$0x0], $0xffff  }
0x13a: {  	v28 =	vmov s1;
	v22 =	vld.idx.msk [tilespmem:v22+s17+$0x0], $0xffff  }
0x13b: {  	v31 =	vor.u32 s1, v1;
	v30 =	vld.idx.msk [tilespmem:v23+s17+$0x0], $0xffff  }
0x13c: {  	v20 =	vor.u32 s1, v3;
	v24 =	vld.idx.msk [tilespmem:v24+s17+$0x0], $0xffff  }
0x13d: {  	s2 =	simm.s32 $0x1;
	v35 =	vor.u32 s1, v0;
	v25 =	vld.idx.msk [tilespmem:v25+s17+$0x0], $0xffff  }
0x13e: {  	v38 =	vor.u32 s2, v9;
	v27 =	vld.idx.msk [tilespmem:v27+s17+$0x0], $0xffff  }
0x13f: {  	v41 =	vor.u32 s2, v8;
	v43 =	vor.u32 s2, v6;
	v23 =	vld.idx.msk [tilespmem:v28+s11+$0x0], $0xffff  }
0x140: {  	v44 =	vor.u32 s2, v7;
	v29 =	vor.u32 s2, v2;
	v32 =	vor.u32 s2, v3;
	v37 =	vld.idx.msk [tilespmem:v31+s17+$0x0], $0xffff  }
0x141: {  	v33 =	vor.u32 s2, v4;
	v34 =	vor.u32 s2, v0;
	v36 =	vor.u32 s2, v1;
	v40 =	vld.idx.msk [tilespmem:v20+s17+$0x0], $0xffff  }
0x142: {  	v42 =	vmov s2;
	v28 =	vor.u32 s2, v5;
	v39 =	vld.idx.msk [tilespmem:v35+s17+$0x0], $0xffff;
	v26 =	vadd.f32 v26, v21  }
0x143: {  	v31 =	vimm.f32 $0.0e+00;
	v20 =	vimm.f32 $0.0e+00;
	v21 =	vld.idx.msk [tilespmem:v38+s17+$0x0], $0xffff;
	v30 =	vadd.f32 v22, v30  }
0x144: {  	v24 =	vadd.f32 v25, v24;
	v22 =	vld.idx.msk [tilespmem:v41+s17+$0x0], $0xffff;
	v38 =	vimm.f32 $0.0e+00;
	v26 =	vmax.f32 v26, $0.0e+00  }
0x145: {  	v25 =	vld.idx.msk [tilespmem:v44+s17+$0x0], $0xffff;
	v35 =	vmax.f32 v30, $0.0e+00;
	v30 =	vmul.f32 v26, v23;
	v26 =	vimm.f32 $0.0e+00  }
0x146: {  	s1 =	simm.s32 $0x2;
	v41 =	vadd.f32 v40, v27;
	v40 =	vmax.f32 v24, $0.0e+00;
	v27 =	vld.idx.msk [tilespmem:v43+s17+$0x0], $0xffff;
	v24 =	vimm.f32 $0.0e+00  }
.LBB2_9:
0x147: {  	p0 =	sne.s32 s1, $0x3F;
	v43 =	vld.idx.msk [tilespmem:v33+s17+$0x0], $0xffff;
	v40 =	vmul.f32 v40, v23;
	s2 =	smov.u32 s1;
	s1 =	sadd.s32 $0x1, s1  }
0x148: {  	v35 =	vmul.f32 v35, v23;
	v44 =	vor.u32 s2, v6;
	v45 =	vld.idx.msk [tilespmem:v28+s17+$0x0], $0xffff;
	v20 =	vadd.f32 v30, v20  }
0x149: {  	v30 =	vor.u32 s2, v9;
	v28 =	vmax.f32 v41, $0.0e+00;
	v46 =	vld.idx.msk [tilespmem:v32+s17+$0x0], $0xffff;
	v32 =	vadd.f32 v37, v39  }
0x14a: {  	v41 =	vor.u32 s2, v7;
	v47 =	vor.u32 s2, v8;
	v49 =	vmul.f32 v28, v23;
	v48 =	vld.idx.msk [tilespmem:v29+s17+$0x0], $0xffff  }
0x14b: {  	v28 =	vor.u32 s2, v5;
	v29 =	vor.u32 s2, v2;
	v50 =	vld.idx.msk [tilespmem:v42+s11+$0x0], $0xffff;
	v42 =	vmax.f32 v32, $0.0e+00  }
0x14c: {  	v33 =	vor.u32 s2, v4;
	v26 =	vadd.f32 v40, v26;
	v32 =	vor.u32 s2, v3;
	v37 =	vld.idx.msk [tilespmem:v36+s17+$0x0], $0xffff  }
.Ltmp3:
0x14d: {  	v40 =	vadd.f32 v21, v22;
	v36 =	vor.u32 s2, v1;
	v39 =	vld.idx.msk [tilespmem:v34+s17+$0x0], $0xffff;
	v34 =	vor.u32 s2, v0;
	(pc) =	sbr.rel @p0 .LBB2_9-.Ltmp3, $4  }
0x14e: {  	v51 =	vmul.f32 v42, v23;
	v21 =	vld.idx.msk [tilespmem:v30+s17+$0x0], $0xffff;
	v30 =	vadd.f32 v45, v43;
	v43 =	vadd.f32 v25, v27  }
0x14f: {  	v24 =	vadd.f32 v35, v24;
	v31 =	vadd.f32 v49, v31;
	v45 =	vmax.f32 v40, $0.0e+00;
	v22 =	vld.idx.msk [tilespmem:v47+s17+$0x0], $0xffff  }
0x150: {  	v38 =	vadd.f32 v51, v38;
	v25 =	vld.idx.msk [tilespmem:v41+s17+$0x0], $0xffff;
	v41 =	vadd.f32 v46, v48;
	v40 =	vmax.f32 v30, $0.0e+00  }
0x151: {  	v42 =	vmov s2;
	v35 =	vmax.f32 v43, $0.0e+00;
	v30 =	vmul.f32 v45, v50;
	v23 =	vmovc v50;
	v27 =	vld.idx.msk [tilespmem:v44+s17+$0x0], $0xffff  }
0x152: {  	_ =	sdelay $0x3  }
0x153: {  	v36 =	vld.idx.msk [tilespmem:v36+s17+$0x0], $0xffff  }
0x154: {  	v34 =	vld.idx.msk [tilespmem:v34+s17+$0x0], $0xffff;
	_ =	sdelay $0x2  }
0x155: {  	v37 =	vadd.f32 v37, v39;
	v43 =	vld.idx.msk [tilespmem:v42+s11+$0x0], $0xffff;
	_ =	sdelay $0x1  }
0x156: {  	v37 =	vmax.f32 v37, $0.0e+00;
	v34 =	vadd.f32 v36, v34  }
0x157: {  	v44 =	vmul.f32 v37, v23  }
0x158: {  	v45 =	vld [tilespmem:$0xB080];
	v34 =	vmax.f32 v34, $0.0e+00  }
0x159: {  	v36 =	vadd.f32 v44, v38;
	v34 =	vmul.f32 v34, v43;
	_ =	sdelay $0x1  }
0x15a: {  	v34 =	vadd.f32 v34, v36;
	_ =	sdelay $0x1  }
0x15b: {  	v32 =	vld.idx.msk [tilespmem:v32+s17+$0x0], $0xffff;
	v34 =	vadd.f32 v45, v34  }
0x15c: {  	v29 =	vld.idx.msk [tilespmem:v29+s17+$0x0], $0xffff  }
0x15d: {  	v34 =	vsub.f32 $0.0e+00, v34;
	_ =	sdelay $0x1  }
0x15e: {  	v34 =	vmul.f32 $1.442695020e+00, v34;
	_ =	sdelay $0x1  }
0x15f: {  	v46 =	vmax.f32 v41, $0.0e+00;
	v29 =	vadd.f32 v32, v29;
	(erf) = vpow2.f32 v34  }
0x160: {  	v47 =	vmul.f32 v46, v23  }
0x161: {  	v48 =	vld [tilespmem:$0xB080];
	v29 =	vmax.f32 v29, $0.0e+00  }
0x162: {  	v31 =	vadd.f32 v47, v31;
	v29 =	vmul.f32 v29, v43;
	_ =	sdelay $0x1  }
0x163: {  	v29 =	vadd.f32 v29, v31;
	_ =	sdelay $0x1  }
0x164: {  	v49 =	vld.idx.msk [tilespmem:v33+s17+$0x0], $0xffff;
	v29 =	vadd.f32 v48, v29  }
0x165: {  	v28 =	vld.idx.msk [tilespmem:v28+s17+$0x0], $0xffff  }
0x166: {  	v29 =	vsub.f32 $0.0e+00, v29;
	v50 =	vpop (erf)  }
0x167: {  	v32 =	vadd.f32 $1.000000000e+00, v50  }
0x168: {  	v29 =	vmul.f32 $1.442695020e+00, v29  }
0x169: {  	(erf) = vrcp.f32 v32  }
0x16a: {  	v28 =	vadd.f32 v28, v49;
	(erf) = vpow2.f32 v29  }
0x16b: {  	v51 =	vmul.f32 v40, v23  }
0x16c: {  	v52 =	vld [tilespmem:$0xB080];
	v28 =	vmax.f32 v28, $0.0e+00  }
0x16d: {  	v26 =	vadd.f32 v51, v26;
	v28 =	vmul.f32 v28, v43;
	_ =	sdelay $0x1  }
0x16e: {  	v26 =	vadd.f32 v28, v26;
	_ =	sdelay $0x1  }
0x16f: {  	v26 =	vadd.f32 v52, v26  }
0x170: {  	v53 =	vpop (erf)  }
0x171: {  	v26 =	vsub.f32 $0.0e+00, v26;
	v54 =	vpop (erf)  }
0x172: {  	v29 =	vadd.f32 $1.000000000e+00, v54  }
0x173: {  	v26 =	vmul.f32 $1.442695020e+00, v26  }
0x174: {  	(erf) = vrcp.f32 v29  }
0x175: {  	v25 =	vadd.f32 v25, v27;
	(erf) = vpow2.f32 v26  }
0x176: {  	v55 =	vmul.f32 v35, v23  }
0x177: {  	v56 =	vld [tilespmem:$0xB080];
	v25 =	vmax.f32 v25, $0.0e+00  }
0x178: {  	v23 =	vadd.f32 v55, v24;
	v57 =	vmul.f32 v25, v43;
	_ =	sdelay $0x1  }
0x179: {  	v23 =	vadd.f32 v57, v23;
	_ =	sdelay $0x1  }
0x17a: {  	v23 =	vadd.f32 v56, v23  }
0x17b: {  	v58 =	vpop (erf)  }
0x17c: {  	v23 =	vsub.f32 $0.0e+00, v23;
	v59 =	vpop (erf)  }
0x17d: {  	v25 =	vadd.f32 $1.000000000e+00, v59  }
0x17e: {  	v23 =	vmul.f32 $1.442695020e+00, v23  }
0x17f: {  	(erf) = vrcp.f32 v25  }
0x180: {  	v21 =	vadd.f32 v21, v22;
	(erf) = vpow2.f32 v23;
	_ =	sdelay $0x1  }
0x181: {  	v60 =	vld [tilespmem:$0xB080];
	v21 =	vmax.f32 v21, $0.0e+00  }
0x182: {  	v20 =	vadd.f32 v30, v20;
	v21 =	vmul.f32 v21, v43;
	_ =	sdelay $0x1  }
0x183: {  	v20 =	vadd.f32 v21, v20;
	_ =	sdelay $0x1  }
0x184: {  	v20 =	vadd.f32 v60, v20  }
0x185: {  	v61 =	vpop (erf)  }
0x186: {  	v20 =	vsub.f32 $0.0e+00, v20;
	v62 =	vpop (erf)  }
0x187: {  	v22 =	vadd.f32 $1.000000000e+00, v62  }
0x188: {  	v20 =	vmul.f32 $1.442695020e+00, v20  }
0x189: {  	(erf) = vrcp.f32 v22  }
0x18a: {  	(erf) = vpow2.f32 v20;
	_ =	sdelay $0x7  }
0x18b: {  	v20 =	vpop (erf)  }
0x18c: {  	v63 =	vpop (erf)  }
0x18d: {  	v22 =	vadd.f32 $1.000000000e+00, v63;
	_ =	sdelay $0x1  }
0x18e: {  	(erf) = vrcp.f32 v22;
	_ =	sdelay $0x5  }
0x18f: {  	[tilespmem:$0xB880] =	vst v53  }
0x190: {  	[tilespmem:$0xB890] =	vst v58  }
0x191: {  	s31 =	sadd.s32 $0x1, s31;
	[tilespmem:$0xB8A0] =	vst v61  }
0x192: {  	s0 =	sadd.s32 s8, s0;
	p0 =	sne.s32 s31, $0x5;
	[tilespmem:$0xB8B0] =	vst v20;
	v20 =	vpop (erf)  }
.Ltmp4:
0x193: {  	s1 =	simm.s32 $0x0;
	s2 =	simm.s32 $0xB100;
	[tilespmem:$0xB8C0] =	vst v20;
	(pc) =	sbr.rel @p0 .LBB2_2-.Ltmp4, $4  }
0x194: {  	[hbm4b:s0+s1] =	stream.linear.scatter [tilespmem:s2], [sflag:$0x5], $0x7D0, $0x38;
	[tilespmem:$0xBB00] =	vst v63  }
0x195: {  	_ =	swait.ge [sflag:s12], $0x7D0  }
0x196: {  	[sflag:s12] =	ssyncset.done $0x0  }
0x197: {  	[sflag:s12] =	ssyncadd.s32 $0xFFFFF830  }
0x198: {  	s1 =	rddreg [dreg:$0x6]  }
0x199: {  	s0 =	rddreg [dreg:$0x5];
	s1 =	sadd.s32 $0x1, s1  }
0x19a: {  	p0 =	sne.s32 s1, s0  }
.Ltmp5:
0x19b: {  	_ = 	snop;
	(pc) =	sbr.rel @p0 .LBB2_1-.Ltmp5, $1  }
0x19c: {  	_ =	sdelay $0x3  }
0x19d: {  	_ =	sfence.sel $0x180000  }
0x19e: {  	[bflag:$0x0] =	sbarrier.arrive $0xFFFF  }
0x19f: {  	_ =	strace $0x90000050  }
0x1a0: {  	s0 =	stileid.u32;
	[bflag:$0x2] =	sbarrier.arrive $0xFFFF  }
0x1a1: {  	p0 =	sne.s32 s0, $0x0;
	s0 =	rddreg [dreg:$0x3]  }
0x1a2: {  	s0 =	sadd.s32 @!p0 $0x100000, s0  }
0x1a3: {  	[sflag:s0] =	ssyncadd.tile.s32 @!p0 $0x1;
	_ =	shalt  }
.Lfunc_end2:
_tile_overlayer_lowered:
.L_overlay_start_2:
0x1a4: {  	(tag) =	ssettag $0x2  }
0x1a5: {  	s0 =	rddreg [dreg:$0x0];
	s2 =	stileid.u32  }
0x1a6: {  	s1 =	rddreg [dreg:$0x1];
	p0 =	sne.s32 s2, $0x0  }
0x1a7: {  	s3 =	rddreg [dreg:$0x2];
	[bflag:$0x3] =	sbarrier.arrive $0xFFFF;
	s2 =	simm.s32 @!p0 $0x1C05  }
0x1a8: {  	[timem:s3], [sflag:s2] =	dma.local @!p0 [hbm:s0], s1  }
0x1a9: {  	s0 =	simm.s32 @!p0 $0x5  }
0x1aa: {  	_ =	swait.ge @!p0 [sflag:s0], s1  }
0x1ab: {  	s1 =	ssub.s32 @!p0 $0x0, s1;
	[sflag:s0] =	ssyncset.done @!p0 $0x0  }
0x1ac: {  	[sflag:s0] =	ssyncadd.s32 @!p0 s1  }
0x1ad: {  	[bflag:$0x3] =	sbarrier.arrive $0xFFFF  }
0x1ae: {  	_ =	shalt  }

</sc_bundles>
